<compile_context>
chip_gen: v7x
topology: tpu7x:2x2x1
jax: 0.10.2.dev20260603
libtpu: 0.0.44.dev20260713+nightly
codegen_flags: <defaults>
</compile_context>

<pallas_src>
import functools

import jax
import jax.numpy as jnp
from jax import lax
from jax.experimental import pallas as pl
from jax.experimental.pallas import tpu as pltpu
from jax.experimental.pallas import tpu_sc as plsc

N = 10000
E = 320000
D = 128
HID = 128
B = 1024

NC, NS, L = 2, 16, 16
NW = NC * NS
BLK = 128
NBLK = 80
EPW = NBLK * BLK
E_PAD = EPW * NW
NPAD = 10240
RPT = NPAD // NS
BATW = B // NW
G = 8
NGRP = NBLK // G

def _wid():
    return lax.axis_index("s") * NC + lax.axis_index("c")


def _sc_mesh():
    return plsc.VectorSubcoreMesh(core_axis_name="c", subcore_axis_name="s",
                                  num_cores=NC, num_subcores=NS)


@functools.cache
def _make_deg_kernel():
    return pl.kernel(
        _deg_body,
        out_type=jax.ShapeDtypeStruct((NC, NPAD), jnp.float32),
        mesh=_sc_mesh(),
        scratch_types=[
            pltpu.VMEM((BLK,), jnp.int32),
            pltpu.VMEM((BLK,), jnp.float32),
            pltpu.VMEM((RPT,), jnp.float32),
            pltpu.VMEM_SHARED((NPAD,), jnp.float32),
        ],
    )


def _deg_body(dst_hbm, degp_hbm, didx_v, ones_v, zbuf_v, acc_sh):
    cid = lax.axis_index("c")
    sid = lax.axis_index("s")
    wid = _wid()

    one16 = jnp.full((L,), 1.0, jnp.float32)
    zero16 = jnp.zeros((L,), jnp.float32)

    def fill_ones(i, _):
        ones_v[pl.ds(i * L, L)] = one16
        return 0

    lax.fori_loop(0, BLK // L, fill_ones, 0)

    def fill_zero(i, _):
        zbuf_v[pl.ds(i * L, L)] = zero16
        return 0

    lax.fori_loop(0, RPT // L, fill_zero, 0)
    pltpu.sync_copy(zbuf_v, acc_sh.at[pl.ds(sid * RPT, RPT)])
    plsc.subcore_barrier()

    base = wid * EPW

    def body(j, _):
        pltpu.sync_copy(dst_hbm.at[pl.ds(base + j * BLK, BLK)], didx_v)
        pltpu.sync_copy(ones_v, acc_sh.at[didx_v], add=True)
        return 0

    lax.fori_loop(0, NBLK, body, 0)
    plsc.subcore_barrier()
    pltpu.sync_copy(acc_sh.at[pl.ds(sid * RPT, RPT)],
                    degp_hbm.at[cid, pl.ds(sid * RPT, RPT)])


@functools.cache
def _make_msgpass_kernel():
    return pl.kernel(
        _msgpass_body,
        out_type=jax.ShapeDtypeStruct((NC, NPAD, D), jnp.float32),
        mesh=_sc_mesh(),
        scratch_types=[
            pltpu.VMEM((G, BLK), jnp.int32),
            pltpu.VMEM((G, BLK), jnp.int32),
            pltpu.VMEM((BLK, D), jnp.float32),
            pltpu.VMEM((BLK, D), jnp.float32),
            pltpu.SemaphoreType.DMA,
            pltpu.SemaphoreType.DMA,
            pltpu.VMEM_SHARED((NPAD, D), jnp.float32),
        ],
    )


def _msgpass_body(y_hbm, src4_hbm, dst4_hbm, accp_hbm,
                  sg_v, dg_v, buf0_v, buf1_v, sem0, sem1, acc_sh):
    cid = lax.axis_index("c")
    sid = lax.axis_index("s")
    wid = _wid()

    zero16 = jnp.zeros((L,), jnp.float32)

    def fill_zero(i, _):
        for k in range(D // L):
            buf0_v[i, pl.ds(k * L, L)] = zero16
        return 0

    lax.fori_loop(0, BLK, fill_zero, 0)
    for k in range(RPT // BLK):
        pltpu.sync_copy(buf0_v, acc_sh.at[pl.ds(sid * RPT + k * BLK, BLK)])
    plsc.subcore_barrier()

    bufs = (buf0_v, buf1_v)
    sems = (sem0, sem1)

    def body(t, _):
        pltpu.sync_copy(src4_hbm.at[wid, t], sg_v)
        pltpu.sync_copy(dst4_hbm.at[wid, t], dg_v)
        d = [None, None]
        d[0] = pltpu.async_copy(y_hbm.at[sg_v.at[0]], buf0_v, sem0)
        for u in range(G):
            if u + 1 < G:
                d[(u + 1) % 2] = pltpu.async_copy(
                    y_hbm.at[sg_v.at[u + 1]], bufs[(u + 1) % 2],
                    sems[(u + 1) % 2])
            d[u % 2].wait()
            pltpu.sync_copy(bufs[u % 2], acc_sh.at[dg_v.at[u]], add=True)
        return 0

    lax.fori_loop(0, NGRP, body, 0)
    plsc.subcore_barrier()
    for k in range(RPT // BLK):
        r0 = sid * RPT + k * BLK
        pltpu.sync_copy(acc_sh.at[pl.ds(r0, BLK)],
                        accp_hbm.at[cid, pl.ds(r0, BLK)])


@functools.cache
def _make_pairgather_kernel():
    return pl.kernel(
        _pairgather_body,
        out_type=jax.ShapeDtypeStruct((B, D), jnp.float32),
        mesh=_sc_mesh(),
        scratch_types=[
            pltpu.VMEM((BATW,), jnp.int32),
            pltpu.VMEM((BATW,), jnp.int32),
            pltpu.VMEM((BATW, D), jnp.float32),
            pltpu.VMEM((BATW, D), jnp.float32),
        ],
    )


def _pairgather_body(zw_hbm, zp_hbm, tgt_hbm, srcb_hbm, prod_hbm,
                     tidx_v, sidx_v, bufw_v, bufp_v):
    wid = _wid()
    base = wid * BATW
    pltpu.sync_copy(tgt_hbm.at[pl.ds(base, BATW)], tidx_v)
    pltpu.sync_copy(srcb_hbm.at[pl.ds(base, BATW)], sidx_v)
    pltpu.sync_copy(zw_hbm.at[tidx_v], bufw_v)
    pltpu.sync_copy(zp_hbm.at[sidx_v], bufp_v)

    def mul_row(i, _):
        for k in range(D // L):
            s = pl.ds(k * L, L)
            bufw_v[i, s] = bufw_v[i, s] * bufp_v[i, s]
        return 0

    lax.fori_loop(0, BATW, mul_row, 0)
    pltpu.sync_copy(bufw_v, prod_hbm.at[pl.ds(base, BATW)])


_RB = 1000
_GRID = N // _RB


def _tc_pre_body(degp_ref, x_ref, w1_ref, dinv_ref, y1_ref):
    dp = degp_ref[0] + degp_ref[1] + 1.0
    dinv = lax.rsqrt(jnp.maximum(dp, 1e-12))
    dinv_ref[...] = dinv
    y = jnp.dot(x_ref[...], w1_ref[...], preferred_element_type=jnp.float32)
    y1_ref[...] = y * dinv


def _tc_layer_body(a_ref, y_ref, dinv_ref, b_ref, wn_ref, h_ref, yn_ref):
    dinv = dinv_ref[...]
    h = jnp.maximum(dinv * (a_ref[0] + a_ref[1] + y_ref[...]) + b_ref[...], 0.0)
    h_ref[...] = h
    yn = jnp.dot(h, wn_ref[...], preferred_element_type=jnp.float32)
    yn_ref[...] = yn * dinv


def _tc_post_body(a_ref, y_ref, dinv_ref, b3_ref, h1_ref, h2_ref,
                  ww_ref, bw_ref, wp_ref, bp_ref, zw_ref, zp_ref):
    dinv = dinv_ref[...]
    h3 = jnp.maximum(dinv * (a_ref[0] + a_ref[1] + y_ref[...]) + b3_ref[...], 0.0)
    h1 = h1_ref[...]
    h2 = h2_ref[...]
    f32 = jnp.float32
    zw = (jnp.dot(h1, ww_ref[0:HID], preferred_element_type=f32)
          + jnp.dot(h2, ww_ref[HID:2 * HID], preferred_element_type=f32)
          + jnp.dot(h3, ww_ref[2 * HID:], preferred_element_type=f32)
          + bw_ref[...])
    zp = (jnp.dot(h1, wp_ref[0:HID], preferred_element_type=f32)
          + jnp.dot(h2, wp_ref[HID:2 * HID], preferred_element_type=f32)
          + jnp.dot(h3, wp_ref[2 * HID:], preferred_element_type=f32)
          + bp_ref[...])
    zw_ref[...] = zw
    zp_ref[...] = zp


def _tc_rowsum_body(prod_ref, out_ref):
    out_ref[...] = jnp.sum(prod_ref[...], axis=1, keepdims=True)


def _rb_spec(nd=2):
    if nd == 2:
        return pl.BlockSpec((_RB, D), lambda i: (i, 0))
    return pl.BlockSpec((NC, _RB, D), lambda i: (0, i, 0))


_dinv_spec = pl.BlockSpec((_RB, 1), lambda i: (i, 0))
_bias_spec = pl.BlockSpec((1, HID), lambda i: (0, 0))


def kernel(x, edge_index, src_idx, tgt_idx, W1, b1, W2, b2, W3, b3, Ww, bw, Wp, bp):
    src = edge_index[0]
    dst = edge_index[1]
    pad = E_PAD - E
    ar = jnp.arange(pad, dtype=jnp.int32)
    src_p = jnp.concatenate([src, ar % N])
    dst_p = jnp.concatenate([dst, N + (ar % (NPAD - N))])
    src4 = src_p.reshape(NW, NGRP, G, BLK)
    dst4 = dst_p.reshape(NW, NGRP, G, BLK)

    degp = _make_deg_kernel()(dst_p)
    degp3 = degp[:, :N].reshape(NC, N, 1)

    dinv, y1 = pl.pallas_call(
        _tc_pre_body,
        grid=(_GRID,),
        in_specs=[pl.BlockSpec((NC, _RB, 1), lambda i: (0, i, 0)),
                  _rb_spec(), pl.BlockSpec((D, HID), lambda i: (0, 0))],
        out_specs=[_dinv_spec, _rb_spec()],
        out_shape=[jax.ShapeDtypeStruct((N, 1), jnp.float32),
                   jax.ShapeDtypeStruct((N, HID), jnp.float32)],
    )(degp3, x, W1)

    hs = []
    y = y1
    for (bcur, Wn) in ((b1, W2), (b2, W3)):
        accp = _make_msgpass_kernel()(y, src4, dst4)
        a = accp[:, :N, :]
        h, y = pl.pallas_call(
            _tc_layer_body,
            grid=(_GRID,),
            in_specs=[_rb_spec(3), _rb_spec(), _dinv_spec, _bias_spec,
                      pl.BlockSpec((HID, HID), lambda i: (0, 0))],
            out_specs=[_rb_spec(), _rb_spec()],
            out_shape=[jax.ShapeDtypeStruct((N, HID), jnp.float32),
                       jax.ShapeDtypeStruct((N, HID), jnp.float32)],
        )(a, y, dinv, bcur.reshape(1, HID), Wn)
        hs.append(h)

    accp = _make_msgpass_kernel()(y, src4, dst4)
    a = accp[:, :N, :]
    zw, zp = pl.pallas_call(
        _tc_post_body,
        grid=(_GRID,),
        in_specs=[_rb_spec(3), _rb_spec(), _dinv_spec, _bias_spec,
                  _rb_spec(), _rb_spec(),
                  pl.BlockSpec((3 * HID, HID), lambda i: (0, 0)), _bias_spec,
                  pl.BlockSpec((3 * HID, HID), lambda i: (0, 0)), _bias_spec],
        out_specs=[_rb_spec(), _rb_spec()],
        out_shape=[jax.ShapeDtypeStruct((N, HID), jnp.float32),
                   jax.ShapeDtypeStruct((N, HID), jnp.float32)],
    )(a, y, dinv, b3.reshape(1, HID), hs[0], hs[1],
      Ww, bw.reshape(1, HID), Wp, bp.reshape(1, HID))

    prod = _make_pairgather_kernel()(zw, zp, tgt_idx, src_idx)
    out = pl.pallas_call(
        _tc_rowsum_body,
        grid=(1,),
        in_specs=[pl.BlockSpec((B, D), lambda i: (0, 0))],
        out_specs=pl.BlockSpec((B, 1), lambda i: (0, 0)),
        out_shape=jax.ShapeDtypeStruct((B, 1), jnp.float32),
    )(prod)
    return out.reshape(B)

# --- scband reference (transcript-rebuilt; emitter-appended) ---
"""Pipeline reference for scband-explainer-30039001268380 (READ-ONLY COPY).

The authoritative reference and input builder live on the scoring server;
editing this copy changes nothing except your own understanding.
"""

import jax, jax.numpy as jnp
import numpy as np

N_NODES = 10000
N_EDGES = 320000
D_IN = 128
HID = 128
NUM_LAYERS = 3
BATCH = 1024


def _gcn_conv(x, edge_index, W, b):
    # Faithful GCNConv: add self-loops, symmetric deg^-1/2 normalization, linear, bias
    src = edge_index[0]
    dst = edge_index[1]
    loop = jnp.arange(N_NODES, dtype=src.dtype)
    src = jnp.concatenate([src, loop])
    dst = jnp.concatenate([dst, loop])
    deg = jnp.zeros((N_NODES,), x.dtype).at[dst].add(1.0)
    deg_inv_sqrt = 1.0 / jnp.sqrt(jnp.maximum(deg, 1e-12))
    norm = deg_inv_sqrt[src] * deg_inv_sqrt[dst]
    xw = x @ W
    msg = xw[src] * norm[:, None]
    out = jnp.zeros((N_NODES, W.shape[1]), x.dtype).at[dst].add(msg)
    return out + b


def setup_inputs(seed: int = 0):
    key = jax.random.key(seed)
    ks = jax.random.split(key, 16)
    x = jax.random.normal(ks[0], (N_NODES, D_IN), dtype=jnp.float32)
    edge_index = jax.random.randint(ks[1], (2, N_EDGES), 0, N_NODES, dtype=jnp.int32)
    src_idx = jax.random.randint(ks[2], (BATCH,), 0, N_NODES, dtype=jnp.int32)
    tgt_idx = jax.random.randint(ks[3], (BATCH,), 0, N_NODES, dtype=jnp.int32)
    W1 = jax.random.normal(ks[4], (D_IN, HID), dtype=jnp.float32) * 0.05
    b1 = jnp.zeros((HID,), jnp.float32)
    W2 = jax.random.normal(ks[5], (HID, HID), dtype=jnp.float32) * 0.05
    b2 = jnp.zeros((HID,), jnp.float32)
    W3 = jax.random.normal(ks[6], (HID, HID), dtype=jnp.float32) * 0.05
    b3 = jnp.zeros((HID,), jnp.float32)
    Ww = jax.random.normal(ks[7], (NUM_LAYERS * HID, HID), dtype=jnp.float32) * 0.05
    bw = jnp.zeros((HID,), jnp.float32)
    Wp = jax.random.normal(ks[8], (NUM_LAYERS * HID, HID), dtype=jnp.float32) * 0.05
    bp = jnp.zeros((HID,), jnp.float32)
    return {"x": x, "edge_index": edge_index, "src_idx": src_idx, "tgt_idx": tgt_idx,
            "W1": W1, "b1": b1, "W2": W2, "b2": b2, "W3": W3, "b3": b3,
            "Ww": Ww, "bw": bw, "Wp": Wp, "bp": bp}


def reference(x, edge_index, src_idx, tgt_idx, W1, b1, W2, b2, W3, b3, Ww, bw, Wp, bp):
    h = x
    x_all = []
    for (W, b) in ((W1, b1), (W2, b2), (W3, b3)):
        h = _gcn_conv(h, edge_index, W, b)
        h = jax.nn.relu(h)
        # dropout p=0.0 -> identity
        x_all.append(h)
    xc = jnp.concatenate(x_all, axis=1)
    x_W = xc @ Ww + bw
    x_p = xc @ Wp + bp
    sv_t = x_W[tgt_idx].reshape(BATCH, HID)[:, :, None]
    sv_s = x_p[src_idx].reshape(BATCH, HID)[:, None, :]
    sv = jnp.matmul(sv_s, sv_t)
    return sv.reshape(BATCH, -1).squeeze(-1)

if __name__ == "__main__":
    import jax
    _d = setup_inputs()
    print(jax.jit(kernel)(*tuple(_d.values())))

</pallas_src>

<mosaic_0001>
#map = affine_map<(d0, d1) -> (0)>
#map1 = affine_map<(d0, d1) -> (0, 0)>
module attributes {stable_mosaic.version = 14 : i64} {
  func.func @_deg_body(%arg0: i32, %arg1: i32, %arg2: memref<327680xi32, #tpu.memory_space<hbm>>, %arg3: memref<2x10240xf32, #tpu.memory_space<hbm>>, %arg4: memref<128xi32, #tpu.memory_space<vmem>>, %arg5: memref<128xf32, #tpu.memory_space<vmem>>, %arg6: memref<640xf32, #tpu.memory_space<vmem>>, %arg7: memref<10240xf32, #tpu.memory_space<vmem_shared>>) attributes {dimension_semantics = [#tpu.dimension_semantics<core_parallel>, #tpu.dimension_semantics<subcore_parallel>], iteration_bounds = array<i64: 2, 16>, scalar_prefetch = 0 : i64, scratch_operands = 4 : i64, tpu.core_type = #tpu.core_type<sc_vector_subcore>, window_params = [{transform_indices = #map}, {transform_indices = #map1}]} {
    %mul3A = arith.constant 2 : i32
    %mul3A_0 = arith.muli %arg1, %mul3A : i32
    %add3A = arith.addi %mul3A_0, %arg0 : i32
    %broadcast_in_dim3A = arith.constant 1.000000e+00 : f32
    %broadcast_in_dim3A_1 = vector.broadcast %broadcast_in_dim3A : f32 to vector<16xf32>
    %broadcast_in_dim3A_2 = arith.constant 0.000000e+00 : f32
    %broadcast_in_dim3A_3 = vector.broadcast %broadcast_in_dim3A_2 : f32 to vector<16xf32>
    %scan3A = arith.constant 0 : i32
    %scan3A_4 = arith.constant 0 : i32
    %scan3A_5 = arith.constant 8 : i32
    %scan3A_6 = arith.addi %scan3A_4, %scan3A_5 : i32
    %scan3A_7 = arith.constant 1 : i32
    %scan3A_8 = scf.for %scan3A_33 = %scan3A_4 to %scan3A_6 step %scan3A_7 iter_args(%scan3A_34 = %scan3A) -> (i32)  : i32 {
      %mul3A_35 = arith.constant 16 : i32
      %mul3A_36 = arith.muli %scan3A_33, %mul3A_35 : i32
      %swap3A = arith.index_cast %mul3A_36 : i32 to index
      %swap3A_37 = tpu.vector_load %arg5[%swap3A] {strides = array<i32>} : memref<128xf32, #tpu.memory_space<vmem>>, vector<16xf32>,
      %swap3A_38 = vector.shape_cast %swap3A_37 : vector<16xf32> to vector<16xf32>
      %swap3A_39 = vector.shape_cast %broadcast_in_dim3A_1 : vector<16xf32> to vector<16xf32>
      tpu.vector_store %arg5[%swap3A], %swap3A_39 {strides = array<i32>} : memref<128xf32, #tpu.memory_space<vmem>>, vector<16xf32>,
      %scan3A_40 = arith.constant 0 : i32
      scf.yield %scan3A_40 : i32
    }
    %scan3A_9 = arith.constant 8 : i32
    %scan3A_10 = arith.constant 0 : i32
    %scan3A_11 = arith.constant 0 : i32
    %scan3A_12 = arith.constant 40 : i32
    %scan3A_13 = arith.addi %scan3A_11, %scan3A_12 : i32
    %scan3A_14 = arith.constant 1 : i32
    %scan3A_15 = scf.for %scan3A_33 = %scan3A_11 to %scan3A_13 step %scan3A_14 iter_args(%scan3A_34 = %scan3A_10) -> (i32)  : i32 {
      %mul3A_35 = arith.constant 16 : i32
      %mul3A_36 = arith.muli %scan3A_33, %mul3A_35 : i32
      %swap3A = arith.index_cast %mul3A_36 : i32 to index
      %swap3A_37 = tpu.vector_load %arg6[%swap3A] {strides = array<i32>} : memref<640xf32, #tpu.memory_space<vmem>>, vector<16xf32>,
      %swap3A_38 = vector.shape_cast %swap3A_37 : vector<16xf32> to vector<16xf32>
      %swap3A_39 = vector.shape_cast %broadcast_in_dim3A_3 : vector<16xf32> to vector<16xf32>
      tpu.vector_store %arg6[%swap3A], %swap3A_39 {strides = array<i32>} : memref<640xf32, #tpu.memory_space<vmem>>, vector<16xf32>,
      %scan3A_40 = arith.constant 0 : i32
      scf.yield %scan3A_40 : i32
    }
    %scan3A_16 = arith.constant 40 : i32
    %mul3A_17 = arith.constant 640 : i32
    %mul3A_18 = arith.muli %arg1, %mul3A_17 : i32
    "tpu.region"() ({
      %run_scoped3A = tpu.sem_alloc : memref<!tpu.dma_semaphore, #tpu.memory_space<semaphore_mem>>
      %dma_start3A = tpu.memref_slice %arg7[%mul3A_18] : memref<10240xf32, #tpu.memory_space<vmem_shared>> -> memref<640xf32, #tpu.memory_space<vmem_shared>>
      %dma_start3A_33 = tpu.memref_slice %arg7[%mul3A_18] : memref<10240xf32, #tpu.memory_space<vmem_shared>> -> memref<640xf32, #tpu.memory_space<vmem_shared>>
      tpu.enqueue_dma source(%arg6 : memref<640xf32, #tpu.memory_space<vmem>>) target(%dma_start3A_33 : memref<640xf32, #tpu.memory_space<vmem_shared>>) target_semaphore(%run_scoped3A : memref<!tpu.dma_semaphore, #tpu.memory_space<semaphore_mem>>)
      %dma_wait3A = tpu.memref_slice %arg7[%mul3A_18] : memref<10240xf32, #tpu.memory_space<vmem_shared>> -> memref<640xf32, #tpu.memory_space<vmem_shared>>
      %dma_wait3A_34 = tpu.memref_slice %arg7[%mul3A_18] : memref<10240xf32, #tpu.memory_space<vmem_shared>> -> memref<640xf32, #tpu.memory_space<vmem_shared>>
      tpu.wait_dma2 semaphore(%run_scoped3A : memref<!tpu.dma_semaphore, #tpu.memory_space<semaphore_mem>>) src(%arg6 : memref<640xf32, #tpu.memory_space<vmem>>) dst(%dma_wait3A_34 : memref<640xf32, #tpu.memory_space<vmem_shared>>)
      tpu.yield
    }) : () -> ()
    %barrier3A = arith.constant 0 : index
    tpu.barrier barrier_id(%barrier3A)
    %mul3A_19 = arith.constant 10240 : i32
    %mul3A_20 = arith.muli %add3A, %mul3A_19 : i32
    %scan3A_21 = arith.constant 0 : i32
    %scan3A_22 = arith.constant 0 : i32
    %scan3A_23 = arith.constant 80 : i32
    %scan3A_24 = arith.addi %scan3A_22, %scan3A_23 : i32
    %scan3A_25 = arith.constant 1 : i32
    %scan3A_26 = scf.for %scan3A_33 = %scan3A_22 to %scan3A_24 step %scan3A_25 iter_args(%scan3A_34 = %scan3A_21) -> (i32)  : i32 {
      %mul3A_35 = arith.constant 128 : i32
      %mul3A_36 = arith.muli %scan3A_33, %mul3A_35 : i32
      %add3A_37 = arith.addi %mul3A_20, %mul3A_36 : i32
      "tpu.region"() ({
        %run_scoped3A = tpu.sem_alloc : memref<!tpu.dma_semaphore, #tpu.memory_space<semaphore_mem>>
        %dma_start3A = tpu.memref_slice %arg2[%add3A_37] : memref<327680xi32, #tpu.memory_space<hbm>> -> memref<128xi32, #tpu.memory_space<hbm>>
        %dma_start3A_39 = tpu.memref_slice %arg2[%add3A_37] : memref<327680xi32, #tpu.memory_space<hbm>> -> memref<128xi32, #tpu.memory_space<hbm>>
        tpu.enqueue_dma source(%dma_start3A_39 : memref<128xi32, #tpu.memory_space<hbm>>) target(%arg4 : memref<128xi32, #tpu.memory_space<vmem>>) target_semaphore(%run_scoped3A : memref<!tpu.dma_semaphore, #tpu.memory_space<semaphore_mem>>)
        %dma_wait3A = tpu.memref_slice %arg2[%add3A_37] : memref<327680xi32, #tpu.memory_space<hbm>> -> memref<128xi32, #tpu.memory_space<hbm>>
        %dma_wait3A_40 = tpu.memref_slice %arg2[%add3A_37] : memref<327680xi32, #tpu.memory_space<hbm>> -> memref<128xi32, #tpu.memory_space<hbm>>
        tpu.wait_dma2 semaphore(%run_scoped3A : memref<!tpu.dma_semaphore, #tpu.memory_space<semaphore_mem>>) src(%dma_wait3A_40 : memref<128xi32, #tpu.memory_space<hbm>>) dst(%arg4 : memref<128xi32, #tpu.memory_space<vmem>>)
        tpu.yield
      }) : () -> ()
      "tpu.region"() ({
        %run_scoped3A = tpu.sem_alloc : memref<!tpu.dma_semaphore, #tpu.memory_space<semaphore_mem>>
        %dma_start3A = arith.constant 0 : i32
        %dma_start3A_39 = tpu.memref_slice %arg7[%dma_start3A] : memref<10240xf32, #tpu.memory_space<vmem_shared>> -> memref<10240xf32, #tpu.memory_space<vmem_shared>>
        tpu.enqueue_indirect_dma source(%arg5 : memref<128xf32, #tpu.memory_space<vmem>>) target(%dma_start3A_39 : memref<10240xf32, #tpu.memory_space<vmem_shared>>) offsets(%arg4 : memref<128xi32, #tpu.memory_space<vmem>>) semaphore(%run_scoped3A : memref<!tpu.dma_semaphore, #tpu.memory_space<semaphore_mem>>) {add = true}
        %dma_wait3A = arith.constant 0 : i32
        %dma_wait3A_40 = tpu.memref_slice %arg7[%dma_wait3A] : memref<10240xf32, #tpu.memory_space<vmem_shared>> -> memref<10240xf32, #tpu.memory_space<vmem_shared>>
        tpu.wait_indirect_dma semaphore(%run_scoped3A : memref<!tpu.dma_semaphore, #tpu.memory_space<semaphore_mem>>) src(%arg5 : memref<128xf32, #tpu.memory_space<vmem>>) dst(%dma_wait3A_40 : memref<10240xf32, #tpu.memory_space<vmem_shared>>)
        tpu.yield
      }) : () -> ()
      %scan3A_38 = arith.constant 0 : i32
      scf.yield %scan3A_38 : i32
    }
    %scan3A_27 = arith.constant 80 : i32
    %barrier3A_28 = arith.constant 0 : index
    tpu.barrier barrier_id(%barrier3A_28)
    %mul3A_29 = arith.constant 640 : i32
    %mul3A_30 = arith.muli %arg1, %mul3A_29 : i32
    %mul3A_31 = arith.constant 640 : i32
    %mul3A_32 = arith.muli %arg1, %mul3A_31 : i32
    "tpu.region"() ({
      %run_scoped3A = tpu.sem_alloc : memref<!tpu.dma_semaphore, #tpu.memory_space<semaphore_mem>>
      %dma_start3A = tpu.memref_slice %arg3[%arg0, %mul3A_32] : memref<2x10240xf32, #tpu.memory_space<hbm>> -> memref<1x640xf32, #tpu.memory_space<hbm>>
      %dma_start3A_33 = tpu.memref_squeeze %dma_start3A : memref<1x640xf32, #tpu.memory_space<hbm>> -> memref<640xf32, #tpu.memory_space<hbm>>
      %dma_start3A_34 = tpu.memref_slice %arg7[%mul3A_30] : memref<10240xf32, #tpu.memory_space<vmem_shared>> -> memref<640xf32, #tpu.memory_space<vmem_shared>>
      tpu.enqueue_dma source(%dma_start3A_34 : memref<640xf32, #tpu.memory_space<vmem_shared>>) target(%dma_start3A_33 : memref<640xf32, #tpu.memory_space<hbm>>) target_semaphore(%run_scoped3A : memref<!tpu.dma_semaphore, #tpu.memory_space<semaphore_mem>>)
      %dma_wait3A = tpu.memref_slice %arg3[%arg0, %mul3A_32] : memref<2x10240xf32, #tpu.memory_space<hbm>> -> memref<1x640xf32, #tpu.memory_space<hbm>>
      %dma_wait3A_35 = tpu.memref_squeeze %dma_wait3A : memref<1x640xf32, #tpu.memory_space<hbm>> -> memref<640xf32, #tpu.memory_space<hbm>>
      %dma_wait3A_36 = tpu.memref_slice %arg7[%mul3A_30] : memref<10240xf32, #tpu.memory_space<vmem_shared>> -> memref<640xf32, #tpu.memory_space<vmem_shared>>
      tpu.wait_dma2 semaphore(%run_scoped3A : memref<!tpu.dma_semaphore, #tpu.memory_space<semaphore_mem>>) src(%dma_wait3A_36 : memref<640xf32, #tpu.memory_space<vmem_shared>>) dst(%dma_wait3A_35 : memref<640xf32, #tpu.memory_space<hbm>>)
      tpu.yield
    }) : () -> ()
    return
  }
}

#map = affine_map<(d0, d1) -> (0, 0)>
#map1 = affine_map<(d0, d1) -> (0, 0, 0, 0)>
#map2 = affine_map<(d0, d1) -> (0, 0, 0)>
module attributes {stable_mosaic.version = 14 : i64} {
  func.func @_msgpass_body(%arg0: i32, %arg1: i32, %arg2: memref<10000x128xf32, #tpu.memory_space<hbm>>, %arg3: memref<32x10x8x128xi32, #tpu.memory_space<hbm>>, %arg4: memref<32x10x8x128xi32, #tpu.memory_space<hbm>>, %arg5: memref<2x10240x128xf32, #tpu.memory_space<hbm>>, %arg6: memref<8x128xi32, #tpu.memory_space<vmem>>, %arg7: memref<8x128xi32, #tpu.memory_space<vmem>>, %arg8: memref<128x128xf32, #tpu.memory_space<vmem>>, %arg9: memref<128x128xf32, #tpu.memory_space<vmem>>, %arg10: memref<!tpu.dma_semaphore, #tpu.memory_space<semaphore_mem>>, %arg11: memref<!tpu.dma_semaphore, #tpu.memory_space<semaphore_mem>>, %arg12: memref<10240x128xf32, #tpu.memory_space<vmem_shared>>) attributes {dimension_semantics = [#tpu.dimension_semantics<core_parallel>, #tpu.dimension_semantics<subcore_parallel>], iteration_bounds = array<i64: 2, 16>, scalar_prefetch = 0 : i64, scratch_operands = 7 : i64, tpu.core_type = #tpu.core_type<sc_vector_subcore>, window_params = [{transform_indices = #map}, {transform_indices = #map1}, {transform_indices = #map1}, {transform_indices = #map2}]} {
    %mul3A = arith.constant 2 : i32
    %mul3A_0 = arith.muli %arg1, %mul3A : i32
    %add3A = arith.addi %mul3A_0, %arg0 : i32
    %broadcast_in_dim3A = arith.constant 0.000000e+00 : f32
    %broadcast_in_dim3A_1 = vector.broadcast %broadcast_in_dim3A : f32 to vector<16xf32>
    %scan3A = arith.constant 0 : i32
    %scan3A_2 = arith.constant 0 : i32
    %scan3A_3 = arith.constant 128 : i32
    %scan3A_4 = arith.addi %scan3A_2, %scan3A_3 : i32
    %scan3A_5 = arith.constant 1 : i32
    %scan3A_6 = scf.for %scan3A_56 = %scan3A_2 to %scan3A_4 step %scan3A_5 iter_args(%scan3A_57 = %scan3A) -> (i32)  : i32 {
      %swap3A = arith.index_cast %scan3A_56 : i32 to index
      %swap3A_58 = arith.constant 0 : index
      %swap3A_59 = tpu.vector_load %arg8[%swap3A, %swap3A_58] {strides = array<i32>} : memref<128x128xf32, #tpu.memory_space<vmem>>, vector<1x16xf32>,
      %swap3A_60 = vector.shape_cast %swap3A_59 : vector<1x16xf32> to vector<16xf32>
      %swap3A_61 = vector.shape_cast %broadcast_in_dim3A_1 : vector<16xf32> to vector<1x16xf32>
      tpu.vector_store %arg8[%swap3A, %swap3A_58], %swap3A_61 {strides = array<i32>} : memref<128x128xf32, #tpu.memory_space<vmem>>, vector<1x16xf32>,
      %swap3A_62 = arith.index_cast %scan3A_56 : i32 to index
      %swap3A_63 = arith.constant 16 : index
      %swap3A_64 = tpu.vector_load %arg8[%swap3A_62, %swap3A_63] {strides = array<i32>} : memref<128x128xf32, #tpu.memory_space<vmem>>, vector<1x16xf32>,
      %swap3A_65 = vector.shape_cast %swap3A_64 : vector<1x16xf32> to vector<16xf32>
      %swap3A_66 = vector.shape_cast %broadcast_in_dim3A_1 : vector<16xf32> to vector<1x16xf32>
      tpu.vector_store %arg8[%swap3A_62, %swap3A_63], %swap3A_66 {strides = array<i32>} : memref<128x128xf32, #tpu.memory_space<vmem>>, vector<1x16xf32>,
      %swap3A_67 = arith.index_cast %scan3A_56 : i32 to index
      %swap3A_68 = arith.constant 32 : index
      %swap3A_69 = tpu.vector_load %arg8[%swap3A_67, %swap3A_68] {strides = array<i32>} : memref<128x128xf32, #tpu.memory_space<vmem>>, vector<1x16xf32>,
      %swap3A_70 = vector.shape_cast %swap3A_69 : vector<1x16xf32> to vector<16xf32>
      %swap3A_71 = vector.shape_cast %broadcast_in_dim3A_1 : vector<16xf32> to vector<1x16xf32>
      tpu.vector_store %arg8[%swap3A_67, %swap3A_68], %swap3A_71 {strides = array<i32>} : memref<128x128xf32, #tpu.memory_space<vmem>>, vector<1x16xf32>,
      %swap3A_72 = arith.index_cast %scan3A_56 : i32 to index
      %swap3A_73 = arith.constant 48 : index
      %swap3A_74 = tpu.vector_load %arg8[%swap3A_72, %swap3A_73] {strides = array<i32>} : memref<128x128xf32, #tpu.memory_space<vmem>>, vector<1x16xf32>,
      %swap3A_75 = vector.shape_cast %swap3A_74 : vector<1x16xf32> to vector<16xf32>
      %swap3A_76 = vector.shape_cast %broadcast_in_dim3A_1 : vector<16xf32> to vector<1x16xf32>
      tpu.vector_store %arg8[%swap3A_72, %swap3A_73], %swap3A_76 {strides = array<i32>} : memref<128x128xf32, #tpu.memory_space<vmem>>, vector<1x16xf32>,
      %swap3A_77 = arith.index_cast %scan3A_56 : i32 to index
      %swap3A_78 = arith.constant 64 : index
      %swap3A_79 = tpu.vector_load %arg8[%swap3A_77, %swap3A_78] {strides = array<i32>} : memref<128x128xf32, #tpu.memory_space<vmem>>, vector<1x16xf32>,
      %swap3A_80 = vector.shape_cast %swap3A_79 : vector<1x16xf32> to vector<16xf32>
      %swap3A_81 = vector.shape_cast %broadcast_in_dim3A_1 : vector<16xf32> to vector<1x16xf32>
      tpu.vector_store %arg8[%swap3A_77, %swap3A_78], %swap3A_81 {strides = array<i32>} : memref<128x128xf32, #tpu.memory_space<vmem>>, vector<1x16xf32>,
      %swap3A_82 = arith.index_cast %scan3A_56 : i32 to index
      %swap3A_83 = arith.constant 80 : index
      %swap3A_84 = tpu.vector_load %arg8[%swap3A_82, %swap3A_83] {strides = array<i32>} : memref<128x128xf32, #tpu.memory_space<vmem>>, vector<1x16xf32>,
      %swap3A_85 = vector.shape_cast %swap3A_84 : vector<1x16xf32> to vector<16xf32>
      %swap3A_86 = vector.shape_cast %broadcast_in_dim3A_1 : vector<16xf32> to vector<1x16xf32>
      tpu.vector_store %arg8[%swap3A_82, %swap3A_83], %swap3A_86 {strides = array<i32>} : memref<128x128xf32, #tpu.memory_space<vmem>>, vector<1x16xf32>,
      %swap3A_87 = arith.index_cast %scan3A_56 : i32 to index
      %swap3A_88 = arith.constant 96 : index
      %swap3A_89 = tpu.vector_load %arg8[%swap3A_87, %swap3A_88] {strides = array<i32>} : memref<128x128xf32, #tpu.memory_space<vmem>>, vector<1x16xf32>,
      %swap3A_90 = vector.shape_cast %swap3A_89 : vector<1x16xf32> to vector<16xf32>
      %swap3A_91 = vector.shape_cast %broadcast_in_dim3A_1 : vector<16xf32> to vector<1x16xf32>
      tpu.vector_store %arg8[%swap3A_87, %swap3A_88], %swap3A_91 {strides = array<i32>} : memref<128x128xf32, #tpu.memory_space<vmem>>, vector<1x16xf32>,
      %swap3A_92 = arith.index_cast %scan3A_56 : i32 to index
      %swap3A_93 = arith.constant 112 : index
      %swap3A_94 = tpu.vector_load %arg8[%swap3A_92, %swap3A_93] {strides = array<i32>} : memref<128x128xf32, #tpu.memory_space<vmem>>, vector<1x16xf32>,
      %swap3A_95 = vector.shape_cast %swap3A_94 : vector<1x16xf32> to vector<16xf32>
      %swap3A_96 = vector.shape_cast %broadcast_in_dim3A_1 : vector<16xf32> to vector<1x16xf32>
      tpu.vector_store %arg8[%swap3A_92, %swap3A_93], %swap3A_96 {strides = array<i32>} : memref<128x128xf32, #tpu.memory_space<vmem>>, vector<1x16xf32>,
      %scan3A_97 = arith.constant 0 : i32
      scf.yield %scan3A_97 : i32
    }
    %scan3A_7 = arith.constant 128 : i32
    %mul3A_8 = arith.constant 640 : i32
    %mul3A_9 = arith.muli %arg1, %mul3A_8 : i32
    %add3A_10 = arith.constant 0 : i32
    %add3A_11 = arith.addi %mul3A_9, %add3A_10 : i32
    "tpu.region"() ({
      %run_scoped3A = tpu.sem_alloc : memref<!tpu.dma_semaphore, #tpu.memory_space<semaphore_mem>>
      %dma_start3A = arith.constant 0 : i32
      %dma_start3A_56 = tpu.memref_slice %arg12[%add3A_11, %dma_start3A] : memref<10240x128xf32, #tpu.memory_space<vmem_shared>> -> memref<128x128xf32, #tpu.memory_space<vmem_shared>>
      %dma_start3A_57 = arith.constant 0 : i32
      %dma_start3A_58 = tpu.memref_slice %arg12[%add3A_11, %dma_start3A_57] : memref<10240x128xf32, #tpu.memory_space<vmem_shared>> -> memref<128x128xf32, #tpu.memory_space<vmem_shared>>
      tpu.enqueue_dma source(%arg8 : memref<128x128xf32, #tpu.memory_space<vmem>>) target(%dma_start3A_58 : memref<128x128xf32, #tpu.memory_space<vmem_shared>>) target_semaphore(%run_scoped3A : memref<!tpu.dma_semaphore, #tpu.memory_space<semaphore_mem>>)
      %dma_wait3A = arith.constant 0 : i32
      %dma_wait3A_59 = tpu.memref_slice %arg12[%add3A_11, %dma_wait3A] : memref<10240x128xf32, #tpu.memory_space<vmem_shared>> -> memref<128x128xf32, #tpu.memory_space<vmem_shared>>
      %dma_wait3A_60 = arith.constant 0 : i32
      %dma_wait3A_61 = tpu.memref_slice %arg12[%add3A_11, %dma_wait3A_60] : memref<10240x128xf32, #tpu.memory_space<vmem_shared>> -> memref<128x128xf32, #tpu.memory_space<vmem_shared>>
      tpu.wait_dma2 semaphore(%run_scoped3A : memref<!tpu.dma_semaphore, #tpu.memory_space<semaphore_mem>>) src(%arg8 : memref<128x128xf32, #tpu.memory_space<vmem>>) dst(%dma_wait3A_61 : memref<128x128xf32, #tpu.memory_space<vmem_shared>>)
      tpu.yield
    }) : () -> ()
    %mul3A_12 = arith.constant 640 : i32
    %mul3A_13 = arith.muli %arg1, %mul3A_12 : i32
    %add3A_14 = arith.constant 128 : i32
    %add3A_15 = arith.addi %mul3A_13, %add3A_14 : i32
    "tpu.region"() ({
      %run_scoped3A = tpu.sem_alloc : memref<!tpu.dma_semaphore, #tpu.memory_space<semaphore_mem>>
      %dma_start3A = arith.constant 0 : i32
      %dma_start3A_56 = tpu.memref_slice %arg12[%add3A_15, %dma_start3A] : memref<10240x128xf32, #tpu.memory_space<vmem_shared>> -> memref<128x128xf32, #tpu.memory_space<vmem_shared>>
      %dma_start3A_57 = arith.constant 0 : i32
      %dma_start3A_58 = tpu.memref_slice %arg12[%add3A_15, %dma_start3A_57] : memref<10240x128xf32, #tpu.memory_space<vmem_shared>> -> memref<128x128xf32, #tpu.memory_space<vmem_shared>>
      tpu.enqueue_dma source(%arg8 : memref<128x128xf32, #tpu.memory_space<vmem>>) target(%dma_start3A_58 : memref<128x128xf32, #tpu.memory_space<vmem_shared>>) target_semaphore(%run_scoped3A : memref<!tpu.dma_semaphore, #tpu.memory_space<semaphore_mem>>)
      %dma_wait3A = arith.constant 0 : i32
      %dma_wait3A_59 = tpu.memref_slice %arg12[%add3A_15, %dma_wait3A] : memref<10240x128xf32, #tpu.memory_space<vmem_shared>> -> memref<128x128xf32, #tpu.memory_space<vmem_shared>>
      %dma_wait3A_60 = arith.constant 0 : i32
      %dma_wait3A_61 = tpu.memref_slice %arg12[%add3A_15, %dma_wait3A_60] : memref<10240x128xf32, #tpu.memory_space<vmem_shared>> -> memref<128x128xf32, #tpu.memory_space<vmem_shared>>
      tpu.wait_dma2 semaphore(%run_scoped3A : memref<!tpu.dma_semaphore, #tpu.memory_space<semaphore_mem>>) src(%arg8 : memref<128x128xf32, #tpu.memory_space<vmem>>) dst(%dma_wait3A_61 : memref<128x128xf32, #tpu.memory_space<vmem_shared>>)
      tpu.yield
    }) : () -> ()
    %mul3A_16 = arith.constant 640 : i32
    %mul3A_17 = arith.muli %arg1, %mul3A_16 : i32
    %add3A_18 = arith.constant 256 : i32
    %add3A_19 = arith.addi %mul3A_17, %add3A_18 : i32
    "tpu.region"() ({
      %run_scoped3A = tpu.sem_alloc : memref<!tpu.dma_semaphore, #tpu.memory_space<semaphore_mem>>
      %dma_start3A = arith.constant 0 : i32
      %dma_start3A_56 = tpu.memref_slice %arg12[%add3A_19, %dma_start3A] : memref<10240x128xf32, #tpu.memory_space<vmem_shared>> -> memref<128x128xf32, #tpu.memory_space<vmem_shared>>
      %dma_start3A_57 = arith.constant 0 : i32
      %dma_start3A_58 = tpu.memref_slice %arg12[%add3A_19, %dma_start3A_57] : memref<10240x128xf32, #tpu.memory_space<vmem_shared>> -> memref<128x128xf32, #tpu.memory_space<vmem_shared>>
      tpu.enqueue_dma source(%arg8 : memref<128x128xf32, #tpu.memory_space<vmem>>) target(%dma_start3A_58 : memref<128x128xf32, #tpu.memory_space<vmem_shared>>) target_semaphore(%run_scoped3A : memref<!tpu.dma_semaphore, #tpu.memory_space<semaphore_mem>>)
      %dma_wait3A = arith.constant 0 : i32
      %dma_wait3A_59 = tpu.memref_slice %arg12[%add3A_19, %dma_wait3A] : memref<10240x128xf32, #tpu.memory_space<vmem_shared>> -> memref<128x128xf32, #tpu.memory_space<vmem_shared>>
      %dma_wait3A_60 = arith.constant 0 : i32
      %dma_wait3A_61 = tpu.memref_slice %arg12[%add3A_19, %dma_wait3A_60] : memref<10240x128xf32, #tpu.memory_space<vmem_shared>> -> memref<128x128xf32, #tpu.memory_space<vmem_shared>>
      tpu.wait_dma2 semaphore(%run_scoped3A : memref<!tpu.dma_semaphore, #tpu.memory_space<semaphore_mem>>) src(%arg8 : memref<128x128xf32, #tpu.memory_space<vmem>>) dst(%dma_wait3A_61 : memref<128x128xf32, #tpu.memory_space<vmem_shared>>)
      tpu.yield
    }) : () -> ()
    %mul3A_20 = arith.constant 640 : i32
    %mul3A_21 = arith.muli %arg1, %mul3A_20 : i32
    %add3A_22 = arith.constant 384 : i32
    %add3A_23 = arith.addi %mul3A_21, %add3A_22 : i32
    "tpu.region"() ({
      %run_scoped3A = tpu.sem_alloc : memref<!tpu.dma_semaphore, #tpu.memory_space<semaphore_mem>>
      %dma_start3A = arith.constant 0 : i32
      %dma_start3A_56 = tpu.memref_slice %arg12[%add3A_23, %dma_start3A] : memref<10240x128xf32, #tpu.memory_space<vmem_shared>> -> memref<128x128xf32, #tpu.memory_space<vmem_shared>>
      %dma_start3A_57 = arith.constant 0 : i32
      %dma_start3A_58 = tpu.memref_slice %arg12[%add3A_23, %dma_start3A_57] : memref<10240x128xf32, #tpu.memory_space<vmem_shared>> -> memref<128x128xf32, #tpu.memory_space<vmem_shared>>
      tpu.enqueue_dma source(%arg8 : memref<128x128xf32, #tpu.memory_space<vmem>>) target(%dma_start3A_58 : memref<128x128xf32, #tpu.memory_space<vmem_shared>>) target_semaphore(%run_scoped3A : memref<!tpu.dma_semaphore, #tpu.memory_space<semaphore_mem>>)
      %dma_wait3A = arith.constant 0 : i32
      %dma_wait3A_59 = tpu.memref_slice %arg12[%add3A_23, %dma_wait3A] : memref<10240x128xf32, #tpu.memory_space<vmem_shared>> -> memref<128x128xf32, #tpu.memory_space<vmem_shared>>
      %dma_wait3A_60 = arith.constant 0 : i32
      %dma_wait3A_61 = tpu.memref_slice %arg12[%add3A_23, %dma_wait3A_60] : memref<10240x128xf32, #tpu.memory_space<vmem_shared>> -> memref<128x128xf32, #tpu.memory_space<vmem_shared>>
      tpu.wait_dma2 semaphore(%run_scoped3A : memref<!tpu.dma_semaphore, #tpu.memory_space<semaphore_mem>>) src(%arg8 : memref<128x128xf32, #tpu.memory_space<vmem>>) dst(%dma_wait3A_61 : memref<128x128xf32, #tpu.memory_space<vmem_shared>>)
      tpu.yield
    }) : () -> ()
    %mul3A_24 = arith.constant 640 : i32
    %mul3A_25 = arith.muli %arg1, %mul3A_24 : i32
    %add3A_26 = arith.constant 512 : i32
    %add3A_27 = arith.addi %mul3A_25, %add3A_26 : i32
    "tpu.region"() ({
      %run_scoped3A = tpu.sem_alloc : memref<!tpu.dma_semaphore, #tpu.memory_space<semaphore_mem>>
      %dma_start3A = arith.constant 0 : i32
      %dma_start3A_56 = tpu.memref_slice %arg12[%add3A_27, %dma_start3A] : memref<10240x128xf32, #tpu.memory_space<vmem_shared>> -> memref<128x128xf32, #tpu.memory_space<vmem_shared>>
      %dma_start3A_57 = arith.constant 0 : i32
      %dma_start3A_58 = tpu.memref_slice %arg12[%add3A_27, %dma_start3A_57] : memref<10240x128xf32, #tpu.memory_space<vmem_shared>> -> memref<128x128xf32, #tpu.memory_space<vmem_shared>>
      tpu.enqueue_dma source(%arg8 : memref<128x128xf32, #tpu.memory_space<vmem>>) target(%dma_start3A_58 : memref<128x128xf32, #tpu.memory_space<vmem_shared>>) target_semaphore(%run_scoped3A : memref<!tpu.dma_semaphore, #tpu.memory_space<semaphore_mem>>)
      %dma_wait3A = arith.constant 0 : i32
      %dma_wait3A_59 = tpu.memref_slice %arg12[%add3A_27, %dma_wait3A] : memref<10240x128xf32, #tpu.memory_space<vmem_shared>> -> memref<128x128xf32, #tpu.memory_space<vmem_shared>>
      %dma_wait3A_60 = arith.constant 0 : i32
      %dma_wait3A_61 = tpu.memref_slice %arg12[%add3A_27, %dma_wait3A_60] : memref<10240x128xf32, #tpu.memory_space<vmem_shared>> -> memref<128x128xf32, #tpu.memory_space<vmem_shared>>
      tpu.wait_dma2 semaphore(%run_scoped3A : memref<!tpu.dma_semaphore, #tpu.memory_space<semaphore_mem>>) src(%arg8 : memref<128x128xf32, #tpu.memory_space<vmem>>) dst(%dma_wait3A_61 : memref<128x128xf32, #tpu.memory_space<vmem_shared>>)
      tpu.yield
    }) : () -> ()
    %barrier3A = arith.constant 0 : index
    tpu.barrier barrier_id(%barrier3A)
    %scan3A_28 = arith.constant 0 : i32
    %scan3A_29 = arith.constant 0 : i32
    %scan3A_30 = arith.constant 10 : i32
    %scan3A_31 = arith.addi %scan3A_29, %scan3A_30 : i32
    %scan3A_32 = arith.constant 1 : i32
    %scan3A_33 = scf.for %scan3A_56 = %scan3A_29 to %scan3A_31 step %scan3A_32 iter_args(%scan3A_57 = %scan3A_28) -> (i32)  : i32 {
      "tpu.region"() ({
        %run_scoped3A_176 = tpu.sem_alloc : memref<!tpu.dma_semaphore, #tpu.memory_space<semaphore_mem>>
        %dma_start3A_177 = arith.constant 0 : i32
        %dma_start3A_178 = arith.constant 0 : i32
        %dma_start3A_179 = tpu.memref_slice %arg3[%add3A, %scan3A_56, %dma_start3A_177, %dma_start3A_178] : memref<32x10x8x128xi32, #tpu.memory_space<hbm>> -> memref<1x1x8x128xi32, #tpu.memory_space<hbm>>
        %dma_start3A_180 = tpu.memref_squeeze %dma_start3A_179 : memref<1x1x8x128xi32, #tpu.memory_space<hbm>> -> memref<8x128xi32, #tpu.memory_space<hbm>>
        %dma_start3A_181 = arith.constant 0 : i32
        %dma_start3A_182 = arith.constant 0 : i32
        %dma_start3A_183 = tpu.memref_slice %arg3[%add3A, %scan3A_56, %dma_start3A_181, %dma_start3A_182] : memref<32x10x8x128xi32, #tpu.memory_space<hbm>> -> memref<1x1x8x128xi32, #tpu.memory_space<hbm>>
        %dma_start3A_184 = tpu.memref_squeeze %dma_start3A_183 : memref<1x1x8x128xi32, #tpu.memory_space<hbm>> -> memref<8x128xi32, #tpu.memory_space<hbm>>
        tpu.enqueue_dma source(%dma_start3A_184 : memref<8x128xi32, #tpu.memory_space<hbm>>) target(%arg6 : memref<8x128xi32, #tpu.memory_space<vmem>>) target_semaphore(%run_scoped3A_176 : memref<!tpu.dma_semaphore, #tpu.memory_space<semaphore_mem>>)
        %dma_wait3A_185 = arith.constant 0 : i32
        %dma_wait3A_186 = arith.constant 0 : i32
        %dma_wait3A_187 = tpu.memref_slice %arg3[%add3A, %scan3A_56, %dma_wait3A_185, %dma_wait3A_186] : memref<32x10x8x128xi32, #tpu.memory_space<hbm>> -> memref<1x1x8x128xi32, #tpu.memory_space<hbm>>
        %dma_wait3A_188 = tpu.memref_squeeze %dma_wait3A_187 : memref<1x1x8x128xi32, #tpu.memory_space<hbm>> -> memref<8x128xi32, #tpu.memory_space<hbm>>
        %dma_wait3A_189 = arith.constant 0 : i32
        %dma_wait3A_190 = arith.constant 0 : i32
        %dma_wait3A_191 = tpu.memref_slice %arg3[%add3A, %scan3A_56, %dma_wait3A_189, %dma_wait3A_190] : memref<32x10x8x128xi32, #tpu.memory_space<hbm>> -> memref<1x1x8x128xi32, #tpu.memory_space<hbm>>
        %dma_wait3A_192 = tpu.memref_squeeze %dma_wait3A_191 : memref<1x1x8x128xi32, #tpu.memory_space<hbm>> -> memref<8x128xi32, #tpu.memory_space<hbm>>
        tpu.wait_dma2 semaphore(%run_scoped3A_176 : memref<!tpu.dma_semaphore, #tpu.memory_space<semaphore_mem>>) src(%dma_wait3A_192 : memref<8x128xi32, #tpu.memory_space<hbm>>) dst(%arg6 : memref<8x128xi32, #tpu.memory_space<vmem>>)
        tpu.yield
      }) : () -> ()
      "tpu.region"() ({
        %run_scoped3A_176 = tpu.sem_alloc : memref<!tpu.dma_semaphore, #tpu.memory_space<semaphore_mem>>
        %dma_start3A_177 = arith.constant 0 : i32
        %dma_start3A_178 = arith.constant 0 : i32
        %dma_start3A_179 = tpu.memref_slice %arg4[%add3A, %scan3A_56, %dma_start3A_177, %dma_start3A_178] : memref<32x10x8x128xi32, #tpu.memory_space<hbm>> -> memref<1x1x8x128xi32, #tpu.memory_space<hbm>>
        %dma_start3A_180 = tpu.memref_squeeze %dma_start3A_179 : memref<1x1x8x128xi32, #tpu.memory_space<hbm>> -> memref<8x128xi32, #tpu.memory_space<hbm>>
        %dma_start3A_181 = arith.constant 0 : i32
        %dma_start3A_182 = arith.constant 0 : i32
        %dma_start3A_183 = tpu.memref_slice %arg4[%add3A, %scan3A_56, %dma_start3A_181, %dma_start3A_182] : memref<32x10x8x128xi32, #tpu.memory_space<hbm>> -> memref<1x1x8x128xi32, #tpu.memory_space<hbm>>
        %dma_start3A_184 = tpu.memref_squeeze %dma_start3A_183 : memref<1x1x8x128xi32, #tpu.memory_space<hbm>> -> memref<8x128xi32, #tpu.memory_space<hbm>>
        tpu.enqueue_dma source(%dma_start3A_184 : memref<8x128xi32, #tpu.memory_space<hbm>>) target(%arg7 : memref<8x128xi32, #tpu.memory_space<vmem>>) target_semaphore(%run_scoped3A_176 : memref<!tpu.dma_semaphore, #tpu.memory_space<semaphore_mem>>)
        %dma_wait3A_185 = arith.constant 0 : i32
        %dma_wait3A_186 = arith.constant 0 : i32
        %dma_wait3A_187 = tpu.memref_slice %arg4[%add3A, %scan3A_56, %dma_wait3A_185, %dma_wait3A_186] : memref<32x10x8x128xi32, #tpu.memory_space<hbm>> -> memref<1x1x8x128xi32, #tpu.memory_space<hbm>>
        %dma_wait3A_188 = tpu.memref_squeeze %dma_wait3A_187 : memref<1x1x8x128xi32, #tpu.memory_space<hbm>> -> memref<8x128xi32, #tpu.memory_space<hbm>>
        %dma_wait3A_189 = arith.constant 0 : i32
        %dma_wait3A_190 = arith.constant 0 : i32
        %dma_wait3A_191 = tpu.memref_slice %arg4[%add3A, %scan3A_56, %dma_wait3A_189, %dma_wait3A_190] : memref<32x10x8x128xi32, #tpu.memory_space<hbm>> -> memref<1x1x8x128xi32, #tpu.memory_space<hbm>>
        %dma_wait3A_192 = tpu.memref_squeeze %dma_wait3A_191 : memref<1x1x8x128xi32, #tpu.memory_space<hbm>> -> memref<8x128xi32, #tpu.memory_space<hbm>>
        tpu.wait_dma2 semaphore(%run_scoped3A_176 : memref<!tpu.dma_semaphore, #tpu.memory_space<semaphore_mem>>) src(%dma_wait3A_192 : memref<8x128xi32, #tpu.memory_space<hbm>>) dst(%arg7 : memref<8x128xi32, #tpu.memory_space<vmem>>)
        tpu.yield
      }) : () -> ()
      %dma_start3A = arith.constant 0 : i32
      %dma_start3A_58 = arith.constant 0 : i32
      %dma_start3A_59 = tpu.memref_slice %arg6[%dma_start3A, %dma_start3A_58] : memref<8x128xi32, #tpu.memory_space<vmem>> -> memref<1x128xi32, #tpu.memory_space<vmem>>
      %dma_start3A_60 = tpu.memref_squeeze %dma_start3A_59 : memref<1x128xi32, #tpu.memory_space<vmem>> -> memref<128xi32, #tpu.memory_space<vmem>>
      %dma_start3A_61 = arith.constant 0 : i32
      %dma_start3A_62 = arith.constant 0 : i32
      %dma_start3A_63 = tpu.memref_slice %arg2[%dma_start3A_61, %dma_start3A_62] : memref<10000x128xf32, #tpu.memory_space<hbm>> -> memref<10000x128xf32, #tpu.memory_space<hbm>>
      tpu.enqueue_indirect_dma source(%dma_start3A_63 : memref<10000x128xf32, #tpu.memory_space<hbm>>) target(%arg8 : memref<128x128xf32, #tpu.memory_space<vmem>>) offsets(%dma_start3A_60 : memref<128xi32, #tpu.memory_space<vmem>>) semaphore(%arg10 : memref<!tpu.dma_semaphore, #tpu.memory_space<semaphore_mem>>)
      %dma_start3A_64 = arith.constant 1 : i32
      %dma_start3A_65 = arith.constant 0 : i32
      %dma_start3A_66 = tpu.memref_slice %arg6[%dma_start3A_64, %dma_start3A_65] : memref<8x128xi32, #tpu.memory_space<vmem>> -> memref<1x128xi32, #tpu.memory_space<vmem>>
      %dma_start3A_67 = tpu.memref_squeeze %dma_start3A_66 : memref<1x128xi32, #tpu.memory_space<vmem>> -> memref<128xi32, #tpu.memory_space<vmem>>
      %dma_start3A_68 = arith.constant 0 : i32
      %dma_start3A_69 = arith.constant 0 : i32
      %dma_start3A_70 = tpu.memref_slice %arg2[%dma_start3A_68, %dma_start3A_69] : memref<10000x128xf32, #tpu.memory_space<hbm>> -> memref<10000x128xf32, #tpu.memory_space<hbm>>
      tpu.enqueue_indirect_dma source(%dma_start3A_70 : memref<10000x128xf32, #tpu.memory_space<hbm>>) target(%arg9 : memref<128x128xf32, #tpu.memory_space<vmem>>) offsets(%dma_start3A_67 : memref<128xi32, #tpu.memory_space<vmem>>) semaphore(%arg11 : memref<!tpu.dma_semaphore, #tpu.memory_space<semaphore_mem>>)
      %dma_wait3A = arith.constant 0 : i32
      %dma_wait3A_71 = arith.constant 0 : i32
      %dma_wait3A_72 = tpu.memref_slice %arg6[%dma_wait3A, %dma_wait3A_71] : memref<8x128xi32, #tpu.memory_space<vmem>> -> memref<1x128xi32, #tpu.memory_space<vmem>>
      %dma_wait3A_73 = tpu.memref_squeeze %dma_wait3A_72 : memref<1x128xi32, #tpu.memory_space<vmem>> -> memref<128xi32, #tpu.memory_space<vmem>>
      %dma_wait3A_74 = arith.constant 0 : i32
      %dma_wait3A_75 = arith.constant 0 : i32
      %dma_wait3A_76 = tpu.memref_slice %arg2[%dma_wait3A_74, %dma_wait3A_75] : memref<10000x128xf32, #tpu.memory_space<hbm>> -> memref<10000x128xf32, #tpu.memory_space<hbm>>
      tpu.wait_indirect_dma semaphore(%arg10 : memref<!tpu.dma_semaphore, #tpu.memory_space<semaphore_mem>>) src(%dma_wait3A_76 : memref<10000x128xf32, #tpu.memory_space<hbm>>) dst(%arg8 : memref<128x128xf32, #tpu.memory_space<vmem>>)
      %run_scoped3A = arith.constant 0 : i32
      "tpu.region"() ({
        %run_scoped3A_176 = tpu.sem_alloc : memref<!tpu.dma_semaphore, #tpu.memory_space<semaphore_mem>>
        %dma_start3A_177 = arith.constant 0 : i32
        %dma_start3A_178 = tpu.memref_slice %arg7[%run_scoped3A, %dma_start3A_177] : memref<8x128xi32, #tpu.memory_space<vmem>> -> memref<1x128xi32, #tpu.memory_space<vmem>>
        %dma_start3A_179 = tpu.memref_squeeze %dma_start3A_178 : memref<1x128xi32, #tpu.memory_space<vmem>> -> memref<128xi32, #tpu.memory_space<vmem>>
        %dma_start3A_180 = arith.constant 0 : i32
        %dma_start3A_181 = arith.constant 0 : i32
        %dma_start3A_182 = tpu.memref_slice %arg12[%dma_start3A_180, %dma_start3A_181] : memref<10240x128xf32, #tpu.memory_space<vmem_shared>> -> memref<10240x128xf32, #tpu.memory_space<vmem_shared>>
        tpu.enqueue_indirect_dma source(%arg8 : memref<128x128xf32, #tpu.memory_space<vmem>>) target(%dma_start3A_182 : memref<10240x128xf32, #tpu.memory_space<vmem_shared>>) offsets(%dma_start3A_179 : memref<128xi32, #tpu.memory_space<vmem>>) semaphore(%run_scoped3A_176 : memref<!tpu.dma_semaphore, #tpu.memory_space<semaphore_mem>>) {add = true}
        %dma_wait3A_183 = arith.constant 0 : i32
        %dma_wait3A_184 = tpu.memref_slice %arg7[%run_scoped3A, %dma_wait3A_183] : memref<8x128xi32, #tpu.memory_space<vmem>> -> memref<1x128xi32, #tpu.memory_space<vmem>>
        %dma_wait3A_185 = tpu.memref_squeeze %dma_wait3A_184 : memref<1x128xi32, #tpu.memory_space<vmem>> -> memref<128xi32, #tpu.memory_space<vmem>>
        %dma_wait3A_186 = arith.constant 0 : i32
        %dma_wait3A_187 = arith.constant 0 : i32
        %dma_wait3A_188 = tpu.memref_slice %arg12[%dma_wait3A_186, %dma_wait3A_187] : memref<10240x128xf32, #tpu.memory_space<vmem_shared>> -> memref<10240x128xf32, #tpu.memory_space<vmem_shared>>
        tpu.wait_indirect_dma semaphore(%run_scoped3A_176 : memref<!tpu.dma_semaphore, #tpu.memory_space<semaphore_mem>>) src(%arg8 : memref<128x128xf32, #tpu.memory_space<vmem>>) dst(%dma_wait3A_188 : memref<10240x128xf32, #tpu.memory_space<vmem_shared>>)
        tpu.yield
      }) : () -> ()
      %dma_start3A_77 = arith.constant 2 : i32
      %dma_start3A_78 = arith.constant 0 : i32
      %dma_start3A_79 = tpu.memref_slice %arg6[%dma_start3A_77, %dma_start3A_78] : memref<8x128xi32, #tpu.memory_space<vmem>> -> memref<1x128xi32, #tpu.memory_space<vmem>>
      %dma_start3A_80 = tpu.memref_squeeze %dma_start3A_79 : memref<1x128xi32, #tpu.memory_space<vmem>> -> memref<128xi32, #tpu.memory_space<vmem>>
      %dma_start3A_81 = arith.constant 0 : i32
      %dma_start3A_82 = arith.constant 0 : i32
      %dma_start3A_83 = tpu.memref_slice %arg2[%dma_start3A_81, %dma_start3A_82] : memref<10000x128xf32, #tpu.memory_space<hbm>> -> memref<10000x128xf32, #tpu.memory_space<hbm>>
      tpu.enqueue_indirect_dma source(%dma_start3A_83 : memref<10000x128xf32, #tpu.memory_space<hbm>>) target(%arg8 : memref<128x128xf32, #tpu.memory_space<vmem>>) offsets(%dma_start3A_80 : memref<128xi32, #tpu.memory_space<vmem>>) semaphore(%arg10 : memref<!tpu.dma_semaphore, #tpu.memory_space<semaphore_mem>>)
      %dma_wait3A_84 = arith.constant 1 : i32
      %dma_wait3A_85 = arith.constant 0 : i32
      %dma_wait3A_86 = tpu.memref_slice %arg6[%dma_wait3A_84, %dma_wait3A_85] : memref<8x128xi32, #tpu.memory_space<vmem>> -> memref<1x128xi32, #tpu.memory_space<vmem>>
      %dma_wait3A_87 = tpu.memref_squeeze %dma_wait3A_86 : memref<1x128xi32, #tpu.memory_space<vmem>> -> memref<128xi32, #tpu.memory_space<vmem>>
      %dma_wait3A_88 = arith.constant 0 : i32
      %dma_wait3A_89 = arith.constant 0 : i32
      %dma_wait3A_90 = tpu.memref_slice %arg2[%dma_wait3A_88, %dma_wait3A_89] : memref<10000x128xf32, #tpu.memory_space<hbm>> -> memref<10000x128xf32, #tpu.memory_space<hbm>>
      tpu.wait_indirect_dma semaphore(%arg11 : memref<!tpu.dma_semaphore, #tpu.memory_space<semaphore_mem>>) src(%dma_wait3A_90 : memref<10000x128xf32, #tpu.memory_space<hbm>>) dst(%arg9 : memref<128x128xf32, #tpu.memory_space<vmem>>)
      %run_scoped3A_91 = arith.constant 1 : i32
      "tpu.region"() ({
        %run_scoped3A_176 = tpu.sem_alloc : memref<!tpu.dma_semaphore, #tpu.memory_space<semaphore_mem>>
        %dma_start3A_177 = arith.constant 0 : i32
        %dma_start3A_178 = tpu.memref_slice %arg7[%run_scoped3A_91, %dma_start3A_177] : memref<8x128xi32, #tpu.memory_space<vmem>> -> memref<1x128xi32, #tpu.memory_space<vmem>>
        %dma_start3A_179 = tpu.memref_squeeze %dma_start3A_178 : memref<1x128xi32, #tpu.memory_space<vmem>> -> memref<128xi32, #tpu.memory_space<vmem>>
        %dma_start3A_180 = arith.constant 0 : i32
        %dma_start3A_181 = arith.constant 0 : i32
        %dma_start3A_182 = tpu.memref_slice %arg12[%dma_start3A_180, %dma_start3A_181] : memref<10240x128xf32, #tpu.memory_space<vmem_shared>> -> memref<10240x128xf32, #tpu.memory_space<vmem_shared>>
        tpu.enqueue_indirect_dma source(%arg9 : memref<128x128xf32, #tpu.memory_space<vmem>>) target(%dma_start3A_182 : memref<10240x128xf32, #tpu.memory_space<vmem_shared>>) offsets(%dma_start3A_179 : memref<128xi32, #tpu.memory_space<vmem>>) semaphore(%run_scoped3A_176 : memref<!tpu.dma_semaphore, #tpu.memory_space<semaphore_mem>>) {add = true}
        %dma_wait3A_183 = arith.constant 0 : i32
        %dma_wait3A_184 = tpu.memref_slice %arg7[%run_scoped3A_91, %dma_wait3A_183] : memref<8x128xi32, #tpu.memory_space<vmem>> -> memref<1x128xi32, #tpu.memory_space<vmem>>
        %dma_wait3A_185 = tpu.memref_squeeze %dma_wait3A_184 : memref<1x128xi32, #tpu.memory_space<vmem>> -> memref<128xi32, #tpu.memory_space<vmem>>
        %dma_wait3A_186 = arith.constant 0 : i32
        %dma_wait3A_187 = arith.constant 0 : i32
        %dma_wait3A_188 = tpu.memref_slice %arg12[%dma_wait3A_186, %dma_wait3A_187] : memref<10240x128xf32, #tpu.memory_space<vmem_shared>> -> memref<10240x128xf32, #tpu.memory_space<vmem_shared>>
        tpu.wait_indirect_dma semaphore(%run_scoped3A_176 : memref<!tpu.dma_semaphore, #tpu.memory_space<semaphore_mem>>) src(%arg9 : memref<128x128xf32, #tpu.memory_space<vmem>>) dst(%dma_wait3A_188 : memref<10240x128xf32, #tpu.memory_space<vmem_shared>>)
        tpu.yield
      }) : () -> ()
      %dma_start3A_92 = arith.constant 3 : i32
      %dma_start3A_93 = arith.constant 0 : i32
      %dma_start3A_94 = tpu.memref_slice %arg6[%dma_start3A_92, %dma_start3A_93] : memref<8x128xi32, #tpu.memory_space<vmem>> -> memref<1x128xi32, #tpu.memory_space<vmem>>
      %dma_start3A_95 = tpu.memref_squeeze %dma_start3A_94 : memref<1x128xi32, #tpu.memory_space<vmem>> -> memref<128xi32, #tpu.memory_space<vmem>>
      %dma_start3A_96 = arith.constant 0 : i32
      %dma_start3A_97 = arith.constant 0 : i32
      %dma_start3A_98 = tpu.memref_slice %arg2[%dma_start3A_96, %dma_start3A_97] : memref<10000x128xf32, #tpu.memory_space<hbm>> -> memref<10000x128xf32, #tpu.memory_space<hbm>>
      tpu.enqueue_indirect_dma source(%dma_start3A_98 : memref<10000x128xf32, #tpu.memory_space<hbm>>) target(%arg9 : memref<128x128xf32, #tpu.memory_space<vmem>>) offsets(%dma_start3A_95 : memref<128xi32, #tpu.memory_space<vmem>>) semaphore(%arg11 : memref<!tpu.dma_semaphore, #tpu.memory_space<semaphore_mem>>)
      %dma_wait3A_99 = arith.constant 2 : i32
      %dma_wait3A_100 = arith.constant 0 : i32
      %dma_wait3A_101 = tpu.memref_slice %arg6[%dma_wait3A_99, %dma_wait3A_100] : memref<8x128xi32, #tpu.memory_space<vmem>> -> memref<1x128xi32, #tpu.memory_space<vmem>>
      %dma_wait3A_102 = tpu.memref_squeeze %dma_wait3A_101 : memref<1x128xi32, #tpu.memory_space<vmem>> -> memref<128xi32, #tpu.memory_space<vmem>>
      %dma_wait3A_103 = arith.constant 0 : i32
      %dma_wait3A_104 = arith.constant 0 : i32
      %dma_wait3A_105 = tpu.memref_slice %arg2[%dma_wait3A_103, %dma_wait3A_104] : memref<10000x128xf32, #tpu.memory_space<hbm>> -> memref<10000x128xf32, #tpu.memory_space<hbm>>
      tpu.wait_indirect_dma semaphore(%arg10 : memref<!tpu.dma_semaphore, #tpu.memory_space<semaphore_mem>>) src(%dma_wait3A_105 : memref<10000x128xf32, #tpu.memory_space<hbm>>) dst(%arg8 : memref<128x128xf32, #tpu.memory_space<vmem>>)
      %run_scoped3A_106 = arith.constant 2 : i32
      "tpu.region"() ({
        %run_scoped3A_176 = tpu.sem_alloc : memref<!tpu.dma_semaphore, #tpu.memory_space<semaphore_mem>>
        %dma_start3A_177 = arith.constant 0 : i32
        %dma_start3A_178 = tpu.memref_slice %arg7[%run_scoped3A_106, %dma_start3A_177] : memref<8x128xi32, #tpu.memory_space<vmem>> -> memref<1x128xi32, #tpu.memory_space<vmem>>
        %dma_start3A_179 = tpu.memref_squeeze %dma_start3A_178 : memref<1x128xi32, #tpu.memory_space<vmem>> -> memref<128xi32, #tpu.memory_space<vmem>>
        %dma_start3A_180 = arith.constant 0 : i32
        %dma_start3A_181 = arith.constant 0 : i32
        %dma_start3A_182 = tpu.memref_slice %arg12[%dma_start3A_180, %dma_start3A_181] : memref<10240x128xf32, #tpu.memory_space<vmem_shared>> -> memref<10240x128xf32, #tpu.memory_space<vmem_shared>>
        tpu.enqueue_indirect_dma source(%arg8 : memref<128x128xf32, #tpu.memory_space<vmem>>) target(%dma_start3A_182 : memref<10240x128xf32, #tpu.memory_space<vmem_shared>>) offsets(%dma_start3A_179 : memref<128xi32, #tpu.memory_space<vmem>>) semaphore(%run_scoped3A_176 : memref<!tpu.dma_semaphore, #tpu.memory_space<semaphore_mem>>) {add = true}
        %dma_wait3A_183 = arith.constant 0 : i32
        %dma_wait3A_184 = tpu.memref_slice %arg7[%run_scoped3A_106, %dma_wait3A_183] : memref<8x128xi32, #tpu.memory_space<vmem>> -> memref<1x128xi32, #tpu.memory_space<vmem>>
        %dma_wait3A_185 = tpu.memref_squeeze %dma_wait3A_184 : memref<1x128xi32, #tpu.memory_space<vmem>> -> memref<128xi32, #tpu.memory_space<vmem>>
        %dma_wait3A_186 = arith.constant 0 : i32
        %dma_wait3A_187 = arith.constant 0 : i32
        %dma_wait3A_188 = tpu.memref_slice %arg12[%dma_wait3A_186, %dma_wait3A_187] : memref<10240x128xf32, #tpu.memory_space<vmem_shared>> -> memref<10240x128xf32, #tpu.memory_space<vmem_shared>>
        tpu.wait_indirect_dma semaphore(%run_scoped3A_176 : memref<!tpu.dma_semaphore, #tpu.memory_space<semaphore_mem>>) src(%arg8 : memref<128x128xf32, #tpu.memory_space<vmem>>) dst(%dma_wait3A_188 : memref<10240x128xf32, #tpu.memory_space<vmem_shared>>)
        tpu.yield
      }) : () -> ()
      %dma_start3A_107 = arith.constant 4 : i32
      %dma_start3A_108 = arith.constant 0 : i32
      %dma_start3A_109 = tpu.memref_slice %arg6[%dma_start3A_107, %dma_start3A_108] : memref<8x128xi32, #tpu.memory_space<vmem>> -> memref<1x128xi32, #tpu.memory_space<vmem>>
      %dma_start3A_110 = tpu.memref_squeeze %dma_start3A_109 : memref<1x128xi32, #tpu.memory_space<vmem>> -> memref<128xi32, #tpu.memory_space<vmem>>
      %dma_start3A_111 = arith.constant 0 : i32
      %dma_start3A_112 = arith.constant 0 : i32
      %dma_start3A_113 = tpu.memref_slice %arg2[%dma_start3A_111, %dma_start3A_112] : memref<10000x128xf32, #tpu.memory_space<hbm>> -> memref<10000x128xf32, #tpu.memory_space<hbm>>
      tpu.enqueue_indirect_dma source(%dma_start3A_113 : memref<10000x128xf32, #tpu.memory_space<hbm>>) target(%arg8 : memref<128x128xf32, #tpu.memory_space<vmem>>) offsets(%dma_start3A_110 : memref<128xi32, #tpu.memory_space<vmem>>) semaphore(%arg10 : memref<!tpu.dma_semaphore, #tpu.memory_space<semaphore_mem>>)
      %dma_wait3A_114 = arith.constant 3 : i32
      %dma_wait3A_115 = arith.constant 0 : i32
      %dma_wait3A_116 = tpu.memref_slice %arg6[%dma_wait3A_114, %dma_wait3A_115] : memref<8x128xi32, #tpu.memory_space<vmem>> -> memref<1x128xi32, #tpu.memory_space<vmem>>
      %dma_wait3A_117 = tpu.memref_squeeze %dma_wait3A_116 : memref<1x128xi32, #tpu.memory_space<vmem>> -> memref<128xi32, #tpu.memory_space<vmem>>
      %dma_wait3A_118 = arith.constant 0 : i32
      %dma_wait3A_119 = arith.constant 0 : i32
      %dma_wait3A_120 = tpu.memref_slice %arg2[%dma_wait3A_118, %dma_wait3A_119] : memref<10000x128xf32, #tpu.memory_space<hbm>> -> memref<10000x128xf32, #tpu.memory_space<hbm>>
      tpu.wait_indirect_dma semaphore(%arg11 : memref<!tpu.dma_semaphore, #tpu.memory_space<semaphore_mem>>) src(%dma_wait3A_120 : memref<10000x128xf32, #tpu.memory_space<hbm>>) dst(%arg9 : memref<128x128xf32, #tpu.memory_space<vmem>>)
      %run_scoped3A_121 = arith.constant 3 : i32
      "tpu.region"() ({
        %run_scoped3A_176 = tpu.sem_alloc : memref<!tpu.dma_semaphore, #tpu.memory_space<semaphore_mem>>
        %dma_start3A_177 = arith.constant 0 : i32
        %dma_start3A_178 = tpu.memref_slice %arg7[%run_scoped3A_121, %dma_start3A_177] : memref<8x128xi32, #tpu.memory_space<vmem>> -> memref<1x128xi32, #tpu.memory_space<vmem>>
        %dma_start3A_179 = tpu.memref_squeeze %dma_start3A_178 : memref<1x128xi32, #tpu.memory_space<vmem>> -> memref<128xi32, #tpu.memory_space<vmem>>
        %dma_start3A_180 = arith.constant 0 : i32
        %dma_start3A_181 = arith.constant 0 : i32
        %dma_start3A_182 = tpu.memref_slice %arg12[%dma_start3A_180, %dma_start3A_181] : memref<10240x128xf32, #tpu.memory_space<vmem_shared>> -> memref<10240x128xf32, #tpu.memory_space<vmem_shared>>
        tpu.enqueue_indirect_dma source(%arg9 : memref<128x128xf32, #tpu.memory_space<vmem>>) target(%dma_start3A_182 : memref<10240x128xf32, #tpu.memory_space<vmem_shared>>) offsets(%dma_start3A_179 : memref<128xi32, #tpu.memory_space<vmem>>) semaphore(%run_scoped3A_176 : memref<!tpu.dma_semaphore, #tpu.memory_space<semaphore_mem>>) {add = true}
        %dma_wait3A_183 = arith.constant 0 : i32
        %dma_wait3A_184 = tpu.memref_slice %arg7[%run_scoped3A_121, %dma_wait3A_183] : memref<8x128xi32, #tpu.memory_space<vmem>> -> memref<1x128xi32, #tpu.memory_space<vmem>>
        %dma_wait3A_185 = tpu.memref_squeeze %dma_wait3A_184 : memref<1x128xi32, #tpu.memory_space<vmem>> -> memref<128xi32, #tpu.memory_space<vmem>>
        %dma_wait3A_186 = arith.constant 0 : i32
        %dma_wait3A_187 = arith.constant 0 : i32
        %dma_wait3A_188 = tpu.memref_slice %arg12[%dma_wait3A_186, %dma_wait3A_187] : memref<10240x128xf32, #tpu.memory_space<vmem_shared>> -> memref<10240x128xf32, #tpu.memory_space<vmem_shared>>
        tpu.wait_indirect_dma semaphore(%run_scoped3A_176 : memref<!tpu.dma_semaphore, #tpu.memory_space<semaphore_mem>>) src(%arg9 : memref<128x128xf32, #tpu.memory_space<vmem>>) dst(%dma_wait3A_188 : memref<10240x128xf32, #tpu.memory_space<vmem_shared>>)
        tpu.yield
      }) : () -> ()
      %dma_start3A_122 = arith.constant 5 : i32
      %dma_start3A_123 = arith.constant 0 : i32
      %dma_start3A_124 = tpu.memref_slice %arg6[%dma_start3A_122, %dma_start3A_123] : memref<8x128xi32, #tpu.memory_space<vmem>> -> memref<1x128xi32, #tpu.memory_space<vmem>>
      %dma_start3A_125 = tpu.memref_squeeze %dma_start3A_124 : memref<1x128xi32, #tpu.memory_space<vmem>> -> memref<128xi32, #tpu.memory_space<vmem>>
      %dma_start3A_126 = arith.constant 0 : i32
      %dma_start3A_127 = arith.constant 0 : i32
      %dma_start3A_128 = tpu.memref_slice %arg2[%dma_start3A_126, %dma_start3A_127] : memref<10000x128xf32, #tpu.memory_space<hbm>> -> memref<10000x128xf32, #tpu.memory_space<hbm>>
      tpu.enqueue_indirect_dma source(%dma_start3A_128 : memref<10000x128xf32, #tpu.memory_space<hbm>>) target(%arg9 : memref<128x128xf32, #tpu.memory_space<vmem>>) offsets(%dma_start3A_125 : memref<128xi32, #tpu.memory_space<vmem>>) semaphore(%arg11 : memref<!tpu.dma_semaphore, #tpu.memory_space<semaphore_mem>>)
      %dma_wait3A_129 = arith.constant 4 : i32
      %dma_wait3A_130 = arith.constant 0 : i32
      %dma_wait3A_131 = tpu.memref_slice %arg6[%dma_wait3A_129, %dma_wait3A_130] : memref<8x128xi32, #tpu.memory_space<vmem>> -> memref<1x128xi32, #tpu.memory_space<vmem>>
      %dma_wait3A_132 = tpu.memref_squeeze %dma_wait3A_131 : memref<1x128xi32, #tpu.memory_space<vmem>> -> memref<128xi32, #tpu.memory_space<vmem>>
      %dma_wait3A_133 = arith.constant 0 : i32
      %dma_wait3A_134 = arith.constant 0 : i32
      %dma_wait3A_135 = tpu.memref_slice %arg2[%dma_wait3A_133, %dma_wait3A_134] : memref<10000x128xf32, #tpu.memory_space<hbm>> -> memref<10000x128xf32, #tpu.memory_space<hbm>>
      tpu.wait_indirect_dma semaphore(%arg10 : memref<!tpu.dma_semaphore, #tpu.memory_space<semaphore_mem>>) src(%dma_wait3A_135 : memref<10000x128xf32, #tpu.memory_space<hbm>>) dst(%arg8 : memref<128x128xf32, #tpu.memory_space<vmem>>)
      %run_scoped3A_136 = arith.constant 4 : i32
      "tpu.region"() ({
        %run_scoped3A_176 = tpu.sem_alloc : memref<!tpu.dma_semaphore, #tpu.memory_space<semaphore_mem>>
        %dma_start3A_177 = arith.constant 0 : i32
        %dma_start3A_178 = tpu.memref_slice %arg7[%run_scoped3A_136, %dma_start3A_177] : memref<8x128xi32, #tpu.memory_space<vmem>> -> memref<1x128xi32, #tpu.memory_space<vmem>>
        %dma_start3A_179 = tpu.memref_squeeze %dma_start3A_178 : memref<1x128xi32, #tpu.memory_space<vmem>> -> memref<128xi32, #tpu.memory_space<vmem>>
        %dma_start3A_180 = arith.constant 0 : i32
        %dma_start3A_181 = arith.constant 0 : i32
        %dma_start3A_182 = tpu.memref_slice %arg12[%dma_start3A_180, %dma_start3A_181] : memref<10240x128xf32, #tpu.memory_space<vmem_shared>> -> memref<10240x128xf32, #tpu.memory_space<vmem_shared>>
        tpu.enqueue_indirect_dma source(%arg8 : memref<128x128xf32, #tpu.memory_space<vmem>>) target(%dma_start3A_182 : memref<10240x128xf32, #tpu.memory_space<vmem_shared>>) offsets(%dma_start3A_179 : memref<128xi32, #tpu.memory_space<vmem>>) semaphore(%run_scoped3A_176 : memref<!tpu.dma_semaphore, #tpu.memory_space<semaphore_mem>>) {add = true}
        %dma_wait3A_183 = arith.constant 0 : i32
        %dma_wait3A_184 = tpu.memref_slice %arg7[%run_scoped3A_136, %dma_wait3A_183] : memref<8x128xi32, #tpu.memory_space<vmem>> -> memref<1x128xi32, #tpu.memory_space<vmem>>
        %dma_wait3A_185 = tpu.memref_squeeze %dma_wait3A_184 : memref<1x128xi32, #tpu.memory_space<vmem>> -> memref<128xi32, #tpu.memory_space<vmem>>
        %dma_wait3A_186 = arith.constant 0 : i32
        %dma_wait3A_187 = arith.constant 0 : i32
        %dma_wait3A_188 = tpu.memref_slice %arg12[%dma_wait3A_186, %dma_wait3A_187] : memref<10240x128xf32, #tpu.memory_space<vmem_shared>> -> memref<10240x128xf32, #tpu.memory_space<vmem_shared>>
        tpu.wait_indirect_dma semaphore(%run_scoped3A_176 : memref<!tpu.dma_semaphore, #tpu.memory_space<semaphore_mem>>) src(%arg8 : memref<128x128xf32, #tpu.memory_space<vmem>>) dst(%dma_wait3A_188 : memref<10240x128xf32, #tpu.memory_space<vmem_shared>>)
        tpu.yield
      }) : () -> ()
      %dma_start3A_137 = arith.constant 6 : i32
      %dma_start3A_138 = arith.constant 0 : i32
      %dma_start3A_139 = tpu.memref_slice %arg6[%dma_start3A_137, %dma_start3A_138] : memref<8x128xi32, #tpu.memory_space<vmem>> -> memref<1x128xi32, #tpu.memory_space<vmem>>
      %dma_start3A_140 = tpu.memref_squeeze %dma_start3A_139 : memref<1x128xi32, #tpu.memory_space<vmem>> -> memref<128xi32, #tpu.memory_space<vmem>>
      %dma_start3A_141 = arith.constant 0 : i32
      %dma_start3A_142 = arith.constant 0 : i32
      %dma_start3A_143 = tpu.memref_slice %arg2[%dma_start3A_141, %dma_start3A_142] : memref<10000x128xf32, #tpu.memory_space<hbm>> -> memref<10000x128xf32, #tpu.memory_space<hbm>>
      tpu.enqueue_indirect_dma source(%dma_start3A_143 : memref<10000x128xf32, #tpu.memory_space<hbm>>) target(%arg8 : memref<128x128xf32, #tpu.memory_space<vmem>>) offsets(%dma_start3A_140 : memref<128xi32, #tpu.memory_space<vmem>>) semaphore(%arg10 : memref<!tpu.dma_semaphore, #tpu.memory_space<semaphore_mem>>)
      %dma_wait3A_144 = arith.constant 5 : i32
      %dma_wait3A_145 = arith.constant 0 : i32
      %dma_wait3A_146 = tpu.memref_slice %arg6[%dma_wait3A_144, %dma_wait3A_145] : memref<8x128xi32, #tpu.memory_space<vmem>> -> memref<1x128xi32, #tpu.memory_space<vmem>>
      %dma_wait3A_147 = tpu.memref_squeeze %dma_wait3A_146 : memref<1x128xi32, #tpu.memory_space<vmem>> -> memref<128xi32, #tpu.memory_space<vmem>>
      %dma_wait3A_148 = arith.constant 0 : i32
      %dma_wait3A_149 = arith.constant 0 : i32
      %dma_wait3A_150 = tpu.memref_slice %arg2[%dma_wait3A_148, %dma_wait3A_149] : memref<10000x128xf32, #tpu.memory_space<hbm>> -> memref<10000x128xf32, #tpu.memory_space<hbm>>
      tpu.wait_indirect_dma semaphore(%arg11 : memref<!tpu.dma_semaphore, #tpu.memory_space<semaphore_mem>>) src(%dma_wait3A_150 : memref<10000x128xf32, #tpu.memory_space<hbm>>) dst(%arg9 : memref<128x128xf32, #tpu.memory_space<vmem>>)
      %run_scoped3A_151 = arith.constant 5 : i32
      "tpu.region"() ({
        %run_scoped3A_176 = tpu.sem_alloc : memref<!tpu.dma_semaphore, #tpu.memory_space<semaphore_mem>>
        %dma_start3A_177 = arith.constant 0 : i32
        %dma_start3A_178 = tpu.memref_slice %arg7[%run_scoped3A_151, %dma_start3A_177] : memref<8x128xi32, #tpu.memory_space<vmem>> -> memref<1x128xi32, #tpu.memory_space<vmem>>
        %dma_start3A_179 = tpu.memref_squeeze %dma_start3A_178 : memref<1x128xi32, #tpu.memory_space<vmem>> -> memref<128xi32, #tpu.memory_space<vmem>>
        %dma_start3A_180 = arith.constant 0 : i32
        %dma_start3A_181 = arith.constant 0 : i32
        %dma_start3A_182 = tpu.memref_slice %arg12[%dma_start3A_180, %dma_start3A_181] : memref<10240x128xf32, #tpu.memory_space<vmem_shared>> -> memref<10240x128xf32, #tpu.memory_space<vmem_shared>>
        tpu.enqueue_indirect_dma source(%arg9 : memref<128x128xf32, #tpu.memory_space<vmem>>) target(%dma_start3A_182 : memref<10240x128xf32, #tpu.memory_space<vmem_shared>>) offsets(%dma_start3A_179 : memref<128xi32, #tpu.memory_space<vmem>>) semaphore(%run_scoped3A_176 : memref<!tpu.dma_semaphore, #tpu.memory_space<semaphore_mem>>) {add = true}
        %dma_wait3A_183 = arith.constant 0 : i32
        %dma_wait3A_184 = tpu.memref_slice %arg7[%run_scoped3A_151, %dma_wait3A_183] : memref<8x128xi32, #tpu.memory_space<vmem>> -> memref<1x128xi32, #tpu.memory_space<vmem>>
        %dma_wait3A_185 = tpu.memref_squeeze %dma_wait3A_184 : memref<1x128xi32, #tpu.memory_space<vmem>> -> memref<128xi32, #tpu.memory_space<vmem>>
        %dma_wait3A_186 = arith.constant 0 : i32
        %dma_wait3A_187 = arith.constant 0 : i32
        %dma_wait3A_188 = tpu.memref_slice %arg12[%dma_wait3A_186, %dma_wait3A_187] : memref<10240x128xf32, #tpu.memory_space<vmem_shared>> -> memref<10240x128xf32, #tpu.memory_space<vmem_shared>>
        tpu.wait_indirect_dma semaphore(%run_scoped3A_176 : memref<!tpu.dma_semaphore, #tpu.memory_space<semaphore_mem>>) src(%arg9 : memref<128x128xf32, #tpu.memory_space<vmem>>) dst(%dma_wait3A_188 : memref<10240x128xf32, #tpu.memory_space<vmem_shared>>)
        tpu.yield
      }) : () -> ()
      %dma_start3A_152 = arith.constant 7 : i32
      %dma_start3A_153 = arith.constant 0 : i32
      %dma_start3A_154 = tpu.memref_slice %arg6[%dma_start3A_152, %dma_start3A_153] : memref<8x128xi32, #tpu.memory_space<vmem>> -> memref<1x128xi32, #tpu.memory_space<vmem>>
      %dma_start3A_155 = tpu.memref_squeeze %dma_start3A_154 : memref<1x128xi32, #tpu.memory_space<vmem>> -> memref<128xi32, #tpu.memory_space<vmem>>
      %dma_start3A_156 = arith.constant 0 : i32
      %dma_start3A_157 = arith.constant 0 : i32
      %dma_start3A_158 = tpu.memref_slice %arg2[%dma_start3A_156, %dma_start3A_157] : memref<10000x128xf32, #tpu.memory_space<hbm>> -> memref<10000x128xf32, #tpu.memory_space<hbm>>
      tpu.enqueue_indirect_dma source(%dma_start3A_158 : memref<10000x128xf32, #tpu.memory_space<hbm>>) target(%arg9 : memref<128x128xf32, #tpu.memory_space<vmem>>) offsets(%dma_start3A_155 : memref<128xi32, #tpu.memory_space<vmem>>) semaphore(%arg11 : memref<!tpu.dma_semaphore, #tpu.memory_space<semaphore_mem>>)
      %dma_wait3A_159 = arith.constant 6 : i32
      %dma_wait3A_160 = arith.constant 0 : i32
      %dma_wait3A_161 = tpu.memref_slice %arg6[%dma_wait3A_159, %dma_wait3A_160] : memref<8x128xi32, #tpu.memory_space<vmem>> -> memref<1x128xi32, #tpu.memory_space<vmem>>
      %dma_wait3A_162 = tpu.memref_squeeze %dma_wait3A_161 : memref<1x128xi32, #tpu.memory_space<vmem>> -> memref<128xi32, #tpu.memory_space<vmem>>
      %dma_wait3A_163 = arith.constant 0 : i32
      %dma_wait3A_164 = arith.constant 0 : i32
      %dma_wait3A_165 = tpu.memref_slice %arg2[%dma_wait3A_163, %dma_wait3A_164] : memref<10000x128xf32, #tpu.memory_space<hbm>> -> memref<10000x128xf32, #tpu.memory_space<hbm>>
      tpu.wait_indirect_dma semaphore(%arg10 : memref<!tpu.dma_semaphore, #tpu.memory_space<semaphore_mem>>) src(%dma_wait3A_165 : memref<10000x128xf32, #tpu.memory_space<hbm>>) dst(%arg8 : memref<128x128xf32, #tpu.memory_space<vmem>>)
      %run_scoped3A_166 = arith.constant 6 : i32
      "tpu.region"() ({
        %run_scoped3A_176 = tpu.sem_alloc : memref<!tpu.dma_semaphore, #tpu.memory_space<semaphore_mem>>
        %dma_start3A_177 = arith.constant 0 : i32
        %dma_start3A_178 = tpu.memref_slice %arg7[%run_scoped3A_166, %dma_start3A_177] : memref<8x128xi32, #tpu.memory_space<vmem>> -> memref<1x128xi32, #tpu.memory_space<vmem>>
        %dma_start3A_179 = tpu.memref_squeeze %dma_start3A_178 : memref<1x128xi32, #tpu.memory_space<vmem>> -> memref<128xi32, #tpu.memory_space<vmem>>
        %dma_start3A_180 = arith.constant 0 : i32
        %dma_start3A_181 = arith.constant 0 : i32
        %dma_start3A_182 = tpu.memref_slice %arg12[%dma_start3A_180, %dma_start3A_181] : memref<10240x128xf32, #tpu.memory_space<vmem_shared>> -> memref<10240x128xf32, #tpu.memory_space<vmem_shared>>
        tpu.enqueue_indirect_dma source(%arg8 : memref<128x128xf32, #tpu.memory_space<vmem>>) target(%dma_start3A_182 : memref<10240x128xf32, #tpu.memory_space<vmem_shared>>) offsets(%dma_start3A_179 : memref<128xi32, #tpu.memory_space<vmem>>) semaphore(%run_scoped3A_176 : memref<!tpu.dma_semaphore, #tpu.memory_space<semaphore_mem>>) {add = true}
        %dma_wait3A_183 = arith.constant 0 : i32
        %dma_wait3A_184 = tpu.memref_slice %arg7[%run_scoped3A_166, %dma_wait3A_183] : memref<8x128xi32, #tpu.memory_space<vmem>> -> memref<1x128xi32, #tpu.memory_space<vmem>>
        %dma_wait3A_185 = tpu.memref_squeeze %dma_wait3A_184 : memref<1x128xi32, #tpu.memory_space<vmem>> -> memref<128xi32, #tpu.memory_space<vmem>>
        %dma_wait3A_186 = arith.constant 0 : i32
        %dma_wait3A_187 = arith.constant 0 : i32
        %dma_wait3A_188 = tpu.memref_slice %arg12[%dma_wait3A_186, %dma_wait3A_187] : memref<10240x128xf32, #tpu.memory_space<vmem_shared>> -> memref<10240x128xf32, #tpu.memory_space<vmem_shared>>
        tpu.wait_indirect_dma semaphore(%run_scoped3A_176 : memref<!tpu.dma_semaphore, #tpu.memory_space<semaphore_mem>>) src(%arg8 : memref<128x128xf32, #tpu.memory_space<vmem>>) dst(%dma_wait3A_188 : memref<10240x128xf32, #tpu.memory_space<vmem_shared>>)
        tpu.yield
      }) : () -> ()
      %dma_wait3A_167 = arith.constant 7 : i32
      %dma_wait3A_168 = arith.constant 0 : i32
      %dma_wait3A_169 = tpu.memref_slice %arg6[%dma_wait3A_167, %dma_wait3A_168] : memref<8x128xi32, #tpu.memory_space<vmem>> -> memref<1x128xi32, #tpu.memory_space<vmem>>
      %dma_wait3A_170 = tpu.memref_squeeze %dma_wait3A_169 : memref<1x128xi32, #tpu.memory_space<vmem>> -> memref<128xi32, #tpu.memory_space<vmem>>
      %dma_wait3A_171 = arith.constant 0 : i32
      %dma_wait3A_172 = arith.constant 0 : i32
      %dma_wait3A_173 = tpu.memref_slice %arg2[%dma_wait3A_171, %dma_wait3A_172] : memref<10000x128xf32, #tpu.memory_space<hbm>> -> memref<10000x128xf32, #tpu.memory_space<hbm>>
      tpu.wait_indirect_dma semaphore(%arg11 : memref<!tpu.dma_semaphore, #tpu.memory_space<semaphore_mem>>) src(%dma_wait3A_173 : memref<10000x128xf32, #tpu.memory_space<hbm>>) dst(%arg9 : memref<128x128xf32, #tpu.memory_space<vmem>>)
      %run_scoped3A_174 = arith.constant 7 : i32
      "tpu.region"() ({
        %run_scoped3A_176 = tpu.sem_alloc : memref<!tpu.dma_semaphore, #tpu.memory_space<semaphore_mem>>
        %dma_start3A_177 = arith.constant 0 : i32
        %dma_start3A_178 = tpu.memref_slice %arg7[%run_scoped3A_174, %dma_start3A_177] : memref<8x128xi32, #tpu.memory_space<vmem>> -> memref<1x128xi32, #tpu.memory_space<vmem>>
        %dma_start3A_179 = tpu.memref_squeeze %dma_start3A_178 : memref<1x128xi32, #tpu.memory_space<vmem>> -> memref<128xi32, #tpu.memory_space<vmem>>
        %dma_start3A_180 = arith.constant 0 : i32
        %dma_start3A_181 = arith.constant 0 : i32
        %dma_start3A_182 = tpu.memref_slice %arg12[%dma_start3A_180, %dma_start3A_181] : memref<10240x128xf32, #tpu.memory_space<vmem_shared>> -> memref<10240x128xf32, #tpu.memory_space<vmem_shared>>
        tpu.enqueue_indirect_dma source(%arg9 : memref<128x128xf32, #tpu.memory_space<vmem>>) target(%dma_start3A_182 : memref<10240x128xf32, #tpu.memory_space<vmem_shared>>) offsets(%dma_start3A_179 : memref<128xi32, #tpu.memory_space<vmem>>) semaphore(%run_scoped3A_176 : memref<!tpu.dma_semaphore, #tpu.memory_space<semaphore_mem>>) {add = true}
        %dma_wait3A_183 = arith.constant 0 : i32
        %dma_wait3A_184 = tpu.memref_slice %arg7[%run_scoped3A_174, %dma_wait3A_183] : memref<8x128xi32, #tpu.memory_space<vmem>> -> memref<1x128xi32, #tpu.memory_space<vmem>>
        %dma_wait3A_185 = tpu.memref_squeeze %dma_wait3A_184 : memref<1x128xi32, #tpu.memory_space<vmem>> -> memref<128xi32, #tpu.memory_space<vmem>>
        %dma_wait3A_186 = arith.constant 0 : i32
        %dma_wait3A_187 = arith.constant 0 : i32
        %dma_wait3A_188 = tpu.memref_slice %arg12[%dma_wait3A_186, %dma_wait3A_187] : memref<10240x128xf32, #tpu.memory_space<vmem_shared>> -> memref<10240x128xf32, #tpu.memory_space<vmem_shared>>
        tpu.wait_indirect_dma semaphore(%run_scoped3A_176 : memref<!tpu.dma_semaphore, #tpu.memory_space<semaphore_mem>>) src(%arg9 : memref<128x128xf32, #tpu.memory_space<vmem>>) dst(%dma_wait3A_188 : memref<10240x128xf32, #tpu.memory_space<vmem_shared>>)
        tpu.yield
      }) : () -> ()
      %scan3A_175 = arith.constant 0 : i32
      scf.yield %scan3A_175 : i32
    }
    %scan3A_34 = arith.constant 10 : i32
    %barrier3A_35 = arith.constant 0 : index
    tpu.barrier barrier_id(%barrier3A_35)
    %mul3A_36 = arith.constant 640 : i32
    %mul3A_37 = arith.muli %arg1, %mul3A_36 : i32
    %add3A_38 = arith.constant 0 : i32
    %add3A_39 = arith.addi %mul3A_37, %add3A_38 : i32
    "tpu.region"() ({
      %run_scoped3A = tpu.sem_alloc : memref<!tpu.dma_semaphore, #tpu.memory_space<semaphore_mem>>
      %dma_start3A = arith.constant 0 : i32
      %dma_start3A_56 = tpu.memref_slice %arg5[%arg0, %add3A_39, %dma_start3A] : memref<2x10240x128xf32, #tpu.memory_space<hbm>> -> memref<1x128x128xf32, #tpu.memory_space<hbm>>
      %dma_start3A_57 = tpu.memref_squeeze %dma_start3A_56 : memref<1x128x128xf32, #tpu.memory_space<hbm>> -> memref<128x128xf32, #tpu.memory_space<hbm>>
      %dma_start3A_58 = arith.constant 0 : i32
      %dma_start3A_59 = tpu.memref_slice %arg12[%add3A_39, %dma_start3A_58] : memref<10240x128xf32, #tpu.memory_space<vmem_shared>> -> memref<128x128xf32, #tpu.memory_space<vmem_shared>>
      tpu.enqueue_dma source(%dma_start3A_59 : memref<128x128xf32, #tpu.memory_space<vmem_shared>>) target(%dma_start3A_57 : memref<128x128xf32, #tpu.memory_space<hbm>>) target_semaphore(%run_scoped3A : memref<!tpu.dma_semaphore, #tpu.memory_space<semaphore_mem>>)
      %dma_wait3A = arith.constant 0 : i32
      %dma_wait3A_60 = tpu.memref_slice %arg5[%arg0, %add3A_39, %dma_wait3A] : memref<2x10240x128xf32, #tpu.memory_space<hbm>> -> memref<1x128x128xf32, #tpu.memory_space<hbm>>
      %dma_wait3A_61 = tpu.memref_squeeze %dma_wait3A_60 : memref<1x128x128xf32, #tpu.memory_space<hbm>> -> memref<128x128xf32, #tpu.memory_space<hbm>>
      %dma_wait3A_62 = arith.constant 0 : i32
      %dma_wait3A_63 = tpu.memref_slice %arg12[%add3A_39, %dma_wait3A_62] : memref<10240x128xf32, #tpu.memory_space<vmem_shared>> -> memref<128x128xf32, #tpu.memory_space<vmem_shared>>
      tpu.wait_dma2 semaphore(%run_scoped3A : memref<!tpu.dma_semaphore, #tpu.memory_space<semaphore_mem>>) src(%dma_wait3A_63 : memref<128x128xf32, #tpu.memory_space<vmem_shared>>) dst(%dma_wait3A_61 : memref<128x128xf32, #tpu.memory_space<hbm>>)
      tpu.yield
    }) : () -> ()
    %mul3A_40 = arith.constant 640 : i32
    %mul3A_41 = arith.muli %arg1, %mul3A_40 : i32
    %add3A_42 = arith.constant 128 : i32
    %add3A_43 = arith.addi %mul3A_41, %add3A_42 : i32
    "tpu.region"() ({
      %run_scoped3A = tpu.sem_alloc : memref<!tpu.dma_semaphore, #tpu.memory_space<semaphore_mem>>
      %dma_start3A = arith.constant 0 : i32
      %dma_start3A_56 = tpu.memref_slice %arg5[%arg0, %add3A_43, %dma_start3A] : memref<2x10240x128xf32, #tpu.memory_space<hbm>> -> memref<1x128x128xf32, #tpu.memory_space<hbm>>
      %dma_start3A_57 = tpu.memref_squeeze %dma_start3A_56 : memref<1x128x128xf32, #tpu.memory_space<hbm>> -> memref<128x128xf32, #tpu.memory_space<hbm>>
      %dma_start3A_58 = arith.constant 0 : i32
      %dma_start3A_59 = tpu.memref_slice %arg12[%add3A_43, %dma_start3A_58] : memref<10240x128xf32, #tpu.memory_space<vmem_shared>> -> memref<128x128xf32, #tpu.memory_space<vmem_shared>>
      tpu.enqueue_dma source(%dma_start3A_59 : memref<128x128xf32, #tpu.memory_space<vmem_shared>>) target(%dma_start3A_57 : memref<128x128xf32, #tpu.memory_space<hbm>>) target_semaphore(%run_scoped3A : memref<!tpu.dma_semaphore, #tpu.memory_space<semaphore_mem>>)
      %dma_wait3A = arith.constant 0 : i32
      %dma_wait3A_60 = tpu.memref_slice %arg5[%arg0, %add3A_43, %dma_wait3A] : memref<2x10240x128xf32, #tpu.memory_space<hbm>> -> memref<1x128x128xf32, #tpu.memory_space<hbm>>
      %dma_wait3A_61 = tpu.memref_squeeze %dma_wait3A_60 : memref<1x128x128xf32, #tpu.memory_space<hbm>> -> memref<128x128xf32, #tpu.memory_space<hbm>>
      %dma_wait3A_62 = arith.constant 0 : i32
      %dma_wait3A_63 = tpu.memref_slice %arg12[%add3A_43, %dma_wait3A_62] : memref<10240x128xf32, #tpu.memory_space<vmem_shared>> -> memref<128x128xf32, #tpu.memory_space<vmem_shared>>
      tpu.wait_dma2 semaphore(%run_scoped3A : memref<!tpu.dma_semaphore, #tpu.memory_space<semaphore_mem>>) src(%dma_wait3A_63 : memref<128x128xf32, #tpu.memory_space<vmem_shared>>) dst(%dma_wait3A_61 : memref<128x128xf32, #tpu.memory_space<hbm>>)
      tpu.yield
    }) : () -> ()
    %mul3A_44 = arith.constant 640 : i32
    %mul3A_45 = arith.muli %arg1, %mul3A_44 : i32
    %add3A_46 = arith.constant 256 : i32
    %add3A_47 = arith.addi %mul3A_45, %add3A_46 : i32
    "tpu.region"() ({
      %run_scoped3A = tpu.sem_alloc : memref<!tpu.dma_semaphore, #tpu.memory_space<semaphore_mem>>
      %dma_start3A = arith.constant 0 : i32
      %dma_start3A_56 = tpu.memref_slice %arg5[%arg0, %add3A_47, %dma_start3A] : memref<2x10240x128xf32, #tpu.memory_space<hbm>> -> memref<1x128x128xf32, #tpu.memory_space<hbm>>
      %dma_start3A_57 = tpu.memref_squeeze %dma_start3A_56 : memref<1x128x128xf32, #tpu.memory_space<hbm>> -> memref<128x128xf32, #tpu.memory_space<hbm>>
      %dma_start3A_58 = arith.constant 0 : i32
      %dma_start3A_59 = tpu.memref_slice %arg12[%add3A_47, %dma_start3A_58] : memref<10240x128xf32, #tpu.memory_space<vmem_shared>> -> memref<128x128xf32, #tpu.memory_space<vmem_shared>>
      tpu.enqueue_dma source(%dma_start3A_59 : memref<128x128xf32, #tpu.memory_space<vmem_shared>>) target(%dma_start3A_57 : memref<128x128xf32, #tpu.memory_space<hbm>>) target_semaphore(%run_scoped3A : memref<!tpu.dma_semaphore, #tpu.memory_space<semaphore_mem>>)
      %dma_wait3A = arith.constant 0 : i32
      %dma_wait3A_60 = tpu.memref_slice %arg5[%arg0, %add3A_47, %dma_wait3A] : memref<2x10240x128xf32, #tpu.memory_space<hbm>> -> memref<1x128x128xf32, #tpu.memory_space<hbm>>
      %dma_wait3A_61 = tpu.memref_squeeze %dma_wait3A_60 : memref<1x128x128xf32, #tpu.memory_space<hbm>> -> memref<128x128xf32, #tpu.memory_space<hbm>>
      %dma_wait3A_62 = arith.constant 0 : i32
      %dma_wait3A_63 = tpu.memref_slice %arg12[%add3A_47, %dma_wait3A_62] : memref<10240x128xf32, #tpu.memory_space<vmem_shared>> -> memref<128x128xf32, #tpu.memory_space<vmem_shared>>
      tpu.wait_dma2 semaphore(%run_scoped3A : memref<!tpu.dma_semaphore, #tpu.memory_space<semaphore_mem>>) src(%dma_wait3A_63 : memref<128x128xf32, #tpu.memory_space<vmem_shared>>) dst(%dma_wait3A_61 : memref<128x128xf32, #tpu.memory_space<hbm>>)
      tpu.yield
    }) : () -> ()
    %mul3A_48 = arith.constant 640 : i32
    %mul3A_49 = arith.muli %arg1, %mul3A_48 : i32
    %add3A_50 = arith.constant 384 : i32
    %add3A_51 = arith.addi %mul3A_49, %add3A_50 : i32
    "tpu.region"() ({
      %run_scoped3A = tpu.sem_alloc : memref<!tpu.dma_semaphore, #tpu.memory_space<semaphore_mem>>
      %dma_start3A = arith.constant 0 : i32
      %dma_start3A_56 = tpu.memref_slice %arg5[%arg0, %add3A_51, %dma_start3A] : memref<2x10240x128xf32, #tpu.memory_space<hbm>> -> memref<1x128x128xf32, #tpu.memory_space<hbm>>
      %dma_start3A_57 = tpu.memref_squeeze %dma_start3A_56 : memref<1x128x128xf32, #tpu.memory_space<hbm>> -> memref<128x128xf32, #tpu.memory_space<hbm>>
      %dma_start3A_58 = arith.constant 0 : i32
      %dma_start3A_59 = tpu.memref_slice %arg12[%add3A_51, %dma_start3A_58] : memref<10240x128xf32, #tpu.memory_space<vmem_shared>> -> memref<128x128xf32, #tpu.memory_space<vmem_shared>>
      tpu.enqueue_dma source(%dma_start3A_59 : memref<128x128xf32, #tpu.memory_space<vmem_shared>>) target(%dma_start3A_57 : memref<128x128xf32, #tpu.memory_space<hbm>>) target_semaphore(%run_scoped3A : memref<!tpu.dma_semaphore, #tpu.memory_space<semaphore_mem>>)
      %dma_wait3A = arith.constant 0 : i32
      %dma_wait3A_60 = tpu.memref_slice %arg5[%arg0, %add3A_51, %dma_wait3A] : memref<2x10240x128xf32, #tpu.memory_space<hbm>> -> memref<1x128x128xf32, #tpu.memory_space<hbm>>
      %dma_wait3A_61 = tpu.memref_squeeze %dma_wait3A_60 : memref<1x128x128xf32, #tpu.memory_space<hbm>> -> memref<128x128xf32, #tpu.memory_space<hbm>>
      %dma_wait3A_62 = arith.constant 0 : i32
      %dma_wait3A_63 = tpu.memref_slice %arg12[%add3A_51, %dma_wait3A_62] : memref<10240x128xf32, #tpu.memory_space<vmem_shared>> -> memref<128x128xf32, #tpu.memory_space<vmem_shared>>
      tpu.wait_dma2 semaphore(%run_scoped3A : memref<!tpu.dma_semaphore, #tpu.memory_space<semaphore_mem>>) src(%dma_wait3A_63 : memref<128x128xf32, #tpu.memory_space<vmem_shared>>) dst(%dma_wait3A_61 : memref<128x128xf32, #tpu.memory_space<hbm>>)
      tpu.yield
    }) : () -> ()
    %mul3A_52 = arith.constant 640 : i32
    %mul3A_53 = arith.muli %arg1, %mul3A_52 : i32
    %add3A_54 = arith.constant 512 : i32
    %add3A_55 = arith.addi %mul3A_53, %add3A_54 : i32
    "tpu.region"() ({
      %run_scoped3A = tpu.sem_alloc : memref<!tpu.dma_semaphore, #tpu.memory_space<semaphore_mem>>
      %dma_start3A = arith.constant 0 : i32
      %dma_start3A_56 = tpu.memref_slice %arg5[%arg0, %add3A_55, %dma_start3A] : memref<2x10240x128xf32, #tpu.memory_space<hbm>> -> memref<1x128x128xf32, #tpu.memory_space<hbm>>
      %dma_start3A_57 = tpu.memref_squeeze %dma_start3A_56 : memref<1x128x128xf32, #tpu.memory_space<hbm>> -> memref<128x128xf32, #tpu.memory_space<hbm>>
      %dma_start3A_58 = arith.constant 0 : i32
      %dma_start3A_59 = tpu.memref_slice %arg12[%add3A_55, %dma_start3A_58] : memref<10240x128xf32, #tpu.memory_space<vmem_shared>> -> memref<128x128xf32, #tpu.memory_space<vmem_shared>>
      tpu.enqueue_dma source(%dma_start3A_59 : memref<128x128xf32, #tpu.memory_space<vmem_shared>>) target(%dma_start3A_57 : memref<128x128xf32, #tpu.memory_space<hbm>>) target_semaphore(%run_scoped3A : memref<!tpu.dma_semaphore, #tpu.memory_space<semaphore_mem>>)
      %dma_wait3A = arith.constant 0 : i32
      %dma_wait3A_60 = tpu.memref_slice %arg5[%arg0, %add3A_55, %dma_wait3A] : memref<2x10240x128xf32, #tpu.memory_space<hbm>> -> memref<1x128x128xf32, #tpu.memory_space<hbm>>
      %dma_wait3A_61 = tpu.memref_squeeze %dma_wait3A_60 : memref<1x128x128xf32, #tpu.memory_space<hbm>> -> memref<128x128xf32, #tpu.memory_space<hbm>>
      %dma_wait3A_62 = arith.constant 0 : i32
      %dma_wait3A_63 = tpu.memref_slice %arg12[%add3A_55, %dma_wait3A_62] : memref<10240x128xf32, #tpu.memory_space<vmem_shared>> -> memref<128x128xf32, #tpu.memory_space<vmem_shared>>
      tpu.wait_dma2 semaphore(%run_scoped3A : memref<!tpu.dma_semaphore, #tpu.memory_space<semaphore_mem>>) src(%dma_wait3A_63 : memref<128x128xf32, #tpu.memory_space<vmem_shared>>) dst(%dma_wait3A_61 : memref<128x128xf32, #tpu.memory_space<hbm>>)
      tpu.yield
    }) : () -> ()
    return
  }
}

#map = affine_map<(d0, d1) -> (0, 0)>
#map1 = affine_map<(d0, d1) -> (0, 0, 0, 0)>
#map2 = affine_map<(d0, d1) -> (0, 0, 0)>
module attributes {stable_mosaic.version = 14 : i64} {
  func.func @_msgpass_body(%arg0: i32, %arg1: i32, %arg2: memref<10000x128xf32, #tpu.memory_space<hbm>>, %arg3: memref<32x10x8x128xi32, #tpu.memory_space<hbm>>, %arg4: memref<32x10x8x128xi32, #tpu.memory_space<hbm>>, %arg5: memref<2x10240x128xf32, #tpu.memory_space<hbm>>, %arg6: memref<8x128xi32, #tpu.memory_space<vmem>>, %arg7: memref<8x128xi32, #tpu.memory_space<vmem>>, %arg8: memref<128x128xf32, #tpu.memory_space<vmem>>, %arg9: memref<128x128xf32, #tpu.memory_space<vmem>>, %arg10: memref<!tpu.dma_semaphore, #tpu.memory_space<semaphore_mem>>, %arg11: memref<!tpu.dma_semaphore, #tpu.memory_space<semaphore_mem>>, %arg12: memref<10240x128xf32, #tpu.memory_space<vmem_shared>>) attributes {dimension_semantics = [#tpu.dimension_semantics<core_parallel>, #tpu.dimension_semantics<subcore_parallel>], iteration_bounds = array<i64: 2, 16>, scalar_prefetch = 0 : i64, scratch_operands = 7 : i64, tpu.core_type = #tpu.core_type<sc_vector_subcore>, window_params = [{transform_indices = #map}, {transform_indices = #map1}, {transform_indices = #map1}, {transform_indices = #map2}]} {
    %mul3A = arith.constant 2 : i32
    %mul3A_0 = arith.muli %arg1, %mul3A : i32
    %add3A = arith.addi %mul3A_0, %arg0 : i32
    %broadcast_in_dim3A = arith.constant 0.000000e+00 : f32
    %broadcast_in_dim3A_1 = vector.broadcast %broadcast_in_dim3A : f32 to vector<16xf32>
    %scan3A = arith.constant 0 : i32
    %scan3A_2 = arith.constant 0 : i32
    %scan3A_3 = arith.constant 128 : i32
    %scan3A_4 = arith.addi %scan3A_2, %scan3A_3 : i32
    %scan3A_5 = arith.constant 1 : i32
    %scan3A_6 = scf.for %scan3A_56 = %scan3A_2 to %scan3A_4 step %scan3A_5 iter_args(%scan3A_57 = %scan3A) -> (i32)  : i32 {
      %swap3A = arith.index_cast %scan3A_56 : i32 to index
      %swap3A_58 = arith.constant 0 : index
      %swap3A_59 = tpu.vector_load %arg8[%swap3A, %swap3A_58] {strides = array<i32>} : memref<128x128xf32, #tpu.memory_space<vmem>>, vector<1x16xf32>,
      %swap3A_60 = vector.shape_cast %swap3A_59 : vector<1x16xf32> to vector<16xf32>
      %swap3A_61 = vector.shape_cast %broadcast_in_dim3A_1 : vector<16xf32> to vector<1x16xf32>
      tpu.vector_store %arg8[%swap3A, %swap3A_58], %swap3A_61 {strides = array<i32>} : memref<128x128xf32, #tpu.memory_space<vmem>>, vector<1x16xf32>,
      %swap3A_62 = arith.index_cast %scan3A_56 : i32 to index
      %swap3A_63 = arith.constant 16 : index
      %swap3A_64 = tpu.vector_load %arg8[%swap3A_62, %swap3A_63] {strides = array<i32>} : memref<128x128xf32, #tpu.memory_space<vmem>>, vector<1x16xf32>,
      %swap3A_65 = vector.shape_cast %swap3A_64 : vector<1x16xf32> to vector<16xf32>
      %swap3A_66 = vector.shape_cast %broadcast_in_dim3A_1 : vector<16xf32> to vector<1x16xf32>
      tpu.vector_store %arg8[%swap3A_62, %swap3A_63], %swap3A_66 {strides = array<i32>} : memref<128x128xf32, #tpu.memory_space<vmem>>, vector<1x16xf32>,
      %swap3A_67 = arith.index_cast %scan3A_56 : i32 to index
      %swap3A_68 = arith.constant 32 : index
      %swap3A_69 = tpu.vector_load %arg8[%swap3A_67, %swap3A_68] {strides = array<i32>} : memref<128x128xf32, #tpu.memory_space<vmem>>, vector<1x16xf32>,
      %swap3A_70 = vector.shape_cast %swap3A_69 : vector<1x16xf32> to vector<16xf32>
      %swap3A_71 = vector.shape_cast %broadcast_in_dim3A_1 : vector<16xf32> to vector<1x16xf32>
      tpu.vector_store %arg8[%swap3A_67, %swap3A_68], %swap3A_71 {strides = array<i32>} : memref<128x128xf32, #tpu.memory_space<vmem>>, vector<1x16xf32>,
      %swap3A_72 = arith.index_cast %scan3A_56 : i32 to index
      %swap3A_73 = arith.constant 48 : index
      %swap3A_74 = tpu.vector_load %arg8[%swap3A_72, %swap3A_73] {strides = array<i32>} : memref<128x128xf32, #tpu.memory_space<vmem>>, vector<1x16xf32>,
      %swap3A_75 = vector.shape_cast %swap3A_74 : vector<1x16xf32> to vector<16xf32>
      %swap3A_76 = vector.shape_cast %broadcast_in_dim3A_1 : vector<16xf32> to vector<1x16xf32>
      tpu.vector_store %arg8[%swap3A_72, %swap3A_73], %swap3A_76 {strides = array<i32>} : memref<128x128xf32, #tpu.memory_space<vmem>>, vector<1x16xf32>,
      %swap3A_77 = arith.index_cast %scan3A_56 : i32 to index
      %swap3A_78 = arith.constant 64 : index
      %swap3A_79 = tpu.vector_load %arg8[%swap3A_77, %swap3A_78] {strides = array<i32>} : memref<128x128xf32, #tpu.memory_space<vmem>>, vector<1x16xf32>,
      %swap3A_80 = vector.shape_cast %swap3A_79 : vector<1x16xf32> to vector<16xf32>
      %swap3A_81 = vector.shape_cast %broadcast_in_dim3A_1 : vector<16xf32> to vector<1x16xf32>
      tpu.vector_store %arg8[%swap3A_77, %swap3A_78], %swap3A_81 {strides = array<i32>} : memref<128x128xf32, #tpu.memory_space<vmem>>, vector<1x16xf32>,
      %swap3A_82 = arith.index_cast %scan3A_56 : i32 to index
      %swap3A_83 = arith.constant 80 : index
      %swap3A_84 = tpu.vector_load %arg8[%swap3A_82, %swap3A_83] {strides = array<i32>} : memref<128x128xf32, #tpu.memory_space<vmem>>, vector<1x16xf32>,
      %swap3A_85 = vector.shape_cast %swap3A_84 : vector<1x16xf32> to vector<16xf32>
      %swap3A_86 = vector.shape_cast %broadcast_in_dim3A_1 : vector<16xf32> to vector<1x16xf32>
      tpu.vector_store %arg8[%swap3A_82, %swap3A_83], %swap3A_86 {strides = array<i32>} : memref<128x128xf32, #tpu.memory_space<vmem>>, vector<1x16xf32>,
      %swap3A_87 = arith.index_cast %scan3A_56 : i32 to index
      %swap3A_88 = arith.constant 96 : index
      %swap3A_89 = tpu.vector_load %arg8[%swap3A_87, %swap3A_88] {strides = array<i32>} : memref<128x128xf32, #tpu.memory_space<vmem>>, vector<1x16xf32>,
      %swap3A_90 = vector.shape_cast %swap3A_89 : vector<1x16xf32> to vector<16xf32>
      %swap3A_91 = vector.shape_cast %broadcast_in_dim3A_1 : vector<16xf32> to vector<1x16xf32>
      tpu.vector_store %arg8[%swap3A_87, %swap3A_88], %swap3A_91 {strides = array<i32>} : memref<128x128xf32, #tpu.memory_space<vmem>>, vector<1x16xf32>,
      %swap3A_92 = arith.index_cast %scan3A_56 : i32 to index
      %swap3A_93 = arith.constant 112 : index
      %swap3A_94 = tpu.vector_load %arg8[%swap3A_92, %swap3A_93] {strides = array<i32>} : memref<128x128xf32, #tpu.memory_space<vmem>>, vector<1x16xf32>,
      %swap3A_95 = vector.shape_cast %swap3A_94 : vector<1x16xf32> to vector<16xf32>
      %swap3A_96 = vector.shape_cast %broadcast_in_dim3A_1 : vector<16xf32> to vector<1x16xf32>
      tpu.vector_store %arg8[%swap3A_92, %swap3A_93], %swap3A_96 {strides = array<i32>} : memref<128x128xf32, #tpu.memory_space<vmem>>, vector<1x16xf32>,
      %scan3A_97 = arith.constant 0 : i32
      scf.yield %scan3A_97 : i32
    }
    %scan3A_7 = arith.constant 128 : i32
    %mul3A_8 = arith.constant 640 : i32
    %mul3A_9 = arith.muli %arg1, %mul3A_8 : i32
    %add3A_10 = arith.constant 0 : i32
    %add3A_11 = arith.addi %mul3A_9, %add3A_10 : i32
    "tpu.region"() ({
      %run_scoped3A = tpu.sem_alloc : memref<!tpu.dma_semaphore, #tpu.memory_space<semaphore_mem>>
      %dma_start3A = arith.constant 0 : i32
      %dma_start3A_56 = tpu.memref_slice %arg12[%add3A_11, %dma_start3A] : memref<10240x128xf32, #tpu.memory_space<vmem_shared>> -> memref<128x128xf32, #tpu.memory_space<vmem_shared>>
      %dma_start3A_57 = arith.constant 0 : i32
      %dma_start3A_58 = tpu.memref_slice %arg12[%add3A_11, %dma_start3A_57] : memref<10240x128xf32, #tpu.memory_space<vmem_shared>> -> memref<128x128xf32, #tpu.memory_space<vmem_shared>>
      tpu.enqueue_dma source(%arg8 : memref<128x128xf32, #tpu.memory_space<vmem>>) target(%dma_start3A_58 : memref<128x128xf32, #tpu.memory_space<vmem_shared>>) target_semaphore(%run_scoped3A : memref<!tpu.dma_semaphore, #tpu.memory_space<semaphore_mem>>)
      %dma_wait3A = arith.constant 0 : i32
      %dma_wait3A_59 = tpu.memref_slice %arg12[%add3A_11, %dma_wait3A] : memref<10240x128xf32, #tpu.memory_space<vmem_shared>> -> memref<128x128xf32, #tpu.memory_space<vmem_shared>>
      %dma_wait3A_60 = arith.constant 0 : i32
      %dma_wait3A_61 = tpu.memref_slice %arg12[%add3A_11, %dma_wait3A_60] : memref<10240x128xf32, #tpu.memory_space<vmem_shared>> -> memref<128x128xf32, #tpu.memory_space<vmem_shared>>
      tpu.wait_dma2 semaphore(%run_scoped3A : memref<!tpu.dma_semaphore, #tpu.memory_space<semaphore_mem>>) src(%arg8 : memref<128x128xf32, #tpu.memory_space<vmem>>) dst(%dma_wait3A_61 : memref<128x128xf32, #tpu.memory_space<vmem_shared>>)
      tpu.yield
    }) : () -> ()
    %mul3A_12 = arith.constant 640 : i32
    %mul3A_13 = arith.muli %arg1, %mul3A_12 : i32
    %add3A_14 = arith.constant 128 : i32
    %add3A_15 = arith.addi %mul3A_13, %add3A_14 : i32
    "tpu.region"() ({
      %run_scoped3A = tpu.sem_alloc : memref<!tpu.dma_semaphore, #tpu.memory_space<semaphore_mem>>
      %dma_start3A = arith.constant 0 : i32
      %dma_start3A_56 = tpu.memref_slice %arg12[%add3A_15, %dma_start3A] : memref<10240x128xf32, #tpu.memory_space<vmem_shared>> -> memref<128x128xf32, #tpu.memory_space<vmem_shared>>
      %dma_start3A_57 = arith.constant 0 : i32
      %dma_start3A_58 = tpu.memref_slice %arg12[%add3A_15, %dma_start3A_57] : memref<10240x128xf32, #tpu.memory_space<vmem_shared>> -> memref<128x128xf32, #tpu.memory_space<vmem_shared>>
      tpu.enqueue_dma source(%arg8 : memref<128x128xf32, #tpu.memory_space<vmem>>) target(%dma_start3A_58 : memref<128x128xf32, #tpu.memory_space<vmem_shared>>) target_semaphore(%run_scoped3A : memref<!tpu.dma_semaphore, #tpu.memory_space<semaphore_mem>>)
      %dma_wait3A = arith.constant 0 : i32
      %dma_wait3A_59 = tpu.memref_slice %arg12[%add3A_15, %dma_wait3A] : memref<10240x128xf32, #tpu.memory_space<vmem_shared>> -> memref<128x128xf32, #tpu.memory_space<vmem_shared>>
      %dma_wait3A_60 = arith.constant 0 : i32
      %dma_wait3A_61 = tpu.memref_slice %arg12[%add3A_15, %dma_wait3A_60] : memref<10240x128xf32, #tpu.memory_space<vmem_shared>> -> memref<128x128xf32, #tpu.memory_space<vmem_shared>>
      tpu.wait_dma2 semaphore(%run_scoped3A : memref<!tpu.dma_semaphore, #tpu.memory_space<semaphore_mem>>) src(%arg8 : memref<128x128xf32, #tpu.memory_space<vmem>>) dst(%dma_wait3A_61 : memref<128x128xf32, #tpu.memory_space<vmem_shared>>)
      tpu.yield
    }) : () -> ()
    %mul3A_16 = arith.constant 640 : i32
    %mul3A_17 = arith.muli %arg1, %mul3A_16 : i32
    %add3A_18 = arith.constant 256 : i32
    %add3A_19 = arith.addi %mul3A_17, %add3A_18 : i32
    "tpu.region"() ({
      %run_scoped3A = tpu.sem_alloc : memref<!tpu.dma_semaphore, #tpu.memory_space<semaphore_mem>>
      %dma_start3A = arith.constant 0 : i32
      %dma_start3A_56 = tpu.memref_slice %arg12[%add3A_19, %dma_start3A] : memref<10240x128xf32, #tpu.memory_space<vmem_shared>> -> memref<128x128xf32, #tpu.memory_space<vmem_shared>>
      %dma_start3A_57 = arith.constant 0 : i32
      %dma_start3A_58 = tpu.memref_slice %arg12[%add3A_19, %dma_start3A_57] : memref<10240x128xf32, #tpu.memory_space<vmem_shared>> -> memref<128x128xf32, #tpu.memory_space<vmem_shared>>
      tpu.enqueue_dma source(%arg8 : memref<128x128xf32, #tpu.memory_space<vmem>>) target(%dma_start3A_58 : memref<128x128xf32, #tpu.memory_space<vmem_shared>>) target_semaphore(%run_scoped3A : memref<!tpu.dma_semaphore, #tpu.memory_space<semaphore_mem>>)
      %dma_wait3A = arith.constant 0 : i32
      %dma_wait3A_59 = tpu.memref_slice %arg12[%add3A_19, %dma_wait3A] : memref<10240x128xf32, #tpu.memory_space<vmem_shared>> -> memref<128x128xf32, #tpu.memory_space<vmem_shared>>
      %dma_wait3A_60 = arith.constant 0 : i32
      %dma_wait3A_61 = tpu.memref_slice %arg12[%add3A_19, %dma_wait3A_60] : memref<10240x128xf32, #tpu.memory_space<vmem_shared>> -> memref<128x128xf32, #tpu.memory_space<vmem_shared>>
      tpu.wait_dma2 semaphore(%run_scoped3A : memref<!tpu.dma_semaphore, #tpu.memory_space<semaphore_mem>>) src(%arg8 : memref<128x128xf32, #tpu.memory_space<vmem>>) dst(%dma_wait3A_61 : memref<128x128xf32, #tpu.memory_space<vmem_shared>>)
      tpu.yield
    }) : () -> ()
    %mul3A_20 = arith.constant 640 : i32
    %mul3A_21 = arith.muli %arg1, %mul3A_20 : i32
    %add3A_22 = arith.constant 384 : i32
    %add3A_23 = arith.addi %mul3A_21, %add3A_22 : i32
    "tpu.region"() ({
      %run_scoped3A = tpu.sem_alloc : memref<!tpu.dma_semaphore, #tpu.memory_space<semaphore_mem>>
      %dma_start3A = arith.constant 0 : i32
      %dma_start3A_56 = tpu.memref_slice %arg12[%add3A_23, %dma_start3A] : memref<10240x128xf32, #tpu.memory_space<vmem_shared>> -> memref<128x128xf32, #tpu.memory_space<vmem_shared>>
      %dma_start3A_57 = arith.constant 0 : i32
      %dma_start3A_58 = tpu.memref_slice %arg12[%add3A_23, %dma_start3A_57] : memref<10240x128xf32, #tpu.memory_space<vmem_shared>> -> memref<128x128xf32, #tpu.memory_space<vmem_shared>>
      tpu.enqueue_dma source(%arg8 : memref<128x128xf32, #tpu.memory_space<vmem>>) target(%dma_start3A_58 : memref<128x128xf32, #tpu.memory_space<vmem_shared>>) target_semaphore(%run_scoped3A : memref<!tpu.dma_semaphore, #tpu.memory_space<semaphore_mem>>)
      %dma_wait3A = arith.constant 0 : i32
      %dma_wait3A_59 = tpu.memref_slice %arg12[%add3A_23, %dma_wait3A] : memref<10240x128xf32, #tpu.memory_space<vmem_shared>> -> memref<128x128xf32, #tpu.memory_space<vmem_shared>>
      %dma_wait3A_60 = arith.constant 0 : i32
      %dma_wait3A_61 = tpu.memref_slice %arg12[%add3A_23, %dma_wait3A_60] : memref<10240x128xf32, #tpu.memory_space<vmem_shared>> -> memref<128x128xf32, #tpu.memory_space<vmem_shared>>
      tpu.wait_dma2 semaphore(%run_scoped3A : memref<!tpu.dma_semaphore, #tpu.memory_space<semaphore_mem>>) src(%arg8 : memref<128x128xf32, #tpu.memory_space<vmem>>) dst(%dma_wait3A_61 : memref<128x128xf32, #tpu.memory_space<vmem_shared>>)
      tpu.yield
    }) : () -> ()
    %mul3A_24 = arith.constant 640 : i32
    %mul3A_25 = arith.muli %arg1, %mul3A_24 : i32
    %add3A_26 = arith.constant 512 : i32
    %add3A_27 = arith.addi %mul3A_25, %add3A_26 : i32
    "tpu.region"() ({
      %run_scoped3A = tpu.sem_alloc : memref<!tpu.dma_semaphore, #tpu.memory_space<semaphore_mem>>
      %dma_start3A = arith.constant 0 : i32
      %dma_start3A_56 = tpu.memref_slice %arg12[%add3A_27, %dma_start3A] : memref<10240x128xf32, #tpu.memory_space<vmem_shared>> -> memref<128x128xf32, #tpu.memory_space<vmem_shared>>
      %dma_start3A_57 = arith.constant 0 : i32
      %dma_start3A_58 = tpu.memref_slice %arg12[%add3A_27, %dma_start3A_57] : memref<10240x128xf32, #tpu.memory_space<vmem_shared>> -> memref<128x128xf32, #tpu.memory_space<vmem_shared>>
      tpu.enqueue_dma source(%arg8 : memref<128x128xf32, #tpu.memory_space<vmem>>) target(%dma_start3A_58 : memref<128x128xf32, #tpu.memory_space<vmem_shared>>) target_semaphore(%run_scoped3A : memref<!tpu.dma_semaphore, #tpu.memory_space<semaphore_mem>>)
      %dma_wait3A = arith.constant 0 : i32
      %dma_wait3A_59 = tpu.memref_slice %arg12[%add3A_27, %dma_wait3A] : memref<10240x128xf32, #tpu.memory_space<vmem_shared>> -> memref<128x128xf32, #tpu.memory_space<vmem_shared>>
      %dma_wait3A_60 = arith.constant 0 : i32
      %dma_wait3A_61 = tpu.memref_slice %arg12[%add3A_27, %dma_wait3A_60] : memref<10240x128xf32, #tpu.memory_space<vmem_shared>> -> memref<128x128xf32, #tpu.memory_space<vmem_shared>>
      tpu.wait_dma2 semaphore(%run_scoped3A : memref<!tpu.dma_semaphore, #tpu.memory_space<semaphore_mem>>) src(%arg8 : memref<128x128xf32, #tpu.memory_space<vmem>>) dst(%dma_wait3A_61 : memref<128x128xf32, #tpu.memory_space<vmem_shared>>)
      tpu.yield
    }) : () -> ()
    %barrier3A = arith.constant 0 : index
    tpu.barrier barrier_id(%barrier3A)
    %scan3A_28 = arith.constant 0 : i32
    %scan3A_29 = arith.constant 0 : i32
    %scan3A_30 = arith.constant 10 : i32
    %scan3A_31 = arith.addi %scan3A_29, %scan3A_30 : i32
    %scan3A_32 = arith.constant 1 : i32
    %scan3A_33 = scf.for %scan3A_56 = %scan3A_29 to %scan3A_31 step %scan3A_32 iter_args(%scan3A_57 = %scan3A_28) -> (i32)  : i32 {
      "tpu.region"() ({
        %run_scoped3A_176 = tpu.sem_alloc : memref<!tpu.dma_semaphore, #tpu.memory_space<semaphore_mem>>
        %dma_start3A_177 = arith.constant 0 : i32
        %dma_start3A_178 = arith.constant 0 : i32
        %dma_start3A_179 = tpu.memref_slice %arg3[%add3A, %scan3A_56, %dma_start3A_177, %dma_start3A_178] : memref<32x10x8x128xi32, #tpu.memory_space<hbm>> -> memref<1x1x8x128xi32, #tpu.memory_space<hbm>>
        %dma_start3A_180 = tpu.memref_squeeze %dma_start3A_179 : memref<1x1x8x128xi32, #tpu.memory_space<hbm>> -> memref<8x128xi32, #tpu.memory_space<hbm>>
        %dma_start3A_181 = arith.constant 0 : i32
        %dma_start3A_182 = arith.constant 0 : i32
        %dma_start3A_183 = tpu.memref_slice %arg3[%add3A, %scan3A_56, %dma_start3A_181, %dma_start3A_182] : memref<32x10x8x128xi32, #tpu.memory_space<hbm>> -> memref<1x1x8x128xi32, #tpu.memory_space<hbm>>
        %dma_start3A_184 = tpu.memref_squeeze %dma_start3A_183 : memref<1x1x8x128xi32, #tpu.memory_space<hbm>> -> memref<8x128xi32, #tpu.memory_space<hbm>>
        tpu.enqueue_dma source(%dma_start3A_184 : memref<8x128xi32, #tpu.memory_space<hbm>>) target(%arg6 : memref<8x128xi32, #tpu.memory_space<vmem>>) target_semaphore(%run_scoped3A_176 : memref<!tpu.dma_semaphore, #tpu.memory_space<semaphore_mem>>)
        %dma_wait3A_185 = arith.constant 0 : i32
        %dma_wait3A_186 = arith.constant 0 : i32
        %dma_wait3A_187 = tpu.memref_slice %arg3[%add3A, %scan3A_56, %dma_wait3A_185, %dma_wait3A_186] : memref<32x10x8x128xi32, #tpu.memory_space<hbm>> -> memref<1x1x8x128xi32, #tpu.memory_space<hbm>>
        %dma_wait3A_188 = tpu.memref_squeeze %dma_wait3A_187 : memref<1x1x8x128xi32, #tpu.memory_space<hbm>> -> memref<8x128xi32, #tpu.memory_space<hbm>>
        %dma_wait3A_189 = arith.constant 0 : i32
        %dma_wait3A_190 = arith.constant 0 : i32
        %dma_wait3A_191 = tpu.memref_slice %arg3[%add3A, %scan3A_56, %dma_wait3A_189, %dma_wait3A_190] : memref<32x10x8x128xi32, #tpu.memory_space<hbm>> -> memref<1x1x8x128xi32, #tpu.memory_space<hbm>>
        %dma_wait3A_192 = tpu.memref_squeeze %dma_wait3A_191 : memref<1x1x8x128xi32, #tpu.memory_space<hbm>> -> memref<8x128xi32, #tpu.memory_space<hbm>>
        tpu.wait_dma2 semaphore(%run_scoped3A_176 : memref<!tpu.dma_semaphore, #tpu.memory_space<semaphore_mem>>) src(%dma_wait3A_192 : memref<8x128xi32, #tpu.memory_space<hbm>>) dst(%arg6 : memref<8x128xi32, #tpu.memory_space<vmem>>)
        tpu.yield
      }) : () -> ()
      "tpu.region"() ({
        %run_scoped3A_176 = tpu.sem_alloc : memref<!tpu.dma_semaphore, #tpu.memory_space<semaphore_mem>>
        %dma_start3A_177 = arith.constant 0 : i32
        %dma_start3A_178 = arith.constant 0 : i32
        %dma_start3A_179 = tpu.memref_slice %arg4[%add3A, %scan3A_56, %dma_start3A_177, %dma_start3A_178] : memref<32x10x8x128xi32, #tpu.memory_space<hbm>> -> memref<1x1x8x128xi32, #tpu.memory_space<hbm>>
        %dma_start3A_180 = tpu.memref_squeeze %dma_start3A_179 : memref<1x1x8x128xi32, #tpu.memory_space<hbm>> -> memref<8x128xi32, #tpu.memory_space<hbm>>
        %dma_start3A_181 = arith.constant 0 : i32
        %dma_start3A_182 = arith.constant 0 : i32
        %dma_start3A_183 = tpu.memref_slice %arg4[%add3A, %scan3A_56, %dma_start3A_181, %dma_start3A_182] : memref<32x10x8x128xi32, #tpu.memory_space<hbm>> -> memref<1x1x8x128xi32, #tpu.memory_space<hbm>>
        %dma_start3A_184 = tpu.memref_squeeze %dma_start3A_183 : memref<1x1x8x128xi32, #tpu.memory_space<hbm>> -> memref<8x128xi32, #tpu.memory_space<hbm>>
        tpu.enqueue_dma source(%dma_start3A_184 : memref<8x128xi32, #tpu.memory_space<hbm>>) target(%arg7 : memref<8x128xi32, #tpu.memory_space<vmem>>) target_semaphore(%run_scoped3A_176 : memref<!tpu.dma_semaphore, #tpu.memory_space<semaphore_mem>>)
        %dma_wait3A_185 = arith.constant 0 : i32
        %dma_wait3A_186 = arith.constant 0 : i32
        %dma_wait3A_187 = tpu.memref_slice %arg4[%add3A, %scan3A_56, %dma_wait3A_185, %dma_wait3A_186] : memref<32x10x8x128xi32, #tpu.memory_space<hbm>> -> memref<1x1x8x128xi32, #tpu.memory_space<hbm>>
        %dma_wait3A_188 = tpu.memref_squeeze %dma_wait3A_187 : memref<1x1x8x128xi32, #tpu.memory_space<hbm>> -> memref<8x128xi32, #tpu.memory_space<hbm>>
        %dma_wait3A_189 = arith.constant 0 : i32
        %dma_wait3A_190 = arith.constant 0 : i32
        %dma_wait3A_191 = tpu.memref_slice %arg4[%add3A, %scan3A_56, %dma_wait3A_189, %dma_wait3A_190] : memref<32x10x8x128xi32, #tpu.memory_space<hbm>> -> memref<1x1x8x128xi32, #tpu.memory_space<hbm>>
        %dma_wait3A_192 = tpu.memref_squeeze %dma_wait3A_191 : memref<1x1x8x128xi32, #tpu.memory_space<hbm>> -> memref<8x128xi32, #tpu.memory_space<hbm>>
        tpu.wait_dma2 semaphore(%run_scoped3A_176 : memref<!tpu.dma_semaphore, #tpu.memory_space<semaphore_mem>>) src(%dma_wait3A_192 : memref<8x128xi32, #tpu.memory_space<hbm>>) dst(%arg7 : memref<8x128xi32, #tpu.memory_space<vmem>>)
        tpu.yield
      }) : () -> ()
      %dma_start3A = arith.constant 0 : i32
      %dma_start3A_58 = arith.constant 0 : i32
      %dma_start3A_59 = tpu.memref_slice %arg6[%dma_start3A, %dma_start3A_58] : memref<8x128xi32, #tpu.memory_space<vmem>> -> memref<1x128xi32, #tpu.memory_space<vmem>>
      %dma_start3A_60 = tpu.memref_squeeze %dma_start3A_59 : memref<1x128xi32, #tpu.memory_space<vmem>> -> memref<128xi32, #tpu.memory_space<vmem>>
      %dma_start3A_61 = arith.constant 0 : i32
      %dma_start3A_62 = arith.constant 0 : i32
      %dma_start3A_63 = tpu.memref_slice %arg2[%dma_start3A_61, %dma_start3A_62] : memref<10000x128xf32, #tpu.memory_space<hbm>> -> memref<10000x128xf32, #tpu.memory_space<hbm>>
      tpu.enqueue_indirect_dma source(%dma_start3A_63 : memref<10000x128xf32, #tpu.memory_space<hbm>>) target(%arg8 : memref<128x128xf32, #tpu.memory_space<vmem>>) offsets(%dma_start3A_60 : memref<128xi32, #tpu.memory_space<vmem>>) semaphore(%arg10 : memref<!tpu.dma_semaphore, #tpu.memory_space<semaphore_mem>>)
      %dma_start3A_64 = arith.constant 1 : i32
      %dma_start3A_65 = arith.constant 0 : i32
      %dma_start3A_66 = tpu.memref_slice %arg6[%dma_start3A_64, %dma_start3A_65] : memref<8x128xi32, #tpu.memory_space<vmem>> -> memref<1x128xi32, #tpu.memory_space<vmem>>
      %dma_start3A_67 = tpu.memref_squeeze %dma_start3A_66 : memref<1x128xi32, #tpu.memory_space<vmem>> -> memref<128xi32, #tpu.memory_space<vmem>>
      %dma_start3A_68 = arith.constant 0 : i32
      %dma_start3A_69 = arith.constant 0 : i32
      %dma_start3A_70 = tpu.memref_slice %arg2[%dma_start3A_68, %dma_start3A_69] : memref<10000x128xf32, #tpu.memory_space<hbm>> -> memref<10000x128xf32, #tpu.memory_space<hbm>>
      tpu.enqueue_indirect_dma source(%dma_start3A_70 : memref<10000x128xf32, #tpu.memory_space<hbm>>) target(%arg9 : memref<128x128xf32, #tpu.memory_space<vmem>>) offsets(%dma_start3A_67 : memref<128xi32, #tpu.memory_space<vmem>>) semaphore(%arg11 : memref<!tpu.dma_semaphore, #tpu.memory_space<semaphore_mem>>)
      %dma_wait3A = arith.constant 0 : i32
      %dma_wait3A_71 = arith.constant 0 : i32
      %dma_wait3A_72 = tpu.memref_slice %arg6[%dma_wait3A, %dma_wait3A_71] : memref<8x128xi32, #tpu.memory_space<vmem>> -> memref<1x128xi32, #tpu.memory_space<vmem>>
      %dma_wait3A_73 = tpu.memref_squeeze %dma_wait3A_72 : memref<1x128xi32, #tpu.memory_space<vmem>> -> memref<128xi32, #tpu.memory_space<vmem>>
      %dma_wait3A_74 = arith.constant 0 : i32
      %dma_wait3A_75 = arith.constant 0 : i32
      %dma_wait3A_76 = tpu.memref_slice %arg2[%dma_wait3A_74, %dma_wait3A_75] : memref<10000x128xf32, #tpu.memory_space<hbm>> -> memref<10000x128xf32, #tpu.memory_space<hbm>>
      tpu.wait_indirect_dma semaphore(%arg10 : memref<!tpu.dma_semaphore, #tpu.memory_space<semaphore_mem>>) src(%dma_wait3A_76 : memref<10000x128xf32, #tpu.memory_space<hbm>>) dst(%arg8 : memref<128x128xf32, #tpu.memory_space<vmem>>)
      %run_scoped3A = arith.constant 0 : i32
      "tpu.region"() ({
        %run_scoped3A_176 = tpu.sem_alloc : memref<!tpu.dma_semaphore, #tpu.memory_space<semaphore_mem>>
        %dma_start3A_177 = arith.constant 0 : i32
        %dma_start3A_178 = tpu.memref_slice %arg7[%run_scoped3A, %dma_start3A_177] : memref<8x128xi32, #tpu.memory_space<vmem>> -> memref<1x128xi32, #tpu.memory_space<vmem>>
        %dma_start3A_179 = tpu.memref_squeeze %dma_start3A_178 : memref<1x128xi32, #tpu.memory_space<vmem>> -> memref<128xi32, #tpu.memory_space<vmem>>
        %dma_start3A_180 = arith.constant 0 : i32
        %dma_start3A_181 = arith.constant 0 : i32
        %dma_start3A_182 = tpu.memref_slice %arg12[%dma_start3A_180, %dma_start3A_181] : memref<10240x128xf32, #tpu.memory_space<vmem_shared>> -> memref<10240x128xf32, #tpu.memory_space<vmem_shared>>
        tpu.enqueue_indirect_dma source(%arg8 : memref<128x128xf32, #tpu.memory_space<vmem>>) target(%dma_start3A_182 : memref<10240x128xf32, #tpu.memory_space<vmem_shared>>) offsets(%dma_start3A_179 : memref<128xi32, #tpu.memory_space<vmem>>) semaphore(%run_scoped3A_176 : memref<!tpu.dma_semaphore, #tpu.memory_space<semaphore_mem>>) {add = true}
        %dma_wait3A_183 = arith.constant 0 : i32
        %dma_wait3A_184 = tpu.memref_slice %arg7[%run_scoped3A, %dma_wait3A_183] : memref<8x128xi32, #tpu.memory_space<vmem>> -> memref<1x128xi32, #tpu.memory_space<vmem>>
        %dma_wait3A_185 = tpu.memref_squeeze %dma_wait3A_184 : memref<1x128xi32, #tpu.memory_space<vmem>> -> memref<128xi32, #tpu.memory_space<vmem>>
        %dma_wait3A_186 = arith.constant 0 : i32
        %dma_wait3A_187 = arith.constant 0 : i32
        %dma_wait3A_188 = tpu.memref_slice %arg12[%dma_wait3A_186, %dma_wait3A_187] : memref<10240x128xf32, #tpu.memory_space<vmem_shared>> -> memref<10240x128xf32, #tpu.memory_space<vmem_shared>>
        tpu.wait_indirect_dma semaphore(%run_scoped3A_176 : memref<!tpu.dma_semaphore, #tpu.memory_space<semaphore_mem>>) src(%arg8 : memref<128x128xf32, #tpu.memory_space<vmem>>) dst(%dma_wait3A_188 : memref<10240x128xf32, #tpu.memory_space<vmem_shared>>)
        tpu.yield
      }) : () -> ()
      %dma_start3A_77 = arith.constant 2 : i32
      %dma_start3A_78 = arith.constant 0 : i32
      %dma_start3A_79 = tpu.memref_slice %arg6[%dma_start3A_77, %dma_start3A_78] : memref<8x128xi32, #tpu.memory_space<vmem>> -> memref<1x128xi32, #tpu.memory_space<vmem>>
      %dma_start3A_80 = tpu.memref_squeeze %dma_start3A_79 : memref<1x128xi32, #tpu.memory_space<vmem>> -> memref<128xi32, #tpu.memory_space<vmem>>
      %dma_start3A_81 = arith.constant 0 : i32
      %dma_start3A_82 = arith.constant 0 : i32
      %dma_start3A_83 = tpu.memref_slice %arg2[%dma_start3A_81, %dma_start3A_82] : memref<10000x128xf32, #tpu.memory_space<hbm>> -> memref<10000x128xf32, #tpu.memory_space<hbm>>
      tpu.enqueue_indirect_dma source(%dma_start3A_83 : memref<10000x128xf32, #tpu.memory_space<hbm>>) target(%arg8 : memref<128x128xf32, #tpu.memory_space<vmem>>) offsets(%dma_start3A_80 : memref<128xi32, #tpu.memory_space<vmem>>) semaphore(%arg10 : memref<!tpu.dma_semaphore, #tpu.memory_space<semaphore_mem>>)
      %dma_wait3A_84 = arith.constant 1 : i32
      %dma_wait3A_85 = arith.constant 0 : i32
      %dma_wait3A_86 = tpu.memref_slice %arg6[%dma_wait3A_84, %dma_wait3A_85] : memref<8x128xi32, #tpu.memory_space<vmem>> -> memref<1x128xi32, #tpu.memory_space<vmem>>
      %dma_wait3A_87 = tpu.memref_squeeze %dma_wait3A_86 : memref<1x128xi32, #tpu.memory_space<vmem>> -> memref<128xi32, #tpu.memory_space<vmem>>
      %dma_wait3A_88 = arith.constant 0 : i32
      %dma_wait3A_89 = arith.constant 0 : i32
      %dma_wait3A_90 = tpu.memref_slice %arg2[%dma_wait3A_88, %dma_wait3A_89] : memref<10000x128xf32, #tpu.memory_space<hbm>> -> memref<10000x128xf32, #tpu.memory_space<hbm>>
      tpu.wait_indirect_dma semaphore(%arg11 : memref<!tpu.dma_semaphore, #tpu.memory_space<semaphore_mem>>) src(%dma_wait3A_90 : memref<10000x128xf32, #tpu.memory_space<hbm>>) dst(%arg9 : memref<128x128xf32, #tpu.memory_space<vmem>>)
      %run_scoped3A_91 = arith.constant 1 : i32
      "tpu.region"() ({
        %run_scoped3A_176 = tpu.sem_alloc : memref<!tpu.dma_semaphore, #tpu.memory_space<semaphore_mem>>
        %dma_start3A_177 = arith.constant 0 : i32
        %dma_start3A_178 = tpu.memref_slice %arg7[%run_scoped3A_91, %dma_start3A_177] : memref<8x128xi32, #tpu.memory_space<vmem>> -> memref<1x128xi32, #tpu.memory_space<vmem>>
        %dma_start3A_179 = tpu.memref_squeeze %dma_start3A_178 : memref<1x128xi32, #tpu.memory_space<vmem>> -> memref<128xi32, #tpu.memory_space<vmem>>
        %dma_start3A_180 = arith.constant 0 : i32
        %dma_start3A_181 = arith.constant 0 : i32
        %dma_start3A_182 = tpu.memref_slice %arg12[%dma_start3A_180, %dma_start3A_181] : memref<10240x128xf32, #tpu.memory_space<vmem_shared>> -> memref<10240x128xf32, #tpu.memory_space<vmem_shared>>
        tpu.enqueue_indirect_dma source(%arg9 : memref<128x128xf32, #tpu.memory_space<vmem>>) target(%dma_start3A_182 : memref<10240x128xf32, #tpu.memory_space<vmem_shared>>) offsets(%dma_start3A_179 : memref<128xi32, #tpu.memory_space<vmem>>) semaphore(%run_scoped3A_176 : memref<!tpu.dma_semaphore, #tpu.memory_space<semaphore_mem>>) {add = true}
        %dma_wait3A_183 = arith.constant 0 : i32
        %dma_wait3A_184 = tpu.memref_slice %arg7[%run_scoped3A_91, %dma_wait3A_183] : memref<8x128xi32, #tpu.memory_space<vmem>> -> memref<1x128xi32, #tpu.memory_space<vmem>>
        %dma_wait3A_185 = tpu.memref_squeeze %dma_wait3A_184 : memref<1x128xi32, #tpu.memory_space<vmem>> -> memref<128xi32, #tpu.memory_space<vmem>>
        %dma_wait3A_186 = arith.constant 0 : i32
        %dma_wait3A_187 = arith.constant 0 : i32
        %dma_wait3A_188 = tpu.memref_slice %arg12[%dma_wait3A_186, %dma_wait3A_187] : memref<10240x128xf32, #tpu.memory_space<vmem_shared>> -> memref<10240x128xf32, #tpu.memory_space<vmem_shared>>
        tpu.wait_indirect_dma semaphore(%run_scoped3A_176 : memref<!tpu.dma_semaphore, #tpu.memory_space<semaphore_mem>>) src(%arg9 : memref<128x128xf32, #tpu.memory_space<vmem>>) dst(%dma_wait3A_188 : memref<10240x128xf32, #tpu.memory_space<vmem_shared>>)
        tpu.yield
      }) : () -> ()
      %dma_start3A_92 = arith.constant 3 : i32
      %dma_start3A_93 = arith.constant 0 : i32
      %dma_start3A_94 = tpu.memref_slice %arg6[%dma_start3A_92, %dma_start3A_93] : memref<8x128xi32, #tpu.memory_space<vmem>> -> memref<1x128xi32, #tpu.memory_space<vmem>>
      %dma_start3A_95 = tpu.memref_squeeze %dma_start3A_94 : memref<1x128xi32, #tpu.memory_space<vmem>> -> memref<128xi32, #tpu.memory_space<vmem>>
      %dma_start3A_96 = arith.constant 0 : i32
      %dma_start3A_97 = arith.constant 0 : i32
      %dma_start3A_98 = tpu.memref_slice %arg2[%dma_start3A_96, %dma_start3A_97] : memref<10000x128xf32, #tpu.memory_space<hbm>> -> memref<10000x128xf32, #tpu.memory_space<hbm>>
      tpu.enqueue_indirect_dma source(%dma_start3A_98 : memref<10000x128xf32, #tpu.memory_space<hbm>>) target(%arg9 : memref<128x128xf32, #tpu.memory_space<vmem>>) offsets(%dma_start3A_95 : memref<128xi32, #tpu.memory_space<vmem>>) semaphore(%arg11 : memref<!tpu.dma_semaphore, #tpu.memory_space<semaphore_mem>>)
      %dma_wait3A_99 = arith.constant 2 : i32
      %dma_wait3A_100 = arith.constant 0 : i32
      %dma_wait3A_101 = tpu.memref_slice %arg6[%dma_wait3A_99, %dma_wait3A_100] : memref<8x128xi32, #tpu.memory_space<vmem>> -> memref<1x128xi32, #tpu.memory_space<vmem>>
      %dma_wait3A_102 = tpu.memref_squeeze %dma_wait3A_101 : memref<1x128xi32, #tpu.memory_space<vmem>> -> memref<128xi32, #tpu.memory_space<vmem>>
      %dma_wait3A_103 = arith.constant 0 : i32
      %dma_wait3A_104 = arith.constant 0 : i32
      %dma_wait3A_105 = tpu.memref_slice %arg2[%dma_wait3A_103, %dma_wait3A_104] : memref<10000x128xf32, #tpu.memory_space<hbm>> -> memref<10000x128xf32, #tpu.memory_space<hbm>>
      tpu.wait_indirect_dma semaphore(%arg10 : memref<!tpu.dma_semaphore, #tpu.memory_space<semaphore_mem>>) src(%dma_wait3A_105 : memref<10000x128xf32, #tpu.memory_space<hbm>>) dst(%arg8 : memref<128x128xf32, #tpu.memory_space<vmem>>)
      %run_scoped3A_106 = arith.constant 2 : i32
      "tpu.region"() ({
        %run_scoped3A_176 = tpu.sem_alloc : memref<!tpu.dma_semaphore, #tpu.memory_space<semaphore_mem>>
        %dma_start3A_177 = arith.constant 0 : i32
        %dma_start3A_178 = tpu.memref_slice %arg7[%run_scoped3A_106, %dma_start3A_177] : memref<8x128xi32, #tpu.memory_space<vmem>> -> memref<1x128xi32, #tpu.memory_space<vmem>>
        %dma_start3A_179 = tpu.memref_squeeze %dma_start3A_178 : memref<1x128xi32, #tpu.memory_space<vmem>> -> memref<128xi32, #tpu.memory_space<vmem>>
        %dma_start3A_180 = arith.constant 0 : i32
        %dma_start3A_181 = arith.constant 0 : i32
        %dma_start3A_182 = tpu.memref_slice %arg12[%dma_start3A_180, %dma_start3A_181] : memref<10240x128xf32, #tpu.memory_space<vmem_shared>> -> memref<10240x128xf32, #tpu.memory_space<vmem_shared>>
        tpu.enqueue_indirect_dma source(%arg8 : memref<128x128xf32, #tpu.memory_space<vmem>>) target(%dma_start3A_182 : memref<10240x128xf32, #tpu.memory_space<vmem_shared>>) offsets(%dma_start3A_179 : memref<128xi32, #tpu.memory_space<vmem>>) semaphore(%run_scoped3A_176 : memref<!tpu.dma_semaphore, #tpu.memory_space<semaphore_mem>>) {add = true}
        %dma_wait3A_183 = arith.constant 0 : i32
        %dma_wait3A_184 = tpu.memref_slice %arg7[%run_scoped3A_106, %dma_wait3A_183] : memref<8x128xi32, #tpu.memory_space<vmem>> -> memref<1x128xi32, #tpu.memory_space<vmem>>
        %dma_wait3A_185 = tpu.memref_squeeze %dma_wait3A_184 : memref<1x128xi32, #tpu.memory_space<vmem>> -> memref<128xi32, #tpu.memory_space<vmem>>
        %dma_wait3A_186 = arith.constant 0 : i32
        %dma_wait3A_187 = arith.constant 0 : i32
        %dma_wait3A_188 = tpu.memref_slice %arg12[%dma_wait3A_186, %dma_wait3A_187] : memref<10240x128xf32, #tpu.memory_space<vmem_shared>> -> memref<10240x128xf32, #tpu.memory_space<vmem_shared>>
        tpu.wait_indirect_dma semaphore(%run_scoped3A_176 : memref<!tpu.dma_semaphore, #tpu.memory_space<semaphore_mem>>) src(%arg8 : memref<128x128xf32, #tpu.memory_space<vmem>>) dst(%dma_wait3A_188 : memref<10240x128xf32, #tpu.memory_space<vmem_shared>>)
        tpu.yield
      }) : () -> ()
      %dma_start3A_107 = arith.constant 4 : i32
      %dma_start3A_108 = arith.constant 0 : i32
      %dma_start3A_109 = tpu.memref_slice %arg6[%dma_start3A_107, %dma_start3A_108] : memref<8x128xi32, #tpu.memory_space<vmem>> -> memref<1x128xi32, #tpu.memory_space<vmem>>
      %dma_start3A_110 = tpu.memref_squeeze %dma_start3A_109 : memref<1x128xi32, #tpu.memory_space<vmem>> -> memref<128xi32, #tpu.memory_space<vmem>>
      %dma_start3A_111 = arith.constant 0 : i32
      %dma_start3A_112 = arith.constant 0 : i32
      %dma_start3A_113 = tpu.memref_slice %arg2[%dma_start3A_111, %dma_start3A_112] : memref<10000x128xf32, #tpu.memory_space<hbm>> -> memref<10000x128xf32, #tpu.memory_space<hbm>>
      tpu.enqueue_indirect_dma source(%dma_start3A_113 : memref<10000x128xf32, #tpu.memory_space<hbm>>) target(%arg8 : memref<128x128xf32, #tpu.memory_space<vmem>>) offsets(%dma_start3A_110 : memref<128xi32, #tpu.memory_space<vmem>>) semaphore(%arg10 : memref<!tpu.dma_semaphore, #tpu.memory_space<semaphore_mem>>)
      %dma_wait3A_114 = arith.constant 3 : i32
      %dma_wait3A_115 = arith.constant 0 : i32
      %dma_wait3A_116 = tpu.memref_slice %arg6[%dma_wait3A_114, %dma_wait3A_115] : memref<8x128xi32, #tpu.memory_space<vmem>> -> memref<1x128xi32, #tpu.memory_space<vmem>>
      %dma_wait3A_117 = tpu.memref_squeeze %dma_wait3A_116 : memref<1x128xi32, #tpu.memory_space<vmem>> -> memref<128xi32, #tpu.memory_space<vmem>>
      %dma_wait3A_118 = arith.constant 0 : i32
      %dma_wait3A_119 = arith.constant 0 : i32
      %dma_wait3A_120 = tpu.memref_slice %arg2[%dma_wait3A_118, %dma_wait3A_119] : memref<10000x128xf32, #tpu.memory_space<hbm>> -> memref<10000x128xf32, #tpu.memory_space<hbm>>
      tpu.wait_indirect_dma semaphore(%arg11 : memref<!tpu.dma_semaphore, #tpu.memory_space<semaphore_mem>>) src(%dma_wait3A_120 : memref<10000x128xf32, #tpu.memory_space<hbm>>) dst(%arg9 : memref<128x128xf32, #tpu.memory_space<vmem>>)
      %run_scoped3A_121 = arith.constant 3 : i32
      "tpu.region"() ({
        %run_scoped3A_176 = tpu.sem_alloc : memref<!tpu.dma_semaphore, #tpu.memory_space<semaphore_mem>>
        %dma_start3A_177 = arith.constant 0 : i32
        %dma_start3A_178 = tpu.memref_slice %arg7[%run_scoped3A_121, %dma_start3A_177] : memref<8x128xi32, #tpu.memory_space<vmem>> -> memref<1x128xi32, #tpu.memory_space<vmem>>
        %dma_start3A_179 = tpu.memref_squeeze %dma_start3A_178 : memref<1x128xi32, #tpu.memory_space<vmem>> -> memref<128xi32, #tpu.memory_space<vmem>>
        %dma_start3A_180 = arith.constant 0 : i32
        %dma_start3A_181 = arith.constant 0 : i32
        %dma_start3A_182 = tpu.memref_slice %arg12[%dma_start3A_180, %dma_start3A_181] : memref<10240x128xf32, #tpu.memory_space<vmem_shared>> -> memref<10240x128xf32, #tpu.memory_space<vmem_shared>>
        tpu.enqueue_indirect_dma source(%arg9 : memref<128x128xf32, #tpu.memory_space<vmem>>) target(%dma_start3A_182 : memref<10240x128xf32, #tpu.memory_space<vmem_shared>>) offsets(%dma_start3A_179 : memref<128xi32, #tpu.memory_space<vmem>>) semaphore(%run_scoped3A_176 : memref<!tpu.dma_semaphore, #tpu.memory_space<semaphore_mem>>) {add = true}
        %dma_wait3A_183 = arith.constant 0 : i32
        %dma_wait3A_184 = tpu.memref_slice %arg7[%run_scoped3A_121, %dma_wait3A_183] : memref<8x128xi32, #tpu.memory_space<vmem>> -> memref<1x128xi32, #tpu.memory_space<vmem>>
        %dma_wait3A_185 = tpu.memref_squeeze %dma_wait3A_184 : memref<1x128xi32, #tpu.memory_space<vmem>> -> memref<128xi32, #tpu.memory_space<vmem>>
        %dma_wait3A_186 = arith.constant 0 : i32
        %dma_wait3A_187 = arith.constant 0 : i32
        %dma_wait3A_188 = tpu.memref_slice %arg12[%dma_wait3A_186, %dma_wait3A_187] : memref<10240x128xf32, #tpu.memory_space<vmem_shared>> -> memref<10240x128xf32, #tpu.memory_space<vmem_shared>>
        tpu.wait_indirect_dma semaphore(%run_scoped3A_176 : memref<!tpu.dma_semaphore, #tpu.memory_space<semaphore_mem>>) src(%arg9 : memref<128x128xf32, #tpu.memory_space<vmem>>) dst(%dma_wait3A_188 : memref<10240x128xf32, #tpu.memory_space<vmem_shared>>)
        tpu.yield
      }) : () -> ()
      %dma_start3A_122 = arith.constant 5 : i32
      %dma_start3A_123 = arith.constant 0 : i32
      %dma_start3A_124 = tpu.memref_slice %arg6[%dma_start3A_122, %dma_start3A_123] : memref<8x128xi32, #tpu.memory_space<vmem>> -> memref<1x128xi32, #tpu.memory_space<vmem>>
      %dma_start3A_125 = tpu.memref_squeeze %dma_start3A_124 : memref<1x128xi32, #tpu.memory_space<vmem>> -> memref<128xi32, #tpu.memory_space<vmem>>
      %dma_start3A_126 = arith.constant 0 : i32
      %dma_start3A_127 = arith.constant 0 : i32
      %dma_start3A_128 = tpu.memref_slice %arg2[%dma_start3A_126, %dma_start3A_127] : memref<10000x128xf32, #tpu.memory_space<hbm>> -> memref<10000x128xf32, #tpu.memory_space<hbm>>
      tpu.enqueue_indirect_dma source(%dma_start3A_128 : memref<10000x128xf32, #tpu.memory_space<hbm>>) target(%arg9 : memref<128x128xf32, #tpu.memory_space<vmem>>) offsets(%dma_start3A_125 : memref<128xi32, #tpu.memory_space<vmem>>) semaphore(%arg11 : memref<!tpu.dma_semaphore, #tpu.memory_space<semaphore_mem>>)
      %dma_wait3A_129 = arith.constant 4 : i32
      %dma_wait3A_130 = arith.constant 0 : i32
      %dma_wait3A_131 = tpu.memref_slice %arg6[%dma_wait3A_129, %dma_wait3A_130] : memref<8x128xi32, #tpu.memory_space<vmem>> -> memref<1x128xi32, #tpu.memory_space<vmem>>
      %dma_wait3A_132 = tpu.memref_squeeze %dma_wait3A_131 : memref<1x128xi32, #tpu.memory_space<vmem>> -> memref<128xi32, #tpu.memory_space<vmem>>
      %dma_wait3A_133 = arith.constant 0 : i32
      %dma_wait3A_134 = arith.constant 0 : i32
      %dma_wait3A_135 = tpu.memref_slice %arg2[%dma_wait3A_133, %dma_wait3A_134] : memref<10000x128xf32, #tpu.memory_space<hbm>> -> memref<10000x128xf32, #tpu.memory_space<hbm>>
      tpu.wait_indirect_dma semaphore(%arg10 : memref<!tpu.dma_semaphore, #tpu.memory_space<semaphore_mem>>) src(%dma_wait3A_135 : memref<10000x128xf32, #tpu.memory_space<hbm>>) dst(%arg8 : memref<128x128xf32, #tpu.memory_space<vmem>>)
      %run_scoped3A_136 = arith.constant 4 : i32
      "tpu.region"() ({
        %run_scoped3A_176 = tpu.sem_alloc : memref<!tpu.dma_semaphore, #tpu.memory_space<semaphore_mem>>
        %dma_start3A_177 = arith.constant 0 : i32
        %dma_start3A_178 = tpu.memref_slice %arg7[%run_scoped3A_136, %dma_start3A_177] : memref<8x128xi32, #tpu.memory_space<vmem>> -> memref<1x128xi32, #tpu.memory_space<vmem>>
        %dma_start3A_179 = tpu.memref_squeeze %dma_start3A_178 : memref<1x128xi32, #tpu.memory_space<vmem>> -> memref<128xi32, #tpu.memory_space<vmem>>
        %dma_start3A_180 = arith.constant 0 : i32
        %dma_start3A_181 = arith.constant 0 : i32
        %dma_start3A_182 = tpu.memref_slice %arg12[%dma_start3A_180, %dma_start3A_181] : memref<10240x128xf32, #tpu.memory_space<vmem_shared>> -> memref<10240x128xf32, #tpu.memory_space<vmem_shared>>
        tpu.enqueue_indirect_dma source(%arg8 : memref<128x128xf32, #tpu.memory_space<vmem>>) target(%dma_start3A_182 : memref<10240x128xf32, #tpu.memory_space<vmem_shared>>) offsets(%dma_start3A_179 : memref<128xi32, #tpu.memory_space<vmem>>) semaphore(%run_scoped3A_176 : memref<!tpu.dma_semaphore, #tpu.memory_space<semaphore_mem>>) {add = true}
        %dma_wait3A_183 = arith.constant 0 : i32
        %dma_wait3A_184 = tpu.memref_slice %arg7[%run_scoped3A_136, %dma_wait3A_183] : memref<8x128xi32, #tpu.memory_space<vmem>> -> memref<1x128xi32, #tpu.memory_space<vmem>>
        %dma_wait3A_185 = tpu.memref_squeeze %dma_wait3A_184 : memref<1x128xi32, #tpu.memory_space<vmem>> -> memref<128xi32, #tpu.memory_space<vmem>>
        %dma_wait3A_186 = arith.constant 0 : i32
        %dma_wait3A_187 = arith.constant 0 : i32
        %dma_wait3A_188 = tpu.memref_slice %arg12[%dma_wait3A_186, %dma_wait3A_187] : memref<10240x128xf32, #tpu.memory_space<vmem_shared>> -> memref<10240x128xf32, #tpu.memory_space<vmem_shared>>
        tpu.wait_indirect_dma semaphore(%run_scoped3A_176 : memref<!tpu.dma_semaphore, #tpu.memory_space<semaphore_mem>>) src(%arg8 : memref<128x128xf32, #tpu.memory_space<vmem>>) dst(%dma_wait3A_188 : memref<10240x128xf32, #tpu.memory_space<vmem_shared>>)
        tpu.yield
      }) : () -> ()
      %dma_start3A_137 = arith.constant 6 : i32
      %dma_start3A_138 = arith.constant 0 : i32
      %dma_start3A_139 = tpu.memref_slice %arg6[%dma_start3A_137, %dma_start3A_138] : memref<8x128xi32, #tpu.memory_space<vmem>> -> memref<1x128xi32, #tpu.memory_space<vmem>>
      %dma_start3A_140 = tpu.memref_squeeze %dma_start3A_139 : memref<1x128xi32, #tpu.memory_space<vmem>> -> memref<128xi32, #tpu.memory_space<vmem>>
      %dma_start3A_141 = arith.constant 0 : i32
      %dma_start3A_142 = arith.constant 0 : i32
      %dma_start3A_143 = tpu.memref_slice %arg2[%dma_start3A_141, %dma_start3A_142] : memref<10000x128xf32, #tpu.memory_space<hbm>> -> memref<10000x128xf32, #tpu.memory_space<hbm>>
      tpu.enqueue_indirect_dma source(%dma_start3A_143 : memref<10000x128xf32, #tpu.memory_space<hbm>>) target(%arg8 : memref<128x128xf32, #tpu.memory_space<vmem>>) offsets(%dma_start3A_140 : memref<128xi32, #tpu.memory_space<vmem>>) semaphore(%arg10 : memref<!tpu.dma_semaphore, #tpu.memory_space<semaphore_mem>>)
      %dma_wait3A_144 = arith.constant 5 : i32
      %dma_wait3A_145 = arith.constant 0 : i32
      %dma_wait3A_146 = tpu.memref_slice %arg6[%dma_wait3A_144, %dma_wait3A_145] : memref<8x128xi32, #tpu.memory_space<vmem>> -> memref<1x128xi32, #tpu.memory_space<vmem>>
      %dma_wait3A_147 = tpu.memref_squeeze %dma_wait3A_146 : memref<1x128xi32, #tpu.memory_space<vmem>> -> memref<128xi32, #tpu.memory_space<vmem>>
      %dma_wait3A_148 = arith.constant 0 : i32
      %dma_wait3A_149 = arith.constant 0 : i32
      %dma_wait3A_150 = tpu.memref_slice %arg2[%dma_wait3A_148, %dma_wait3A_149] : memref<10000x128xf32, #tpu.memory_space<hbm>> -> memref<10000x128xf32, #tpu.memory_space<hbm>>
      tpu.wait_indirect_dma semaphore(%arg11 : memref<!tpu.dma_semaphore, #tpu.memory_space<semaphore_mem>>) src(%dma_wait3A_150 : memref<10000x128xf32, #tpu.memory_space<hbm>>) dst(%arg9 : memref<128x128xf32, #tpu.memory_space<vmem>>)
      %run_scoped3A_151 = arith.constant 5 : i32
      "tpu.region"() ({
        %run_scoped3A_176 = tpu.sem_alloc : memref<!tpu.dma_semaphore, #tpu.memory_space<semaphore_mem>>
        %dma_start3A_177 = arith.constant 0 : i32
        %dma_start3A_178 = tpu.memref_slice %arg7[%run_scoped3A_151, %dma_start3A_177] : memref<8x128xi32, #tpu.memory_space<vmem>> -> memref<1x128xi32, #tpu.memory_space<vmem>>
        %dma_start3A_179 = tpu.memref_squeeze %dma_start3A_178 : memref<1x128xi32, #tpu.memory_space<vmem>> -> memref<128xi32, #tpu.memory_space<vmem>>
        %dma_start3A_180 = arith.constant 0 : i32
        %dma_start3A_181 = arith.constant 0 : i32
        %dma_start3A_182 = tpu.memref_slice %arg12[%dma_start3A_180, %dma_start3A_181] : memref<10240x128xf32, #tpu.memory_space<vmem_shared>> -> memref<10240x128xf32, #tpu.memory_space<vmem_shared>>
        tpu.enqueue_indirect_dma source(%arg9 : memref<128x128xf32, #tpu.memory_space<vmem>>) target(%dma_start3A_182 : memref<10240x128xf32, #tpu.memory_space<vmem_shared>>) offsets(%dma_start3A_179 : memref<128xi32, #tpu.memory_space<vmem>>) semaphore(%run_scoped3A_176 : memref<!tpu.dma_semaphore, #tpu.memory_space<semaphore_mem>>) {add = true}
        %dma_wait3A_183 = arith.constant 0 : i32
        %dma_wait3A_184 = tpu.memref_slice %arg7[%run_scoped3A_151, %dma_wait3A_183] : memref<8x128xi32, #tpu.memory_space<vmem>> -> memref<1x128xi32, #tpu.memory_space<vmem>>
        %dma_wait3A_185 = tpu.memref_squeeze %dma_wait3A_184 : memref<1x128xi32, #tpu.memory_space<vmem>> -> memref<128xi32, #tpu.memory_space<vmem>>
        %dma_wait3A_186 = arith.constant 0 : i32
        %dma_wait3A_187 = arith.constant 0 : i32
        %dma_wait3A_188 = tpu.memref_slice %arg12[%dma_wait3A_186, %dma_wait3A_187] : memref<10240x128xf32, #tpu.memory_space<vmem_shared>> -> memref<10240x128xf32, #tpu.memory_space<vmem_shared>>
        tpu.wait_indirect_dma semaphore(%run_scoped3A_176 : memref<!tpu.dma_semaphore, #tpu.memory_space<semaphore_mem>>) src(%arg9 : memref<128x128xf32, #tpu.memory_space<vmem>>) dst(%dma_wait3A_188 : memref<10240x128xf32, #tpu.memory_space<vmem_shared>>)
        tpu.yield
      }) : () -> ()
      %dma_start3A_152 = arith.constant 7 : i32
      %dma_start3A_153 = arith.constant 0 : i32
      %dma_start3A_154 = tpu.memref_slice %arg6[%dma_start3A_152, %dma_start3A_153] : memref<8x128xi32, #tpu.memory_space<vmem>> -> memref<1x128xi32, #tpu.memory_space<vmem>>
      %dma_start3A_155 = tpu.memref_squeeze %dma_start3A_154 : memref<1x128xi32, #tpu.memory_space<vmem>> -> memref<128xi32, #tpu.memory_space<vmem>>
      %dma_start3A_156 = arith.constant 0 : i32
      %dma_start3A_157 = arith.constant 0 : i32
      %dma_start3A_158 = tpu.memref_slice %arg2[%dma_start3A_156, %dma_start3A_157] : memref<10000x128xf32, #tpu.memory_space<hbm>> -> memref<10000x128xf32, #tpu.memory_space<hbm>>
      tpu.enqueue_indirect_dma source(%dma_start3A_158 : memref<10000x128xf32, #tpu.memory_space<hbm>>) target(%arg9 : memref<128x128xf32, #tpu.memory_space<vmem>>) offsets(%dma_start3A_155 : memref<128xi32, #tpu.memory_space<vmem>>) semaphore(%arg11 : memref<!tpu.dma_semaphore, #tpu.memory_space<semaphore_mem>>)
      %dma_wait3A_159 = arith.constant 6 : i32
      %dma_wait3A_160 = arith.constant 0 : i32
      %dma_wait3A_161 = tpu.memref_slice %arg6[%dma_wait3A_159, %dma_wait3A_160] : memref<8x128xi32, #tpu.memory_space<vmem>> -> memref<1x128xi32, #tpu.memory_space<vmem>>
      %dma_wait3A_162 = tpu.memref_squeeze %dma_wait3A_161 : memref<1x128xi32, #tpu.memory_space<vmem>> -> memref<128xi32, #tpu.memory_space<vmem>>
      %dma_wait3A_163 = arith.constant 0 : i32
      %dma_wait3A_164 = arith.constant 0 : i32
      %dma_wait3A_165 = tpu.memref_slice %arg2[%dma_wait3A_163, %dma_wait3A_164] : memref<10000x128xf32, #tpu.memory_space<hbm>> -> memref<10000x128xf32, #tpu.memory_space<hbm>>
      tpu.wait_indirect_dma semaphore(%arg10 : memref<!tpu.dma_semaphore, #tpu.memory_space<semaphore_mem>>) src(%dma_wait3A_165 : memref<10000x128xf32, #tpu.memory_space<hbm>>) dst(%arg8 : memref<128x128xf32, #tpu.memory_space<vmem>>)
      %run_scoped3A_166 = arith.constant 6 : i32
      "tpu.region"() ({
        %run_scoped3A_176 = tpu.sem_alloc : memref<!tpu.dma_semaphore, #tpu.memory_space<semaphore_mem>>
        %dma_start3A_177 = arith.constant 0 : i32
        %dma_start3A_178 = tpu.memref_slice %arg7[%run_scoped3A_166, %dma_start3A_177] : memref<8x128xi32, #tpu.memory_space<vmem>> -> memref<1x128xi32, #tpu.memory_space<vmem>>
        %dma_start3A_179 = tpu.memref_squeeze %dma_start3A_178 : memref<1x128xi32, #tpu.memory_space<vmem>> -> memref<128xi32, #tpu.memory_space<vmem>>
        %dma_start3A_180 = arith.constant 0 : i32
        %dma_start3A_181 = arith.constant 0 : i32
        %dma_start3A_182 = tpu.memref_slice %arg12[%dma_start3A_180, %dma_start3A_181] : memref<10240x128xf32, #tpu.memory_space<vmem_shared>> -> memref<10240x128xf32, #tpu.memory_space<vmem_shared>>
        tpu.enqueue_indirect_dma source(%arg8 : memref<128x128xf32, #tpu.memory_space<vmem>>) target(%dma_start3A_182 : memref<10240x128xf32, #tpu.memory_space<vmem_shared>>) offsets(%dma_start3A_179 : memref<128xi32, #tpu.memory_space<vmem>>) semaphore(%run_scoped3A_176 : memref<!tpu.dma_semaphore, #tpu.memory_space<semaphore_mem>>) {add = true}
        %dma_wait3A_183 = arith.constant 0 : i32
        %dma_wait3A_184 = tpu.memref_slice %arg7[%run_scoped3A_166, %dma_wait3A_183] : memref<8x128xi32, #tpu.memory_space<vmem>> -> memref<1x128xi32, #tpu.memory_space<vmem>>
        %dma_wait3A_185 = tpu.memref_squeeze %dma_wait3A_184 : memref<1x128xi32, #tpu.memory_space<vmem>> -> memref<128xi32, #tpu.memory_space<vmem>>
        %dma_wait3A_186 = arith.constant 0 : i32
        %dma_wait3A_187 = arith.constant 0 : i32
        %dma_wait3A_188 = tpu.memref_slice %arg12[%dma_wait3A_186, %dma_wait3A_187] : memref<10240x128xf32, #tpu.memory_space<vmem_shared>> -> memref<10240x128xf32, #tpu.memory_space<vmem_shared>>
        tpu.wait_indirect_dma semaphore(%run_scoped3A_176 : memref<!tpu.dma_semaphore, #tpu.memory_space<semaphore_mem>>) src(%arg8 : memref<128x128xf32, #tpu.memory_space<vmem>>) dst(%dma_wait3A_188 : memref<10240x128xf32, #tpu.memory_space<vmem_shared>>)
        tpu.yield
      }) : () -> ()
      %dma_wait3A_167 = arith.constant 7 : i32
      %dma_wait3A_168 = arith.constant 0 : i32
      %dma_wait3A_169 = tpu.memref_slice %arg6[%dma_wait3A_167, %dma_wait3A_168] : memref<8x128xi32, #tpu.memory_space<vmem>> -> memref<1x128xi32, #tpu.memory_space<vmem>>
      %dma_wait3A_170 = tpu.memref_squeeze %dma_wait3A_169 : memref<1x128xi32, #tpu.memory_space<vmem>> -> memref<128xi32, #tpu.memory_space<vmem>>
      %dma_wait3A_171 = arith.constant 0 : i32
      %dma_wait3A_172 = arith.constant 0 : i32
      %dma_wait3A_173 = tpu.memref_slice %arg2[%dma_wait3A_171, %dma_wait3A_172] : memref<10000x128xf32, #tpu.memory_space<hbm>> -> memref<10000x128xf32, #tpu.memory_space<hbm>>
      tpu.wait_indirect_dma semaphore(%arg11 : memref<!tpu.dma_semaphore, #tpu.memory_space<semaphore_mem>>) src(%dma_wait3A_173 : memref<10000x128xf32, #tpu.memory_space<hbm>>) dst(%arg9 : memref<128x128xf32, #tpu.memory_space<vmem>>)
      %run_scoped3A_174 = arith.constant 7 : i32
      "tpu.region"() ({
        %run_scoped3A_176 = tpu.sem_alloc : memref<!tpu.dma_semaphore, #tpu.memory_space<semaphore_mem>>
        %dma_start3A_177 = arith.constant 0 : i32
        %dma_start3A_178 = tpu.memref_slice %arg7[%run_scoped3A_174, %dma_start3A_177] : memref<8x128xi32, #tpu.memory_space<vmem>> -> memref<1x128xi32, #tpu.memory_space<vmem>>
        %dma_start3A_179 = tpu.memref_squeeze %dma_start3A_178 : memref<1x128xi32, #tpu.memory_space<vmem>> -> memref<128xi32, #tpu.memory_space<vmem>>
        %dma_start3A_180 = arith.constant 0 : i32
        %dma_start3A_181 = arith.constant 0 : i32
        %dma_start3A_182 = tpu.memref_slice %arg12[%dma_start3A_180, %dma_start3A_181] : memref<10240x128xf32, #tpu.memory_space<vmem_shared>> -> memref<10240x128xf32, #tpu.memory_space<vmem_shared>>
        tpu.enqueue_indirect_dma source(%arg9 : memref<128x128xf32, #tpu.memory_space<vmem>>) target(%dma_start3A_182 : memref<10240x128xf32, #tpu.memory_space<vmem_shared>>) offsets(%dma_start3A_179 : memref<128xi32, #tpu.memory_space<vmem>>) semaphore(%run_scoped3A_176 : memref<!tpu.dma_semaphore, #tpu.memory_space<semaphore_mem>>) {add = true}
        %dma_wait3A_183 = arith.constant 0 : i32
        %dma_wait3A_184 = tpu.memref_slice %arg7[%run_scoped3A_174, %dma_wait3A_183] : memref<8x128xi32, #tpu.memory_space<vmem>> -> memref<1x128xi32, #tpu.memory_space<vmem>>
        %dma_wait3A_185 = tpu.memref_squeeze %dma_wait3A_184 : memref<1x128xi32, #tpu.memory_space<vmem>> -> memref<128xi32, #tpu.memory_space<vmem>>
        %dma_wait3A_186 = arith.constant 0 : i32
        %dma_wait3A_187 = arith.constant 0 : i32
        %dma_wait3A_188 = tpu.memref_slice %arg12[%dma_wait3A_186, %dma_wait3A_187] : memref<10240x128xf32, #tpu.memory_space<vmem_shared>> -> memref<10240x128xf32, #tpu.memory_space<vmem_shared>>
        tpu.wait_indirect_dma semaphore(%run_scoped3A_176 : memref<!tpu.dma_semaphore, #tpu.memory_space<semaphore_mem>>) src(%arg9 : memref<128x128xf32, #tpu.memory_space<vmem>>) dst(%dma_wait3A_188 : memref<10240x128xf32, #tpu.memory_space<vmem_shared>>)
        tpu.yield
      }) : () -> ()
      %scan3A_175 = arith.constant 0 : i32
      scf.yield %scan3A_175 : i32
    }
    %scan3A_34 = arith.constant 10 : i32
    %barrier3A_35 = arith.constant 0 : index
    tpu.barrier barrier_id(%barrier3A_35)
    %mul3A_36 = arith.constant 640 : i32
    %mul3A_37 = arith.muli %arg1, %mul3A_36 : i32
    %add3A_38 = arith.constant 0 : i32
    %add3A_39 = arith.addi %mul3A_37, %add3A_38 : i32
    "tpu.region"() ({
      %run_scoped3A = tpu.sem_alloc : memref<!tpu.dma_semaphore, #tpu.memory_space<semaphore_mem>>
      %dma_start3A = arith.constant 0 : i32
      %dma_start3A_56 = tpu.memref_slice %arg5[%arg0, %add3A_39, %dma_start3A] : memref<2x10240x128xf32, #tpu.memory_space<hbm>> -> memref<1x128x128xf32, #tpu.memory_space<hbm>>
      %dma_start3A_57 = tpu.memref_squeeze %dma_start3A_56 : memref<1x128x128xf32, #tpu.memory_space<hbm>> -> memref<128x128xf32, #tpu.memory_space<hbm>>
      %dma_start3A_58 = arith.constant 0 : i32
      %dma_start3A_59 = tpu.memref_slice %arg12[%add3A_39, %dma_start3A_58] : memref<10240x128xf32, #tpu.memory_space<vmem_shared>> -> memref<128x128xf32, #tpu.memory_space<vmem_shared>>
      tpu.enqueue_dma source(%dma_start3A_59 : memref<128x128xf32, #tpu.memory_space<vmem_shared>>) target(%dma_start3A_57 : memref<128x128xf32, #tpu.memory_space<hbm>>) target_semaphore(%run_scoped3A : memref<!tpu.dma_semaphore, #tpu.memory_space<semaphore_mem>>)
      %dma_wait3A = arith.constant 0 : i32
      %dma_wait3A_60 = tpu.memref_slice %arg5[%arg0, %add3A_39, %dma_wait3A] : memref<2x10240x128xf32, #tpu.memory_space<hbm>> -> memref<1x128x128xf32, #tpu.memory_space<hbm>>
      %dma_wait3A_61 = tpu.memref_squeeze %dma_wait3A_60 : memref<1x128x128xf32, #tpu.memory_space<hbm>> -> memref<128x128xf32, #tpu.memory_space<hbm>>
      %dma_wait3A_62 = arith.constant 0 : i32
      %dma_wait3A_63 = tpu.memref_slice %arg12[%add3A_39, %dma_wait3A_62] : memref<10240x128xf32, #tpu.memory_space<vmem_shared>> -> memref<128x128xf32, #tpu.memory_space<vmem_shared>>
      tpu.wait_dma2 semaphore(%run_scoped3A : memref<!tpu.dma_semaphore, #tpu.memory_space<semaphore_mem>>) src(%dma_wait3A_63 : memref<128x128xf32, #tpu.memory_space<vmem_shared>>) dst(%dma_wait3A_61 : memref<128x128xf32, #tpu.memory_space<hbm>>)
      tpu.yield
    }) : () -> ()
    %mul3A_40 = arith.constant 640 : i32
    %mul3A_41 = arith.muli %arg1, %mul3A_40 : i32
    %add3A_42 = arith.constant 128 : i32
    %add3A_43 = arith.addi %mul3A_41, %add3A_42 : i32
    "tpu.region"() ({
      %run_scoped3A = tpu.sem_alloc : memref<!tpu.dma_semaphore, #tpu.memory_space<semaphore_mem>>
      %dma_start3A = arith.constant 0 : i32
      %dma_start3A_56 = tpu.memref_slice %arg5[%arg0, %add3A_43, %dma_start3A] : memref<2x10240x128xf32, #tpu.memory_space<hbm>> -> memref<1x128x128xf32, #tpu.memory_space<hbm>>
      %dma_start3A_57 = tpu.memref_squeeze %dma_start3A_56 : memref<1x128x128xf32, #tpu.memory_space<hbm>> -> memref<128x128xf32, #tpu.memory_space<hbm>>
      %dma_start3A_58 = arith.constant 0 : i32
      %dma_start3A_59 = tpu.memref_slice %arg12[%add3A_43, %dma_start3A_58] : memref<10240x128xf32, #tpu.memory_space<vmem_shared>> -> memref<128x128xf32, #tpu.memory_space<vmem_shared>>
      tpu.enqueue_dma source(%dma_start3A_59 : memref<128x128xf32, #tpu.memory_space<vmem_shared>>) target(%dma_start3A_57 : memref<128x128xf32, #tpu.memory_space<hbm>>) target_semaphore(%run_scoped3A : memref<!tpu.dma_semaphore, #tpu.memory_space<semaphore_mem>>)
      %dma_wait3A = arith.constant 0 : i32
      %dma_wait3A_60 = tpu.memref_slice %arg5[%arg0, %add3A_43, %dma_wait3A] : memref<2x10240x128xf32, #tpu.memory_space<hbm>> -> memref<1x128x128xf32, #tpu.memory_space<hbm>>
      %dma_wait3A_61 = tpu.memref_squeeze %dma_wait3A_60 : memref<1x128x128xf32, #tpu.memory_space<hbm>> -> memref<128x128xf32, #tpu.memory_space<hbm>>
      %dma_wait3A_62 = arith.constant 0 : i32
      %dma_wait3A_63 = tpu.memref_slice %arg12[%add3A_43, %dma_wait3A_62] : memref<10240x128xf32, #tpu.memory_space<vmem_shared>> -> memref<128x128xf32, #tpu.memory_space<vmem_shared>>
      tpu.wait_dma2 semaphore(%run_scoped3A : memref<!tpu.dma_semaphore, #tpu.memory_space<semaphore_mem>>) src(%dma_wait3A_63 : memref<128x128xf32, #tpu.memory_space<vmem_shared>>) dst(%dma_wait3A_61 : memref<128x128xf32, #tpu.memory_space<hbm>>)
      tpu.yield
    }) : () -> ()
    %mul3A_44 = arith.constant 640 : i32
    %mul3A_45 = arith.muli %arg1, %mul3A_44 : i32
    %add3A_46 = arith.constant 256 : i32
    %add3A_47 = arith.addi %mul3A_45, %add3A_46 : i32
    "tpu.region"() ({
      %run_scoped3A = tpu.sem_alloc : memref<!tpu.dma_semaphore, #tpu.memory_space<semaphore_mem>>
      %dma_start3A = arith.constant 0 : i32
      %dma_start3A_56 = tpu.memref_slice %arg5[%arg0, %add3A_47, %dma_start3A] : memref<2x10240x128xf32, #tpu.memory_space<hbm>> -> memref<1x128x128xf32, #tpu.memory_space<hbm>>
      %dma_start3A_57 = tpu.memref_squeeze %dma_start3A_56 : memref<1x128x128xf32, #tpu.memory_space<hbm>> -> memref<128x128xf32, #tpu.memory_space<hbm>>
      %dma_start3A_58 = arith.constant 0 : i32
      %dma_start3A_59 = tpu.memref_slice %arg12[%add3A_47, %dma_start3A_58] : memref<10240x128xf32, #tpu.memory_space<vmem_shared>> -> memref<128x128xf32, #tpu.memory_space<vmem_shared>>
      tpu.enqueue_dma source(%dma_start3A_59 : memref<128x128xf32, #tpu.memory_space<vmem_shared>>) target(%dma_start3A_57 : memref<128x128xf32, #tpu.memory_space<hbm>>) target_semaphore(%run_scoped3A : memref<!tpu.dma_semaphore, #tpu.memory_space<semaphore_mem>>)
      %dma_wait3A = arith.constant 0 : i32
      %dma_wait3A_60 = tpu.memref_slice %arg5[%arg0, %add3A_47, %dma_wait3A] : memref<2x10240x128xf32, #tpu.memory_space<hbm>> -> memref<1x128x128xf32, #tpu.memory_space<hbm>>
      %dma_wait3A_61 = tpu.memref_squeeze %dma_wait3A_60 : memref<1x128x128xf32, #tpu.memory_space<hbm>> -> memref<128x128xf32, #tpu.memory_space<hbm>>
      %dma_wait3A_62 = arith.constant 0 : i32
      %dma_wait3A_63 = tpu.memref_slice %arg12[%add3A_47, %dma_wait3A_62] : memref<10240x128xf32, #tpu.memory_space<vmem_shared>> -> memref<128x128xf32, #tpu.memory_space<vmem_shared>>
      tpu.wait_dma2 semaphore(%run_scoped3A : memref<!tpu.dma_semaphore, #tpu.memory_space<semaphore_mem>>) src(%dma_wait3A_63 : memref<128x128xf32, #tpu.memory_space<vmem_shared>>) dst(%dma_wait3A_61 : memref<128x128xf32, #tpu.memory_space<hbm>>)
      tpu.yield
    }) : () -> ()
    %mul3A_48 = arith.constant 640 : i32
    %mul3A_49 = arith.muli %arg1, %mul3A_48 : i32
    %add3A_50 = arith.constant 384 : i32
    %add3A_51 = arith.addi %mul3A_49, %add3A_50 : i32
    "tpu.region"() ({
      %run_scoped3A = tpu.sem_alloc : memref<!tpu.dma_semaphore, #tpu.memory_space<semaphore_mem>>
      %dma_start3A = arith.constant 0 : i32
      %dma_start3A_56 = tpu.memref_slice %arg5[%arg0, %add3A_51, %dma_start3A] : memref<2x10240x128xf32, #tpu.memory_space<hbm>> -> memref<1x128x128xf32, #tpu.memory_space<hbm>>
      %dma_start3A_57 = tpu.memref_squeeze %dma_start3A_56 : memref<1x128x128xf32, #tpu.memory_space<hbm>> -> memref<128x128xf32, #tpu.memory_space<hbm>>
      %dma_start3A_58 = arith.constant 0 : i32
      %dma_start3A_59 = tpu.memref_slice %arg12[%add3A_51, %dma_start3A_58] : memref<10240x128xf32, #tpu.memory_space<vmem_shared>> -> memref<128x128xf32, #tpu.memory_space<vmem_shared>>
      tpu.enqueue_dma source(%dma_start3A_59 : memref<128x128xf32, #tpu.memory_space<vmem_shared>>) target(%dma_start3A_57 : memref<128x128xf32, #tpu.memory_space<hbm>>) target_semaphore(%run_scoped3A : memref<!tpu.dma_semaphore, #tpu.memory_space<semaphore_mem>>)
      %dma_wait3A = arith.constant 0 : i32
      %dma_wait3A_60 = tpu.memref_slice %arg5[%arg0, %add3A_51, %dma_wait3A] : memref<2x10240x128xf32, #tpu.memory_space<hbm>> -> memref<1x128x128xf32, #tpu.memory_space<hbm>>
      %dma_wait3A_61 = tpu.memref_squeeze %dma_wait3A_60 : memref<1x128x128xf32, #tpu.memory_space<hbm>> -> memref<128x128xf32, #tpu.memory_space<hbm>>
      %dma_wait3A_62 = arith.constant 0 : i32
      %dma_wait3A_63 = tpu.memref_slice %arg12[%add3A_51, %dma_wait3A_62] : memref<10240x128xf32, #tpu.memory_space<vmem_shared>> -> memref<128x128xf32, #tpu.memory_space<vmem_shared>>
      tpu.wait_dma2 semaphore(%run_scoped3A : memref<!tpu.dma_semaphore, #tpu.memory_space<semaphore_mem>>) src(%dma_wait3A_63 : memref<128x128xf32, #tpu.memory_space<vmem_shared>>) dst(%dma_wait3A_61 : memref<128x128xf32, #tpu.memory_space<hbm>>)
      tpu.yield
    }) : () -> ()
    %mul3A_52 = arith.constant 640 : i32
    %mul3A_53 = arith.muli %arg1, %mul3A_52 : i32
    %add3A_54 = arith.constant 512 : i32
    %add3A_55 = arith.addi %mul3A_53, %add3A_54 : i32
    "tpu.region"() ({
      %run_scoped3A = tpu.sem_alloc : memref<!tpu.dma_semaphore, #tpu.memory_space<semaphore_mem>>
      %dma_start3A = arith.constant 0 : i32
      %dma_start3A_56 = tpu.memref_slice %arg5[%arg0, %add3A_55, %dma_start3A] : memref<2x10240x128xf32, #tpu.memory_space<hbm>> -> memref<1x128x128xf32, #tpu.memory_space<hbm>>
      %dma_start3A_57 = tpu.memref_squeeze %dma_start3A_56 : memref<1x128x128xf32, #tpu.memory_space<hbm>> -> memref<128x128xf32, #tpu.memory_space<hbm>>
      %dma_start3A_58 = arith.constant 0 : i32
      %dma_start3A_59 = tpu.memref_slice %arg12[%add3A_55, %dma_start3A_58] : memref<10240x128xf32, #tpu.memory_space<vmem_shared>> -> memref<128x128xf32, #tpu.memory_space<vmem_shared>>
      tpu.enqueue_dma source(%dma_start3A_59 : memref<128x128xf32, #tpu.memory_space<vmem_shared>>) target(%dma_start3A_57 : memref<128x128xf32, #tpu.memory_space<hbm>>) target_semaphore(%run_scoped3A : memref<!tpu.dma_semaphore, #tpu.memory_space<semaphore_mem>>)
      %dma_wait3A = arith.constant 0 : i32
      %dma_wait3A_60 = tpu.memref_slice %arg5[%arg0, %add3A_55, %dma_wait3A] : memref<2x10240x128xf32, #tpu.memory_space<hbm>> -> memref<1x128x128xf32, #tpu.memory_space<hbm>>
      %dma_wait3A_61 = tpu.memref_squeeze %dma_wait3A_60 : memref<1x128x128xf32, #tpu.memory_space<hbm>> -> memref<128x128xf32, #tpu.memory_space<hbm>>
      %dma_wait3A_62 = arith.constant 0 : i32
      %dma_wait3A_63 = tpu.memref_slice %arg12[%add3A_55, %dma_wait3A_62] : memref<10240x128xf32, #tpu.memory_space<vmem_shared>> -> memref<128x128xf32, #tpu.memory_space<vmem_shared>>
      tpu.wait_dma2 semaphore(%run_scoped3A : memref<!tpu.dma_semaphore, #tpu.memory_space<semaphore_mem>>) src(%dma_wait3A_63 : memref<128x128xf32, #tpu.memory_space<vmem_shared>>) dst(%dma_wait3A_61 : memref<128x128xf32, #tpu.memory_space<hbm>>)
      tpu.yield
    }) : () -> ()
    return
  }
}

#map = affine_map<(d0, d1) -> (0, 0)>
#map1 = affine_map<(d0, d1) -> (0, 0, 0, 0)>
#map2 = affine_map<(d0, d1) -> (0, 0, 0)>
module attributes {stable_mosaic.version = 14 : i64} {
  func.func @_msgpass_body(%arg0: i32, %arg1: i32, %arg2: memref<10000x128xf32, #tpu.memory_space<hbm>>, %arg3: memref<32x10x8x128xi32, #tpu.memory_space<hbm>>, %arg4: memref<32x10x8x128xi32, #tpu.memory_space<hbm>>, %arg5: memref<2x10240x128xf32, #tpu.memory_space<hbm>>, %arg6: memref<8x128xi32, #tpu.memory_space<vmem>>, %arg7: memref<8x128xi32, #tpu.memory_space<vmem>>, %arg8: memref<128x128xf32, #tpu.memory_space<vmem>>, %arg9: memref<128x128xf32, #tpu.memory_space<vmem>>, %arg10: memref<!tpu.dma_semaphore, #tpu.memory_space<semaphore_mem>>, %arg11: memref<!tpu.dma_semaphore, #tpu.memory_space<semaphore_mem>>, %arg12: memref<10240x128xf32, #tpu.memory_space<vmem_shared>>) attributes {dimension_semantics = [#tpu.dimension_semantics<core_parallel>, #tpu.dimension_semantics<subcore_parallel>], iteration_bounds = array<i64: 2, 16>, scalar_prefetch = 0 : i64, scratch_operands = 7 : i64, tpu.core_type = #tpu.core_type<sc_vector_subcore>, window_params = [{transform_indices = #map}, {transform_indices = #map1}, {transform_indices = #map1}, {transform_indices = #map2}]} {
    %mul3A = arith.constant 2 : i32
    %mul3A_0 = arith.muli %arg1, %mul3A : i32
    %add3A = arith.addi %mul3A_0, %arg0 : i32
    %broadcast_in_dim3A = arith.constant 0.000000e+00 : f32
    %broadcast_in_dim3A_1 = vector.broadcast %broadcast_in_dim3A : f32 to vector<16xf32>
    %scan3A = arith.constant 0 : i32
    %scan3A_2 = arith.constant 0 : i32
    %scan3A_3 = arith.constant 128 : i32
    %scan3A_4 = arith.addi %scan3A_2, %scan3A_3 : i32
    %scan3A_5 = arith.constant 1 : i32
    %scan3A_6 = scf.for %scan3A_56 = %scan3A_2 to %scan3A_4 step %scan3A_5 iter_args(%scan3A_57 = %scan3A) -> (i32)  : i32 {
      %swap3A = arith.index_cast %scan3A_56 : i32 to index
      %swap3A_58 = arith.constant 0 : index
      %swap3A_59 = tpu.vector_load %arg8[%swap3A, %swap3A_58] {strides = array<i32>} : memref<128x128xf32, #tpu.memory_space<vmem>>, vector<1x16xf32>,
      %swap3A_60 = vector.shape_cast %swap3A_59 : vector<1x16xf32> to vector<16xf32>
      %swap3A_61 = vector.shape_cast %broadcast_in_dim3A_1 : vector<16xf32> to vector<1x16xf32>
      tpu.vector_store %arg8[%swap3A, %swap3A_58], %swap3A_61 {strides = array<i32>} : memref<128x128xf32, #tpu.memory_space<vmem>>, vector<1x16xf32>,
      %swap3A_62 = arith.index_cast %scan3A_56 : i32 to index
      %swap3A_63 = arith.constant 16 : index
      %swap3A_64 = tpu.vector_load %arg8[%swap3A_62, %swap3A_63] {strides = array<i32>} : memref<128x128xf32, #tpu.memory_space<vmem>>, vector<1x16xf32>,
      %swap3A_65 = vector.shape_cast %swap3A_64 : vector<1x16xf32> to vector<16xf32>
      %swap3A_66 = vector.shape_cast %broadcast_in_dim3A_1 : vector<16xf32> to vector<1x16xf32>
      tpu.vector_store %arg8[%swap3A_62, %swap3A_63], %swap3A_66 {strides = array<i32>} : memref<128x128xf32, #tpu.memory_space<vmem>>, vector<1x16xf32>,
      %swap3A_67 = arith.index_cast %scan3A_56 : i32 to index
      %swap3A_68 = arith.constant 32 : index
      %swap3A_69 = tpu.vector_load %arg8[%swap3A_67, %swap3A_68] {strides = array<i32>} : memref<128x128xf32, #tpu.memory_space<vmem>>, vector<1x16xf32>,
      %swap3A_70 = vector.shape_cast %swap3A_69 : vector<1x16xf32> to vector<16xf32>
      %swap3A_71 = vector.shape_cast %broadcast_in_dim3A_1 : vector<16xf32> to vector<1x16xf32>
      tpu.vector_store %arg8[%swap3A_67, %swap3A_68], %swap3A_71 {strides = array<i32>} : memref<128x128xf32, #tpu.memory_space<vmem>>, vector<1x16xf32>,
      %swap3A_72 = arith.index_cast %scan3A_56 : i32 to index
      %swap3A_73 = arith.constant 48 : index
      %swap3A_74 = tpu.vector_load %arg8[%swap3A_72, %swap3A_73] {strides = array<i32>} : memref<128x128xf32, #tpu.memory_space<vmem>>, vector<1x16xf32>,
      %swap3A_75 = vector.shape_cast %swap3A_74 : vector<1x16xf32> to vector<16xf32>
      %swap3A_76 = vector.shape_cast %broadcast_in_dim3A_1 : vector<16xf32> to vector<1x16xf32>
      tpu.vector_store %arg8[%swap3A_72, %swap3A_73], %swap3A_76 {strides = array<i32>} : memref<128x128xf32, #tpu.memory_space<vmem>>, vector<1x16xf32>,
      %swap3A_77 = arith.index_cast %scan3A_56 : i32 to index
      %swap3A_78 = arith.constant 64 : index
      %swap3A_79 = tpu.vector_load %arg8[%swap3A_77, %swap3A_78] {strides = array<i32>} : memref<128x128xf32, #tpu.memory_space<vmem>>, vector<1x16xf32>,
      %swap3A_80 = vector.shape_cast %swap3A_79 : vector<1x16xf32> to vector<16xf32>
      %swap3A_81 = vector.shape_cast %broadcast_in_dim3A_1 : vector<16xf32> to vector<1x16xf32>
      tpu.vector_store %arg8[%swap3A_77, %swap3A_78], %swap3A_81 {strides = array<i32>} : memref<128x128xf32, #tpu.memory_space<vmem>>, vector<1x16xf32>,
      %swap3A_82 = arith.index_cast %scan3A_56 : i32 to index
      %swap3A_83 = arith.constant 80 : index
      %swap3A_84 = tpu.vector_load %arg8[%swap3A_82, %swap3A_83] {strides = array<i32>} : memref<128x128xf32, #tpu.memory_space<vmem>>, vector<1x16xf32>,
      %swap3A_85 = vector.shape_cast %swap3A_84 : vector<1x16xf32> to vector<16xf32>
      %swap3A_86 = vector.shape_cast %broadcast_in_dim3A_1 : vector<16xf32> to vector<1x16xf32>
      tpu.vector_store %arg8[%swap3A_82, %swap3A_83], %swap3A_86 {strides = array<i32>} : memref<128x128xf32, #tpu.memory_space<vmem>>, vector<1x16xf32>,
      %swap3A_87 = arith.index_cast %scan3A_56 : i32 to index
      %swap3A_88 = arith.constant 96 : index
      %swap3A_89 = tpu.vector_load %arg8[%swap3A_87, %swap3A_88] {strides = array<i32>} : memref<128x128xf32, #tpu.memory_space<vmem>>, vector<1x16xf32>,
      %swap3A_90 = vector.shape_cast %swap3A_89 : vector<1x16xf32> to vector<16xf32>
      %swap3A_91 = vector.shape_cast %broadcast_in_dim3A_1 : vector<16xf32> to vector<1x16xf32>
      tpu.vector_store %arg8[%swap3A_87, %swap3A_88], %swap3A_91 {strides = array<i32>} : memref<128x128xf32, #tpu.memory_space<vmem>>, vector<1x16xf32>,
      %swap3A_92 = arith.index_cast %scan3A_56 : i32 to index
      %swap3A_93 = arith.constant 112 : index
      %swap3A_94 = tpu.vector_load %arg8[%swap3A_92, %swap3A_93] {strides = array<i32>} : memref<128x128xf32, #tpu.memory_space<vmem>>, vector<1x16xf32>,
      %swap3A_95 = vector.shape_cast %swap3A_94 : vector<1x16xf32> to vector<16xf32>
      %swap3A_96 = vector.shape_cast %broadcast_in_dim3A_1 : vector<16xf32> to vector<1x16xf32>
      tpu.vector_store %arg8[%swap3A_92, %swap3A_93], %swap3A_96 {strides = array<i32>} : memref<128x128xf32, #tpu.memory_space<vmem>>, vector<1x16xf32>,
      %scan3A_97 = arith.constant 0 : i32
      scf.yield %scan3A_97 : i32
    }
    %scan3A_7 = arith.constant 128 : i32
    %mul3A_8 = arith.constant 640 : i32
    %mul3A_9 = arith.muli %arg1, %mul3A_8 : i32
    %add3A_10 = arith.constant 0 : i32
    %add3A_11 = arith.addi %mul3A_9, %add3A_10 : i32
    "tpu.region"() ({
      %run_scoped3A = tpu.sem_alloc : memref<!tpu.dma_semaphore, #tpu.memory_space<semaphore_mem>>
      %dma_start3A = arith.constant 0 : i32
      %dma_start3A_56 = tpu.memref_slice %arg12[%add3A_11, %dma_start3A] : memref<10240x128xf32, #tpu.memory_space<vmem_shared>> -> memref<128x128xf32, #tpu.memory_space<vmem_shared>>
      %dma_start3A_57 = arith.constant 0 : i32
      %dma_start3A_58 = tpu.memref_slice %arg12[%add3A_11, %dma_start3A_57] : memref<10240x128xf32, #tpu.memory_space<vmem_shared>> -> memref<128x128xf32, #tpu.memory_space<vmem_shared>>
      tpu.enqueue_dma source(%arg8 : memref<128x128xf32, #tpu.memory_space<vmem>>) target(%dma_start3A_58 : memref<128x128xf32, #tpu.memory_space<vmem_shared>>) target_semaphore(%run_scoped3A : memref<!tpu.dma_semaphore, #tpu.memory_space<semaphore_mem>>)
      %dma_wait3A = arith.constant 0 : i32
      %dma_wait3A_59 = tpu.memref_slice %arg12[%add3A_11, %dma_wait3A] : memref<10240x128xf32, #tpu.memory_space<vmem_shared>> -> memref<128x128xf32, #tpu.memory_space<vmem_shared>>
      %dma_wait3A_60 = arith.constant 0 : i32
      %dma_wait3A_61 = tpu.memref_slice %arg12[%add3A_11, %dma_wait3A_60] : memref<10240x128xf32, #tpu.memory_space<vmem_shared>> -> memref<128x128xf32, #tpu.memory_space<vmem_shared>>
      tpu.wait_dma2 semaphore(%run_scoped3A : memref<!tpu.dma_semaphore, #tpu.memory_space<semaphore_mem>>) src(%arg8 : memref<128x128xf32, #tpu.memory_space<vmem>>) dst(%dma_wait3A_61 : memref<128x128xf32, #tpu.memory_space<vmem_shared>>)
      tpu.yield
    }) : () -> ()
    %mul3A_12 = arith.constant 640 : i32
    %mul3A_13 = arith.muli %arg1, %mul3A_12 : i32
    %add3A_14 = arith.constant 128 : i32
    %add3A_15 = arith.addi %mul3A_13, %add3A_14 : i32
    "tpu.region"() ({
      %run_scoped3A = tpu.sem_alloc : memref<!tpu.dma_semaphore, #tpu.memory_space<semaphore_mem>>
      %dma_start3A = arith.constant 0 : i32
      %dma_start3A_56 = tpu.memref_slice %arg12[%add3A_15, %dma_start3A] : memref<10240x128xf32, #tpu.memory_space<vmem_shared>> -> memref<128x128xf32, #tpu.memory_space<vmem_shared>>
      %dma_start3A_57 = arith.constant 0 : i32
      %dma_start3A_58 = tpu.memref_slice %arg12[%add3A_15, %dma_start3A_57] : memref<10240x128xf32, #tpu.memory_space<vmem_shared>> -> memref<128x128xf32, #tpu.memory_space<vmem_shared>>
      tpu.enqueue_dma source(%arg8 : memref<128x128xf32, #tpu.memory_space<vmem>>) target(%dma_start3A_58 : memref<128x128xf32, #tpu.memory_space<vmem_shared>>) target_semaphore(%run_scoped3A : memref<!tpu.dma_semaphore, #tpu.memory_space<semaphore_mem>>)
      %dma_wait3A = arith.constant 0 : i32
      %dma_wait3A_59 = tpu.memref_slice %arg12[%add3A_15, %dma_wait3A] : memref<10240x128xf32, #tpu.memory_space<vmem_shared>> -> memref<128x128xf32, #tpu.memory_space<vmem_shared>>
      %dma_wait3A_60 = arith.constant 0 : i32
      %dma_wait3A_61 = tpu.memref_slice %arg12[%add3A_15, %dma_wait3A_60] : memref<10240x128xf32, #tpu.memory_space<vmem_shared>> -> memref<128x128xf32, #tpu.memory_space<vmem_shared>>
      tpu.wait_dma2 semaphore(%run_scoped3A : memref<!tpu.dma_semaphore, #tpu.memory_space<semaphore_mem>>) src(%arg8 : memref<128x128xf32, #tpu.memory_space<vmem>>) dst(%dma_wait3A_61 : memref<128x128xf32, #tpu.memory_space<vmem_shared>>)
      tpu.yield
    }) : () -> ()
    %mul3A_16 = arith.constant 640 : i32
    %mul3A_17 = arith.muli %arg1, %mul3A_16 : i32
    %add3A_18 = arith.constant 256 : i32
    %add3A_19 = arith.addi %mul3A_17, %add3A_18 : i32
    "tpu.region"() ({
      %run_scoped3A = tpu.sem_alloc : memref<!tpu.dma_semaphore, #tpu.memory_space<semaphore_mem>>
      %dma_start3A = arith.constant 0 : i32
      %dma_start3A_56 = tpu.memref_slice %arg12[%add3A_19, %dma_start3A] : memref<10240x128xf32, #tpu.memory_space<vmem_shared>> -> memref<128x128xf32, #tpu.memory_space<vmem_shared>>
      %dma_start3A_57 = arith.constant 0 : i32
      %dma_start3A_58 = tpu.memref_slice %arg12[%add3A_19, %dma_start3A_57] : memref<10240x128xf32, #tpu.memory_space<vmem_shared>> -> memref<128x128xf32, #tpu.memory_space<vmem_shared>>
      tpu.enqueue_dma source(%arg8 : memref<128x128xf32, #tpu.memory_space<vmem>>) target(%dma_start3A_58 : memref<128x128xf32, #tpu.memory_space<vmem_shared>>) target_semaphore(%run_scoped3A : memref<!tpu.dma_semaphore, #tpu.memory_space<semaphore_mem>>)
      %dma_wait3A = arith.constant 0 : i32
      %dma_wait3A_59 = tpu.memref_slice %arg12[%add3A_19, %dma_wait3A] : memref<10240x128xf32, #tpu.memory_space<vmem_shared>> -> memref<128x128xf32, #tpu.memory_space<vmem_shared>>
      %dma_wait3A_60 = arith.constant 0 : i32
      %dma_wait3A_61 = tpu.memref_slice %arg12[%add3A_19, %dma_wait3A_60] : memref<10240x128xf32, #tpu.memory_space<vmem_shared>> -> memref<128x128xf32, #tpu.memory_space<vmem_shared>>
      tpu.wait_dma2 semaphore(%run_scoped3A : memref<!tpu.dma_semaphore, #tpu.memory_space<semaphore_mem>>) src(%arg8 : memref<128x128xf32, #tpu.memory_space<vmem>>) dst(%dma_wait3A_61 : memref<128x128xf32, #tpu.memory_space<vmem_shared>>)
      tpu.yield
    }) : () -> ()
    %mul3A_20 = arith.constant 640 : i32
    %mul3A_21 = arith.muli %arg1, %mul3A_20 : i32
    %add3A_22 = arith.constant 384 : i32
    %add3A_23 = arith.addi %mul3A_21, %add3A_22 : i32
    "tpu.region"() ({
      %run_scoped3A = tpu.sem_alloc : memref<!tpu.dma_semaphore, #tpu.memory_space<semaphore_mem>>
      %dma_start3A = arith.constant 0 : i32
      %dma_start3A_56 = tpu.memref_slice %arg12[%add3A_23, %dma_start3A] : memref<10240x128xf32, #tpu.memory_space<vmem_shared>> -> memref<128x128xf32, #tpu.memory_space<vmem_shared>>
      %dma_start3A_57 = arith.constant 0 : i32
      %dma_start3A_58 = tpu.memref_slice %arg12[%add3A_23, %dma_start3A_57] : memref<10240x128xf32, #tpu.memory_space<vmem_shared>> -> memref<128x128xf32, #tpu.memory_space<vmem_shared>>
      tpu.enqueue_dma source(%arg8 : memref<128x128xf32, #tpu.memory_space<vmem>>) target(%dma_start3A_58 : memref<128x128xf32, #tpu.memory_space<vmem_shared>>) target_semaphore(%run_scoped3A : memref<!tpu.dma_semaphore, #tpu.memory_space<semaphore_mem>>)
      %dma_wait3A = arith.constant 0 : i32
      %dma_wait3A_59 = tpu.memref_slice %arg12[%add3A_23, %dma_wait3A] : memref<10240x128xf32, #tpu.memory_space<vmem_shared>> -> memref<128x128xf32, #tpu.memory_space<vmem_shared>>
      %dma_wait3A_60 = arith.constant 0 : i32
      %dma_wait3A_61 = tpu.memref_slice %arg12[%add3A_23, %dma_wait3A_60] : memref<10240x128xf32, #tpu.memory_space<vmem_shared>> -> memref<128x128xf32, #tpu.memory_space<vmem_shared>>
      tpu.wait_dma2 semaphore(%run_scoped3A : memref<!tpu.dma_semaphore, #tpu.memory_space<semaphore_mem>>) src(%arg8 : memref<128x128xf32, #tpu.memory_space<vmem>>) dst(%dma_wait3A_61 : memref<128x128xf32, #tpu.memory_space<vmem_shared>>)
      tpu.yield
    }) : () -> ()
    %mul3A_24 = arith.constant 640 : i32
    %mul3A_25 = arith.muli %arg1, %mul3A_24 : i32
    %add3A_26 = arith.constant 512 : i32
    %add3A_27 = arith.addi %mul3A_25, %add3A_26 : i32
    "tpu.region"() ({
      %run_scoped3A = tpu.sem_alloc : memref<!tpu.dma_semaphore, #tpu.memory_space<semaphore_mem>>
      %dma_start3A = arith.constant 0 : i32
      %dma_start3A_56 = tpu.memref_slice %arg12[%add3A_27, %dma_start3A] : memref<10240x128xf32, #tpu.memory_space<vmem_shared>> -> memref<128x128xf32, #tpu.memory_space<vmem_shared>>
      %dma_start3A_57 = arith.constant 0 : i32
      %dma_start3A_58 = tpu.memref_slice %arg12[%add3A_27, %dma_start3A_57] : memref<10240x128xf32, #tpu.memory_space<vmem_shared>> -> memref<128x128xf32, #tpu.memory_space<vmem_shared>>
      tpu.enqueue_dma source(%arg8 : memref<128x128xf32, #tpu.memory_space<vmem>>) target(%dma_start3A_58 : memref<128x128xf32, #tpu.memory_space<vmem_shared>>) target_semaphore(%run_scoped3A : memref<!tpu.dma_semaphore, #tpu.memory_space<semaphore_mem>>)
      %dma_wait3A = arith.constant 0 : i32
      %dma_wait3A_59 = tpu.memref_slice %arg12[%add3A_27, %dma_wait3A] : memref<10240x128xf32, #tpu.memory_space<vmem_shared>> -> memref<128x128xf32, #tpu.memory_space<vmem_shared>>
      %dma_wait3A_60 = arith.constant 0 : i32
      %dma_wait3A_61 = tpu.memref_slice %arg12[%add3A_27, %dma_wait3A_60] : memref<10240x128xf32, #tpu.memory_space<vmem_shared>> -> memref<128x128xf32, #tpu.memory_space<vmem_shared>>
      tpu.wait_dma2 semaphore(%run_scoped3A : memref<!tpu.dma_semaphore, #tpu.memory_space<semaphore_mem>>) src(%arg8 : memref<128x128xf32, #tpu.memory_space<vmem>>) dst(%dma_wait3A_61 : memref<128x128xf32, #tpu.memory_space<vmem_shared>>)
      tpu.yield
    }) : () -> ()
    %barrier3A = arith.constant 0 : index
    tpu.barrier barrier_id(%barrier3A)
    %scan3A_28 = arith.constant 0 : i32
    %scan3A_29 = arith.constant 0 : i32
    %scan3A_30 = arith.constant 10 : i32
    %scan3A_31 = arith.addi %scan3A_29, %scan3A_30 : i32
    %scan3A_32 = arith.constant 1 : i32
    %scan3A_33 = scf.for %scan3A_56 = %scan3A_29 to %scan3A_31 step %scan3A_32 iter_args(%scan3A_57 = %scan3A_28) -> (i32)  : i32 {
      "tpu.region"() ({
        %run_scoped3A_176 = tpu.sem_alloc : memref<!tpu.dma_semaphore, #tpu.memory_space<semaphore_mem>>
        %dma_start3A_177 = arith.constant 0 : i32
        %dma_start3A_178 = arith.constant 0 : i32
        %dma_start3A_179 = tpu.memref_slice %arg3[%add3A, %scan3A_56, %dma_start3A_177, %dma_start3A_178] : memref<32x10x8x128xi32, #tpu.memory_space<hbm>> -> memref<1x1x8x128xi32, #tpu.memory_space<hbm>>
        %dma_start3A_180 = tpu.memref_squeeze %dma_start3A_179 : memref<1x1x8x128xi32, #tpu.memory_space<hbm>> -> memref<8x128xi32, #tpu.memory_space<hbm>>
        %dma_start3A_181 = arith.constant 0 : i32
        %dma_start3A_182 = arith.constant 0 : i32
        %dma_start3A_183 = tpu.memref_slice %arg3[%add3A, %scan3A_56, %dma_start3A_181, %dma_start3A_182] : memref<32x10x8x128xi32, #tpu.memory_space<hbm>> -> memref<1x1x8x128xi32, #tpu.memory_space<hbm>>
        %dma_start3A_184 = tpu.memref_squeeze %dma_start3A_183 : memref<1x1x8x128xi32, #tpu.memory_space<hbm>> -> memref<8x128xi32, #tpu.memory_space<hbm>>
        tpu.enqueue_dma source(%dma_start3A_184 : memref<8x128xi32, #tpu.memory_space<hbm>>) target(%arg6 : memref<8x128xi32, #tpu.memory_space<vmem>>) target_semaphore(%run_scoped3A_176 : memref<!tpu.dma_semaphore, #tpu.memory_space<semaphore_mem>>)
        %dma_wait3A_185 = arith.constant 0 : i32
        %dma_wait3A_186 = arith.constant 0 : i32
        %dma_wait3A_187 = tpu.memref_slice %arg3[%add3A, %scan3A_56, %dma_wait3A_185, %dma_wait3A_186] : memref<32x10x8x128xi32, #tpu.memory_space<hbm>> -> memref<1x1x8x128xi32, #tpu.memory_space<hbm>>
        %dma_wait3A_188 = tpu.memref_squeeze %dma_wait3A_187 : memref<1x1x8x128xi32, #tpu.memory_space<hbm>> -> memref<8x128xi32, #tpu.memory_space<hbm>>
        %dma_wait3A_189 = arith.constant 0 : i32
        %dma_wait3A_190 = arith.constant 0 : i32
        %dma_wait3A_191 = tpu.memref_slice %arg3[%add3A, %scan3A_56, %dma_wait3A_189, %dma_wait3A_190] : memref<32x10x8x128xi32, #tpu.memory_space<hbm>> -> memref<1x1x8x128xi32, #tpu.memory_space<hbm>>
        %dma_wait3A_192 = tpu.memref_squeeze %dma_wait3A_191 : memref<1x1x8x128xi32, #tpu.memory_space<hbm>> -> memref<8x128xi32, #tpu.memory_space<hbm>>
        tpu.wait_dma2 semaphore(%run_scoped3A_176 : memref<!tpu.dma_semaphore, #tpu.memory_space<semaphore_mem>>) src(%dma_wait3A_192 : memref<8x128xi32, #tpu.memory_space<hbm>>) dst(%arg6 : memref<8x128xi32, #tpu.memory_space<vmem>>)
        tpu.yield
      }) : () -> ()
      "tpu.region"() ({
        %run_scoped3A_176 = tpu.sem_alloc : memref<!tpu.dma_semaphore, #tpu.memory_space<semaphore_mem>>
        %dma_start3A_177 = arith.constant 0 : i32
        %dma_start3A_178 = arith.constant 0 : i32
        %dma_start3A_179 = tpu.memref_slice %arg4[%add3A, %scan3A_56, %dma_start3A_177, %dma_start3A_178] : memref<32x10x8x128xi32, #tpu.memory_space<hbm>> -> memref<1x1x8x128xi32, #tpu.memory_space<hbm>>
        %dma_start3A_180 = tpu.memref_squeeze %dma_start3A_179 : memref<1x1x8x128xi32, #tpu.memory_space<hbm>> -> memref<8x128xi32, #tpu.memory_space<hbm>>
        %dma_start3A_181 = arith.constant 0 : i32
        %dma_start3A_182 = arith.constant 0 : i32
        %dma_start3A_183 = tpu.memref_slice %arg4[%add3A, %scan3A_56, %dma_start3A_181, %dma_start3A_182] : memref<32x10x8x128xi32, #tpu.memory_space<hbm>> -> memref<1x1x8x128xi32, #tpu.memory_space<hbm>>
        %dma_start3A_184 = tpu.memref_squeeze %dma_start3A_183 : memref<1x1x8x128xi32, #tpu.memory_space<hbm>> -> memref<8x128xi32, #tpu.memory_space<hbm>>
        tpu.enqueue_dma source(%dma_start3A_184 : memref<8x128xi32, #tpu.memory_space<hbm>>) target(%arg7 : memref<8x128xi32, #tpu.memory_space<vmem>>) target_semaphore(%run_scoped3A_176 : memref<!tpu.dma_semaphore, #tpu.memory_space<semaphore_mem>>)
        %dma_wait3A_185 = arith.constant 0 : i32
        %dma_wait3A_186 = arith.constant 0 : i32
        %dma_wait3A_187 = tpu.memref_slice %arg4[%add3A, %scan3A_56, %dma_wait3A_185, %dma_wait3A_186] : memref<32x10x8x128xi32, #tpu.memory_space<hbm>> -> memref<1x1x8x128xi32, #tpu.memory_space<hbm>>
        %dma_wait3A_188 = tpu.memref_squeeze %dma_wait3A_187 : memref<1x1x8x128xi32, #tpu.memory_space<hbm>> -> memref<8x128xi32, #tpu.memory_space<hbm>>
        %dma_wait3A_189 = arith.constant 0 : i32
        %dma_wait3A_190 = arith.constant 0 : i32
        %dma_wait3A_191 = tpu.memref_slice %arg4[%add3A, %scan3A_56, %dma_wait3A_189, %dma_wait3A_190] : memref<32x10x8x128xi32, #tpu.memory_space<hbm>> -> memref<1x1x8x128xi32, #tpu.memory_space<hbm>>
        %dma_wait3A_192 = tpu.memref_squeeze %dma_wait3A_191 : memref<1x1x8x128xi32, #tpu.memory_space<hbm>> -> memref<8x128xi32, #tpu.memory_space<hbm>>
        tpu.wait_dma2 semaphore(%run_scoped3A_176 : memref<!tpu.dma_semaphore, #tpu.memory_space<semaphore_mem>>) src(%dma_wait3A_192 : memref<8x128xi32, #tpu.memory_space<hbm>>) dst(%arg7 : memref<8x128xi32, #tpu.memory_space<vmem>>)
        tpu.yield
      }) : () -> ()
      %dma_start3A = arith.constant 0 : i32
      %dma_start3A_58 = arith.constant 0 : i32
      %dma_start3A_59 = tpu.memref_slice %arg6[%dma_start3A, %dma_start3A_58] : memref<8x128xi32, #tpu.memory_space<vmem>> -> memref<1x128xi32, #tpu.memory_space<vmem>>
      %dma_start3A_60 = tpu.memref_squeeze %dma_start3A_59 : memref<1x128xi32, #tpu.memory_space<vmem>> -> memref<128xi32, #tpu.memory_space<vmem>>
      %dma_start3A_61 = arith.constant 0 : i32
      %dma_start3A_62 = arith.constant 0 : i32
      %dma_start3A_63 = tpu.memref_slice %arg2[%dma_start3A_61, %dma_start3A_62] : memref<10000x128xf32, #tpu.memory_space<hbm>> -> memref<10000x128xf32, #tpu.memory_space<hbm>>
      tpu.enqueue_indirect_dma source(%dma_start3A_63 : memref<10000x128xf32, #tpu.memory_space<hbm>>) target(%arg8 : memref<128x128xf32, #tpu.memory_space<vmem>>) offsets(%dma_start3A_60 : memref<128xi32, #tpu.memory_space<vmem>>) semaphore(%arg10 : memref<!tpu.dma_semaphore, #tpu.memory_space<semaphore_mem>>)
      %dma_start3A_64 = arith.constant 1 : i32
      %dma_start3A_65 = arith.constant 0 : i32
      %dma_start3A_66 = tpu.memref_slice %arg6[%dma_start3A_64, %dma_start3A_65] : memref<8x128xi32, #tpu.memory_space<vmem>> -> memref<1x128xi32, #tpu.memory_space<vmem>>
      %dma_start3A_67 = tpu.memref_squeeze %dma_start3A_66 : memref<1x128xi32, #tpu.memory_space<vmem>> -> memref<128xi32, #tpu.memory_space<vmem>>
      %dma_start3A_68 = arith.constant 0 : i32
      %dma_start3A_69 = arith.constant 0 : i32
      %dma_start3A_70 = tpu.memref_slice %arg2[%dma_start3A_68, %dma_start3A_69] : memref<10000x128xf32, #tpu.memory_space<hbm>> -> memref<10000x128xf32, #tpu.memory_space<hbm>>
      tpu.enqueue_indirect_dma source(%dma_start3A_70 : memref<10000x128xf32, #tpu.memory_space<hbm>>) target(%arg9 : memref<128x128xf32, #tpu.memory_space<vmem>>) offsets(%dma_start3A_67 : memref<128xi32, #tpu.memory_space<vmem>>) semaphore(%arg11 : memref<!tpu.dma_semaphore, #tpu.memory_space<semaphore_mem>>)
      %dma_wait3A = arith.constant 0 : i32
      %dma_wait3A_71 = arith.constant 0 : i32
      %dma_wait3A_72 = tpu.memref_slice %arg6[%dma_wait3A, %dma_wait3A_71] : memref<8x128xi32, #tpu.memory_space<vmem>> -> memref<1x128xi32, #tpu.memory_space<vmem>>
      %dma_wait3A_73 = tpu.memref_squeeze %dma_wait3A_72 : memref<1x128xi32, #tpu.memory_space<vmem>> -> memref<128xi32, #tpu.memory_space<vmem>>
      %dma_wait3A_74 = arith.constant 0 : i32
      %dma_wait3A_75 = arith.constant 0 : i32
      %dma_wait3A_76 = tpu.memref_slice %arg2[%dma_wait3A_74, %dma_wait3A_75] : memref<10000x128xf32, #tpu.memory_space<hbm>> -> memref<10000x128xf32, #tpu.memory_space<hbm>>
      tpu.wait_indirect_dma semaphore(%arg10 : memref<!tpu.dma_semaphore, #tpu.memory_space<semaphore_mem>>) src(%dma_wait3A_76 : memref<10000x128xf32, #tpu.memory_space<hbm>>) dst(%arg8 : memref<128x128xf32, #tpu.memory_space<vmem>>)
      %run_scoped3A = arith.constant 0 : i32
      "tpu.region"() ({
        %run_scoped3A_176 = tpu.sem_alloc : memref<!tpu.dma_semaphore, #tpu.memory_space<semaphore_mem>>
        %dma_start3A_177 = arith.constant 0 : i32
        %dma_start3A_178 = tpu.memref_slice %arg7[%run_scoped3A, %dma_start3A_177] : memref<8x128xi32, #tpu.memory_space<vmem>> -> memref<1x128xi32, #tpu.memory_space<vmem>>
        %dma_start3A_179 = tpu.memref_squeeze %dma_start3A_178 : memref<1x128xi32, #tpu.memory_space<vmem>> -> memref<128xi32, #tpu.memory_space<vmem>>
        %dma_start3A_180 = arith.constant 0 : i32
        %dma_start3A_181 = arith.constant 0 : i32
        %dma_start3A_182 = tpu.memref_slice %arg12[%dma_start3A_180, %dma_start3A_181] : memref<10240x128xf32, #tpu.memory_space<vmem_shared>> -> memref<10240x128xf32, #tpu.memory_space<vmem_shared>>
        tpu.enqueue_indirect_dma source(%arg8 : memref<128x128xf32, #tpu.memory_space<vmem>>) target(%dma_start3A_182 : memref<10240x128xf32, #tpu.memory_space<vmem_shared>>) offsets(%dma_start3A_179 : memref<128xi32, #tpu.memory_space<vmem>>) semaphore(%run_scoped3A_176 : memref<!tpu.dma_semaphore, #tpu.memory_space<semaphore_mem>>) {add = true}
        %dma_wait3A_183 = arith.constant 0 : i32
        %dma_wait3A_184 = tpu.memref_slice %arg7[%run_scoped3A, %dma_wait3A_183] : memref<8x128xi32, #tpu.memory_space<vmem>> -> memref<1x128xi32, #tpu.memory_space<vmem>>
        %dma_wait3A_185 = tpu.memref_squeeze %dma_wait3A_184 : memref<1x128xi32, #tpu.memory_space<vmem>> -> memref<128xi32, #tpu.memory_space<vmem>>
        %dma_wait3A_186 = arith.constant 0 : i32
        %dma_wait3A_187 = arith.constant 0 : i32
        %dma_wait3A_188 = tpu.memref_slice %arg12[%dma_wait3A_186, %dma_wait3A_187] : memref<10240x128xf32, #tpu.memory_space<vmem_shared>> -> memref<10240x128xf32, #tpu.memory_space<vmem_shared>>
        tpu.wait_indirect_dma semaphore(%run_scoped3A_176 : memref<!tpu.dma_semaphore, #tpu.memory_space<semaphore_mem>>) src(%arg8 : memref<128x128xf32, #tpu.memory_space<vmem>>) dst(%dma_wait3A_188 : memref<10240x128xf32, #tpu.memory_space<vmem_shared>>)
        tpu.yield
      }) : () -> ()
      %dma_start3A_77 = arith.constant 2 : i32
      %dma_start3A_78 = arith.constant 0 : i32
      %dma_start3A_79 = tpu.memref_slice %arg6[%dma_start3A_77, %dma_start3A_78] : memref<8x128xi32, #tpu.memory_space<vmem>> -> memref<1x128xi32, #tpu.memory_space<vmem>>
      %dma_start3A_80 = tpu.memref_squeeze %dma_start3A_79 : memref<1x128xi32, #tpu.memory_space<vmem>> -> memref<128xi32, #tpu.memory_space<vmem>>
      %dma_start3A_81 = arith.constant 0 : i32
      %dma_start3A_82 = arith.constant 0 : i32
      %dma_start3A_83 = tpu.memref_slice %arg2[%dma_start3A_81, %dma_start3A_82] : memref<10000x128xf32, #tpu.memory_space<hbm>> -> memref<10000x128xf32, #tpu.memory_space<hbm>>
      tpu.enqueue_indirect_dma source(%dma_start3A_83 : memref<10000x128xf32, #tpu.memory_space<hbm>>) target(%arg8 : memref<128x128xf32, #tpu.memory_space<vmem>>) offsets(%dma_start3A_80 : memref<128xi32, #tpu.memory_space<vmem>>) semaphore(%arg10 : memref<!tpu.dma_semaphore, #tpu.memory_space<semaphore_mem>>)
      %dma_wait3A_84 = arith.constant 1 : i32
      %dma_wait3A_85 = arith.constant 0 : i32
      %dma_wait3A_86 = tpu.memref_slice %arg6[%dma_wait3A_84, %dma_wait3A_85] : memref<8x128xi32, #tpu.memory_space<vmem>> -> memref<1x128xi32, #tpu.memory_space<vmem>>
      %dma_wait3A_87 = tpu.memref_squeeze %dma_wait3A_86 : memref<1x128xi32, #tpu.memory_space<vmem>> -> memref<128xi32, #tpu.memory_space<vmem>>
      %dma_wait3A_88 = arith.constant 0 : i32
      %dma_wait3A_89 = arith.constant 0 : i32
      %dma_wait3A_90 = tpu.memref_slice %arg2[%dma_wait3A_88, %dma_wait3A_89] : memref<10000x128xf32, #tpu.memory_space<hbm>> -> memref<10000x128xf32, #tpu.memory_space<hbm>>
      tpu.wait_indirect_dma semaphore(%arg11 : memref<!tpu.dma_semaphore, #tpu.memory_space<semaphore_mem>>) src(%dma_wait3A_90 : memref<10000x128xf32, #tpu.memory_space<hbm>>) dst(%arg9 : memref<128x128xf32, #tpu.memory_space<vmem>>)
      %run_scoped3A_91 = arith.constant 1 : i32
      "tpu.region"() ({
        %run_scoped3A_176 = tpu.sem_alloc : memref<!tpu.dma_semaphore, #tpu.memory_space<semaphore_mem>>
        %dma_start3A_177 = arith.constant 0 : i32
        %dma_start3A_178 = tpu.memref_slice %arg7[%run_scoped3A_91, %dma_start3A_177] : memref<8x128xi32, #tpu.memory_space<vmem>> -> memref<1x128xi32, #tpu.memory_space<vmem>>
        %dma_start3A_179 = tpu.memref_squeeze %dma_start3A_178 : memref<1x128xi32, #tpu.memory_space<vmem>> -> memref<128xi32, #tpu.memory_space<vmem>>
        %dma_start3A_180 = arith.constant 0 : i32
        %dma_start3A_181 = arith.constant 0 : i32
        %dma_start3A_182 = tpu.memref_slice %arg12[%dma_start3A_180, %dma_start3A_181] : memref<10240x128xf32, #tpu.memory_space<vmem_shared>> -> memref<10240x128xf32, #tpu.memory_space<vmem_shared>>
        tpu.enqueue_indirect_dma source(%arg9 : memref<128x128xf32, #tpu.memory_space<vmem>>) target(%dma_start3A_182 : memref<10240x128xf32, #tpu.memory_space<vmem_shared>>) offsets(%dma_start3A_179 : memref<128xi32, #tpu.memory_space<vmem>>) semaphore(%run_scoped3A_176 : memref<!tpu.dma_semaphore, #tpu.memory_space<semaphore_mem>>) {add = true}
        %dma_wait3A_183 = arith.constant 0 : i32
        %dma_wait3A_184 = tpu.memref_slice %arg7[%run_scoped3A_91, %dma_wait3A_183] : memref<8x128xi32, #tpu.memory_space<vmem>> -> memref<1x128xi32, #tpu.memory_space<vmem>>
        %dma_wait3A_185 = tpu.memref_squeeze %dma_wait3A_184 : memref<1x128xi32, #tpu.memory_space<vmem>> -> memref<128xi32, #tpu.memory_space<vmem>>
        %dma_wait3A_186 = arith.constant 0 : i32
        %dma_wait3A_187 = arith.constant 0 : i32
        %dma_wait3A_188 = tpu.memref_slice %arg12[%dma_wait3A_186, %dma_wait3A_187] : memref<10240x128xf32, #tpu.memory_space<vmem_shared>> -> memref<10240x128xf32, #tpu.memory_space<vmem_shared>>
        tpu.wait_indirect_dma semaphore(%run_scoped3A_176 : memref<!tpu.dma_semaphore, #tpu.memory_space<semaphore_mem>>) src(%arg9 : memref<128x128xf32, #tpu.memory_space<vmem>>) dst(%dma_wait3A_188 : memref<10240x128xf32, #tpu.memory_space<vmem_shared>>)
        tpu.yield
      }) : () -> ()
      %dma_start3A_92 = arith.constant 3 : i32
      %dma_start3A_93 = arith.constant 0 : i32
      %dma_start3A_94 = tpu.memref_slice %arg6[%dma_start3A_92, %dma_start3A_93] : memref<8x128xi32, #tpu.memory_space<vmem>> -> memref<1x128xi32, #tpu.memory_space<vmem>>
      %dma_start3A_95 = tpu.memref_squeeze %dma_start3A_94 : memref<1x128xi32, #tpu.memory_space<vmem>> -> memref<128xi32, #tpu.memory_space<vmem>>
      %dma_start3A_96 = arith.constant 0 : i32
      %dma_start3A_97 = arith.constant 0 : i32
      %dma_start3A_98 = tpu.memref_slice %arg2[%dma_start3A_96, %dma_start3A_97] : memref<10000x128xf32, #tpu.memory_space<hbm>> -> memref<10000x128xf32, #tpu.memory_space<hbm>>
      tpu.enqueue_indirect_dma source(%dma_start3A_98 : memref<10000x128xf32, #tpu.memory_space<hbm>>) target(%arg9 : memref<128x128xf32, #tpu.memory_space<vmem>>) offsets(%dma_start3A_95 : memref<128xi32, #tpu.memory_space<vmem>>) semaphore(%arg11 : memref<!tpu.dma_semaphore, #tpu.memory_space<semaphore_mem>>)
      %dma_wait3A_99 = arith.constant 2 : i32
      %dma_wait3A_100 = arith.constant 0 : i32
      %dma_wait3A_101 = tpu.memref_slice %arg6[%dma_wait3A_99, %dma_wait3A_100] : memref<8x128xi32, #tpu.memory_space<vmem>> -> memref<1x128xi32, #tpu.memory_space<vmem>>
      %dma_wait3A_102 = tpu.memref_squeeze %dma_wait3A_101 : memref<1x128xi32, #tpu.memory_space<vmem>> -> memref<128xi32, #tpu.memory_space<vmem>>
      %dma_wait3A_103 = arith.constant 0 : i32
      %dma_wait3A_104 = arith.constant 0 : i32
      %dma_wait3A_105 = tpu.memref_slice %arg2[%dma_wait3A_103, %dma_wait3A_104] : memref<10000x128xf32, #tpu.memory_space<hbm>> -> memref<10000x128xf32, #tpu.memory_space<hbm>>
      tpu.wait_indirect_dma semaphore(%arg10 : memref<!tpu.dma_semaphore, #tpu.memory_space<semaphore_mem>>) src(%dma_wait3A_105 : memref<10000x128xf32, #tpu.memory_space<hbm>>) dst(%arg8 : memref<128x128xf32, #tpu.memory_space<vmem>>)
      %run_scoped3A_106 = arith.constant 2 : i32
      "tpu.region"() ({
        %run_scoped3A_176 = tpu.sem_alloc : memref<!tpu.dma_semaphore, #tpu.memory_space<semaphore_mem>>
        %dma_start3A_177 = arith.constant 0 : i32
        %dma_start3A_178 = tpu.memref_slice %arg7[%run_scoped3A_106, %dma_start3A_177] : memref<8x128xi32, #tpu.memory_space<vmem>> -> memref<1x128xi32, #tpu.memory_space<vmem>>
        %dma_start3A_179 = tpu.memref_squeeze %dma_start3A_178 : memref<1x128xi32, #tpu.memory_space<vmem>> -> memref<128xi32, #tpu.memory_space<vmem>>
        %dma_start3A_180 = arith.constant 0 : i32
        %dma_start3A_181 = arith.constant 0 : i32
        %dma_start3A_182 = tpu.memref_slice %arg12[%dma_start3A_180, %dma_start3A_181] : memref<10240x128xf32, #tpu.memory_space<vmem_shared>> -> memref<10240x128xf32, #tpu.memory_space<vmem_shared>>
        tpu.enqueue_indirect_dma source(%arg8 : memref<128x128xf32, #tpu.memory_space<vmem>>) target(%dma_start3A_182 : memref<10240x128xf32, #tpu.memory_space<vmem_shared>>) offsets(%dma_start3A_179 : memref<128xi32, #tpu.memory_space<vmem>>) semaphore(%run_scoped3A_176 : memref<!tpu.dma_semaphore, #tpu.memory_space<semaphore_mem>>) {add = true}
        %dma_wait3A_183 = arith.constant 0 : i32
        %dma_wait3A_184 = tpu.memref_slice %arg7[%run_scoped3A_106, %dma_wait3A_183] : memref<8x128xi32, #tpu.memory_space<vmem>> -> memref<1x128xi32, #tpu.memory_space<vmem>>
        %dma_wait3A_185 = tpu.memref_squeeze %dma_wait3A_184 : memref<1x128xi32, #tpu.memory_space<vmem>> -> memref<128xi32, #tpu.memory_space<vmem>>
        %dma_wait3A_186 = arith.constant 0 : i32
        %dma_wait3A_187 = arith.constant 0 : i32
        %dma_wait3A_188 = tpu.memref_slice %arg12[%dma_wait3A_186, %dma_wait3A_187] : memref<10240x128xf32, #tpu.memory_space<vmem_shared>> -> memref<10240x128xf32, #tpu.memory_space<vmem_shared>>
        tpu.wait_indirect_dma semaphore(%run_scoped3A_176 : memref<!tpu.dma_semaphore, #tpu.memory_space<semaphore_mem>>) src(%arg8 : memref<128x128xf32, #tpu.memory_space<vmem>>) dst(%dma_wait3A_188 : memref<10240x128xf32, #tpu.memory_space<vmem_shared>>)
        tpu.yield
      }) : () -> ()
      %dma_start3A_107 = arith.constant 4 : i32
      %dma_start3A_108 = arith.constant 0 : i32
      %dma_start3A_109 = tpu.memref_slice %arg6[%dma_start3A_107, %dma_start3A_108] : memref<8x128xi32, #tpu.memory_space<vmem>> -> memref<1x128xi32, #tpu.memory_space<vmem>>
      %dma_start3A_110 = tpu.memref_squeeze %dma_start3A_109 : memref<1x128xi32, #tpu.memory_space<vmem>> -> memref<128xi32, #tpu.memory_space<vmem>>
      %dma_start3A_111 = arith.constant 0 : i32
      %dma_start3A_112 = arith.constant 0 : i32
      %dma_start3A_113 = tpu.memref_slice %arg2[%dma_start3A_111, %dma_start3A_112] : memref<10000x128xf32, #tpu.memory_space<hbm>> -> memref<10000x128xf32, #tpu.memory_space<hbm>>
      tpu.enqueue_indirect_dma source(%dma_start3A_113 : memref<10000x128xf32, #tpu.memory_space<hbm>>) target(%arg8 : memref<128x128xf32, #tpu.memory_space<vmem>>) offsets(%dma_start3A_110 : memref<128xi32, #tpu.memory_space<vmem>>) semaphore(%arg10 : memref<!tpu.dma_semaphore, #tpu.memory_space<semaphore_mem>>)
      %dma_wait3A_114 = arith.constant 3 : i32
      %dma_wait3A_115 = arith.constant 0 : i32
      %dma_wait3A_116 = tpu.memref_slice %arg6[%dma_wait3A_114, %dma_wait3A_115] : memref<8x128xi32, #tpu.memory_space<vmem>> -> memref<1x128xi32, #tpu.memory_space<vmem>>
      %dma_wait3A_117 = tpu.memref_squeeze %dma_wait3A_116 : memref<1x128xi32, #tpu.memory_space<vmem>> -> memref<128xi32, #tpu.memory_space<vmem>>
      %dma_wait3A_118 = arith.constant 0 : i32
      %dma_wait3A_119 = arith.constant 0 : i32
      %dma_wait3A_120 = tpu.memref_slice %arg2[%dma_wait3A_118, %dma_wait3A_119] : memref<10000x128xf32, #tpu.memory_space<hbm>> -> memref<10000x128xf32, #tpu.memory_space<hbm>>
      tpu.wait_indirect_dma semaphore(%arg11 : memref<!tpu.dma_semaphore, #tpu.memory_space<semaphore_mem>>) src(%dma_wait3A_120 : memref<10000x128xf32, #tpu.memory_space<hbm>>) dst(%arg9 : memref<128x128xf32, #tpu.memory_space<vmem>>)
      %run_scoped3A_121 = arith.constant 3 : i32
      "tpu.region"() ({
        %run_scoped3A_176 = tpu.sem_alloc : memref<!tpu.dma_semaphore, #tpu.memory_space<semaphore_mem>>
        %dma_start3A_177 = arith.constant 0 : i32
        %dma_start3A_178 = tpu.memref_slice %arg7[%run_scoped3A_121, %dma_start3A_177] : memref<8x128xi32, #tpu.memory_space<vmem>> -> memref<1x128xi32, #tpu.memory_space<vmem>>
        %dma_start3A_179 = tpu.memref_squeeze %dma_start3A_178 : memref<1x128xi32, #tpu.memory_space<vmem>> -> memref<128xi32, #tpu.memory_space<vmem>>
        %dma_start3A_180 = arith.constant 0 : i32
        %dma_start3A_181 = arith.constant 0 : i32
        %dma_start3A_182 = tpu.memref_slice %arg12[%dma_start3A_180, %dma_start3A_181] : memref<10240x128xf32, #tpu.memory_space<vmem_shared>> -> memref<10240x128xf32, #tpu.memory_space<vmem_shared>>
        tpu.enqueue_indirect_dma source(%arg9 : memref<128x128xf32, #tpu.memory_space<vmem>>) target(%dma_start3A_182 : memref<10240x128xf32, #tpu.memory_space<vmem_shared>>) offsets(%dma_start3A_179 : memref<128xi32, #tpu.memory_space<vmem>>) semaphore(%run_scoped3A_176 : memref<!tpu.dma_semaphore, #tpu.memory_space<semaphore_mem>>) {add = true}
        %dma_wait3A_183 = arith.constant 0 : i32
        %dma_wait3A_184 = tpu.memref_slice %arg7[%run_scoped3A_121, %dma_wait3A_183] : memref<8x128xi32, #tpu.memory_space<vmem>> -> memref<1x128xi32, #tpu.memory_space<vmem>>
        %dma_wait3A_185 = tpu.memref_squeeze %dma_wait3A_184 : memref<1x128xi32, #tpu.memory_space<vmem>> -> memref<128xi32, #tpu.memory_space<vmem>>
        %dma_wait3A_186 = arith.constant 0 : i32
        %dma_wait3A_187 = arith.constant 0 : i32
        %dma_wait3A_188 = tpu.memref_slice %arg12[%dma_wait3A_186, %dma_wait3A_187] : memref<10240x128xf32, #tpu.memory_space<vmem_shared>> -> memref<10240x128xf32, #tpu.memory_space<vmem_shared>>
        tpu.wait_indirect_dma semaphore(%run_scoped3A_176 : memref<!tpu.dma_semaphore, #tpu.memory_space<semaphore_mem>>) src(%arg9 : memref<128x128xf32, #tpu.memory_space<vmem>>) dst(%dma_wait3A_188 : memref<10240x128xf32, #tpu.memory_space<vmem_shared>>)
        tpu.yield
      }) : () -> ()
      %dma_start3A_122 = arith.constant 5 : i32
      %dma_start3A_123 = arith.constant 0 : i32
      %dma_start3A_124 = tpu.memref_slice %arg6[%dma_start3A_122, %dma_start3A_123] : memref<8x128xi32, #tpu.memory_space<vmem>> -> memref<1x128xi32, #tpu.memory_space<vmem>>
      %dma_start3A_125 = tpu.memref_squeeze %dma_start3A_124 : memref<1x128xi32, #tpu.memory_space<vmem>> -> memref<128xi32, #tpu.memory_space<vmem>>
      %dma_start3A_126 = arith.constant 0 : i32
      %dma_start3A_127 = arith.constant 0 : i32
      %dma_start3A_128 = tpu.memref_slice %arg2[%dma_start3A_126, %dma_start3A_127] : memref<10000x128xf32, #tpu.memory_space<hbm>> -> memref<10000x128xf32, #tpu.memory_space<hbm>>
      tpu.enqueue_indirect_dma source(%dma_start3A_128 : memref<10000x128xf32, #tpu.memory_space<hbm>>) target(%arg9 : memref<128x128xf32, #tpu.memory_space<vmem>>) offsets(%dma_start3A_125 : memref<128xi32, #tpu.memory_space<vmem>>) semaphore(%arg11 : memref<!tpu.dma_semaphore, #tpu.memory_space<semaphore_mem>>)
      %dma_wait3A_129 = arith.constant 4 : i32
      %dma_wait3A_130 = arith.constant 0 : i32
      %dma_wait3A_131 = tpu.memref_slice %arg6[%dma_wait3A_129, %dma_wait3A_130] : memref<8x128xi32, #tpu.memory_space<vmem>> -> memref<1x128xi32, #tpu.memory_space<vmem>>
      %dma_wait3A_132 = tpu.memref_squeeze %dma_wait3A_131 : memref<1x128xi32, #tpu.memory_space<vmem>> -> memref<128xi32, #tpu.memory_space<vmem>>
      %dma_wait3A_133 = arith.constant 0 : i32
      %dma_wait3A_134 = arith.constant 0 : i32
      %dma_wait3A_135 = tpu.memref_slice %arg2[%dma_wait3A_133, %dma_wait3A_134] : memref<10000x128xf32, #tpu.memory_space<hbm>> -> memref<10000x128xf32, #tpu.memory_space<hbm>>
      tpu.wait_indirect_dma semaphore(%arg10 : memref<!tpu.dma_semaphore, #tpu.memory_space<semaphore_mem>>) src(%dma_wait3A_135 : memref<10000x128xf32, #tpu.memory_space<hbm>>) dst(%arg8 : memref<128x128xf32, #tpu.memory_space<vmem>>)
      %run_scoped3A_136 = arith.constant 4 : i32
      "tpu.region"() ({
        %run_scoped3A_176 = tpu.sem_alloc : memref<!tpu.dma_semaphore, #tpu.memory_space<semaphore_mem>>
        %dma_start3A_177 = arith.constant 0 : i32
        %dma_start3A_178 = tpu.memref_slice %arg7[%run_scoped3A_136, %dma_start3A_177] : memref<8x128xi32, #tpu.memory_space<vmem>> -> memref<1x128xi32, #tpu.memory_space<vmem>>
        %dma_start3A_179 = tpu.memref_squeeze %dma_start3A_178 : memref<1x128xi32, #tpu.memory_space<vmem>> -> memref<128xi32, #tpu.memory_space<vmem>>
        %dma_start3A_180 = arith.constant 0 : i32
        %dma_start3A_181 = arith.constant 0 : i32
        %dma_start3A_182 = tpu.memref_slice %arg12[%dma_start3A_180, %dma_start3A_181] : memref<10240x128xf32, #tpu.memory_space<vmem_shared>> -> memref<10240x128xf32, #tpu.memory_space<vmem_shared>>
        tpu.enqueue_indirect_dma source(%arg8 : memref<128x128xf32, #tpu.memory_space<vmem>>) target(%dma_start3A_182 : memref<10240x128xf32, #tpu.memory_space<vmem_shared>>) offsets(%dma_start3A_179 : memref<128xi32, #tpu.memory_space<vmem>>) semaphore(%run_scoped3A_176 : memref<!tpu.dma_semaphore, #tpu.memory_space<semaphore_mem>>) {add = true}
        %dma_wait3A_183 = arith.constant 0 : i32
        %dma_wait3A_184 = tpu.memref_slice %arg7[%run_scoped3A_136, %dma_wait3A_183] : memref<8x128xi32, #tpu.memory_space<vmem>> -> memref<1x128xi32, #tpu.memory_space<vmem>>
        %dma_wait3A_185 = tpu.memref_squeeze %dma_wait3A_184 : memref<1x128xi32, #tpu.memory_space<vmem>> -> memref<128xi32, #tpu.memory_space<vmem>>
        %dma_wait3A_186 = arith.constant 0 : i32
        %dma_wait3A_187 = arith.constant 0 : i32
        %dma_wait3A_188 = tpu.memref_slice %arg12[%dma_wait3A_186, %dma_wait3A_187] : memref<10240x128xf32, #tpu.memory_space<vmem_shared>> -> memref<10240x128xf32, #tpu.memory_space<vmem_shared>>
        tpu.wait_indirect_dma semaphore(%run_scoped3A_176 : memref<!tpu.dma_semaphore, #tpu.memory_space<semaphore_mem>>) src(%arg8 : memref<128x128xf32, #tpu.memory_space<vmem>>) dst(%dma_wait3A_188 : memref<10240x128xf32, #tpu.memory_space<vmem_shared>>)
        tpu.yield
      }) : () -> ()
      %dma_start3A_137 = arith.constant 6 : i32
      %dma_start3A_138 = arith.constant 0 : i32
      %dma_start3A_139 = tpu.memref_slice %arg6[%dma_start3A_137, %dma_start3A_138] : memref<8x128xi32, #tpu.memory_space<vmem>> -> memref<1x128xi32, #tpu.memory_space<vmem>>
      %dma_start3A_140 = tpu.memref_squeeze %dma_start3A_139 : memref<1x128xi32, #tpu.memory_space<vmem>> -> memref<128xi32, #tpu.memory_space<vmem>>
      %dma_start3A_141 = arith.constant 0 : i32
      %dma_start3A_142 = arith.constant 0 : i32
      %dma_start3A_143 = tpu.memref_slice %arg2[%dma_start3A_141, %dma_start3A_142] : memref<10000x128xf32, #tpu.memory_space<hbm>> -> memref<10000x128xf32, #tpu.memory_space<hbm>>
      tpu.enqueue_indirect_dma source(%dma_start3A_143 : memref<10000x128xf32, #tpu.memory_space<hbm>>) target(%arg8 : memref<128x128xf32, #tpu.memory_space<vmem>>) offsets(%dma_start3A_140 : memref<128xi32, #tpu.memory_space<vmem>>) semaphore(%arg10 : memref<!tpu.dma_semaphore, #tpu.memory_space<semaphore_mem>>)
      %dma_wait3A_144 = arith.constant 5 : i32
      %dma_wait3A_145 = arith.constant 0 : i32
      %dma_wait3A_146 = tpu.memref_slice %arg6[%dma_wait3A_144, %dma_wait3A_145] : memref<8x128xi32, #tpu.memory_space<vmem>> -> memref<1x128xi32, #tpu.memory_space<vmem>>
      %dma_wait3A_147 = tpu.memref_squeeze %dma_wait3A_146 : memref<1x128xi32, #tpu.memory_space<vmem>> -> memref<128xi32, #tpu.memory_space<vmem>>
      %dma_wait3A_148 = arith.constant 0 : i32
      %dma_wait3A_149 = arith.constant 0 : i32
      %dma_wait3A_150 = tpu.memref_slice %arg2[%dma_wait3A_148, %dma_wait3A_149] : memref<10000x128xf32, #tpu.memory_space<hbm>> -> memref<10000x128xf32, #tpu.memory_space<hbm>>
      tpu.wait_indirect_dma semaphore(%arg11 : memref<!tpu.dma_semaphore, #tpu.memory_space<semaphore_mem>>) src(%dma_wait3A_150 : memref<10000x128xf32, #tpu.memory_space<hbm>>) dst(%arg9 : memref<128x128xf32, #tpu.memory_space<vmem>>)
      %run_scoped3A_151 = arith.constant 5 : i32
      "tpu.region"() ({
        %run_scoped3A_176 = tpu.sem_alloc : memref<!tpu.dma_semaphore, #tpu.memory_space<semaphore_mem>>
        %dma_start3A_177 = arith.constant 0 : i32
        %dma_start3A_178 = tpu.memref_slice %arg7[%run_scoped3A_151, %dma_start3A_177] : memref<8x128xi32, #tpu.memory_space<vmem>> -> memref<1x128xi32, #tpu.memory_space<vmem>>
        %dma_start3A_179 = tpu.memref_squeeze %dma_start3A_178 : memref<1x128xi32, #tpu.memory_space<vmem>> -> memref<128xi32, #tpu.memory_space<vmem>>
        %dma_start3A_180 = arith.constant 0 : i32
        %dma_start3A_181 = arith.constant 0 : i32
        %dma_start3A_182 = tpu.memref_slice %arg12[%dma_start3A_180, %dma_start3A_181] : memref<10240x128xf32, #tpu.memory_space<vmem_shared>> -> memref<10240x128xf32, #tpu.memory_space<vmem_shared>>
        tpu.enqueue_indirect_dma source(%arg9 : memref<128x128xf32, #tpu.memory_space<vmem>>) target(%dma_start3A_182 : memref<10240x128xf32, #tpu.memory_space<vmem_shared>>) offsets(%dma_start3A_179 : memref<128xi32, #tpu.memory_space<vmem>>) semaphore(%run_scoped3A_176 : memref<!tpu.dma_semaphore, #tpu.memory_space<semaphore_mem>>) {add = true}
        %dma_wait3A_183 = arith.constant 0 : i32
        %dma_wait3A_184 = tpu.memref_slice %arg7[%run_scoped3A_151, %dma_wait3A_183] : memref<8x128xi32, #tpu.memory_space<vmem>> -> memref<1x128xi32, #tpu.memory_space<vmem>>
        %dma_wait3A_185 = tpu.memref_squeeze %dma_wait3A_184 : memref<1x128xi32, #tpu.memory_space<vmem>> -> memref<128xi32, #tpu.memory_space<vmem>>
        %dma_wait3A_186 = arith.constant 0 : i32
        %dma_wait3A_187 = arith.constant 0 : i32
        %dma_wait3A_188 = tpu.memref_slice %arg12[%dma_wait3A_186, %dma_wait3A_187] : memref<10240x128xf32, #tpu.memory_space<vmem_shared>> -> memref<10240x128xf32, #tpu.memory_space<vmem_shared>>
        tpu.wait_indirect_dma semaphore(%run_scoped3A_176 : memref<!tpu.dma_semaphore, #tpu.memory_space<semaphore_mem>>) src(%arg9 : memref<128x128xf32, #tpu.memory_space<vmem>>) dst(%dma_wait3A_188 : memref<10240x128xf32, #tpu.memory_space<vmem_shared>>)
        tpu.yield
      }) : () -> ()
      %dma_start3A_152 = arith.constant 7 : i32
      %dma_start3A_153 = arith.constant 0 : i32
      %dma_start3A_154 = tpu.memref_slice %arg6[%dma_start3A_152, %dma_start3A_153] : memref<8x128xi32, #tpu.memory_space<vmem>> -> memref<1x128xi32, #tpu.memory_space<vmem>>
      %dma_start3A_155 = tpu.memref_squeeze %dma_start3A_154 : memref<1x128xi32, #tpu.memory_space<vmem>> -> memref<128xi32, #tpu.memory_space<vmem>>
      %dma_start3A_156 = arith.constant 0 : i32
      %dma_start3A_157 = arith.constant 0 : i32
      %dma_start3A_158 = tpu.memref_slice %arg2[%dma_start3A_156, %dma_start3A_157] : memref<10000x128xf32, #tpu.memory_space<hbm>> -> memref<10000x128xf32, #tpu.memory_space<hbm>>
      tpu.enqueue_indirect_dma source(%dma_start3A_158 : memref<10000x128xf32, #tpu.memory_space<hbm>>) target(%arg9 : memref<128x128xf32, #tpu.memory_space<vmem>>) offsets(%dma_start3A_155 : memref<128xi32, #tpu.memory_space<vmem>>) semaphore(%arg11 : memref<!tpu.dma_semaphore, #tpu.memory_space<semaphore_mem>>)
      %dma_wait3A_159 = arith.constant 6 : i32
      %dma_wait3A_160 = arith.constant 0 : i32
      %dma_wait3A_161 = tpu.memref_slice %arg6[%dma_wait3A_159, %dma_wait3A_160] : memref<8x128xi32, #tpu.memory_space<vmem>> -> memref<1x128xi32, #tpu.memory_space<vmem>>
      %dma_wait3A_162 = tpu.memref_squeeze %dma_wait3A_161 : memref<1x128xi32, #tpu.memory_space<vmem>> -> memref<128xi32, #tpu.memory_space<vmem>>
      %dma_wait3A_163 = arith.constant 0 : i32
      %dma_wait3A_164 = arith.constant 0 : i32
      %dma_wait3A_165 = tpu.memref_slice %arg2[%dma_wait3A_163, %dma_wait3A_164] : memref<10000x128xf32, #tpu.memory_space<hbm>> -> memref<10000x128xf32, #tpu.memory_space<hbm>>
      tpu.wait_indirect_dma semaphore(%arg10 : memref<!tpu.dma_semaphore, #tpu.memory_space<semaphore_mem>>) src(%dma_wait3A_165 : memref<10000x128xf32, #tpu.memory_space<hbm>>) dst(%arg8 : memref<128x128xf32, #tpu.memory_space<vmem>>)
      %run_scoped3A_166 = arith.constant 6 : i32
      "tpu.region"() ({
        %run_scoped3A_176 = tpu.sem_alloc : memref<!tpu.dma_semaphore, #tpu.memory_space<semaphore_mem>>
        %dma_start3A_177 = arith.constant 0 : i32
        %dma_start3A_178 = tpu.memref_slice %arg7[%run_scoped3A_166, %dma_start3A_177] : memref<8x128xi32, #tpu.memory_space<vmem>> -> memref<1x128xi32, #tpu.memory_space<vmem>>
        %dma_start3A_179 = tpu.memref_squeeze %dma_start3A_178 : memref<1x128xi32, #tpu.memory_space<vmem>> -> memref<128xi32, #tpu.memory_space<vmem>>
        %dma_start3A_180 = arith.constant 0 : i32
        %dma_start3A_181 = arith.constant 0 : i32
        %dma_start3A_182 = tpu.memref_slice %arg12[%dma_start3A_180, %dma_start3A_181] : memref<10240x128xf32, #tpu.memory_space<vmem_shared>> -> memref<10240x128xf32, #tpu.memory_space<vmem_shared>>
        tpu.enqueue_indirect_dma source(%arg8 : memref<128x128xf32, #tpu.memory_space<vmem>>) target(%dma_start3A_182 : memref<10240x128xf32, #tpu.memory_space<vmem_shared>>) offsets(%dma_start3A_179 : memref<128xi32, #tpu.memory_space<vmem>>) semaphore(%run_scoped3A_176 : memref<!tpu.dma_semaphore, #tpu.memory_space<semaphore_mem>>) {add = true}
        %dma_wait3A_183 = arith.constant 0 : i32
        %dma_wait3A_184 = tpu.memref_slice %arg7[%run_scoped3A_166, %dma_wait3A_183] : memref<8x128xi32, #tpu.memory_space<vmem>> -> memref<1x128xi32, #tpu.memory_space<vmem>>
        %dma_wait3A_185 = tpu.memref_squeeze %dma_wait3A_184 : memref<1x128xi32, #tpu.memory_space<vmem>> -> memref<128xi32, #tpu.memory_space<vmem>>
        %dma_wait3A_186 = arith.constant 0 : i32
        %dma_wait3A_187 = arith.constant 0 : i32
        %dma_wait3A_188 = tpu.memref_slice %arg12[%dma_wait3A_186, %dma_wait3A_187] : memref<10240x128xf32, #tpu.memory_space<vmem_shared>> -> memref<10240x128xf32, #tpu.memory_space<vmem_shared>>
        tpu.wait_indirect_dma semaphore(%run_scoped3A_176 : memref<!tpu.dma_semaphore, #tpu.memory_space<semaphore_mem>>) src(%arg8 : memref<128x128xf32, #tpu.memory_space<vmem>>) dst(%dma_wait3A_188 : memref<10240x128xf32, #tpu.memory_space<vmem_shared>>)
        tpu.yield
      }) : () -> ()
      %dma_wait3A_167 = arith.constant 7 : i32
      %dma_wait3A_168 = arith.constant 0 : i32
      %dma_wait3A_169 = tpu.memref_slice %arg6[%dma_wait3A_167, %dma_wait3A_168] : memref<8x128xi32, #tpu.memory_space<vmem>> -> memref<1x128xi32, #tpu.memory_space<vmem>>
      %dma_wait3A_170 = tpu.memref_squeeze %dma_wait3A_169 : memref<1x128xi32, #tpu.memory_space<vmem>> -> memref<128xi32, #tpu.memory_space<vmem>>
      %dma_wait3A_171 = arith.constant 0 : i32
      %dma_wait3A_172 = arith.constant 0 : i32
      %dma_wait3A_173 = tpu.memref_slice %arg2[%dma_wait3A_171, %dma_wait3A_172] : memref<10000x128xf32, #tpu.memory_space<hbm>> -> memref<10000x128xf32, #tpu.memory_space<hbm>>
      tpu.wait_indirect_dma semaphore(%arg11 : memref<!tpu.dma_semaphore, #tpu.memory_space<semaphore_mem>>) src(%dma_wait3A_173 : memref<10000x128xf32, #tpu.memory_space<hbm>>) dst(%arg9 : memref<128x128xf32, #tpu.memory_space<vmem>>)
      %run_scoped3A_174 = arith.constant 7 : i32
      "tpu.region"() ({
        %run_scoped3A_176 = tpu.sem_alloc : memref<!tpu.dma_semaphore, #tpu.memory_space<semaphore_mem>>
        %dma_start3A_177 = arith.constant 0 : i32
        %dma_start3A_178 = tpu.memref_slice %arg7[%run_scoped3A_174, %dma_start3A_177] : memref<8x128xi32, #tpu.memory_space<vmem>> -> memref<1x128xi32, #tpu.memory_space<vmem>>
        %dma_start3A_179 = tpu.memref_squeeze %dma_start3A_178 : memref<1x128xi32, #tpu.memory_space<vmem>> -> memref<128xi32, #tpu.memory_space<vmem>>
        %dma_start3A_180 = arith.constant 0 : i32
        %dma_start3A_181 = arith.constant 0 : i32
        %dma_start3A_182 = tpu.memref_slice %arg12[%dma_start3A_180, %dma_start3A_181] : memref<10240x128xf32, #tpu.memory_space<vmem_shared>> -> memref<10240x128xf32, #tpu.memory_space<vmem_shared>>
        tpu.enqueue_indirect_dma source(%arg9 : memref<128x128xf32, #tpu.memory_space<vmem>>) target(%dma_start3A_182 : memref<10240x128xf32, #tpu.memory_space<vmem_shared>>) offsets(%dma_start3A_179 : memref<128xi32, #tpu.memory_space<vmem>>) semaphore(%run_scoped3A_176 : memref<!tpu.dma_semaphore, #tpu.memory_space<semaphore_mem>>) {add = true}
        %dma_wait3A_183 = arith.constant 0 : i32
        %dma_wait3A_184 = tpu.memref_slice %arg7[%run_scoped3A_174, %dma_wait3A_183] : memref<8x128xi32, #tpu.memory_space<vmem>> -> memref<1x128xi32, #tpu.memory_space<vmem>>
        %dma_wait3A_185 = tpu.memref_squeeze %dma_wait3A_184 : memref<1x128xi32, #tpu.memory_space<vmem>> -> memref<128xi32, #tpu.memory_space<vmem>>
        %dma_wait3A_186 = arith.constant 0 : i32
        %dma_wait3A_187 = arith.constant 0 : i32
        %dma_wait3A_188 = tpu.memref_slice %arg12[%dma_wait3A_186, %dma_wait3A_187] : memref<10240x128xf32, #tpu.memory_space<vmem_shared>> -> memref<10240x128xf32, #tpu.memory_space<vmem_shared>>
        tpu.wait_indirect_dma semaphore(%run_scoped3A_176 : memref<!tpu.dma_semaphore, #tpu.memory_space<semaphore_mem>>) src(%arg9 : memref<128x128xf32, #tpu.memory_space<vmem>>) dst(%dma_wait3A_188 : memref<10240x128xf32, #tpu.memory_space<vmem_shared>>)
        tpu.yield
      }) : () -> ()
      %scan3A_175 = arith.constant 0 : i32
      scf.yield %scan3A_175 : i32
    }
    %scan3A_34 = arith.constant 10 : i32
    %barrier3A_35 = arith.constant 0 : index
    tpu.barrier barrier_id(%barrier3A_35)
    %mul3A_36 = arith.constant 640 : i32
    %mul3A_37 = arith.muli %arg1, %mul3A_36 : i32
    %add3A_38 = arith.constant 0 : i32
    %add3A_39 = arith.addi %mul3A_37, %add3A_38 : i32
    "tpu.region"() ({
      %run_scoped3A = tpu.sem_alloc : memref<!tpu.dma_semaphore, #tpu.memory_space<semaphore_mem>>
      %dma_start3A = arith.constant 0 : i32
      %dma_start3A_56 = tpu.memref_slice %arg5[%arg0, %add3A_39, %dma_start3A] : memref<2x10240x128xf32, #tpu.memory_space<hbm>> -> memref<1x128x128xf32, #tpu.memory_space<hbm>>
      %dma_start3A_57 = tpu.memref_squeeze %dma_start3A_56 : memref<1x128x128xf32, #tpu.memory_space<hbm>> -> memref<128x128xf32, #tpu.memory_space<hbm>>
      %dma_start3A_58 = arith.constant 0 : i32
      %dma_start3A_59 = tpu.memref_slice %arg12[%add3A_39, %dma_start3A_58] : memref<10240x128xf32, #tpu.memory_space<vmem_shared>> -> memref<128x128xf32, #tpu.memory_space<vmem_shared>>
      tpu.enqueue_dma source(%dma_start3A_59 : memref<128x128xf32, #tpu.memory_space<vmem_shared>>) target(%dma_start3A_57 : memref<128x128xf32, #tpu.memory_space<hbm>>) target_semaphore(%run_scoped3A : memref<!tpu.dma_semaphore, #tpu.memory_space<semaphore_mem>>)
      %dma_wait3A = arith.constant 0 : i32
      %dma_wait3A_60 = tpu.memref_slice %arg5[%arg0, %add3A_39, %dma_wait3A] : memref<2x10240x128xf32, #tpu.memory_space<hbm>> -> memref<1x128x128xf32, #tpu.memory_space<hbm>>
      %dma_wait3A_61 = tpu.memref_squeeze %dma_wait3A_60 : memref<1x128x128xf32, #tpu.memory_space<hbm>> -> memref<128x128xf32, #tpu.memory_space<hbm>>
      %dma_wait3A_62 = arith.constant 0 : i32
      %dma_wait3A_63 = tpu.memref_slice %arg12[%add3A_39, %dma_wait3A_62] : memref<10240x128xf32, #tpu.memory_space<vmem_shared>> -> memref<128x128xf32, #tpu.memory_space<vmem_shared>>
      tpu.wait_dma2 semaphore(%run_scoped3A : memref<!tpu.dma_semaphore, #tpu.memory_space<semaphore_mem>>) src(%dma_wait3A_63 : memref<128x128xf32, #tpu.memory_space<vmem_shared>>) dst(%dma_wait3A_61 : memref<128x128xf32, #tpu.memory_space<hbm>>)
      tpu.yield
    }) : () -> ()
    %mul3A_40 = arith.constant 640 : i32
    %mul3A_41 = arith.muli %arg1, %mul3A_40 : i32
    %add3A_42 = arith.constant 128 : i32
    %add3A_43 = arith.addi %mul3A_41, %add3A_42 : i32
    "tpu.region"() ({
      %run_scoped3A = tpu.sem_alloc : memref<!tpu.dma_semaphore, #tpu.memory_space<semaphore_mem>>
      %dma_start3A = arith.constant 0 : i32
      %dma_start3A_56 = tpu.memref_slice %arg5[%arg0, %add3A_43, %dma_start3A] : memref<2x10240x128xf32, #tpu.memory_space<hbm>> -> memref<1x128x128xf32, #tpu.memory_space<hbm>>
      %dma_start3A_57 = tpu.memref_squeeze %dma_start3A_56 : memref<1x128x128xf32, #tpu.memory_space<hbm>> -> memref<128x128xf32, #tpu.memory_space<hbm>>
      %dma_start3A_58 = arith.constant 0 : i32
      %dma_start3A_59 = tpu.memref_slice %arg12[%add3A_43, %dma_start3A_58] : memref<10240x128xf32, #tpu.memory_space<vmem_shared>> -> memref<128x128xf32, #tpu.memory_space<vmem_shared>>
      tpu.enqueue_dma source(%dma_start3A_59 : memref<128x128xf32, #tpu.memory_space<vmem_shared>>) target(%dma_start3A_57 : memref<128x128xf32, #tpu.memory_space<hbm>>) target_semaphore(%run_scoped3A : memref<!tpu.dma_semaphore, #tpu.memory_space<semaphore_mem>>)
      %dma_wait3A = arith.constant 0 : i32
      %dma_wait3A_60 = tpu.memref_slice %arg5[%arg0, %add3A_43, %dma_wait3A] : memref<2x10240x128xf32, #tpu.memory_space<hbm>> -> memref<1x128x128xf32, #tpu.memory_space<hbm>>
      %dma_wait3A_61 = tpu.memref_squeeze %dma_wait3A_60 : memref<1x128x128xf32, #tpu.memory_space<hbm>> -> memref<128x128xf32, #tpu.memory_space<hbm>>
      %dma_wait3A_62 = arith.constant 0 : i32
      %dma_wait3A_63 = tpu.memref_slice %arg12[%add3A_43, %dma_wait3A_62] : memref<10240x128xf32, #tpu.memory_space<vmem_shared>> -> memref<128x128xf32, #tpu.memory_space<vmem_shared>>
      tpu.wait_dma2 semaphore(%run_scoped3A : memref<!tpu.dma_semaphore, #tpu.memory_space<semaphore_mem>>) src(%dma_wait3A_63 : memref<128x128xf32, #tpu.memory_space<vmem_shared>>) dst(%dma_wait3A_61 : memref<128x128xf32, #tpu.memory_space<hbm>>)
      tpu.yield
    }) : () -> ()
    %mul3A_44 = arith.constant 640 : i32
    %mul3A_45 = arith.muli %arg1, %mul3A_44 : i32
    %add3A_46 = arith.constant 256 : i32
    %add3A_47 = arith.addi %mul3A_45, %add3A_46 : i32
    "tpu.region"() ({
      %run_scoped3A = tpu.sem_alloc : memref<!tpu.dma_semaphore, #tpu.memory_space<semaphore_mem>>
      %dma_start3A = arith.constant 0 : i32
      %dma_start3A_56 = tpu.memref_slice %arg5[%arg0, %add3A_47, %dma_start3A] : memref<2x10240x128xf32, #tpu.memory_space<hbm>> -> memref<1x128x128xf32, #tpu.memory_space<hbm>>
      %dma_start3A_57 = tpu.memref_squeeze %dma_start3A_56 : memref<1x128x128xf32, #tpu.memory_space<hbm>> -> memref<128x128xf32, #tpu.memory_space<hbm>>
      %dma_start3A_58 = arith.constant 0 : i32
      %dma_start3A_59 = tpu.memref_slice %arg12[%add3A_47, %dma_start3A_58] : memref<10240x128xf32, #tpu.memory_space<vmem_shared>> -> memref<128x128xf32, #tpu.memory_space<vmem_shared>>
      tpu.enqueue_dma source(%dma_start3A_59 : memref<128x128xf32, #tpu.memory_space<vmem_shared>>) target(%dma_start3A_57 : memref<128x128xf32, #tpu.memory_space<hbm>>) target_semaphore(%run_scoped3A : memref<!tpu.dma_semaphore, #tpu.memory_space<semaphore_mem>>)
      %dma_wait3A = arith.constant 0 : i32
      %dma_wait3A_60 = tpu.memref_slice %arg5[%arg0, %add3A_47, %dma_wait3A] : memref<2x10240x128xf32, #tpu.memory_space<hbm>> -> memref<1x128x128xf32, #tpu.memory_space<hbm>>
      %dma_wait3A_61 = tpu.memref_squeeze %dma_wait3A_60 : memref<1x128x128xf32, #tpu.memory_space<hbm>> -> memref<128x128xf32, #tpu.memory_space<hbm>>
      %dma_wait3A_62 = arith.constant 0 : i32
      %dma_wait3A_63 = tpu.memref_slice %arg12[%add3A_47, %dma_wait3A_62] : memref<10240x128xf32, #tpu.memory_space<vmem_shared>> -> memref<128x128xf32, #tpu.memory_space<vmem_shared>>
      tpu.wait_dma2 semaphore(%run_scoped3A : memref<!tpu.dma_semaphore, #tpu.memory_space<semaphore_mem>>) src(%dma_wait3A_63 : memref<128x128xf32, #tpu.memory_space<vmem_shared>>) dst(%dma_wait3A_61 : memref<128x128xf32, #tpu.memory_space<hbm>>)
      tpu.yield
    }) : () -> ()
    %mul3A_48 = arith.constant 640 : i32
    %mul3A_49 = arith.muli %arg1, %mul3A_48 : i32
    %add3A_50 = arith.constant 384 : i32
    %add3A_51 = arith.addi %mul3A_49, %add3A_50 : i32
    "tpu.region"() ({
      %run_scoped3A = tpu.sem_alloc : memref<!tpu.dma_semaphore, #tpu.memory_space<semaphore_mem>>
      %dma_start3A = arith.constant 0 : i32
      %dma_start3A_56 = tpu.memref_slice %arg5[%arg0, %add3A_51, %dma_start3A] : memref<2x10240x128xf32, #tpu.memory_space<hbm>> -> memref<1x128x128xf32, #tpu.memory_space<hbm>>
      %dma_start3A_57 = tpu.memref_squeeze %dma_start3A_56 : memref<1x128x128xf32, #tpu.memory_space<hbm>> -> memref<128x128xf32, #tpu.memory_space<hbm>>
      %dma_start3A_58 = arith.constant 0 : i32
      %dma_start3A_59 = tpu.memref_slice %arg12[%add3A_51, %dma_start3A_58] : memref<10240x128xf32, #tpu.memory_space<vmem_shared>> -> memref<128x128xf32, #tpu.memory_space<vmem_shared>>
      tpu.enqueue_dma source(%dma_start3A_59 : memref<128x128xf32, #tpu.memory_space<vmem_shared>>) target(%dma_start3A_57 : memref<128x128xf32, #tpu.memory_space<hbm>>) target_semaphore(%run_scoped3A : memref<!tpu.dma_semaphore, #tpu.memory_space<semaphore_mem>>)
      %dma_wait3A = arith.constant 0 : i32
      %dma_wait3A_60 = tpu.memref_slice %arg5[%arg0, %add3A_51, %dma_wait3A] : memref<2x10240x128xf32, #tpu.memory_space<hbm>> -> memref<1x128x128xf32, #tpu.memory_space<hbm>>
      %dma_wait3A_61 = tpu.memref_squeeze %dma_wait3A_60 : memref<1x128x128xf32, #tpu.memory_space<hbm>> -> memref<128x128xf32, #tpu.memory_space<hbm>>
      %dma_wait3A_62 = arith.constant 0 : i32
      %dma_wait3A_63 = tpu.memref_slice %arg12[%add3A_51, %dma_wait3A_62] : memref<10240x128xf32, #tpu.memory_space<vmem_shared>> -> memref<128x128xf32, #tpu.memory_space<vmem_shared>>
      tpu.wait_dma2 semaphore(%run_scoped3A : memref<!tpu.dma_semaphore, #tpu.memory_space<semaphore_mem>>) src(%dma_wait3A_63 : memref<128x128xf32, #tpu.memory_space<vmem_shared>>) dst(%dma_wait3A_61 : memref<128x128xf32, #tpu.memory_space<hbm>>)
      tpu.yield
    }) : () -> ()
    %mul3A_52 = arith.constant 640 : i32
    %mul3A_53 = arith.muli %arg1, %mul3A_52 : i32
    %add3A_54 = arith.constant 512 : i32
    %add3A_55 = arith.addi %mul3A_53, %add3A_54 : i32
    "tpu.region"() ({
      %run_scoped3A = tpu.sem_alloc : memref<!tpu.dma_semaphore, #tpu.memory_space<semaphore_mem>>
      %dma_start3A = arith.constant 0 : i32
      %dma_start3A_56 = tpu.memref_slice %arg5[%arg0, %add3A_55, %dma_start3A] : memref<2x10240x128xf32, #tpu.memory_space<hbm>> -> memref<1x128x128xf32, #tpu.memory_space<hbm>>
      %dma_start3A_57 = tpu.memref_squeeze %dma_start3A_56 : memref<1x128x128xf32, #tpu.memory_space<hbm>> -> memref<128x128xf32, #tpu.memory_space<hbm>>
      %dma_start3A_58 = arith.constant 0 : i32
      %dma_start3A_59 = tpu.memref_slice %arg12[%add3A_55, %dma_start3A_58] : memref<10240x128xf32, #tpu.memory_space<vmem_shared>> -> memref<128x128xf32, #tpu.memory_space<vmem_shared>>
      tpu.enqueue_dma source(%dma_start3A_59 : memref<128x128xf32, #tpu.memory_space<vmem_shared>>) target(%dma_start3A_57 : memref<128x128xf32, #tpu.memory_space<hbm>>) target_semaphore(%run_scoped3A : memref<!tpu.dma_semaphore, #tpu.memory_space<semaphore_mem>>)
      %dma_wait3A = arith.constant 0 : i32
      %dma_wait3A_60 = tpu.memref_slice %arg5[%arg0, %add3A_55, %dma_wait3A] : memref<2x10240x128xf32, #tpu.memory_space<hbm>> -> memref<1x128x128xf32, #tpu.memory_space<hbm>>
      %dma_wait3A_61 = tpu.memref_squeeze %dma_wait3A_60 : memref<1x128x128xf32, #tpu.memory_space<hbm>> -> memref<128x128xf32, #tpu.memory_space<hbm>>
      %dma_wait3A_62 = arith.constant 0 : i32
      %dma_wait3A_63 = tpu.memref_slice %arg12[%add3A_55, %dma_wait3A_62] : memref<10240x128xf32, #tpu.memory_space<vmem_shared>> -> memref<128x128xf32, #tpu.memory_space<vmem_shared>>
      tpu.wait_dma2 semaphore(%run_scoped3A : memref<!tpu.dma_semaphore, #tpu.memory_space<semaphore_mem>>) src(%dma_wait3A_63 : memref<128x128xf32, #tpu.memory_space<vmem_shared>>) dst(%dma_wait3A_61 : memref<128x128xf32, #tpu.memory_space<hbm>>)
      tpu.yield
    }) : () -> ()
    return
  }
}

#map = affine_map<(d0, d1) -> (0, 0)>
#map1 = affine_map<(d0, d1) -> (0)>
module attributes {stable_mosaic.version = 14 : i64} {
  func.func @_pairgather_body(%arg0: i32, %arg1: i32, %arg2: memref<10000x128xf32, #tpu.memory_space<hbm>>, %arg3: memref<10000x128xf32, #tpu.memory_space<hbm>>, %arg4: memref<1024xi32, #tpu.memory_space<hbm>>, %arg5: memref<1024xi32, #tpu.memory_space<hbm>>, %arg6: memref<1024x128xf32, #tpu.memory_space<hbm>>, %arg7: memref<32xi32, #tpu.memory_space<vmem>>, %arg8: memref<32xi32, #tpu.memory_space<vmem>>, %arg9: memref<32x128xf32, #tpu.memory_space<vmem>>, %arg10: memref<32x128xf32, #tpu.memory_space<vmem>>) attributes {dimension_semantics = [#tpu.dimension_semantics<core_parallel>, #tpu.dimension_semantics<subcore_parallel>], iteration_bounds = array<i64: 2, 16>, scalar_prefetch = 0 : i64, scratch_operands = 4 : i64, tpu.core_type = #tpu.core_type<sc_vector_subcore>, window_params = [{transform_indices = #map}, {transform_indices = #map}, {transform_indices = #map1}, {transform_indices = #map1}, {transform_indices = #map}]} {
    %mul3A = arith.constant 2 : i32
    %mul3A_0 = arith.muli %arg1, %mul3A : i32
    %add3A = arith.addi %mul3A_0, %arg0 : i32
    %mul3A_1 = arith.constant 32 : i32
    %mul3A_2 = arith.muli %add3A, %mul3A_1 : i32
    "tpu.region"() ({
      %run_scoped3A = tpu.sem_alloc : memref<!tpu.dma_semaphore, #tpu.memory_space<semaphore_mem>>
      %dma_start3A = tpu.memref_slice %arg4[%mul3A_2] : memref<1024xi32, #tpu.memory_space<hbm>> -> memref<32xi32, #tpu.memory_space<hbm>>
      %dma_start3A_9 = tpu.memref_slice %arg4[%mul3A_2] : memref<1024xi32, #tpu.memory_space<hbm>> -> memref<32xi32, #tpu.memory_space<hbm>>
      tpu.enqueue_dma source(%dma_start3A_9 : memref<32xi32, #tpu.memory_space<hbm>>) target(%arg7 : memref<32xi32, #tpu.memory_space<vmem>>) target_semaphore(%run_scoped3A : memref<!tpu.dma_semaphore, #tpu.memory_space<semaphore_mem>>)
      %dma_wait3A = tpu.memref_slice %arg4[%mul3A_2] : memref<1024xi32, #tpu.memory_space<hbm>> -> memref<32xi32, #tpu.memory_space<hbm>>
      %dma_wait3A_10 = tpu.memref_slice %arg4[%mul3A_2] : memref<1024xi32, #tpu.memory_space<hbm>> -> memref<32xi32, #tpu.memory_space<hbm>>
      tpu.wait_dma2 semaphore(%run_scoped3A : memref<!tpu.dma_semaphore, #tpu.memory_space<semaphore_mem>>) src(%dma_wait3A_10 : memref<32xi32, #tpu.memory_space<hbm>>) dst(%arg7 : memref<32xi32, #tpu.memory_space<vmem>>)
      tpu.yield
    }) : () -> ()
    "tpu.region"() ({
      %run_scoped3A = tpu.sem_alloc : memref<!tpu.dma_semaphore, #tpu.memory_space<semaphore_mem>>
      %dma_start3A = tpu.memref_slice %arg5[%mul3A_2] : memref<1024xi32, #tpu.memory_space<hbm>> -> memref<32xi32, #tpu.memory_space<hbm>>
      %dma_start3A_9 = tpu.memref_slice %arg5[%mul3A_2] : memref<1024xi32, #tpu.memory_space<hbm>> -> memref<32xi32, #tpu.memory_space<hbm>>
      tpu.enqueue_dma source(%dma_start3A_9 : memref<32xi32, #tpu.memory_space<hbm>>) target(%arg8 : memref<32xi32, #tpu.memory_space<vmem>>) target_semaphore(%run_scoped3A : memref<!tpu.dma_semaphore, #tpu.memory_space<semaphore_mem>>)
      %dma_wait3A = tpu.memref_slice %arg5[%mul3A_2] : memref<1024xi32, #tpu.memory_space<hbm>> -> memref<32xi32, #tpu.memory_space<hbm>>
      %dma_wait3A_10 = tpu.memref_slice %arg5[%mul3A_2] : memref<1024xi32, #tpu.memory_space<hbm>> -> memref<32xi32, #tpu.memory_space<hbm>>
      tpu.wait_dma2 semaphore(%run_scoped3A : memref<!tpu.dma_semaphore, #tpu.memory_space<semaphore_mem>>) src(%dma_wait3A_10 : memref<32xi32, #tpu.memory_space<hbm>>) dst(%arg8 : memref<32xi32, #tpu.memory_space<vmem>>)
      tpu.yield
    }) : () -> ()
    "tpu.region"() ({
      %run_scoped3A = tpu.sem_alloc : memref<!tpu.dma_semaphore, #tpu.memory_space<semaphore_mem>>
      %dma_start3A = arith.constant 0 : i32
      %dma_start3A_9 = arith.constant 0 : i32
      %dma_start3A_10 = tpu.memref_slice %arg2[%dma_start3A, %dma_start3A_9] : memref<10000x128xf32, #tpu.memory_space<hbm>> -> memref<10000x128xf32, #tpu.memory_space<hbm>>
      tpu.enqueue_indirect_dma source(%dma_start3A_10 : memref<10000x128xf32, #tpu.memory_space<hbm>>) target(%arg9 : memref<32x128xf32, #tpu.memory_space<vmem>>) offsets(%arg7 : memref<32xi32, #tpu.memory_space<vmem>>) semaphore(%run_scoped3A : memref<!tpu.dma_semaphore, #tpu.memory_space<semaphore_mem>>)
      %dma_wait3A = arith.constant 0 : i32
      %dma_wait3A_11 = arith.constant 0 : i32
      %dma_wait3A_12 = tpu.memref_slice %arg2[%dma_wait3A, %dma_wait3A_11] : memref<10000x128xf32, #tpu.memory_space<hbm>> -> memref<10000x128xf32, #tpu.memory_space<hbm>>
      tpu.wait_indirect_dma semaphore(%run_scoped3A : memref<!tpu.dma_semaphore, #tpu.memory_space<semaphore_mem>>) src(%dma_wait3A_12 : memref<10000x128xf32, #tpu.memory_space<hbm>>) dst(%arg9 : memref<32x128xf32, #tpu.memory_space<vmem>>)
      tpu.yield
    }) : () -> ()
    "tpu.region"() ({
      %run_scoped3A = tpu.sem_alloc : memref<!tpu.dma_semaphore, #tpu.memory_space<semaphore_mem>>
      %dma_start3A = arith.constant 0 : i32
      %dma_start3A_9 = arith.constant 0 : i32
      %dma_start3A_10 = tpu.memref_slice %arg3[%dma_start3A, %dma_start3A_9] : memref<10000x128xf32, #tpu.memory_space<hbm>> -> memref<10000x128xf32, #tpu.memory_space<hbm>>
      tpu.enqueue_indirect_dma source(%dma_start3A_10 : memref<10000x128xf32, #tpu.memory_space<hbm>>) target(%arg10 : memref<32x128xf32, #tpu.memory_space<vmem>>) offsets(%arg8 : memref<32xi32, #tpu.memory_space<vmem>>) semaphore(%run_scoped3A : memref<!tpu.dma_semaphore, #tpu.memory_space<semaphore_mem>>)
      %dma_wait3A = arith.constant 0 : i32
      %dma_wait3A_11 = arith.constant 0 : i32
      %dma_wait3A_12 = tpu.memref_slice %arg3[%dma_wait3A, %dma_wait3A_11] : memref<10000x128xf32, #tpu.memory_space<hbm>> -> memref<10000x128xf32, #tpu.memory_space<hbm>>
      tpu.wait_indirect_dma semaphore(%run_scoped3A : memref<!tpu.dma_semaphore, #tpu.memory_space<semaphore_mem>>) src(%dma_wait3A_12 : memref<10000x128xf32, #tpu.memory_space<hbm>>) dst(%arg10 : memref<32x128xf32, #tpu.memory_space<vmem>>)
      tpu.yield
    }) : () -> ()
    %scan3A = arith.constant 0 : i32
    %scan3A_3 = arith.constant 0 : i32
    %scan3A_4 = arith.constant 32 : i32
    %scan3A_5 = arith.addi %scan3A_3, %scan3A_4 : i32
    %scan3A_6 = arith.constant 1 : i32
    %scan3A_7 = scf.for %scan3A_9 = %scan3A_3 to %scan3A_5 step %scan3A_6 iter_args(%scan3A_10 = %scan3A) -> (i32)  : i32 {
      %get3A = arith.index_cast %scan3A_9 : i32 to index
      %get3A_11 = arith.constant 0 : index
      %get3A_12 = tpu.vector_load %arg9[%get3A, %get3A_11] {strides = array<i32>} : memref<32x128xf32, #tpu.memory_space<vmem>>, vector<1x16xf32>,
      %get3A_13 = vector.shape_cast %get3A_12 : vector<1x16xf32> to vector<16xf32>
      %get3A_14 = arith.index_cast %scan3A_9 : i32 to index
      %get3A_15 = arith.constant 0 : index
      %get3A_16 = tpu.vector_load %arg10[%get3A_14, %get3A_15] {strides = array<i32>} : memref<32x128xf32, #tpu.memory_space<vmem>>, vector<1x16xf32>,
      %get3A_17 = vector.shape_cast %get3A_16 : vector<1x16xf32> to vector<16xf32>
      %mul3A_18 = arith.mulf %get3A_13, %get3A_17 : vector<16xf32>
      %swap3A = arith.index_cast %scan3A_9 : i32 to index
      %swap3A_19 = arith.constant 0 : index
      %swap3A_20 = tpu.vector_load %arg9[%swap3A, %swap3A_19] {strides = array<i32>} : memref<32x128xf32, #tpu.memory_space<vmem>>, vector<1x16xf32>,
      %swap3A_21 = vector.shape_cast %swap3A_20 : vector<1x16xf32> to vector<16xf32>
      %swap3A_22 = vector.shape_cast %mul3A_18 : vector<16xf32> to vector<1x16xf32>
      tpu.vector_store %arg9[%swap3A, %swap3A_19], %swap3A_22 {strides = array<i32>} : memref<32x128xf32, #tpu.memory_space<vmem>>, vector<1x16xf32>,
      %get3A_23 = arith.index_cast %scan3A_9 : i32 to index
      %get3A_24 = arith.constant 16 : index
      %get3A_25 = tpu.vector_load %arg9[%get3A_23, %get3A_24] {strides = array<i32>} : memref<32x128xf32, #tpu.memory_space<vmem>>, vector<1x16xf32>,
      %get3A_26 = vector.shape_cast %get3A_25 : vector<1x16xf32> to vector<16xf32>
      %get3A_27 = arith.index_cast %scan3A_9 : i32 to index
      %get3A_28 = arith.constant 16 : index
      %get3A_29 = tpu.vector_load %arg10[%get3A_27, %get3A_28] {strides = array<i32>} : memref<32x128xf32, #tpu.memory_space<vmem>>, vector<1x16xf32>,
      %get3A_30 = vector.shape_cast %get3A_29 : vector<1x16xf32> to vector<16xf32>
      %mul3A_31 = arith.mulf %get3A_26, %get3A_30 : vector<16xf32>
      %swap3A_32 = arith.index_cast %scan3A_9 : i32 to index
      %swap3A_33 = arith.constant 16 : index
      %swap3A_34 = tpu.vector_load %arg9[%swap3A_32, %swap3A_33] {strides = array<i32>} : memref<32x128xf32, #tpu.memory_space<vmem>>, vector<1x16xf32>,
      %swap3A_35 = vector.shape_cast %swap3A_34 : vector<1x16xf32> to vector<16xf32>
      %swap3A_36 = vector.shape_cast %mul3A_31 : vector<16xf32> to vector<1x16xf32>
      tpu.vector_store %arg9[%swap3A_32, %swap3A_33], %swap3A_36 {strides = array<i32>} : memref<32x128xf32, #tpu.memory_space<vmem>>, vector<1x16xf32>,
      %get3A_37 = arith.index_cast %scan3A_9 : i32 to index
      %get3A_38 = arith.constant 32 : index
      %get3A_39 = tpu.vector_load %arg9[%get3A_37, %get3A_38] {strides = array<i32>} : memref<32x128xf32, #tpu.memory_space<vmem>>, vector<1x16xf32>,
      %get3A_40 = vector.shape_cast %get3A_39 : vector<1x16xf32> to vector<16xf32>
      %get3A_41 = arith.index_cast %scan3A_9 : i32 to index
      %get3A_42 = arith.constant 32 : index
      %get3A_43 = tpu.vector_load %arg10[%get3A_41, %get3A_42] {strides = array<i32>} : memref<32x128xf32, #tpu.memory_space<vmem>>, vector<1x16xf32>,
      %get3A_44 = vector.shape_cast %get3A_43 : vector<1x16xf32> to vector<16xf32>
      %mul3A_45 = arith.mulf %get3A_40, %get3A_44 : vector<16xf32>
      %swap3A_46 = arith.index_cast %scan3A_9 : i32 to index
      %swap3A_47 = arith.constant 32 : index
      %swap3A_48 = tpu.vector_load %arg9[%swap3A_46, %swap3A_47] {strides = array<i32>} : memref<32x128xf32, #tpu.memory_space<vmem>>, vector<1x16xf32>,
      %swap3A_49 = vector.shape_cast %swap3A_48 : vector<1x16xf32> to vector<16xf32>
      %swap3A_50 = vector.shape_cast %mul3A_45 : vector<16xf32> to vector<1x16xf32>
      tpu.vector_store %arg9[%swap3A_46, %swap3A_47], %swap3A_50 {strides = array<i32>} : memref<32x128xf32, #tpu.memory_space<vmem>>, vector<1x16xf32>,
      %get3A_51 = arith.index_cast %scan3A_9 : i32 to index
      %get3A_52 = arith.constant 48 : index
      %get3A_53 = tpu.vector_load %arg9[%get3A_51, %get3A_52] {strides = array<i32>} : memref<32x128xf32, #tpu.memory_space<vmem>>, vector<1x16xf32>,
      %get3A_54 = vector.shape_cast %get3A_53 : vector<1x16xf32> to vector<16xf32>
      %get3A_55 = arith.index_cast %scan3A_9 : i32 to index
      %get3A_56 = arith.constant 48 : index
      %get3A_57 = tpu.vector_load %arg10[%get3A_55, %get3A_56] {strides = array<i32>} : memref<32x128xf32, #tpu.memory_space<vmem>>, vector<1x16xf32>,
      %get3A_58 = vector.shape_cast %get3A_57 : vector<1x16xf32> to vector<16xf32>
      %mul3A_59 = arith.mulf %get3A_54, %get3A_58 : vector<16xf32>
      %swap3A_60 = arith.index_cast %scan3A_9 : i32 to index
      %swap3A_61 = arith.constant 48 : index
      %swap3A_62 = tpu.vector_load %arg9[%swap3A_60, %swap3A_61] {strides = array<i32>} : memref<32x128xf32, #tpu.memory_space<vmem>>, vector<1x16xf32>,
      %swap3A_63 = vector.shape_cast %swap3A_62 : vector<1x16xf32> to vector<16xf32>
      %swap3A_64 = vector.shape_cast %mul3A_59 : vector<16xf32> to vector<1x16xf32>
      tpu.vector_store %arg9[%swap3A_60, %swap3A_61], %swap3A_64 {strides = array<i32>} : memref<32x128xf32, #tpu.memory_space<vmem>>, vector<1x16xf32>,
      %get3A_65 = arith.index_cast %scan3A_9 : i32 to index
      %get3A_66 = arith.constant 64 : index
      %get3A_67 = tpu.vector_load %arg9[%get3A_65, %get3A_66] {strides = array<i32>} : memref<32x128xf32, #tpu.memory_space<vmem>>, vector<1x16xf32>,
      %get3A_68 = vector.shape_cast %get3A_67 : vector<1x16xf32> to vector<16xf32>
      %get3A_69 = arith.index_cast %scan3A_9 : i32 to index
      %get3A_70 = arith.constant 64 : index
      %get3A_71 = tpu.vector_load %arg10[%get3A_69, %get3A_70] {strides = array<i32>} : memref<32x128xf32, #tpu.memory_space<vmem>>, vector<1x16xf32>,
      %get3A_72 = vector.shape_cast %get3A_71 : vector<1x16xf32> to vector<16xf32>
      %mul3A_73 = arith.mulf %get3A_68, %get3A_72 : vector<16xf32>
      %swap3A_74 = arith.index_cast %scan3A_9 : i32 to index
      %swap3A_75 = arith.constant 64 : index
      %swap3A_76 = tpu.vector_load %arg9[%swap3A_74, %swap3A_75] {strides = array<i32>} : memref<32x128xf32, #tpu.memory_space<vmem>>, vector<1x16xf32>,
      %swap3A_77 = vector.shape_cast %swap3A_76 : vector<1x16xf32> to vector<16xf32>
      %swap3A_78 = vector.shape_cast %mul3A_73 : vector<16xf32> to vector<1x16xf32>
      tpu.vector_store %arg9[%swap3A_74, %swap3A_75], %swap3A_78 {strides = array<i32>} : memref<32x128xf32, #tpu.memory_space<vmem>>, vector<1x16xf32>,
      %get3A_79 = arith.index_cast %scan3A_9 : i32 to index
      %get3A_80 = arith.constant 80 : index
      %get3A_81 = tpu.vector_load %arg9[%get3A_79, %get3A_80] {strides = array<i32>} : memref<32x128xf32, #tpu.memory_space<vmem>>, vector<1x16xf32>,
      %get3A_82 = vector.shape_cast %get3A_81 : vector<1x16xf32> to vector<16xf32>
      %get3A_83 = arith.index_cast %scan3A_9 : i32 to index
      %get3A_84 = arith.constant 80 : index
      %get3A_85 = tpu.vector_load %arg10[%get3A_83, %get3A_84] {strides = array<i32>} : memref<32x128xf32, #tpu.memory_space<vmem>>, vector<1x16xf32>,
      %get3A_86 = vector.shape_cast %get3A_85 : vector<1x16xf32> to vector<16xf32>
      %mul3A_87 = arith.mulf %get3A_82, %get3A_86 : vector<16xf32>
      %swap3A_88 = arith.index_cast %scan3A_9 : i32 to index
      %swap3A_89 = arith.constant 80 : index
      %swap3A_90 = tpu.vector_load %arg9[%swap3A_88, %swap3A_89] {strides = array<i32>} : memref<32x128xf32, #tpu.memory_space<vmem>>, vector<1x16xf32>,
      %swap3A_91 = vector.shape_cast %swap3A_90 : vector<1x16xf32> to vector<16xf32>
      %swap3A_92 = vector.shape_cast %mul3A_87 : vector<16xf32> to vector<1x16xf32>
      tpu.vector_store %arg9[%swap3A_88, %swap3A_89], %swap3A_92 {strides = array<i32>} : memref<32x128xf32, #tpu.memory_space<vmem>>, vector<1x16xf32>,
      %get3A_93 = arith.index_cast %scan3A_9 : i32 to index
      %get3A_94 = arith.constant 96 : index
      %get3A_95 = tpu.vector_load %arg9[%get3A_93, %get3A_94] {strides = array<i32>} : memref<32x128xf32, #tpu.memory_space<vmem>>, vector<1x16xf32>,
      %get3A_96 = vector.shape_cast %get3A_95 : vector<1x16xf32> to vector<16xf32>
      %get3A_97 = arith.index_cast %scan3A_9 : i32 to index
      %get3A_98 = arith.constant 96 : index
      %get3A_99 = tpu.vector_load %arg10[%get3A_97, %get3A_98] {strides = array<i32>} : memref<32x128xf32, #tpu.memory_space<vmem>>, vector<1x16xf32>,
      %get3A_100 = vector.shape_cast %get3A_99 : vector<1x16xf32> to vector<16xf32>
      %mul3A_101 = arith.mulf %get3A_96, %get3A_100 : vector<16xf32>
      %swap3A_102 = arith.index_cast %scan3A_9 : i32 to index
      %swap3A_103 = arith.constant 96 : index
      %swap3A_104 = tpu.vector_load %arg9[%swap3A_102, %swap3A_103] {strides = array<i32>} : memref<32x128xf32, #tpu.memory_space<vmem>>, vector<1x16xf32>,
      %swap3A_105 = vector.shape_cast %swap3A_104 : vector<1x16xf32> to vector<16xf32>
      %swap3A_106 = vector.shape_cast %mul3A_101 : vector<16xf32> to vector<1x16xf32>
      tpu.vector_store %arg9[%swap3A_102, %swap3A_103], %swap3A_106 {strides = array<i32>} : memref<32x128xf32, #tpu.memory_space<vmem>>, vector<1x16xf32>,
      %get3A_107 = arith.index_cast %scan3A_9 : i32 to index
      %get3A_108 = arith.constant 112 : index
      %get3A_109 = tpu.vector_load %arg9[%get3A_107, %get3A_108] {strides = array<i32>} : memref<32x128xf32, #tpu.memory_space<vmem>>, vector<1x16xf32>,
      %get3A_110 = vector.shape_cast %get3A_109 : vector<1x16xf32> to vector<16xf32>
      %get3A_111 = arith.index_cast %scan3A_9 : i32 to index
      %get3A_112 = arith.constant 112 : index
      %get3A_113 = tpu.vector_load %arg10[%get3A_111, %get3A_112] {strides = array<i32>} : memref<32x128xf32, #tpu.memory_space<vmem>>, vector<1x16xf32>,
      %get3A_114 = vector.shape_cast %get3A_113 : vector<1x16xf32> to vector<16xf32>
      %mul3A_115 = arith.mulf %get3A_110, %get3A_114 : vector<16xf32>
      %swap3A_116 = arith.index_cast %scan3A_9 : i32 to index
      %swap3A_117 = arith.constant 112 : index
      %swap3A_118 = tpu.vector_load %arg9[%swap3A_116, %swap3A_117] {strides = array<i32>} : memref<32x128xf32, #tpu.memory_space<vmem>>, vector<1x16xf32>,
      %swap3A_119 = vector.shape_cast %swap3A_118 : vector<1x16xf32> to vector<16xf32>
      %swap3A_120 = vector.shape_cast %mul3A_115 : vector<16xf32> to vector<1x16xf32>
      tpu.vector_store %arg9[%swap3A_116, %swap3A_117], %swap3A_120 {strides = array<i32>} : memref<32x128xf32, #tpu.memory_space<vmem>>, vector<1x16xf32>,
      %scan3A_121 = arith.constant 0 : i32
      scf.yield %scan3A_121 : i32
    }
    %scan3A_8 = arith.constant 32 : i32
    "tpu.region"() ({
      %run_scoped3A = tpu.sem_alloc : memref<!tpu.dma_semaphore, #tpu.memory_space<semaphore_mem>>
      %dma_start3A = arith.constant 0 : i32
      %dma_start3A_9 = tpu.memref_slice %arg6[%mul3A_2, %dma_start3A] : memref<1024x128xf32, #tpu.memory_space<hbm>> -> memref<32x128xf32, #tpu.memory_space<hbm>>
      %dma_start3A_10 = arith.constant 0 : i32
      %dma_start3A_11 = tpu.memref_slice %arg6[%mul3A_2, %dma_start3A_10] : memref<1024x128xf32, #tpu.memory_space<hbm>> -> memref<32x128xf32, #tpu.memory_space<hbm>>
      tpu.enqueue_dma source(%arg9 : memref<32x128xf32, #tpu.memory_space<vmem>>) target(%dma_start3A_11 : memref<32x128xf32, #tpu.memory_space<hbm>>) target_semaphore(%run_scoped3A : memref<!tpu.dma_semaphore, #tpu.memory_space<semaphore_mem>>)
      %dma_wait3A = arith.constant 0 : i32
      %dma_wait3A_12 = tpu.memref_slice %arg6[%mul3A_2, %dma_wait3A] : memref<1024x128xf32, #tpu.memory_space<hbm>> -> memref<32x128xf32, #tpu.memory_space<hbm>>
      %dma_wait3A_13 = arith.constant 0 : i32
      %dma_wait3A_14 = tpu.memref_slice %arg6[%mul3A_2, %dma_wait3A_13] : memref<1024x128xf32, #tpu.memory_space<hbm>> -> memref<32x128xf32, #tpu.memory_space<hbm>>
      tpu.wait_dma2 semaphore(%run_scoped3A : memref<!tpu.dma_semaphore, #tpu.memory_space<semaphore_mem>>) src(%arg9 : memref<32x128xf32, #tpu.memory_space<vmem>>) dst(%dma_wait3A_14 : memref<32x128xf32, #tpu.memory_space<hbm>>)
      tpu.yield
    }) : () -> ()
    return
  }
}

module attributes {stable_mosaic.version = 14 : i64} {
  func.func @_tc_pre_body(%arg0: i32, %arg1: memref<2x1000x1xf32, #tpu.memory_space<vmem>>, %arg2: memref<1000x128xf32, #tpu.memory_space<vmem>>, %arg3: memref<128x128xf32, #tpu.memory_space<vmem>>, %arg4: memref<1000x1xf32, #tpu.memory_space<vmem>>, %arg5: memref<1000x128xf32, #tpu.memory_space<vmem>>) attributes {dimension_semantics = [#tpu.dimension_semantics<arbitrary>], iteration_bounds = array<i64: 10>, scalar_prefetch = 0 : i64, scratch_operands = 0 : i64, tpu.core_type = #tpu.core_type<tc>, window_params = [{transform_indices = @transform_0, window_bounds = array<i64: 2, 1000, 1>}, {transform_indices = @transform_1, window_bounds = array<i64: 1000, 128>}, {pipeline_mode = #tpu.pipeline_mode<synchronous>, transform_indices = @transform_2, window_bounds = array<i64: 128, 128>}, {transform_indices = @transform_3, window_bounds = array<i64: 1000, 1>}, {transform_indices = @transform_4, window_bounds = array<i64: 1000, 128>}]} {
    %get3A = arith.constant 0 : index
    %get3A_0 = arith.constant 0 : index
    %get3A_1 = arith.constant 0 : index
    %get3A_2 = vector.load %arg1[%get3A, %get3A_0, %get3A_1] : memref<2x1000x1xf32, #tpu.memory_space<vmem>>, vector<1x1000x1xf32>
    %get3A_3 = vector.shape_cast %get3A_2 : vector<1x1000x1xf32> to vector<1000x1xf32>
    %get3A_4 = arith.constant 1 : index
    %get3A_5 = arith.constant 0 : index
    %get3A_6 = arith.constant 0 : index
    %get3A_7 = vector.load %arg1[%get3A_4, %get3A_5, %get3A_6] : memref<2x1000x1xf32, #tpu.memory_space<vmem>>, vector<1x1000x1xf32>
    %get3A_8 = vector.shape_cast %get3A_7 : vector<1x1000x1xf32> to vector<1000x1xf32>
    %add3A = arith.addf %get3A_3, %get3A_8 : vector<1000x1xf32>
    %add3A_9 = arith.constant 1.000000e+00 : f32
    %add3A_10 = vector.broadcast %add3A_9 : f32 to vector<1000x1xf32>
    %add3A_11 = arith.addf %add3A, %add3A_10 : vector<1000x1xf32>
    %max3A = arith.constant 9.99999996E-13 : f32
    %max3A_12 = vector.broadcast %max3A : f32 to vector<1000x1xf32>
    %max3A_13 = arith.maximumf %add3A_11, %max3A_12 : vector<1000x1xf32>
    %rsqrt3A = math.rsqrt %max3A_13 : vector<1000x1xf32>
    %swap3A = arith.constant 0 : index
    %swap3A_14 = arith.constant 0 : index
    %swap3A_15 = vector.load %arg4[%swap3A, %swap3A_14] : memref<1000x1xf32, #tpu.memory_space<vmem>>, vector<1000x1xf32>
    tpu.vector_store %arg4[%swap3A, %swap3A_14], %rsqrt3A {strides = array<i32>} : memref<1000x1xf32, #tpu.memory_space<vmem>>, vector<1000x1xf32>,
    %get3A_16 = arith.constant 0 : index
    %get3A_17 = arith.constant 0 : index
    %get3A_18 = vector.load %arg2[%get3A_16, %get3A_17] : memref<1000x128xf32, #tpu.memory_space<vmem>>, vector<1000x128xf32>
    %get3A_19 = arith.constant 0 : index
    %get3A_20 = arith.constant 0 : index
    %get3A_21 = vector.load %arg3[%get3A_19, %get3A_20] : memref<128x128xf32, #tpu.memory_space<vmem>>, vector<128x128xf32>
    %dot_general3A = arith.constant dense<0.000000e+00> : vector<1000x128xf32>
    %dot_general3A_22 = tpu.matmul %get3A_18, %get3A_21, %dot_general3A {dimension_numbers = #tpu.dot_dimension_numbers<[1], [0], [0], [1], [0, 0, 1, 1], [], []>, transpose_lhs_hint = false} : vector<1000x128xf32>, vector<128x128xf32>, vector<1000x128xf32> -> vector<1000x128xf32>
    %mul3A = vector.broadcast %rsqrt3A : vector<1000x1xf32> to vector<1000x128xf32>
    %mul3A_23 = arith.mulf %dot_general3A_22, %mul3A : vector<1000x128xf32>
    %swap3A_24 = arith.constant 0 : index
    %swap3A_25 = arith.constant 0 : index
    %swap3A_26 = vector.load %arg5[%swap3A_24, %swap3A_25] : memref<1000x128xf32, #tpu.memory_space<vmem>>, vector<1000x128xf32>
    tpu.vector_store %arg5[%swap3A_24, %swap3A_25], %mul3A_23 {strides = array<i32>} : memref<1000x128xf32, #tpu.memory_space<vmem>>, vector<1000x128xf32>,
    return
  }
  func.func @transform_0(%arg0: i32) -> (i32, i32, i32) {
    %c0_i32 = arith.constant 0 : i32
    %c0_i32_0 = arith.constant 0 : i32
    %c0_i32_1 = arith.constant 0 : i32
    return %c0_i32, %arg0, %c0_i32_0 : i32, i32, i32
  }
  func.func @transform_1(%arg0: i32) -> (i32, i32) {
    %c0_i32 = arith.constant 0 : i32
    %c0_i32_0 = arith.constant 0 : i32
    return %arg0, %c0_i32 : i32, i32
  }
  func.func @transform_2(%arg0: i32) -> (i32, i32) {
    %c0_i32 = arith.constant 0 : i32
    %c0_i32_0 = arith.constant 0 : i32
    %c0_i32_1 = arith.constant 0 : i32
    return %c0_i32, %c0_i32_0 : i32, i32
  }
  func.func @transform_3(%arg0: i32) -> (i32, i32) {
    %c0_i32 = arith.constant 0 : i32
    %c0_i32_0 = arith.constant 0 : i32
    return %arg0, %c0_i32 : i32, i32
  }
  func.func @transform_4(%arg0: i32) -> (i32, i32) {
    %c0_i32 = arith.constant 0 : i32
    %c0_i32_0 = arith.constant 0 : i32
    return %arg0, %c0_i32 : i32, i32
  }
}

module attributes {stable_mosaic.version = 14 : i64} {
  func.func @_tc_layer_body(%arg0: i32, %arg1: memref<2x1000x128xf32, #tpu.memory_space<vmem>>, %arg2: memref<1000x128xf32, #tpu.memory_space<vmem>>, %arg3: memref<1000x1xf32, #tpu.memory_space<vmem>>, %arg4: memref<1x128xf32, #tpu.memory_space<vmem>>, %arg5: memref<128x128xf32, #tpu.memory_space<vmem>>, %arg6: memref<1000x128xf32, #tpu.memory_space<vmem>>, %arg7: memref<1000x128xf32, #tpu.memory_space<vmem>>) attributes {dimension_semantics = [#tpu.dimension_semantics<arbitrary>], iteration_bounds = array<i64: 10>, scalar_prefetch = 0 : i64, scratch_operands = 0 : i64, tpu.core_type = #tpu.core_type<tc>, window_params = [{transform_indices = @transform_0, window_bounds = array<i64: 2, 1000, 128>}, {transform_indices = @transform_1, window_bounds = array<i64: 1000, 128>}, {transform_indices = @transform_2, window_bounds = array<i64: 1000, 1>}, {pipeline_mode = #tpu.pipeline_mode<synchronous>, transform_indices = @transform_3, window_bounds = array<i64: 1, 128>}, {pipeline_mode = #tpu.pipeline_mode<synchronous>, transform_indices = @transform_4, window_bounds = array<i64: 128, 128>}, {transform_indices = @transform_5, window_bounds = array<i64: 1000, 128>}, {transform_indices = @transform_6, window_bounds = array<i64: 1000, 128>}]} {
    %get3A = arith.constant 0 : index
    %get3A_0 = arith.constant 0 : index
    %get3A_1 = vector.load %arg3[%get3A, %get3A_0] : memref<1000x1xf32, #tpu.memory_space<vmem>>, vector<1000x1xf32>
    %get3A_2 = arith.constant 0 : index
    %get3A_3 = arith.constant 0 : index
    %get3A_4 = arith.constant 0 : index
    %get3A_5 = vector.load %arg1[%get3A_2, %get3A_3, %get3A_4] : memref<2x1000x128xf32, #tpu.memory_space<vmem>>, vector<1x1000x128xf32>
    %get3A_6 = vector.shape_cast %get3A_5 : vector<1x1000x128xf32> to vector<1000x128xf32>
    %get3A_7 = arith.constant 1 : index
    %get3A_8 = arith.constant 0 : index
    %get3A_9 = arith.constant 0 : index
    %get3A_10 = vector.load %arg1[%get3A_7, %get3A_8, %get3A_9] : memref<2x1000x128xf32, #tpu.memory_space<vmem>>, vector<1x1000x128xf32>
    %get3A_11 = vector.shape_cast %get3A_10 : vector<1x1000x128xf32> to vector<1000x128xf32>
    %add3A = arith.addf %get3A_6, %get3A_11 : vector<1000x128xf32>
    %get3A_12 = arith.constant 0 : index
    %get3A_13 = arith.constant 0 : index
    %get3A_14 = vector.load %arg2[%get3A_12, %get3A_13] : memref<1000x128xf32, #tpu.memory_space<vmem>>, vector<1000x128xf32>
    %add3A_15 = arith.addf %add3A, %get3A_14 : vector<1000x128xf32>
    %mul3A = vector.broadcast %get3A_1 : vector<1000x1xf32> to vector<1000x128xf32>
    %mul3A_16 = arith.mulf %mul3A, %add3A_15 : vector<1000x128xf32>
    %get3A_17 = arith.constant 0 : index
    %get3A_18 = arith.constant 0 : index
    %get3A_19 = vector.load %arg4[%get3A_17, %get3A_18] : memref<1x128xf32, #tpu.memory_space<vmem>>, vector<1x128xf32>
    %add3A_20 = vector.broadcast %get3A_19 : vector<1x128xf32> to vector<1000x128xf32>
    %add3A_21 = arith.addf %mul3A_16, %add3A_20 : vector<1000x128xf32>
    %max3A = arith.constant 0.000000e+00 : f32
    %max3A_22 = vector.broadcast %max3A : f32 to vector<1000x128xf32>
    %max3A_23 = arith.maximumf %add3A_21, %max3A_22 : vector<1000x128xf32>
    %swap3A = arith.constant 0 : index
    %swap3A_24 = arith.constant 0 : index
    %swap3A_25 = vector.load %arg6[%swap3A, %swap3A_24] : memref<1000x128xf32, #tpu.memory_space<vmem>>, vector<1000x128xf32>
    tpu.vector_store %arg6[%swap3A, %swap3A_24], %max3A_23 {strides = array<i32>} : memref<1000x128xf32, #tpu.memory_space<vmem>>, vector<1000x128xf32>,
    %get3A_26 = arith.constant 0 : index
    %get3A_27 = arith.constant 0 : index
    %get3A_28 = vector.load %arg5[%get3A_26, %get3A_27] : memref<128x128xf32, #tpu.memory_space<vmem>>, vector<128x128xf32>
    %dot_general3A = arith.constant dense<0.000000e+00> : vector<1000x128xf32>
    %dot_general3A_29 = tpu.matmul %max3A_23, %get3A_28, %dot_general3A {dimension_numbers = #tpu.dot_dimension_numbers<[1], [0], [0], [1], [0, 0, 1, 1], [], []>, transpose_lhs_hint = false} : vector<1000x128xf32>, vector<128x128xf32>, vector<1000x128xf32> -> vector<1000x128xf32>
    %mul3A_30 = vector.broadcast %get3A_1 : vector<1000x1xf32> to vector<1000x128xf32>
    %mul3A_31 = arith.mulf %dot_general3A_29, %mul3A_30 : vector<1000x128xf32>
    %swap3A_32 = arith.constant 0 : index
    %swap3A_33 = arith.constant 0 : index
    %swap3A_34 = vector.load %arg7[%swap3A_32, %swap3A_33] : memref<1000x128xf32, #tpu.memory_space<vmem>>, vector<1000x128xf32>
    tpu.vector_store %arg7[%swap3A_32, %swap3A_33], %mul3A_31 {strides = array<i32>} : memref<1000x128xf32, #tpu.memory_space<vmem>>, vector<1000x128xf32>,
    return
  }
  func.func @transform_0(%arg0: i32) -> (i32, i32, i32) {
    %c0_i32 = arith.constant 0 : i32
    %c0_i32_0 = arith.constant 0 : i32
    %c0_i32_1 = arith.constant 0 : i32
    return %c0_i32, %arg0, %c0_i32_0 : i32, i32, i32
  }
  func.func @transform_1(%arg0: i32) -> (i32, i32) {
    %c0_i32 = arith.constant 0 : i32
    %c0_i32_0 = arith.constant 0 : i32
    return %arg0, %c0_i32 : i32, i32
  }
  func.func @transform_2(%arg0: i32) -> (i32, i32) {
    %c0_i32 = arith.constant 0 : i32
    %c0_i32_0 = arith.constant 0 : i32
    return %arg0, %c0_i32 : i32, i32
  }
  func.func @transform_3(%arg0: i32) -> (i32, i32) {
    %c0_i32 = arith.constant 0 : i32
    %c0_i32_0 = arith.constant 0 : i32
    %c0_i32_1 = arith.constant 0 : i32
    return %c0_i32, %c0_i32_0 : i32, i32
  }
  func.func @transform_4(%arg0: i32) -> (i32, i32) {
    %c0_i32 = arith.constant 0 : i32
    %c0_i32_0 = arith.constant 0 : i32
    %c0_i32_1 = arith.constant 0 : i32
    return %c0_i32, %c0_i32_0 : i32, i32
  }
  func.func @transform_5(%arg0: i32) -> (i32, i32) {
    %c0_i32 = arith.constant 0 : i32
    %c0_i32_0 = arith.constant 0 : i32
    return %arg0, %c0_i32 : i32, i32
  }
  func.func @transform_6(%arg0: i32) -> (i32, i32) {
    %c0_i32 = arith.constant 0 : i32
    %c0_i32_0 = arith.constant 0 : i32
    return %arg0, %c0_i32 : i32, i32
  }
}

module attributes {stable_mosaic.version = 14 : i64} {
  func.func @_tc_post_body(%arg0: i32, %arg1: memref<2x1000x128xf32, #tpu.memory_space<vmem>>, %arg2: memref<1000x128xf32, #tpu.memory_space<vmem>>, %arg3: memref<1000x1xf32, #tpu.memory_space<vmem>>, %arg4: memref<1x128xf32, #tpu.memory_space<vmem>>, %arg5: memref<1000x128xf32, #tpu.memory_space<vmem>>, %arg6: memref<1000x128xf32, #tpu.memory_space<vmem>>, %arg7: memref<384x128xf32, #tpu.memory_space<vmem>>, %arg8: memref<1x128xf32, #tpu.memory_space<vmem>>, %arg9: memref<384x128xf32, #tpu.memory_space<vmem>>, %arg10: memref<1x128xf32, #tpu.memory_space<vmem>>, %arg11: memref<1000x128xf32, #tpu.memory_space<vmem>>, %arg12: memref<1000x128xf32, #tpu.memory_space<vmem>>) attributes {dimension_semantics = [#tpu.dimension_semantics<arbitrary>], iteration_bounds = array<i64: 10>, scalar_prefetch = 0 : i64, scratch_operands = 0 : i64, tpu.core_type = #tpu.core_type<tc>, window_params = [{transform_indices = @transform_0, window_bounds = array<i64: 2, 1000, 128>}, {transform_indices = @transform_1, window_bounds = array<i64: 1000, 128>}, {transform_indices = @transform_2, window_bounds = array<i64: 1000, 1>}, {pipeline_mode = #tpu.pipeline_mode<synchronous>, transform_indices = @transform_3, window_bounds = array<i64: 1, 128>}, {transform_indices = @transform_4, window_bounds = array<i64: 1000, 128>}, {transform_indices = @transform_5, window_bounds = array<i64: 1000, 128>}, {pipeline_mode = #tpu.pipeline_mode<synchronous>, transform_indices = @transform_6, window_bounds = array<i64: 384, 128>}, {pipeline_mode = #tpu.pipeline_mode<synchronous>, transform_indices = @transform_7, window_bounds = array<i64: 1, 128>}, {pipeline_mode = #tpu.pipeline_mode<synchronous>, transform_indices = @transform_8, window_bounds = array<i64: 384, 128>}, {pipeline_mode = #tpu.pipeline_mode<synchronous>, transform_indices = @transform_9, window_bounds = array<i64: 1, 128>}, {transform_indices = @transform_10, window_bounds = array<i64: 1000, 128>}, {transform_indices = @transform_11, window_bounds = array<i64: 1000, 128>}]} {
    %get3A = arith.constant 0 : index
    %get3A_0 = arith.constant 0 : index
    %get3A_1 = vector.load %arg3[%get3A, %get3A_0] : memref<1000x1xf32, #tpu.memory_space<vmem>>, vector<1000x1xf32>
    %get3A_2 = arith.constant 0 : index
    %get3A_3 = arith.constant 0 : index
    %get3A_4 = arith.constant 0 : index
    %get3A_5 = vector.load %arg1[%get3A_2, %get3A_3, %get3A_4] : memref<2x1000x128xf32, #tpu.memory_space<vmem>>, vector<1x1000x128xf32>
    %get3A_6 = vector.shape_cast %get3A_5 : vector<1x1000x128xf32> to vector<1000x128xf32>
    %get3A_7 = arith.constant 1 : index
    %get3A_8 = arith.constant 0 : index
    %get3A_9 = arith.constant 0 : index
    %get3A_10 = vector.load %arg1[%get3A_7, %get3A_8, %get3A_9] : memref<2x1000x128xf32, #tpu.memory_space<vmem>>, vector<1x1000x128xf32>
    %get3A_11 = vector.shape_cast %get3A_10 : vector<1x1000x128xf32> to vector<1000x128xf32>
    %add3A = arith.addf %get3A_6, %get3A_11 : vector<1000x128xf32>
    %get3A_12 = arith.constant 0 : index
    %get3A_13 = arith.constant 0 : index
    %get3A_14 = vector.load %arg2[%get3A_12, %get3A_13] : memref<1000x128xf32, #tpu.memory_space<vmem>>, vector<1000x128xf32>
    %add3A_15 = arith.addf %add3A, %get3A_14 : vector<1000x128xf32>
    %mul3A = vector.broadcast %get3A_1 : vector<1000x1xf32> to vector<1000x128xf32>
    %mul3A_16 = arith.mulf %mul3A, %add3A_15 : vector<1000x128xf32>
    %get3A_17 = arith.constant 0 : index
    %get3A_18 = arith.constant 0 : index
    %get3A_19 = vector.load %arg4[%get3A_17, %get3A_18] : memref<1x128xf32, #tpu.memory_space<vmem>>, vector<1x128xf32>
    %add3A_20 = vector.broadcast %get3A_19 : vector<1x128xf32> to vector<1000x128xf32>
    %add3A_21 = arith.addf %mul3A_16, %add3A_20 : vector<1000x128xf32>
    %max3A = arith.constant 0.000000e+00 : f32
    %max3A_22 = vector.broadcast %max3A : f32 to vector<1000x128xf32>
    %max3A_23 = arith.maximumf %add3A_21, %max3A_22 : vector<1000x128xf32>
    %get3A_24 = arith.constant 0 : index
    %get3A_25 = arith.constant 0 : index
    %get3A_26 = vector.load %arg5[%get3A_24, %get3A_25] : memref<1000x128xf32, #tpu.memory_space<vmem>>, vector<1000x128xf32>
    %get3A_27 = arith.constant 0 : index
    %get3A_28 = arith.constant 0 : index
    %get3A_29 = vector.load %arg6[%get3A_27, %get3A_28] : memref<1000x128xf32, #tpu.memory_space<vmem>>, vector<1000x128xf32>
    %get3A_30 = arith.constant 0 : index
    %get3A_31 = arith.constant 0 : index
    %get3A_32 = vector.load %arg7[%get3A_30, %get3A_31] : memref<384x128xf32, #tpu.memory_space<vmem>>, vector<128x128xf32>
    %dot_general3A = arith.constant dense<0.000000e+00> : vector<1000x128xf32>
    %dot_general3A_33 = tpu.matmul %get3A_26, %get3A_32, %dot_general3A {dimension_numbers = #tpu.dot_dimension_numbers<[1], [0], [0], [1], [0, 0, 1, 1], [], []>, transpose_lhs_hint = false} : vector<1000x128xf32>, vector<128x128xf32>, vector<1000x128xf32> -> vector<1000x128xf32>
    %get3A_34 = arith.constant 128 : index
    %get3A_35 = arith.constant 0 : index
    %get3A_36 = vector.load %arg7[%get3A_34, %get3A_35] : memref<384x128xf32, #tpu.memory_space<vmem>>, vector<128x128xf32>
    %dot_general3A_37 = arith.constant dense<0.000000e+00> : vector<1000x128xf32>
    %dot_general3A_38 = tpu.matmul %get3A_29, %get3A_36, %dot_general3A_37 {dimension_numbers = #tpu.dot_dimension_numbers<[1], [0], [0], [1], [0, 0, 1, 1], [], []>, transpose_lhs_hint = false} : vector<1000x128xf32>, vector<128x128xf32>, vector<1000x128xf32> -> vector<1000x128xf32>
    %add3A_39 = arith.addf %dot_general3A_33, %dot_general3A_38 : vector<1000x128xf32>
    %get3A_40 = arith.constant 256 : index
    %get3A_41 = arith.constant 0 : index
    %get3A_42 = vector.load %arg7[%get3A_40, %get3A_41] : memref<384x128xf32, #tpu.memory_space<vmem>>, vector<128x128xf32>
    %dot_general3A_43 = arith.constant dense<0.000000e+00> : vector<1000x128xf32>
    %dot_general3A_44 = tpu.matmul %max3A_23, %get3A_42, %dot_general3A_43 {dimension_numbers = #tpu.dot_dimension_numbers<[1], [0], [0], [1], [0, 0, 1, 1], [], []>, transpose_lhs_hint = false} : vector<1000x128xf32>, vector<128x128xf32>, vector<1000x128xf32> -> vector<1000x128xf32>
    %add3A_45 = arith.addf %add3A_39, %dot_general3A_44 : vector<1000x128xf32>
    %get3A_46 = arith.constant 0 : index
    %get3A_47 = arith.constant 0 : index
    %get3A_48 = vector.load %arg8[%get3A_46, %get3A_47] : memref<1x128xf32, #tpu.memory_space<vmem>>, vector<1x128xf32>
    %add3A_49 = vector.broadcast %get3A_48 : vector<1x128xf32> to vector<1000x128xf32>
    %add3A_50 = arith.addf %add3A_45, %add3A_49 : vector<1000x128xf32>
    %get3A_51 = arith.constant 0 : index
    %get3A_52 = arith.constant 0 : index
    %get3A_53 = vector.load %arg9[%get3A_51, %get3A_52] : memref<384x128xf32, #tpu.memory_space<vmem>>, vector<128x128xf32>
    %dot_general3A_54 = arith.constant dense<0.000000e+00> : vector<1000x128xf32>
    %dot_general3A_55 = tpu.matmul %get3A_26, %get3A_53, %dot_general3A_54 {dimension_numbers = #tpu.dot_dimension_numbers<[1], [0], [0], [1], [0, 0, 1, 1], [], []>, transpose_lhs_hint = false} : vector<1000x128xf32>, vector<128x128xf32>, vector<1000x128xf32> -> vector<1000x128xf32>
    %get3A_56 = arith.constant 128 : index
    %get3A_57 = arith.constant 0 : index
    %get3A_58 = vector.load %arg9[%get3A_56, %get3A_57] : memref<384x128xf32, #tpu.memory_space<vmem>>, vector<128x128xf32>
    %dot_general3A_59 = arith.constant dense<0.000000e+00> : vector<1000x128xf32>
    %dot_general3A_60 = tpu.matmul %get3A_29, %get3A_58, %dot_general3A_59 {dimension_numbers = #tpu.dot_dimension_numbers<[1], [0], [0], [1], [0, 0, 1, 1], [], []>, transpose_lhs_hint = false} : vector<1000x128xf32>, vector<128x128xf32>, vector<1000x128xf32> -> vector<1000x128xf32>
    %add3A_61 = arith.addf %dot_general3A_55, %dot_general3A_60 : vector<1000x128xf32>
    %get3A_62 = arith.constant 256 : index
    %get3A_63 = arith.constant 0 : index
    %get3A_64 = vector.load %arg9[%get3A_62, %get3A_63] : memref<384x128xf32, #tpu.memory_space<vmem>>, vector<128x128xf32>
    %dot_general3A_65 = arith.constant dense<0.000000e+00> : vector<1000x128xf32>
    %dot_general3A_66 = tpu.matmul %max3A_23, %get3A_64, %dot_general3A_65 {dimension_numbers = #tpu.dot_dimension_numbers<[1], [0], [0], [1], [0, 0, 1, 1], [], []>, transpose_lhs_hint = false} : vector<1000x128xf32>, vector<128x128xf32>, vector<1000x128xf32> -> vector<1000x128xf32>
    %add3A_67 = arith.addf %add3A_61, %dot_general3A_66 : vector<1000x128xf32>
    %get3A_68 = arith.constant 0 : index
    %get3A_69 = arith.constant 0 : index
    %get3A_70 = vector.load %arg10[%get3A_68, %get3A_69] : memref<1x128xf32, #tpu.memory_space<vmem>>, vector<1x128xf32>
    %add3A_71 = vector.broadcast %get3A_70 : vector<1x128xf32> to vector<1000x128xf32>
    %add3A_72 = arith.addf %add3A_67, %add3A_71 : vector<1000x128xf32>
    %swap3A = arith.constant 0 : index
    %swap3A_73 = arith.constant 0 : index
    %swap3A_74 = vector.load %arg11[%swap3A, %swap3A_73] : memref<1000x128xf32, #tpu.memory_space<vmem>>, vector<1000x128xf32>
    tpu.vector_store %arg11[%swap3A, %swap3A_73], %add3A_50 {strides = array<i32>} : memref<1000x128xf32, #tpu.memory_space<vmem>>, vector<1000x128xf32>,
    %swap3A_75 = arith.constant 0 : index
    %swap3A_76 = arith.constant 0 : index
    %swap3A_77 = vector.load %arg12[%swap3A_75, %swap3A_76] : memref<1000x128xf32, #tpu.memory_space<vmem>>, vector<1000x128xf32>
    tpu.vector_store %arg12[%swap3A_75, %swap3A_76], %add3A_72 {strides = array<i32>} : memref<1000x128xf32, #tpu.memory_space<vmem>>, vector<1000x128xf32>,
    return
  }
  func.func @transform_0(%arg0: i32) -> (i32, i32, i32) {
    %c0_i32 = arith.constant 0 : i32
    %c0_i32_0 = arith.constant 0 : i32
    %c0_i32_1 = arith.constant 0 : i32
    return %c0_i32, %arg0, %c0_i32_0 : i32, i32, i32
  }
  func.func @transform_1(%arg0: i32) -> (i32, i32) {
    %c0_i32 = arith.constant 0 : i32
    %c0_i32_0 = arith.constant 0 : i32
    return %arg0, %c0_i32 : i32, i32
  }
  func.func @transform_2(%arg0: i32) -> (i32, i32) {
    %c0_i32 = arith.constant 0 : i32
    %c0_i32_0 = arith.constant 0 : i32
    return %arg0, %c0_i32 : i32, i32
  }
  func.func @transform_3(%arg0: i32) -> (i32, i32) {
    %c0_i32 = arith.constant 0 : i32
    %c0_i32_0 = arith.constant 0 : i32
    %c0_i32_1 = arith.constant 0 : i32
    return %c0_i32, %c0_i32_0 : i32, i32
  }
  func.func @transform_4(%arg0: i32) -> (i32, i32) {
    %c0_i32 = arith.constant 0 : i32
    %c0_i32_0 = arith.constant 0 : i32
    return %arg0, %c0_i32 : i32, i32
  }
  func.func @transform_5(%arg0: i32) -> (i32, i32) {
    %c0_i32 = arith.constant 0 : i32
    %c0_i32_0 = arith.constant 0 : i32
    return %arg0, %c0_i32 : i32, i32
  }
  func.func @transform_6(%arg0: i32) -> (i32, i32) {
    %c0_i32 = arith.constant 0 : i32
    %c0_i32_0 = arith.constant 0 : i32
    %c0_i32_1 = arith.constant 0 : i32
    return %c0_i32, %c0_i32_0 : i32, i32
  }
  func.func @transform_7(%arg0: i32) -> (i32, i32) {
    %c0_i32 = arith.constant 0 : i32
    %c0_i32_0 = arith.constant 0 : i32
    %c0_i32_1 = arith.constant 0 : i32
    return %c0_i32, %c0_i32_0 : i32, i32
  }
  func.func @transform_8(%arg0: i32) -> (i32, i32) {
    %c0_i32 = arith.constant 0 : i32
    %c0_i32_0 = arith.constant 0 : i32
    %c0_i32_1 = arith.constant 0 : i32
    return %c0_i32, %c0_i32_0 : i32, i32
  }
  func.func @transform_9(%arg0: i32) -> (i32, i32) {
    %c0_i32 = arith.constant 0 : i32
    %c0_i32_0 = arith.constant 0 : i32
    %c0_i32_1 = arith.constant 0 : i32
    return %c0_i32, %c0_i32_0 : i32, i32
  }
  func.func @transform_10(%arg0: i32) -> (i32, i32) {
    %c0_i32 = arith.constant 0 : i32
    %c0_i32_0 = arith.constant 0 : i32
    return %arg0, %c0_i32 : i32, i32
  }
  func.func @transform_11(%arg0: i32) -> (i32, i32) {
    %c0_i32 = arith.constant 0 : i32
    %c0_i32_0 = arith.constant 0 : i32
    return %arg0, %c0_i32 : i32, i32
  }
}

module attributes {stable_mosaic.version = 14 : i64} {
  func.func @_tc_rowsum_body(%arg0: i32, %arg1: memref<1024x128xf32, #tpu.memory_space<vmem>>, %arg2: memref<1024x1xf32, #tpu.memory_space<vmem>>) attributes {dimension_semantics = [#tpu.dimension_semantics<arbitrary>], iteration_bounds = array<i64: 1>, scalar_prefetch = 0 : i64, scratch_operands = 0 : i64, tpu.core_type = #tpu.core_type<tc>, window_params = [{pipeline_mode = #tpu.pipeline_mode<synchronous>, transform_indices = @transform_0, window_bounds = array<i64: 1024, 128>}, {pipeline_mode = #tpu.pipeline_mode<synchronous>, transform_indices = @transform_1, window_bounds = array<i64: 1024, 1>}]} {
    %get3A = arith.constant 0 : index
    %get3A_0 = arith.constant 0 : index
    %get3A_1 = vector.load %arg1[%get3A, %get3A_0] : memref<1024x128xf32, #tpu.memory_space<vmem>>, vector<1024x128xf32>
    %reduce_sum3A = arith.constant dense<0.000000e+00> : vector<1024xf32>
    %reduce_sum3A_2 = vector.multi_reduction <add>, %get3A_1, %reduce_sum3A [1] : vector<1024x128xf32> to vector<1024xf32>
    %broadcast_in_dim3A = vector.shape_cast %reduce_sum3A_2 : vector<1024xf32> to vector<1024x1xf32>
    %swap3A = arith.constant 0 : index
    %swap3A_3 = arith.constant 0 : index
    %swap3A_4 = vector.load %arg2[%swap3A, %swap3A_3] : memref<1024x1xf32, #tpu.memory_space<vmem>>, vector<1024x1xf32>
    tpu.vector_store %arg2[%swap3A, %swap3A_3], %broadcast_in_dim3A {strides = array<i32>} : memref<1024x1xf32, #tpu.memory_space<vmem>>, vector<1024x1xf32>,
    return
  }
  func.func @transform_0(%arg0: i32) -> (i32, i32) {
    %c0_i32 = arith.constant 0 : i32
    %c0_i32_0 = arith.constant 0 : i32
    %c0_i32_1 = arith.constant 0 : i32
    return %c0_i32, %c0_i32_0 : i32, i32
  }
  func.func @transform_1(%arg0: i32) -> (i32, i32) {
    %c0_i32 = arith.constant 0 : i32
    %c0_i32_0 = arith.constant 0 : i32
    %c0_i32_1 = arith.constant 0 : i32
    return %c0_i32, %c0_i32_0 : i32, i32
  }
}

</mosaic_0001>

<sc_bundles>
// kernel: kernel.12.cloned.1.call-start
scs
__scs_entry_jumppad:
0x0: {  	(pc) =	sbr.rel $0x88, $3  }
0x1: {  	(tag) =	ssettag $0x0;
	lr =	simm.s32 $0x1  }
0x2: {  	[smem:$0x3F93] =	sst lr;
	_ =	strace $0xD0000000  }
0x3: {  	_ = 	snop  }
0x4: {  	_ = 	snop  }
0x5: {  	_ = 	snop  }
0x6: {  	_ = 	snop  }
0x7: {  	_ = 	snop  }
__scs_overlays_trampoline_lowered:
0x8: {  	[smem:$0x3FA2] =	sst s0  }
0x9: {  	[smem:$0x3FA3] =	sst s1  }
0xa: {  	[smem:$0x3FA4] =	sst s2  }
0xb: {  	[smem:$0x3FA5] =	sst s3  }
0xc: {  	[smem:$0x3FA6] =	sst s4  }
0xd: {  	[smem:$0x3FA7] =	sst s5  }
0xe: {  	[smem:$0x3FA8] =	sst s6  }
0xf: {  	[smem:$0x3FA9] =	sst s7  }
0x10: {  	[smem:$0x3FAA] =	sst s8  }
0x11: {  	[smem:$0x3FAB] =	sst s9;
	s0 =	simm.s32 @!p0 $0x0  }
0x12: {  	s1 =	sld [smem:$0x3F91];
	s0 =	simm.s32 @p0 $0x1  }
0x13: {  	[smem:$0x3FAC] =	sst s0;
	s0 =	simm.s32 @!p1 $0x0  }
0x14: {  	s2 =	sld [smem:$0x3F90];
	s0 =	simm.s32 @p1 $0x1  }
0x15: {  	[smem:$0x3FAD] =	sst s0;
	s0 =	simm.s32 @!p2 $0x0  }
0x16: {  	s3 =	sld [smem:$0x3FDB];
	s0 =	simm.s32 @p2 $0x1  }
0x17: {  	s4 =	simm.s32 $0x1BF5;
	[smem:$0x3FAF] =	sst s0  }
0x18: {  	s0 =	sld [smem:$0x3F92];
	_ =	swait.ge [sflag:s4], $0x0  }
0x19: {  	s7 =	sld [smem:$0x3F93]  }
0x1a: {  	s8 =	sadd.s32 $0xFFFFE003, lr  }
0x1b: {  	s9 =	sadd.s32 $0xFFFFFEF7, lr;
	s5 =	simm.s32 $0xFFFFFFFF;
	p2 =	slt.u32 s8, $0xFFFFF086  }
0x1c: {  	p1 =	slt.u32 s9, $0xF7A;
	s5 =	simm.s32 @!p2 $0x0  }
0x1d: {  	s5 =	simm.s32 @p1 $0x1;
	p0 =	seq.s32 s7, s2  }
0x1e: {  	s7 =	smul.u32 @!p0 $0xF7A, s2;
	p2 =	seq.s32 @!p0 s5, $0x0  }
0x1f: {  	s9 =	smul.u32 $0xF7A, s1;
	s8 =	simm.s32 @!p0 $0x1BF5;
	p2 =	por !p2, p0  }
0x20: {  	[sflag:s8] =	ssyncset.s32 @!p0 $0xFFFFF086;
	s6 =	sadd.s32 @!p0 s3, s7;
	s7 =	simm.s32 @!p0 $0x108  }
0x21: {  	s3 =	sadd.s32 s3, s9;
	s6 =	sadd.s32 @!p0 $0x88, s6;
	s7 =	simm.s32 @p2 $0x1082  }
0x22: {  	[simem:s7], [sflag:s8] =	dma.local @!p0 [hbm:s6], $0xF7A  }
0x23: {  	s9 =	sor.u32 $0xD0000000, s2;
	s6 =	simm.s32 $0x108;
	_ =	swait.ge @!p0 [sflag:s8], $0x0  }
0x24: {  	s3 =	sadd.s32 $0x88, s3;
	s6 =	simm.s32 @!p1 $0x1082;
	[sflag:s4] =	ssyncset.s32 $0xFFFFF086  }
0x25: {  	[simem:s6], [sflag:s4] =	dma.local [hbm:s3], $0xF7A  }
0x26: {  	[smem:$0x3F93] =	sst s1;
	(tag) =	ssettag s2;
	_ =	strace s9  }
0x27: {  	s1 =	sld [smem:$0x3FA3]  }
0x28: {  	s2 =	sld [smem:$0x3FA4]  }
0x29: {  	s4 =	sld [smem:$0x3FA6]  }
0x2a: {  	p0 =	seq.s32 s5, $0x0;
	s5 =	sld [smem:$0x3FA7]  }
0x2b: {  	s6 =	sld [smem:$0x3FA8]  }
0x2c: {  	s7 =	sld [smem:$0x3FA9]  }
0x2d: {  	s3 =	simm.s32 $0x108;
	s8 =	sld [smem:$0x3FAA]  }
0x2e: {  	s3 =	simm.s32 @!p0 $0x1082;
	s9 =	sld [smem:$0x3FAB]  }
0x2f: {  	lr =	sadd.s32 s0, s3;
	s0 =	sld [smem:$0x3FA2]  }
0x30: {  	s3 =	sld [smem:$0x3FA5]  }
0x31: {  	[smem:$0x3FAE] =	sst s10  }
0x32: {  	s10 =	sld [smem:$0x3FAC];
	_ =	sdelay $0x3  }
0x33: {  	p0 =	seq.s32 s10, $0x1;
	s10 =	sld [smem:$0x3FAE];
	_ =	sdelay $0x3  }
0x34: {  	[smem:$0x3FAE] =	sst s10  }
0x35: {  	s10 =	sld [smem:$0x3FAD];
	_ =	sdelay $0x3  }
0x36: {  	p1 =	seq.s32 s10, $0x1;
	s10 =	sld [smem:$0x3FAE];
	_ =	sdelay $0x3  }
0x37: {  	[smem:$0x3FAE] =	sst s10  }
0x38: {  	s10 =	sld [smem:$0x3FAF]  }
0x39: {  	_ = 	snop;
	(pc) =	sbr.ind lr, $3  }
0x3a: {  	_ = 	snop  }
0x3b: {  	_ = 	snop  }
0x3c: {  	p2 =	seq.s32 s10, $0x1;
	s10 =	sld [smem:$0x3FAE]  }
0x3d: {  	_ =	shalt  }
0x3e: {  	_ =	shalt  }
0x3f: {  	_ =	shalt  }
0x40: {  	_ =	shalt  }
0x41: {  	_ =	shalt  }
0x42: {  	_ =	shalt  }
0x43: {  	_ =	shalt  }
0x44: {  	_ =	shalt  }
0x45: {  	_ =	shalt  }
0x46: {  	_ =	shalt  }
0x47: {  	_ =	shalt  }
0x48: {  	_ =	shalt  }
0x49: {  	_ =	shalt  }
0x4a: {  	_ =	shalt  }
0x4b: {  	_ =	shalt  }
0x4c: {  	_ =	shalt  }
0x4d: {  	_ =	shalt  }
0x4e: {  	_ =	shalt  }
0x4f: {  	_ =	shalt  }
0x50: {  	_ =	shalt  }
0x51: {  	_ =	shalt  }
0x52: {  	_ =	shalt  }
0x53: {  	_ =	shalt  }
0x54: {  	_ =	shalt  }
0x55: {  	_ =	shalt  }
0x56: {  	_ =	shalt  }
0x57: {  	_ =	shalt  }
0x58: {  	_ =	shalt  }
0x59: {  	_ =	shalt  }
0x5a: {  	_ =	shalt  }
0x5b: {  	_ =	shalt  }
0x5c: {  	_ =	shalt  }
0x5d: {  	_ =	shalt  }
0x5e: {  	_ =	shalt  }
0x5f: {  	_ =	shalt  }
0x60: {  	_ =	shalt  }
0x61: {  	_ =	shalt  }
0x62: {  	_ =	shalt  }
0x63: {  	_ =	shalt  }
0x64: {  	_ =	shalt  }
0x65: {  	_ =	shalt  }
0x66: {  	_ =	shalt  }
0x67: {  	_ =	shalt  }
0x68: {  	_ =	shalt  }
0x69: {  	_ =	shalt  }
0x6a: {  	_ =	shalt  }
0x6b: {  	_ =	shalt  }
0x6c: {  	_ =	shalt  }
0x6d: {  	_ =	shalt  }
0x6e: {  	_ =	shalt  }
0x6f: {  	_ =	shalt  }
0x70: {  	_ =	shalt  }
0x71: {  	_ =	shalt  }
0x72: {  	_ =	shalt  }
0x73: {  	_ =	shalt  }
0x74: {  	_ =	shalt  }
0x75: {  	_ =	shalt  }
0x76: {  	_ =	shalt  }
0x77: {  	_ =	shalt  }
0x78: {  	_ =	shalt  }
0x79: {  	_ =	shalt  }
0x7a: {  	_ =	shalt  }
0x7b: {  	_ =	shalt  }
0x7c: {  	_ =	shalt  }
0x7d: {  	_ =	shalt  }
0x7e: {  	_ =	shalt  }
0x7f: {  	_ =	shalt  }
0x80: {  	_ =	shalt  }
0x81: {  	_ =	shalt  }
0x82: {  	_ =	shalt  }
0x83: {  	_ =	shalt  }
0x84: {  	_ =	shalt  }
0x85: {  	_ =	shalt  }
0x86: {  	_ =	shalt  }
0x87: {  	_ =	shalt  }
.Lfunc_end0:
.L_simem_size_0:
called_computation_lowered:
.L_overlay_start_0:
0x88: {  	s2 =	sld [smem:$0x3FD9]  }
0x89: {  	s3 =	sld [smem:$0x3FFE];
	_ =	sdelay $0x1  }
0x8a: {  	s1 =	srdreg.scid  }
0x8b: {  	s0 =	sand.u32 $0x1, s1  }
0x8c: {  	s16 =	sshll.u32 s0, $0xA;
	s2 =	sadd.s32 s3, s2  }
0x8d: {  	s2 =	sadd.s32 s2, s16  }
0x8e: {  	[smem:$0x3FBA] =	sst s2  }
0x8f: {  	_ = 	snop  }
0x90: {  	(tm) =	ssettm $0x1  }
0x91: {  	s17 =	sld [smem:$0x3FFB];
	_ =	sdelay $0x3  }
0x92: {  	_ =	strace s17  }
0x93: {  	s2 =	sld [smem:$0x3FFC];
	_ =	sdelay $0x3  }
0x94: {  	_ =	strace s2  }
0x95: {  	s2 =	sld [smem:$0x3FFD];
	_ =	sdelay $0x3  }
0x96: {  	_ =	strace s2  }
0x97: {  	_ =	strace $0x8FFFFFFF  }
0x98: {  	s18 =	sld [smem:$0x3FDB];
	_ =	sdelay $0x1  }
0x99: {  	s19 =	simm.s32 $_scs_section_size  }
0x9a: {  	s4 =	simm.s32 $_size__tile_overlayer_lowered;
	s5 =	simm.s32 $_tile_overlayer_lowered  }
0x9b: {  	s22 =	simm.s32 $0x1BFF;
	s21 =	sshll.u32 s5, $0x1;
	s2 =	sadd.s32 s19, s18  }
0x9c: {  	s6 =	simm.s32 $0x0;
	s20 =	sshll.u32 s4, $0x1;
	s4 =	sadd.s32 s21, s2  }
0x9d: {  	[timem:s6], [sflag:s22] =	dma.local [hbm:s4], s20  }
0x9e: {  	_ =	swait.ge [sflag:s22], s20  }
0x9f: {  	s3 =	ssub.s32 $0x0, s20;
	[sflag:s22] =	ssyncset.done $0x0  }
0xa0: {  	[sflag:s22] =	ssyncadd.s32 s3;
	_ =	sdelay $0x1  }
0xa1: {  	s23 =	simm.s32 $0x1B8B  }
0xa2: {  	_ =	swait.ge [sflag:s23], $0x1  }
0xa3: {  	[sflag:s23] =	ssyncset.done $0x0  }
0xa4: {  	s25 =	simm.s32 $0x1B8E;
	s24 =	sld [smem:$0x3FFE];
	[sflag:s23] =	ssyncadd.s32 $0xFFFFFFFF  }
0xa5: {  	s26 =	simm.s32 $execute0_lowered;
	[smem:$0x3FD2] =	sst s25  }
0xa6: {  	s4 =	sshll.u32 s26, $0x1;
	_ =	strace $0x80000046;
	[dreg:$0x1] =	wrdreg $0xFFFFFFFF  }
0xa7: {  	s28 =	simm.s32 $_size_execute0_lowered;
	s2 =	sadd.s32 s2, s4;
	[dreg:$0x0] =	wrdreg $0x0  }
0xa8: {  	s4 =	sshll.u32 s28, $0x1;
	[dreg:$0x2] =	wrdreg s2  }
0xa9: {  	[dreg:$0x3] =	wrdreg s4  }
0xaa: {  	[dreg:$0x4] =	wrdreg $0xC0  }
0xab: {  	_ =	task [dreg:s6], $0x5FFFF  }
0xac: {  	[dreg:$0x1] =	wrdreg $0xFFFFFFFF  }
0xad: {  	[dreg:$0x0] =	wrdreg $0x60  }
0xae: {  	[dreg:$0x2] =	wrdreg s24  }
0xaf: {  	[dreg:$0x3] =	wrdreg $0x3800  }
0xb0: {  	[dreg:$0x4] =	wrdreg $0x9  }
0xb1: {  	_ =	task.clear_ibuf [dreg:s6], $0x5FFFF;
	_ =	strace $0x90000046  }
0xb2: {  	s29 =	simm.s32 $0x9;
	_ =	strace $0x80000048  }
0xb3: {  	_ =	swait.ge [sflag:s29], $0x1  }
0xb4: {  	[sflag:s29] =	ssyncadd.s32 $0xFFFFFFFF  }
0xb5: {  	_ =	strace $0x90000048  }
0xb6: {  	_ =	sfence  }
0xb7: {  	s30 =	sld [smem:$0x0];
	_ =	sdelay $0x2  }
0xb8: {  	s31 =	sshll.u32 s1, $0xD;
	s1 =	sshrl.u32 s1, $0x2  }
0xb9: {  	s3 =	sand.u32 $0x4000, s31;
	s1 =	sadd.s32 s1, s30  }
0xba: {  	s0 =	sor.u32 s3, s0;
	s1 =	sshll.u32 s1, $0x11  }
0xbb: {  	s0 =	sor.u32 s1, s0  }
0xbc: {  	s0 =	sadd.s32 $0x8F2B, s0  }
0xbd: {  	[sflag:s0] =	ssyncadd.remote.s32 $0x1  }
0xbe: {  	_ =	sfence.sel $0xFFFF  }
0xbf: {  	[dreg:$0x0] =	wrdreg $0xFFFFFFFF;
	(pc) =	sbr.abs _section_cstart, $3  }
0xc0: {  	[dreg:$0x1] =	wrdreg $0xFFFFFFFF  }
0xc1: {  	_ =	task.clear_ibuf [dreg:s6], $0x2FFFF;
	_ =	strace $0x9FFFFFFF  }
0xc2: {  	(tm) =	ssettm $0x7FFFFFFF  }
0xc3: {  	_ =	shalt  }
tec
execute0_lowered:
.L_overlay_start_1:
0x0: {  	(tag) =	ssettag $0x1  }
0x1: {  	s4 =	rddreg [dreg:$0x0]  }
0x2: {  	s2 =	rddreg [dreg:$0x1]  }
0x3: {  	s0 =	rddreg [dreg:$0x2]  }
0x4: {  	s1 =	stileid.u32;
	s6 =	srdreg.scid  }
0x5: {  	s3 =	simm.s32 $0x0;
	s10 =	simm.s32 $0x80;
	s13 =	simm.s32 $0x20  }
0x6: {  	s14 =	simm.s32 $0x10;
	s15 =	simm.s32 $0x0;
	s5 =	smul.u32 $0xA00, s1  }
0x7: {  	s6 =	sand.u32 $0x1, s6;
	s7 =	smul.u32 $0x500, s1;
	[smem:$0x7FF] =	sst s3  }
0x8: {  	s11 =	sshll.u32 s1, $0x6;
	s8 =	sshll.u32 s6, $0x7;
	_ =	strace $0x80000047  }
0x9: {  	s30 =	ssub.s32 $0x2, s6;
	s6 =	smul.u32 $0x500, s6;
	s11 =	sor.u32 $0x1C01, s11  }
0xa: {  	s9 =	sadd.s32 s5, s4;
	s7 =	sor.u32 s8, s7;
	s31 =	sshrl.u32 s30, $0x1  }
0xb: {  	s5 =	sshrl.u32 s5, $0x2;
	s7 =	sshrl.u32 s7, $0x3;
	s8 =	ssub.s32 s30, s31  }
0xc: {  	s9 =	sadd.s32 s6, s9;
	s7 =	sadd.s32 s7, s4;
	s4 =	sadd.s32 s5, s2  }
0xd: {  	s6 =	smax.u32 s8, $0x1;
	s8 =	simm.s32 $0x100;
	s5 =	sadd.s32 $0x18800, s7  }
0xe: {  	v0 =	vimm.f32 $1.000000000e+00;
	v1 =	vimm.f32 $0.0e+00;
	s7 =	sadd.s32 $0x4800, s9;
	s9 =	simm.s32 $0x1;
	s12 =	sshrl.u32 s4, $0x3  }
.LBB2_1:
0xf: {  	[tilespmem:$0x80] =	vst v0  }
0x10: {  	[tilespmem:$0x90] =	vst v0  }
0x11: {  	[tilespmem:$0xA0] =	vst v0  }
0x12: {  	[tilespmem:$0xB0] =	vst v0  }
0x13: {  	[tilespmem:$0xC0] =	vst v0  }
0x14: {  	[tilespmem:$0xD0] =	vst v0  }
0x15: {  	[tilespmem:$0xE0] =	vst v0  }
0x16: {  	[tilespmem:$0xF0] =	vst v0  }
0x17: {  	[tilespmem:$0x100] =	vst v1  }
0x18: {  	[tilespmem:$0x110] =	vst v1  }
0x19: {  	[tilespmem:$0x120] =	vst v1  }
0x1a: {  	[tilespmem:$0x130] =	vst v1  }
0x1b: {  	[tilespmem:$0x140] =	vst v1  }
0x1c: {  	[tilespmem:$0x150] =	vst v1  }
0x1d: {  	[tilespmem:$0x160] =	vst v1  }
0x1e: {  	[tilespmem:$0x170] =	vst v1  }
0x1f: {  	[tilespmem:$0x180] =	vst v1  }
0x20: {  	[tilespmem:$0x190] =	vst v1  }
0x21: {  	[tilespmem:$0x1A0] =	vst v1  }
0x22: {  	[tilespmem:$0x1B0] =	vst v1  }
0x23: {  	[tilespmem:$0x1C0] =	vst v1  }
0x24: {  	[tilespmem:$0x1D0] =	vst v1  }
0x25: {  	[tilespmem:$0x1E0] =	vst v1  }
0x26: {  	[tilespmem:$0x1F0] =	vst v1  }
0x27: {  	[tilespmem:$0x200] =	vst v1  }
0x28: {  	[tilespmem:$0x210] =	vst v1  }
0x29: {  	[tilespmem:$0x220] =	vst v1  }
0x2a: {  	[tilespmem:$0x230] =	vst v1  }
0x2b: {  	[tilespmem:$0x240] =	vst v1  }
0x2c: {  	[tilespmem:$0x250] =	vst v1  }
0x2d: {  	[tilespmem:$0x260] =	vst v1  }
0x2e: {  	[tilespmem:$0x270] =	vst v1  }
0x2f: {  	[tilespmem:$0x280] =	vst v1  }
0x30: {  	[tilespmem:$0x290] =	vst v1  }
0x31: {  	[tilespmem:$0x2A0] =	vst v1  }
0x32: {  	[tilespmem:$0x2B0] =	vst v1  }
0x33: {  	[tilespmem:$0x2C0] =	vst v1  }
0x34: {  	[tilespmem:$0x2D0] =	vst v1  }
0x35: {  	[tilespmem:$0x2E0] =	vst v1  }
0x36: {  	[tilespmem:$0x2F0] =	vst v1  }
0x37: {  	[tilespmem:$0x300] =	vst v1  }
0x38: {  	[tilespmem:$0x310] =	vst v1  }
0x39: {  	[tilespmem:$0x320] =	vst v1  }
0x3a: {  	[tilespmem:$0x330] =	vst v1  }
0x3b: {  	[tilespmem:$0x340] =	vst v1  }
0x3c: {  	[tilespmem:$0x350] =	vst v1  }
0x3d: {  	[tilespmem:$0x360] =	vst v1  }
0x3e: {  	[tilespmem:$0x370] =	vst v1  }
0x3f: {  	[spmem:s4] =	stream.linear.scatter [tilespmem:s8], [sflag:$0x1], $0x280, $0x38;
	[tilespmem:$0x600] =	vst v63  }
0x40: {  	_ =	swait.ge [sflag:s9], $0x280  }
0x41: {  	[sflag:s9] =	ssyncset.done $0x0  }
0x42: {  	[sflag:s9] =	ssyncadd.s32 $0xFFFFFD80  }
0x43: {  	s16 =	sadd.s32 $0x0, s7;
	[bflag:$0x0] =	sbarrier.arrive $0xFFFF  }
0x44: {  	[tilespmem:s3], [sflag:$0x1] =	stream.linear.gather [hbm4b:s16+s3], $0x80, $0x38;
	[tilespmem:$0x600] =	vst v63  }
0x45: {  	_ =	swait.ge [sflag:s9], $0x80  }
0x46: {  	[sflag:s9] =	ssyncset.done $0x0  }
0x47: {  	[sflag:s9] =	ssyncadd.s32 $0xFFFFFF80  }
0x48: {  	[spmem:s2] =	stream.indirect.scatter.add.f32 [tilespmem:s10], [sflag:$0x1], $0x1, s3, s10, $0xb8;
	[tilespmem:$0x600] =	vst v63  }
0x49: {  	_ =	swait.ge [sflag:s9], $0x80  }
0x4a: {  	s17 =	simm.s32 $0x20;
	s16 =	simm.s32 $0x10;
	[sflag:s9] =	ssyncset.done $0x0  }
.LBB2_2:
0x4b: {  	s18 =	sadd.s32 s16, s7  }
0x4c: {  	[sflag:s9] =	ssyncadd.s32 $0xFFFFFF80;
	s16 =	smov.u32 s17;
	s19 =	sadd.s32 $0x10, s17  }
0x4d: {  	[tilespmem:s3], [sflag:$0x1] =	stream.linear.gather [hbm4b:s18+s3], $0x80, $0x38;
	[tilespmem:$0x600] =	vst v63  }
0x4e: {  	p0 =	sne.s32 s17, $0x4F0;
	_ =	swait.ge [sflag:s9], $0x80  }
.Ltmp0:
0x4f: {  	[sflag:s9] =	ssyncset.done $0x0;
	(pc) =	sbr.rel @p0 .LBB2_2-.Ltmp0, $4  }
0x50: {  	[sflag:s9] =	ssyncadd.s32 $0xFFFFFF80  }
0x51: {  	[spmem:s2] =	stream.indirect.scatter.add.f32 [tilespmem:s10], [sflag:$0x1], $0x1, s3, s10, $0xb8;
	[tilespmem:$0x600] =	vst v63  }
0x52: {  	_ =	swait.ge [sflag:s9], $0x80  }
0x53: {  	s17 =	smov.u32 s19;
	[sflag:s9] =	ssyncset.done $0x0  }
0x54: {  	s16 =	sadd.s32 s16, s7;
	[sflag:s9] =	ssyncadd.s32 $0xFFFFFF80  }
0x55: {  	[tilespmem:s3], [sflag:$0x1] =	stream.linear.gather [hbm4b:s16+s3], $0x80, $0x38;
	[tilespmem:$0x600] =	vst v63  }
0x56: {  	_ =	swait.ge [sflag:s9], $0x80  }
0x57: {  	[sflag:s9] =	ssyncset.done $0x0  }
0x58: {  	[sflag:s9] =	ssyncadd.s32 $0xFFFFFF80  }
0x59: {  	[spmem:s2] =	stream.indirect.scatter.add.f32 [tilespmem:s10], [sflag:$0x1], $0x1, s3, s10, $0xb8;
	[tilespmem:$0x600] =	vst v63  }
0x5a: {  	_ =	swait.ge [sflag:s9], $0x80  }
0x5b: {  	s15 =	sadd.s32 $0x1, s15;
	[sflag:s9] =	ssyncset.done $0x0  }
0x5c: {  	p0 =	sne.s32 s15, s6;
	[sflag:s9] =	ssyncadd.s32 $0xFFFFFF80  }
.Ltmp1:
0x5d: {  	[bflag:$0x0] =	sbarrier.arrive $0xFFFF;
	(pc) =	sbr.rel @p0 .LBB2_1-.Ltmp1, $4  }
0x5e: {  	[hbm:s5@s13], [sflag:s11] =	dma.strided [spmem:s12@s14], $0x50, s9, $0x10   }
0x5f: {  	_ =	swait.ge [sflag:s9], $0x50  }
0x60: {  	[sflag:s9] =	ssyncset.done $0x0  }
0x61: {  	[sflag:s9] =	ssyncadd.s32 $0xFFFFFFB0  }
0x62: {  	_ =	sfence.sel $0x180000  }
0x63: {  	[bflag:$0x0] =	sbarrier.arrive $0xFFFF  }
0x64: {  	p0 =	sne.s32 s1, $0x0;
	_ =	strace $0x90000047  }
0x65: {  	s0 =	sadd.s32 @!p0 $0x100000, s0;
	[bflag:$0x2] =	sbarrier.arrive $0xFFFF  }
0x66: {  	[sflag:s0] =	ssyncadd.tile.s32 @!p0 $0x1;
	_ =	shalt  }
.Lfunc_end2:
_tile_overlayer_lowered:
.L_overlay_start_2:
0x67: {  	(tag) =	ssettag $0x2  }
0x68: {  	s0 =	rddreg [dreg:$0x0];
	s2 =	stileid.u32  }
0x69: {  	s1 =	rddreg [dreg:$0x1];
	p0 =	sne.s32 s2, $0x0  }
0x6a: {  	s3 =	rddreg [dreg:$0x2];
	[bflag:$0x3] =	sbarrier.arrive $0xFFFF;
	s2 =	simm.s32 @!p0 $0x1C01  }
0x6b: {  	[timem:s3], [sflag:s2] =	dma.local @!p0 [hbm:s0], s1  }
0x6c: {  	s0 =	simm.s32 @!p0 $0x1  }
0x6d: {  	_ =	swait.ge @!p0 [sflag:s0], s1  }
0x6e: {  	s1 =	ssub.s32 @!p0 $0x0, s1;
	[sflag:s0] =	ssyncset.done @!p0 $0x0  }
0x6f: {  	[sflag:s0] =	ssyncadd.s32 @!p0 s1  }
0x70: {  	[bflag:$0x3] =	sbarrier.arrive $0xFFFF  }
0x71: {  	_ =	shalt  }

// kernel: kernel.15.cloned.1.call-start
scs
__scs_entry_jumppad:
0x0: {  	(pc) =	sbr.rel $0x88, $3  }
0x1: {  	(tag) =	ssettag $0x0;
	lr =	simm.s32 $0x1  }
0x2: {  	[smem:$0x3F93] =	sst lr;
	_ =	strace $0xD0000000  }
0x3: {  	_ = 	snop  }
0x4: {  	_ = 	snop  }
0x5: {  	_ = 	snop  }
0x6: {  	_ = 	snop  }
0x7: {  	_ = 	snop  }
__scs_overlays_trampoline_lowered:
0x8: {  	[smem:$0x3FA2] =	sst s0  }
0x9: {  	[smem:$0x3FA3] =	sst s1  }
0xa: {  	[smem:$0x3FA4] =	sst s2  }
0xb: {  	[smem:$0x3FA5] =	sst s3  }
0xc: {  	[smem:$0x3FA6] =	sst s4  }
0xd: {  	[smem:$0x3FA7] =	sst s5  }
0xe: {  	[smem:$0x3FA8] =	sst s6  }
0xf: {  	[smem:$0x3FA9] =	sst s7  }
0x10: {  	[smem:$0x3FAA] =	sst s8  }
0x11: {  	[smem:$0x3FAB] =	sst s9;
	s0 =	simm.s32 @!p0 $0x0  }
0x12: {  	s1 =	sld [smem:$0x3F91];
	s0 =	simm.s32 @p0 $0x1  }
0x13: {  	[smem:$0x3FAC] =	sst s0;
	s0 =	simm.s32 @!p1 $0x0  }
0x14: {  	s2 =	sld [smem:$0x3F90];
	s0 =	simm.s32 @p1 $0x1  }
0x15: {  	[smem:$0x3FAD] =	sst s0;
	s0 =	simm.s32 @!p2 $0x0  }
0x16: {  	s3 =	sld [smem:$0x3FDB];
	s0 =	simm.s32 @p2 $0x1  }
0x17: {  	s4 =	simm.s32 $0x1BF5;
	[smem:$0x3FAF] =	sst s0  }
0x18: {  	s0 =	sld [smem:$0x3F92];
	_ =	swait.ge [sflag:s4], $0x0  }
0x19: {  	s7 =	sld [smem:$0x3F93]  }
0x1a: {  	s8 =	sadd.s32 $0xFFFFE003, lr  }
0x1b: {  	s9 =	sadd.s32 $0xFFFFFEF7, lr;
	s5 =	simm.s32 $0xFFFFFFFF;
	p2 =	slt.u32 s8, $0xFFFFF086  }
0x1c: {  	p1 =	slt.u32 s9, $0xF7A;
	s5 =	simm.s32 @!p2 $0x0  }
0x1d: {  	s5 =	simm.s32 @p1 $0x1;
	p0 =	seq.s32 s7, s2  }
0x1e: {  	s7 =	smul.u32 @!p0 $0xF7A, s2;
	p2 =	seq.s32 @!p0 s5, $0x0  }
0x1f: {  	s9 =	smul.u32 $0xF7A, s1;
	s8 =	simm.s32 @!p0 $0x1BF5;
	p2 =	por !p2, p0  }
0x20: {  	[sflag:s8] =	ssyncset.s32 @!p0 $0xFFFFF086;
	s6 =	sadd.s32 @!p0 s3, s7;
	s7 =	simm.s32 @!p0 $0x108  }
0x21: {  	s3 =	sadd.s32 s3, s9;
	s6 =	sadd.s32 @!p0 $0x88, s6;
	s7 =	simm.s32 @p2 $0x1082  }
0x22: {  	[simem:s7], [sflag:s8] =	dma.local @!p0 [hbm:s6], $0xF7A  }
0x23: {  	s9 =	sor.u32 $0xD0000000, s2;
	s6 =	simm.s32 $0x108;
	_ =	swait.ge @!p0 [sflag:s8], $0x0  }
0x24: {  	s3 =	sadd.s32 $0x88, s3;
	s6 =	simm.s32 @!p1 $0x1082;
	[sflag:s4] =	ssyncset.s32 $0xFFFFF086  }
0x25: {  	[simem:s6], [sflag:s4] =	dma.local [hbm:s3], $0xF7A  }
0x26: {  	[smem:$0x3F93] =	sst s1;
	(tag) =	ssettag s2;
	_ =	strace s9  }
0x27: {  	s1 =	sld [smem:$0x3FA3]  }
0x28: {  	s2 =	sld [smem:$0x3FA4]  }
0x29: {  	s4 =	sld [smem:$0x3FA6]  }
0x2a: {  	p0 =	seq.s32 s5, $0x0;
	s5 =	sld [smem:$0x3FA7]  }
0x2b: {  	s6 =	sld [smem:$0x3FA8]  }
0x2c: {  	s7 =	sld [smem:$0x3FA9]  }
0x2d: {  	s3 =	simm.s32 $0x108;
	s8 =	sld [smem:$0x3FAA]  }
0x2e: {  	s3 =	simm.s32 @!p0 $0x1082;
	s9 =	sld [smem:$0x3FAB]  }
0x2f: {  	lr =	sadd.s32 s0, s3;
	s0 =	sld [smem:$0x3FA2]  }
0x30: {  	s3 =	sld [smem:$0x3FA5]  }
0x31: {  	[smem:$0x3FAE] =	sst s10  }
0x32: {  	s10 =	sld [smem:$0x3FAC];
	_ =	sdelay $0x3  }
0x33: {  	p0 =	seq.s32 s10, $0x1;
	s10 =	sld [smem:$0x3FAE];
	_ =	sdelay $0x3  }
0x34: {  	[smem:$0x3FAE] =	sst s10  }
0x35: {  	s10 =	sld [smem:$0x3FAD];
	_ =	sdelay $0x3  }
0x36: {  	p1 =	seq.s32 s10, $0x1;
	s10 =	sld [smem:$0x3FAE];
	_ =	sdelay $0x3  }
0x37: {  	[smem:$0x3FAE] =	sst s10  }
0x38: {  	s10 =	sld [smem:$0x3FAF]  }
0x39: {  	_ = 	snop;
	(pc) =	sbr.ind lr, $3  }
0x3a: {  	_ = 	snop  }
0x3b: {  	_ = 	snop  }
0x3c: {  	p2 =	seq.s32 s10, $0x1;
	s10 =	sld [smem:$0x3FAE]  }
0x3d: {  	_ =	shalt  }
0x3e: {  	_ =	shalt  }
0x3f: {  	_ =	shalt  }
0x40: {  	_ =	shalt  }
0x41: {  	_ =	shalt  }
0x42: {  	_ =	shalt  }
0x43: {  	_ =	shalt  }
0x44: {  	_ =	shalt  }
0x45: {  	_ =	shalt  }
0x46: {  	_ =	shalt  }
0x47: {  	_ =	shalt  }
0x48: {  	_ =	shalt  }
0x49: {  	_ =	shalt  }
0x4a: {  	_ =	shalt  }
0x4b: {  	_ =	shalt  }
0x4c: {  	_ =	shalt  }
0x4d: {  	_ =	shalt  }
0x4e: {  	_ =	shalt  }
0x4f: {  	_ =	shalt  }
0x50: {  	_ =	shalt  }
0x51: {  	_ =	shalt  }
0x52: {  	_ =	shalt  }
0x53: {  	_ =	shalt  }
0x54: {  	_ =	shalt  }
0x55: {  	_ =	shalt  }
0x56: {  	_ =	shalt  }
0x57: {  	_ =	shalt  }
0x58: {  	_ =	shalt  }
0x59: {  	_ =	shalt  }
0x5a: {  	_ =	shalt  }
0x5b: {  	_ =	shalt  }
0x5c: {  	_ =	shalt  }
0x5d: {  	_ =	shalt  }
0x5e: {  	_ =	shalt  }
0x5f: {  	_ =	shalt  }
0x60: {  	_ =	shalt  }
0x61: {  	_ =	shalt  }
0x62: {  	_ =	shalt  }
0x63: {  	_ =	shalt  }
0x64: {  	_ =	shalt  }
0x65: {  	_ =	shalt  }
0x66: {  	_ =	shalt  }
0x67: {  	_ =	shalt  }
0x68: {  	_ =	shalt  }
0x69: {  	_ =	shalt  }
0x6a: {  	_ =	shalt  }
0x6b: {  	_ =	shalt  }
0x6c: {  	_ =	shalt  }
0x6d: {  	_ =	shalt  }
0x6e: {  	_ =	shalt  }
0x6f: {  	_ =	shalt  }
0x70: {  	_ =	shalt  }
0x71: {  	_ =	shalt  }
0x72: {  	_ =	shalt  }
0x73: {  	_ =	shalt  }
0x74: {  	_ =	shalt  }
0x75: {  	_ =	shalt  }
0x76: {  	_ =	shalt  }
0x77: {  	_ =	shalt  }
0x78: {  	_ =	shalt  }
0x79: {  	_ =	shalt  }
0x7a: {  	_ =	shalt  }
0x7b: {  	_ =	shalt  }
0x7c: {  	_ =	shalt  }
0x7d: {  	_ =	shalt  }
0x7e: {  	_ =	shalt  }
0x7f: {  	_ =	shalt  }
0x80: {  	_ =	shalt  }
0x81: {  	_ =	shalt  }
0x82: {  	_ =	shalt  }
0x83: {  	_ =	shalt  }
0x84: {  	_ =	shalt  }
0x85: {  	_ =	shalt  }
0x86: {  	_ =	shalt  }
0x87: {  	_ =	shalt  }
.Lfunc_end0:
.L_simem_size_0:
called_computation.1_lowered:
.L_overlay_start_0:
0x88: {  	s2 =	sld [smem:$0x3FD9]  }
0x89: {  	s3 =	sld [smem:$0x3FFE];
	_ =	sdelay $0x1  }
0x8a: {  	s1 =	srdreg.scid  }
0x8b: {  	s0 =	sand.u32 $0x1, s1  }
0x8c: {  	s16 =	sshll.u32 s0, $0xA;
	s2 =	sadd.s32 s3, s2  }
0x8d: {  	s2 =	sadd.s32 s2, s16  }
0x8e: {  	[smem:$0x3FBA] =	sst s2  }
0x8f: {  	_ = 	snop  }
0x90: {  	(tm) =	ssettm $0x1  }
0x91: {  	s17 =	sld [smem:$0x3FFB];
	_ =	sdelay $0x3  }
0x92: {  	_ =	strace s17  }
0x93: {  	s2 =	sld [smem:$0x3FFC];
	_ =	sdelay $0x3  }
0x94: {  	_ =	strace s2  }
0x95: {  	s2 =	sld [smem:$0x3FFD];
	_ =	sdelay $0x3  }
0x96: {  	_ =	strace s2  }
0x97: {  	_ =	strace $0x8FFFFFFF  }
0x98: {  	s18 =	sld [smem:$0x3FDB];
	_ =	sdelay $0x1  }
0x99: {  	s19 =	simm.s32 $_scs_section_size  }
0x9a: {  	s4 =	simm.s32 $_size__tile_overlayer_lowered;
	s5 =	simm.s32 $_tile_overlayer_lowered  }
0x9b: {  	s22 =	simm.s32 $0x1BFF;
	s21 =	sshll.u32 s5, $0x1;
	s2 =	sadd.s32 s19, s18  }
0x9c: {  	s6 =	simm.s32 $0x0;
	s20 =	sshll.u32 s4, $0x1;
	s4 =	sadd.s32 s21, s2  }
0x9d: {  	[timem:s6], [sflag:s22] =	dma.local [hbm:s4], s20  }
0x9e: {  	_ =	swait.ge [sflag:s22], s20  }
0x9f: {  	s3 =	ssub.s32 $0x0, s20;
	[sflag:s22] =	ssyncset.done $0x0  }
0xa0: {  	[sflag:s22] =	ssyncadd.s32 s3;
	_ =	sdelay $0x1  }
0xa1: {  	s23 =	simm.s32 $0x1B8B  }
0xa2: {  	_ =	swait.ge [sflag:s23], $0x1  }
0xa3: {  	[sflag:s23] =	ssyncset.done $0x0  }
0xa4: {  	s25 =	simm.s32 $0x1B8E;
	s24 =	sld [smem:$0x3FFE];
	[sflag:s23] =	ssyncadd.s32 $0xFFFFFFFF  }
0xa5: {  	s26 =	simm.s32 $execute0_lowered;
	[smem:$0x3FD2] =	sst s25  }
0xa6: {  	s4 =	sshll.u32 s26, $0x1;
	_ =	strace $0x80000049;
	[dreg:$0x1] =	wrdreg $0xFFFFFFFF  }
0xa7: {  	s28 =	simm.s32 $_size_execute0_lowered;
	s2 =	sadd.s32 s2, s4;
	[dreg:$0x0] =	wrdreg $0x0  }
0xa8: {  	s4 =	sshll.u32 s28, $0x1;
	[dreg:$0x2] =	wrdreg s2  }
0xa9: {  	[dreg:$0x3] =	wrdreg s4  }
0xaa: {  	[dreg:$0x4] =	wrdreg $0xC0  }
0xab: {  	_ =	task [dreg:s6], $0x5FFFF  }
0xac: {  	[dreg:$0x1] =	wrdreg $0xFFFFFFFF  }
0xad: {  	[dreg:$0x0] =	wrdreg $0x60  }
0xae: {  	[dreg:$0x2] =	wrdreg s24  }
0xaf: {  	[dreg:$0x3] =	wrdreg $0x88000  }
0xb0: {  	[dreg:$0x4] =	wrdreg $0x9  }
0xb1: {  	_ =	task.clear_ibuf [dreg:s6], $0x5FFFF;
	_ =	strace $0x90000049  }
0xb2: {  	s29 =	simm.s32 $0x9;
	_ =	strace $0x8000004B  }
0xb3: {  	_ =	swait.ge [sflag:s29], $0x1  }
0xb4: {  	[sflag:s29] =	ssyncadd.s32 $0xFFFFFFFF  }
0xb5: {  	_ =	strace $0x9000004B  }
0xb6: {  	_ =	sfence  }
0xb7: {  	s30 =	sld [smem:$0x0];
	_ =	sdelay $0x2  }
0xb8: {  	s31 =	sshll.u32 s1, $0xD;
	s1 =	sshrl.u32 s1, $0x2  }
0xb9: {  	s3 =	sand.u32 $0x4000, s31;
	s1 =	sadd.s32 s1, s30  }
0xba: {  	s0 =	sor.u32 s3, s0;
	s1 =	sshll.u32 s1, $0x11  }
0xbb: {  	s0 =	sor.u32 s1, s0  }
0xbc: {  	s0 =	sadd.s32 $0x8F2B, s0  }
0xbd: {  	[sflag:s0] =	ssyncadd.remote.s32 $0x1  }
0xbe: {  	_ =	sfence.sel $0xFFFF  }
0xbf: {  	[dreg:$0x0] =	wrdreg $0xFFFFFFFF;
	(pc) =	sbr.abs _section_cstart, $3  }
0xc0: {  	[dreg:$0x1] =	wrdreg $0xFFFFFFFF  }
0xc1: {  	_ =	task.clear_ibuf [dreg:s6], $0x2FFFF;
	_ =	strace $0x9FFFFFFF  }
0xc2: {  	(tm) =	ssettm $0x7FFFFFFF  }
0xc3: {  	_ =	shalt  }
tec
execute0_lowered:
.L_overlay_start_1:
0x0: {  	(tag) =	ssettag $0x1  }
0x1: {  	s0 =	srdreg.scid  }
0x2: {  	s9 =	stileid.u32;
	s1 =	rddreg [dreg:$0x0]  }
0x3: {  	s2 =	rddreg [dreg:$0x1];
	s3 =	simm.s32 $0x0;
	s18 =	simm.s32 $0x800  }
0x4: {  	s28 =	simm.s32 $0x180;
	s29 =	simm.s32 $0x500;
	s4 =	smul.u32 $0x5000, s9  }
0x5: {  	s30 =	simm.s32 $0x200;
	s31 =	simm.s32 $0x580;
	s6 =	smul.u32 $0x50000, s9  }
0x6: {  	s14 =	simm.s32 $0x780;
	s0 =	sand.u32 $0x1, s0;
	s9 =	smul.u32 $0x14000, s9  }
0x7: {  	s15 =	simm.s32 $0x0;
	[smem:$0x7FF] =	sst s3;
	s5 =	smul.u32 $0x2800, s0  }
0x8: {  	_ =	strace $0x8000004A;
	s7 =	ssub.s32 $0x2, s0;
	s0 =	smul.u32 $0x140000, s0  }
0x9: {  	s8 =	sshrl.u32 s7, $0x1;
	s6 =	sshrl.u32 s6, $0x2;
	s19 =	sadd.s32 $0x4000, s9  }
0xa: {  	s10 =	sadd.s32 $0x8000, s9;
	s21 =	sadd.s32 $0xC000, s9;
	s13 =	sadd.s32 $0x10000, s9  }
0xb: {  	s4 =	sadd.s32 s5, s4;
	s7 =	ssub.s32 s7, s8;
	s8 =	sadd.s32 s6, s2  }
0xc: {  	s11 =	sadd.s32 s19, s2;
	s20 =	sadd.s32 s10, s2;
	s12 =	sadd.s32 s21, s2  }
0xd: {  	s22 =	sadd.s32 s9, s0;
	s6 =	sadd.s32 s0, s19;
	s9 =	sadd.s32 s13, s2  }
0xe: {  	s23 =	sadd.s32 s0, s10;
	s24 =	sadd.s32 s0, s21;
	s0 =	sadd.s32 s0, s13  }
0xf: {  	s19 =	simm.s32 $0x3;
	s21 =	simm.s32 $0x80;
	[dreg:$0x4] =	wrdreg s11  }
0x10: {  	s13 =	simm.s32 $0x700;
	s5 =	sshrl.u32 s4, $0x3;
	[dreg:$0x5] =	wrdreg s20  }
0x11: {  	s4 =	sadd.s32 $0x18800, s1;
	[dreg:$0x6] =	wrdreg s12;
	s12 =	sshrl.u32 s22, $0x3  }
0x12: {  	s6 =	sshrl.u32 s6, $0x3;
	s10 =	sshrl.u32 s24, $0x3;
	s0 =	sshrl.u32 s0, $0x3  }
0x13: {  	s26 =	smax.u32 s7, $0x1;
	s20 =	simm.s32 $0x400;
	s22 =	simm.s32 $0x4800  }
0x14: {  	s24 =	simm.s32 $0x100;
	s11 =	simm.s32 $0x680;
	[dreg:$0x3] =	wrdreg s8  }
0x15: {  	[dreg:$0x7] =	wrdreg s9;
	s5 =	sadd.s32 s5, s1;
	s1 =	sadd.s32 $0x3FA00, s1  }
0x16: {  	[dreg:$0xd] =	wrdreg s26;
	s26 =	simm.s32 $0x480;
	s12 =	sadd.s32 s1, s12  }
0x17: {  	s6 =	sadd.s32 s1, s6;
	s25 =	sadd.s32 s1, s10;
	[dreg:$0x8] =	wrdreg s12  }
0x18: {  	s0 =	sadd.s32 s1, s0;
	s16 =	sadd.s32 $0x4800, s5;
	[dreg:$0x9] =	wrdreg s6  }
0x19: {  	s17 =	sadd.s32 $0xE800, s5;
	s10 =	simm.s32 $0x300;
	[dreg:$0xb] =	wrdreg s25  }
0x1a: {  	s6 =	sshrl.u32 s23, $0x3;
	[dreg:$0xc] =	wrdreg s0;
	s23 =	simm.s32 $0x1  }
0x1b: {  	s25 =	simm.s32 $0x2;
	s0 =	simm.s32 $0x600;
	s6 =	sadd.s32 s1, s6  }
0x1c: {  	v0 =	vimm.f32 $0.0e+00;
	s12 =	simm.s32 $0x380;
	s1 =	simm.s32 $0x280;
	[dreg:$0xa] =	wrdreg s6  }
.LBB2_1:
0x1d: {  	s5 =	simm.s32 $0x0;
	s6 =	simm.s32 $0x200  }
.LBB2_2:
0x1e: {  	p0 =	sne.s32 s6, $0xFE00;
	[tilespmem:s5+$0x870] =	vst v0  }
0x1f: {  	[tilespmem:s5+$0x800] =	vst v0  }
0x20: {  	[tilespmem:s5+$0x810] =	vst v0  }
.Ltmp0:
0x21: {  	[tilespmem:s5+$0x820] =	vst v0;
	(pc) =	sbr.rel @p0 .LBB2_2-.Ltmp0, $4  }
0x22: {  	[tilespmem:s5+$0x830] =	vst v0  }
0x23: {  	[tilespmem:s5+$0x840] =	vst v0  }
0x24: {  	[tilespmem:s5+$0x850] =	vst v0  }
0x25: {  	[tilespmem:s5+$0x860] =	vst v0;
	s5 =	sshra.s32 s6, $0x2;
	s6 =	sadd.s32 $0x200, s6  }
0x26: {  	[tilespmem:s5+$0x870] =	vst v0  }
0x27: {  	[tilespmem:s5+$0x800] =	vst v0  }
0x28: {  	[tilespmem:s5+$0x810] =	vst v0  }
0x29: {  	[tilespmem:s5+$0x820] =	vst v0  }
0x2a: {  	[tilespmem:s5+$0x830] =	vst v0  }
0x2b: {  	[tilespmem:s5+$0x840] =	vst v0  }
0x2c: {  	[tilespmem:s5+$0x850] =	vst v0  }
0x2d: {  	[tilespmem:s5+$0x860] =	vst v0  }
0x2e: {  	[spmem:s8] =	stream.linear.scatter [tilespmem:s18], [sflag:$0x3], $0x4000, $0x38;
	[tilespmem:$0x1C800] =	vst v63  }
0x2f: {  	_ =	swait.ge [sflag:s19], $0x4000  }
0x30: {  	[sflag:s19] =	ssyncset.done $0x0  }
0x31: {  	s8 =	rddreg [dreg:$0x4];
	[sflag:s19] =	ssyncadd.s32 $0xFFFFC000  }
0x32: {  	[spmem:s8] =	stream.linear.scatter [tilespmem:s18], [sflag:$0x3], $0x4000, $0x38;
	[tilespmem:$0x1C800] =	vst v63  }
0x33: {  	_ =	swait.ge [sflag:s19], $0x4000  }
0x34: {  	[sflag:s19] =	ssyncset.done $0x0  }
0x35: {  	s6 =	rddreg [dreg:$0x5];
	[sflag:s19] =	ssyncadd.s32 $0xFFFFC000  }
0x36: {  	[spmem:s6] =	stream.linear.scatter [tilespmem:s18], [sflag:$0x3], $0x4000, $0x38;
	[tilespmem:$0x1C800] =	vst v63  }
0x37: {  	_ =	swait.ge [sflag:s19], $0x4000  }
0x38: {  	[sflag:s19] =	ssyncset.done $0x0  }
0x39: {  	s7 =	rddreg [dreg:$0x6];
	[sflag:s19] =	ssyncadd.s32 $0xFFFFC000  }
0x3a: {  	[spmem:s7] =	stream.linear.scatter [tilespmem:s18], [sflag:$0x3], $0x4000, $0x38;
	[tilespmem:$0x1C800] =	vst v63  }
0x3b: {  	_ =	swait.ge [sflag:s19], $0x4000  }
0x3c: {  	[sflag:s19] =	ssyncset.done $0x0  }
0x3d: {  	[sflag:s19] =	ssyncadd.s32 $0xFFFFC000  }
0x3e: {  	[spmem:s9] =	stream.linear.scatter [tilespmem:s18], [sflag:$0x3], $0x4000, $0x38;
	[tilespmem:$0x1C800] =	vst v63  }
0x3f: {  	_ =	swait.ge [sflag:s19], $0x4000  }
0x40: {  	[sflag:s19] =	ssyncset.done $0x0  }
0x41: {  	[sflag:s19] =	ssyncadd.s32 $0xFFFFC000  }
0x42: {  	s8 =	sadd.s32 $0x0, s17;
	[bflag:$0x0] =	sbarrier.arrive $0xFFFF  }
0x43: {  	[tilespmem:s3], [sflag:$0x3] =	stream.linear.gather [hbm4b:s8+s3], $0x400, $0x38;
	[tilespmem:$0x1C800] =	vst v63  }
0x44: {  	_ =	swait.ge [sflag:s19], $0x400  }
0x45: {  	[sflag:s19] =	ssyncset.done $0x0  }
0x46: {  	s9 =	sadd.s32 $0x0, s16;
	[sflag:s19] =	ssyncadd.s32 $0xFFFFFC00  }
0x47: {  	[tilespmem:s20], [sflag:$0x3] =	stream.linear.gather [hbm4b:s9+s3], $0x400, $0x38;
	[tilespmem:$0x1C800] =	vst v63  }
0x48: {  	_ =	swait.ge [sflag:s19], $0x400  }
0x49: {  	[sflag:s19] =	ssyncset.done $0x0  }
0x4a: {  	[sflag:s19] =	ssyncadd.s32 $0xFFFFFC00  }
0x4b: {  	[tilespmem:s18], [sflag:$0x1] =	stream.indirect.gather [hbm4b:s4+s21], $0x80, s3, s21, $0xb8;
	[tilespmem:$0x1C800] =	vst v63  }
0x4c: {  	_ = 	snop  }
0x4d: {  	[tilespmem:s22], [sflag:$0x2] =	stream.indirect.gather [hbm4b:s4+s21], $0x80, s21, s21, $0xb8;
	[tilespmem:$0x1C800] =	vst v63  }
0x4e: {  	_ =	swait.ge [sflag:s23], $0x4000  }
0x4f: {  	[sflag:s23] =	ssyncset.done $0x0  }
0x50: {  	[sflag:s23] =	ssyncadd.s32 $0xFFFFC000  }
0x51: {  	[spmem:s2] =	stream.indirect.scatter.add.f32 [tilespmem:s18], [sflag:$0x3], $0x80, s20, s21, $0xb8;
	[tilespmem:$0x1C800] =	vst v63  }
0x52: {  	_ =	swait.ge [sflag:s19], $0x4000  }
0x53: {  	[sflag:s19] =	ssyncset.done $0x0  }
0x54: {  	[sflag:s19] =	ssyncadd.s32 $0xFFFFC000  }
0x55: {  	[tilespmem:s18], [sflag:$0x1] =	stream.indirect.gather [hbm4b:s4+s21], $0x80, s24, s21, $0xb8;
	[tilespmem:$0x1C800] =	vst v63  }
0x56: {  	_ =	swait.ge [sflag:s25], $0x4000  }
0x57: {  	[sflag:s25] =	ssyncset.done $0x0  }
0x58: {  	[sflag:s25] =	ssyncadd.s32 $0xFFFFC000  }
0x59: {  	[spmem:s2] =	stream.indirect.scatter.add.f32 [tilespmem:s22], [sflag:$0x3], $0x80, s26, s21, $0xb8;
	[tilespmem:$0x1C800] =	vst v63  }
0x5a: {  	_ =	swait.ge [sflag:s19], $0x4000  }
0x5b: {  	[sflag:s19] =	ssyncset.done $0x0  }
0x5c: {  	[sflag:s19] =	ssyncadd.s32 $0xFFFFC000  }
0x5d: {  	[tilespmem:s22], [sflag:$0x2] =	stream.indirect.gather [hbm4b:s4+s21], $0x80, s28, s21, $0xb8;
	[tilespmem:$0x1C800] =	vst v63  }
0x5e: {  	_ =	swait.ge [sflag:s23], $0x4000  }
0x5f: {  	[sflag:s23] =	ssyncset.done $0x0  }
0x60: {  	[sflag:s23] =	ssyncadd.s32 $0xFFFFC000  }
0x61: {  	[spmem:s2] =	stream.indirect.scatter.add.f32 [tilespmem:s18], [sflag:$0x3], $0x80, s29, s21, $0xb8;
	[tilespmem:$0x1C800] =	vst v63  }
0x62: {  	_ =	swait.ge [sflag:s19], $0x4000  }
0x63: {  	[sflag:s19] =	ssyncset.done $0x0  }
0x64: {  	[sflag:s19] =	ssyncadd.s32 $0xFFFFC000  }
0x65: {  	[tilespmem:s18], [sflag:$0x1] =	stream.indirect.gather [hbm4b:s4+s21], $0x80, s30, s21, $0xb8;
	[tilespmem:$0x1C800] =	vst v63  }
0x66: {  	_ =	swait.ge [sflag:s25], $0x4000  }
0x67: {  	[sflag:s25] =	ssyncset.done $0x0  }
0x68: {  	[sflag:s25] =	ssyncadd.s32 $0xFFFFC000  }
0x69: {  	[spmem:s2] =	stream.indirect.scatter.add.f32 [tilespmem:s22], [sflag:$0x3], $0x80, s31, s21, $0xb8;
	[tilespmem:$0x1C800] =	vst v63  }
0x6a: {  	_ =	swait.ge [sflag:s19], $0x4000  }
0x6b: {  	[sflag:s19] =	ssyncset.done $0x0  }
0x6c: {  	[sflag:s19] =	ssyncadd.s32 $0xFFFFC000  }
0x6d: {  	[tilespmem:s22], [sflag:$0x2] =	stream.indirect.gather [hbm4b:s4+s21], $0x80, s1, s21, $0xb8;
	[tilespmem:$0x1C800] =	vst v63  }
0x6e: {  	_ =	swait.ge [sflag:s23], $0x4000  }
0x6f: {  	[sflag:s23] =	ssyncset.done $0x0  }
0x70: {  	[sflag:s23] =	ssyncadd.s32 $0xFFFFC000  }
0x71: {  	[spmem:s2] =	stream.indirect.scatter.add.f32 [tilespmem:s18], [sflag:$0x3], $0x80, s0, s21, $0xb8;
	[tilespmem:$0x1C800] =	vst v63  }
0x72: {  	_ =	swait.ge [sflag:s19], $0x4000  }
0x73: {  	[sflag:s19] =	ssyncset.done $0x0  }
0x74: {  	[sflag:s19] =	ssyncadd.s32 $0xFFFFC000  }
0x75: {  	[tilespmem:s18], [sflag:$0x1] =	stream.indirect.gather [hbm4b:s4+s21], $0x80, s10, s21, $0xb8;
	[tilespmem:$0x1C800] =	vst v63  }
0x76: {  	_ =	swait.ge [sflag:s25], $0x4000  }
0x77: {  	[sflag:s25] =	ssyncset.done $0x0  }
0x78: {  	[sflag:s25] =	ssyncadd.s32 $0xFFFFC000  }
0x79: {  	[spmem:s2] =	stream.indirect.scatter.add.f32 [tilespmem:s22], [sflag:$0x3], $0x80, s11, s21, $0xb8;
	[tilespmem:$0x1C800] =	vst v63  }
0x7a: {  	_ =	swait.ge [sflag:s19], $0x4000  }
0x7b: {  	[sflag:s19] =	ssyncset.done $0x0  }
0x7c: {  	[sflag:s19] =	ssyncadd.s32 $0xFFFFC000  }
0x7d: {  	[tilespmem:s22], [sflag:$0x2] =	stream.indirect.gather [hbm4b:s4+s21], $0x80, s12, s21, $0xb8;
	[tilespmem:$0x1C800] =	vst v63  }
0x7e: {  	_ =	swait.ge [sflag:s23], $0x4000  }
0x7f: {  	[sflag:s23] =	ssyncset.done $0x0  }
0x80: {  	[sflag:s23] =	ssyncadd.s32 $0xFFFFC000  }
0x81: {  	[spmem:s2] =	stream.indirect.scatter.add.f32 [tilespmem:s18], [sflag:$0x3], $0x80, s13, s21, $0xb8;
	[tilespmem:$0x1C800] =	vst v63  }
0x82: {  	_ =	swait.ge [sflag:s19], $0x4000  }
0x83: {  	[sflag:s19] =	ssyncset.done $0x0  }
0x84: {  	[sflag:s19] =	ssyncadd.s32 $0xFFFFC000  }
0x85: {  	_ =	swait.ge [sflag:s25], $0x4000  }
0x86: {  	[sflag:s25] =	ssyncset.done $0x0  }
0x87: {  	[sflag:s25] =	ssyncadd.s32 $0xFFFFC000  }
0x88: {  	[spmem:s2] =	stream.indirect.scatter.add.f32 [tilespmem:s22], [sflag:$0x3], $0x80, s14, s21, $0xb8;
	[tilespmem:$0x1C800] =	vst v63  }
0x89: {  	_ =	swait.ge [sflag:s19], $0x4000  }
0x8a: {  	s5 =	simm.s32 $0x80;
	s6 =	simm.s32 $0x100;
	[sflag:s19] =	ssyncset.done $0x0  }
.LBB2_4:
0x8b: {  	s8 =	sadd.s32 s5, s17  }
0x8c: {  	[sflag:s19] =	ssyncadd.s32 $0xFFFFC000;
	s9 =	smov.u32 s6;
	s7 =	sadd.s32 $0x80, s6  }
0x8d: {  	[tilespmem:s3], [sflag:$0x3] =	stream.linear.gather [hbm4b:s8+s3], $0x400, $0x38;
	[tilespmem:$0x1C800] =	vst v63  }
0x8e: {  	p0 =	sne.s32 s6, $0x480;
	_ =	swait.ge [sflag:s19], $0x400  }
0x8f: {  	[sflag:s19] =	ssyncset.done $0x0  }
0x90: {  	s6 =	sadd.s32 s5, s16;
	s5 =	smov.u32 s9;
	[sflag:s19] =	ssyncadd.s32 $0xFFFFFC00  }
0x91: {  	[tilespmem:s20], [sflag:$0x3] =	stream.linear.gather [hbm4b:s6+s3], $0x400, $0x38;
	[tilespmem:$0x1C800] =	vst v63  }
0x92: {  	_ =	swait.ge [sflag:s19], $0x400  }
0x93: {  	[sflag:s19] =	ssyncset.done $0x0  }
0x94: {  	[sflag:s19] =	ssyncadd.s32 $0xFFFFFC00  }
0x95: {  	[tilespmem:s18], [sflag:$0x1] =	stream.indirect.gather [hbm4b:s4+s21], $0x80, s3, s21, $0xb8;
	[tilespmem:$0x1C800] =	vst v63  }
0x96: {  	_ = 	snop  }
0x97: {  	[tilespmem:s22], [sflag:$0x2] =	stream.indirect.gather [hbm4b:s4+s21], $0x80, s21, s21, $0xb8;
	[tilespmem:$0x1C800] =	vst v63  }
0x98: {  	_ =	swait.ge [sflag:s23], $0x4000  }
0x99: {  	[sflag:s23] =	ssyncset.done $0x0  }
0x9a: {  	[sflag:s23] =	ssyncadd.s32 $0xFFFFC000  }
0x9b: {  	[spmem:s2] =	stream.indirect.scatter.add.f32 [tilespmem:s18], [sflag:$0x3], $0x80, s20, s21, $0xb8;
	[tilespmem:$0x1C800] =	vst v63  }
0x9c: {  	_ =	swait.ge [sflag:s19], $0x4000  }
0x9d: {  	[sflag:s19] =	ssyncset.done $0x0  }
0x9e: {  	[sflag:s19] =	ssyncadd.s32 $0xFFFFC000  }
0x9f: {  	[tilespmem:s18], [sflag:$0x1] =	stream.indirect.gather [hbm4b:s4+s21], $0x80, s24, s21, $0xb8;
	[tilespmem:$0x1C800] =	vst v63  }
0xa0: {  	_ =	swait.ge [sflag:s25], $0x4000  }
0xa1: {  	[sflag:s25] =	ssyncset.done $0x0  }
0xa2: {  	[sflag:s25] =	ssyncadd.s32 $0xFFFFC000  }
0xa3: {  	[spmem:s2] =	stream.indirect.scatter.add.f32 [tilespmem:s22], [sflag:$0x3], $0x80, s26, s21, $0xb8;
	[tilespmem:$0x1C800] =	vst v63  }
0xa4: {  	_ =	swait.ge [sflag:s19], $0x4000  }
0xa5: {  	[sflag:s19] =	ssyncset.done $0x0  }
0xa6: {  	[sflag:s19] =	ssyncadd.s32 $0xFFFFC000  }
0xa7: {  	[tilespmem:s22], [sflag:$0x2] =	stream.indirect.gather [hbm4b:s4+s21], $0x80, s28, s21, $0xb8;
	[tilespmem:$0x1C800] =	vst v63  }
0xa8: {  	_ =	swait.ge [sflag:s23], $0x4000  }
0xa9: {  	[sflag:s23] =	ssyncset.done $0x0  }
0xaa: {  	[sflag:s23] =	ssyncadd.s32 $0xFFFFC000  }
0xab: {  	[spmem:s2] =	stream.indirect.scatter.add.f32 [tilespmem:s18], [sflag:$0x3], $0x80, s29, s21, $0xb8;
	[tilespmem:$0x1C800] =	vst v63  }
0xac: {  	_ =	swait.ge [sflag:s19], $0x4000  }
0xad: {  	[sflag:s19] =	ssyncset.done $0x0  }
0xae: {  	[sflag:s19] =	ssyncadd.s32 $0xFFFFC000  }
0xaf: {  	[tilespmem:s18], [sflag:$0x1] =	stream.indirect.gather [hbm4b:s4+s21], $0x80, s30, s21, $0xb8;
	[tilespmem:$0x1C800] =	vst v63  }
0xb0: {  	_ =	swait.ge [sflag:s25], $0x4000  }
0xb1: {  	[sflag:s25] =	ssyncset.done $0x0  }
0xb2: {  	[sflag:s25] =	ssyncadd.s32 $0xFFFFC000  }
0xb3: {  	[spmem:s2] =	stream.indirect.scatter.add.f32 [tilespmem:s22], [sflag:$0x3], $0x80, s31, s21, $0xb8;
	[tilespmem:$0x1C800] =	vst v63  }
0xb4: {  	_ =	swait.ge [sflag:s19], $0x4000  }
0xb5: {  	[sflag:s19] =	ssyncset.done $0x0  }
0xb6: {  	[sflag:s19] =	ssyncadd.s32 $0xFFFFC000  }
0xb7: {  	[tilespmem:s22], [sflag:$0x2] =	stream.indirect.gather [hbm4b:s4+s21], $0x80, s1, s21, $0xb8;
	[tilespmem:$0x1C800] =	vst v63  }
0xb8: {  	_ =	swait.ge [sflag:s23], $0x4000  }
0xb9: {  	[sflag:s23] =	ssyncset.done $0x0  }
0xba: {  	[sflag:s23] =	ssyncadd.s32 $0xFFFFC000  }
0xbb: {  	[spmem:s2] =	stream.indirect.scatter.add.f32 [tilespmem:s18], [sflag:$0x3], $0x80, s0, s21, $0xb8;
	[tilespmem:$0x1C800] =	vst v63  }
0xbc: {  	_ =	swait.ge [sflag:s19], $0x4000  }
0xbd: {  	[sflag:s19] =	ssyncset.done $0x0  }
0xbe: {  	[sflag:s19] =	ssyncadd.s32 $0xFFFFC000  }
0xbf: {  	[tilespmem:s18], [sflag:$0x1] =	stream.indirect.gather [hbm4b:s4+s21], $0x80, s10, s21, $0xb8;
	[tilespmem:$0x1C800] =	vst v63  }
0xc0: {  	_ =	swait.ge [sflag:s25], $0x4000  }
0xc1: {  	[sflag:s25] =	ssyncset.done $0x0  }
0xc2: {  	[sflag:s25] =	ssyncadd.s32 $0xFFFFC000  }
0xc3: {  	[spmem:s2] =	stream.indirect.scatter.add.f32 [tilespmem:s22], [sflag:$0x3], $0x80, s11, s21, $0xb8;
	[tilespmem:$0x1C800] =	vst v63  }
0xc4: {  	_ =	swait.ge [sflag:s19], $0x4000  }
0xc5: {  	[sflag:s19] =	ssyncset.done $0x0  }
0xc6: {  	[sflag:s19] =	ssyncadd.s32 $0xFFFFC000  }
0xc7: {  	[tilespmem:s22], [sflag:$0x2] =	stream.indirect.gather [hbm4b:s4+s21], $0x80, s12, s21, $0xb8;
	[tilespmem:$0x1C800] =	vst v63  }
0xc8: {  	_ =	swait.ge [sflag:s23], $0x4000  }
0xc9: {  	[sflag:s23] =	ssyncset.done $0x0  }
0xca: {  	[sflag:s23] =	ssyncadd.s32 $0xFFFFC000  }
0xcb: {  	[spmem:s2] =	stream.indirect.scatter.add.f32 [tilespmem:s18], [sflag:$0x3], $0x80, s13, s21, $0xb8;
	[tilespmem:$0x1C800] =	vst v63  }
0xcc: {  	_ =	swait.ge [sflag:s19], $0x4000  }
0xcd: {  	[sflag:s19] =	ssyncset.done $0x0  }
0xce: {  	[sflag:s19] =	ssyncadd.s32 $0xFFFFC000  }
0xcf: {  	_ =	swait.ge [sflag:s25], $0x4000  }
.Ltmp1:
0xd0: {  	[sflag:s25] =	ssyncset.done $0x0;
	(pc) =	sbr.rel @p0 .LBB2_4-.Ltmp1, $4  }
0xd1: {  	[sflag:s25] =	ssyncadd.s32 $0xFFFFC000  }
0xd2: {  	[spmem:s2] =	stream.indirect.scatter.add.f32 [tilespmem:s22], [sflag:$0x3], $0x80, s14, s21, $0xb8;
	[tilespmem:$0x1C800] =	vst v63  }
0xd3: {  	_ =	swait.ge [sflag:s19], $0x4000  }
0xd4: {  	s6 =	smov.u32 s7;
	[sflag:s19] =	ssyncset.done $0x0  }
0xd5: {  	s6 =	sadd.s32 s5, s17;
	[sflag:s19] =	ssyncadd.s32 $0xFFFFC000  }
0xd6: {  	[tilespmem:s3], [sflag:$0x3] =	stream.linear.gather [hbm4b:s6+s3], $0x400, $0x38;
	[tilespmem:$0x1C800] =	vst v63  }
0xd7: {  	_ =	swait.ge [sflag:s19], $0x400  }
0xd8: {  	[sflag:s19] =	ssyncset.done $0x0  }
0xd9: {  	s7 =	sadd.s32 s5, s16;
	[sflag:s19] =	ssyncadd.s32 $0xFFFFFC00  }
0xda: {  	[tilespmem:s20], [sflag:$0x3] =	stream.linear.gather [hbm4b:s7+s3], $0x400, $0x38;
	[tilespmem:$0x1C800] =	vst v63  }
0xdb: {  	_ =	swait.ge [sflag:s19], $0x400  }
0xdc: {  	[sflag:s19] =	ssyncset.done $0x0  }
0xdd: {  	[sflag:s19] =	ssyncadd.s32 $0xFFFFFC00  }
0xde: {  	[tilespmem:s18], [sflag:$0x1] =	stream.indirect.gather [hbm4b:s4+s21], $0x80, s3, s21, $0xb8;
	[tilespmem:$0x1C800] =	vst v63  }
0xdf: {  	_ = 	snop  }
0xe0: {  	[tilespmem:s22], [sflag:$0x2] =	stream.indirect.gather [hbm4b:s4+s21], $0x80, s21, s21, $0xb8;
	[tilespmem:$0x1C800] =	vst v63  }
0xe1: {  	_ =	swait.ge [sflag:s23], $0x4000  }
0xe2: {  	[sflag:s23] =	ssyncset.done $0x0  }
0xe3: {  	[sflag:s23] =	ssyncadd.s32 $0xFFFFC000  }
0xe4: {  	[spmem:s2] =	stream.indirect.scatter.add.f32 [tilespmem:s18], [sflag:$0x3], $0x80, s20, s21, $0xb8;
	[tilespmem:$0x1C800] =	vst v63  }
0xe5: {  	_ =	swait.ge [sflag:s19], $0x4000  }
0xe6: {  	[sflag:s19] =	ssyncset.done $0x0  }
0xe7: {  	[sflag:s19] =	ssyncadd.s32 $0xFFFFC000  }
0xe8: {  	[tilespmem:s18], [sflag:$0x1] =	stream.indirect.gather [hbm4b:s4+s21], $0x80, s24, s21, $0xb8;
	[tilespmem:$0x1C800] =	vst v63  }
0xe9: {  	_ =	swait.ge [sflag:s25], $0x4000  }
0xea: {  	[sflag:s25] =	ssyncset.done $0x0  }
0xeb: {  	[sflag:s25] =	ssyncadd.s32 $0xFFFFC000  }
0xec: {  	[spmem:s2] =	stream.indirect.scatter.add.f32 [tilespmem:s22], [sflag:$0x3], $0x80, s26, s21, $0xb8;
	[tilespmem:$0x1C800] =	vst v63  }
0xed: {  	_ =	swait.ge [sflag:s19], $0x4000  }
0xee: {  	[sflag:s19] =	ssyncset.done $0x0  }
0xef: {  	[sflag:s19] =	ssyncadd.s32 $0xFFFFC000  }
0xf0: {  	[tilespmem:s22], [sflag:$0x2] =	stream.indirect.gather [hbm4b:s4+s21], $0x80, s28, s21, $0xb8;
	[tilespmem:$0x1C800] =	vst v63  }
0xf1: {  	_ =	swait.ge [sflag:s23], $0x4000  }
0xf2: {  	[sflag:s23] =	ssyncset.done $0x0  }
0xf3: {  	[sflag:s23] =	ssyncadd.s32 $0xFFFFC000  }
0xf4: {  	[spmem:s2] =	stream.indirect.scatter.add.f32 [tilespmem:s18], [sflag:$0x3], $0x80, s29, s21, $0xb8;
	[tilespmem:$0x1C800] =	vst v63  }
0xf5: {  	_ =	swait.ge [sflag:s19], $0x4000  }
0xf6: {  	[sflag:s19] =	ssyncset.done $0x0  }
0xf7: {  	[sflag:s19] =	ssyncadd.s32 $0xFFFFC000  }
0xf8: {  	[tilespmem:s18], [sflag:$0x1] =	stream.indirect.gather [hbm4b:s4+s21], $0x80, s30, s21, $0xb8;
	[tilespmem:$0x1C800] =	vst v63  }
0xf9: {  	_ =	swait.ge [sflag:s25], $0x4000  }
0xfa: {  	[sflag:s25] =	ssyncset.done $0x0  }
0xfb: {  	[sflag:s25] =	ssyncadd.s32 $0xFFFFC000  }
0xfc: {  	[spmem:s2] =	stream.indirect.scatter.add.f32 [tilespmem:s22], [sflag:$0x3], $0x80, s31, s21, $0xb8;
	[tilespmem:$0x1C800] =	vst v63  }
0xfd: {  	_ =	swait.ge [sflag:s19], $0x4000  }
0xfe: {  	[sflag:s19] =	ssyncset.done $0x0  }
0xff: {  	[sflag:s19] =	ssyncadd.s32 $0xFFFFC000  }
0x100: {  	[tilespmem:s22], [sflag:$0x2] =	stream.indirect.gather [hbm4b:s4+s21], $0x80, s1, s21, $0xb8;
	[tilespmem:$0x1C800] =	vst v63  }
0x101: {  	_ =	swait.ge [sflag:s23], $0x4000  }
0x102: {  	[sflag:s23] =	ssyncset.done $0x0  }
0x103: {  	[sflag:s23] =	ssyncadd.s32 $0xFFFFC000  }
0x104: {  	[spmem:s2] =	stream.indirect.scatter.add.f32 [tilespmem:s18], [sflag:$0x3], $0x80, s0, s21, $0xb8;
	[tilespmem:$0x1C800] =	vst v63  }
0x105: {  	_ =	swait.ge [sflag:s19], $0x4000  }
0x106: {  	[sflag:s19] =	ssyncset.done $0x0  }
0x107: {  	[sflag:s19] =	ssyncadd.s32 $0xFFFFC000  }
0x108: {  	[tilespmem:s18], [sflag:$0x1] =	stream.indirect.gather [hbm4b:s4+s21], $0x80, s10, s21, $0xb8;
	[tilespmem:$0x1C800] =	vst v63  }
0x109: {  	_ =	swait.ge [sflag:s25], $0x4000  }
0x10a: {  	[sflag:s25] =	ssyncset.done $0x0  }
0x10b: {  	[sflag:s25] =	ssyncadd.s32 $0xFFFFC000  }
0x10c: {  	[spmem:s2] =	stream.indirect.scatter.add.f32 [tilespmem:s22], [sflag:$0x3], $0x80, s11, s21, $0xb8;
	[tilespmem:$0x1C800] =	vst v63  }
0x10d: {  	_ =	swait.ge [sflag:s19], $0x4000  }
0x10e: {  	[sflag:s19] =	ssyncset.done $0x0  }
0x10f: {  	[sflag:s19] =	ssyncadd.s32 $0xFFFFC000  }
0x110: {  	[tilespmem:s22], [sflag:$0x2] =	stream.indirect.gather [hbm4b:s4+s21], $0x80, s12, s21, $0xb8;
	[tilespmem:$0x1C800] =	vst v63  }
0x111: {  	_ =	swait.ge [sflag:s23], $0x4000  }
0x112: {  	[sflag:s23] =	ssyncset.done $0x0  }
0x113: {  	[sflag:s23] =	ssyncadd.s32 $0xFFFFC000  }
0x114: {  	[spmem:s2] =	stream.indirect.scatter.add.f32 [tilespmem:s18], [sflag:$0x3], $0x80, s13, s21, $0xb8;
	[tilespmem:$0x1C800] =	vst v63  }
0x115: {  	_ =	swait.ge [sflag:s19], $0x4000  }
0x116: {  	[sflag:s19] =	ssyncset.done $0x0  }
0x117: {  	[sflag:s19] =	ssyncadd.s32 $0xFFFFC000  }
0x118: {  	_ =	swait.ge [sflag:s25], $0x4000  }
0x119: {  	[sflag:s25] =	ssyncset.done $0x0  }
0x11a: {  	[sflag:s25] =	ssyncadd.s32 $0xFFFFC000  }
0x11b: {  	[spmem:s2] =	stream.indirect.scatter.add.f32 [tilespmem:s22], [sflag:$0x3], $0x80, s14, s21, $0xb8;
	[tilespmem:$0x1C800] =	vst v63  }
0x11c: {  	_ =	swait.ge [sflag:s19], $0x4000  }
0x11d: {  	[sflag:s19] =	ssyncset.done $0x0  }
0x11e: {  	[sflag:s19] =	ssyncadd.s32 $0xFFFFC000  }
0x11f: {  	s8 =	stileid.u32;
	[bflag:$0x0] =	sbarrier.arrive $0xFFFF  }
0x120: {  	s5 =	sshll.u32 s8, $0x6;
	s8 =	rddreg [dreg:$0x3]  }
0x121: {  	s5 =	sor.u32 $0x1C03, s5;
	s7 =	rddreg [dreg:$0x8];
	s9 =	sshrl.u32 s8, $0x3  }
0x122: {  	[hbm:s7], [sflag:s5] =	dma.local [spmem:s9], $0x800  }
0x123: {  	_ =	swait.ge [sflag:s19], $0x800  }
0x124: {  	[sflag:s19] =	ssyncset.done $0x0;
	s7 =	rddreg [dreg:$0x4]  }
0x125: {  	s9 =	rddreg [dreg:$0x9];
	[sflag:s19] =	ssyncadd.s32 $0xFFFFF800;
	s6 =	sshrl.u32 s7, $0x3  }
0x126: {  	[hbm:s9], [sflag:s5] =	dma.local [spmem:s6], $0x800  }
0x127: {  	_ =	swait.ge [sflag:s19], $0x800  }
0x128: {  	[sflag:s19] =	ssyncset.done $0x0;
	s7 =	rddreg [dreg:$0x5]  }
0x129: {  	s9 =	rddreg [dreg:$0xa];
	[sflag:s19] =	ssyncadd.s32 $0xFFFFF800;
	s6 =	sshrl.u32 s7, $0x3  }
0x12a: {  	[hbm:s9], [sflag:s5] =	dma.local [spmem:s6], $0x800  }
0x12b: {  	_ =	swait.ge [sflag:s19], $0x800  }
0x12c: {  	[sflag:s19] =	ssyncset.done $0x0;
	s7 =	rddreg [dreg:$0x6]  }
0x12d: {  	s9 =	rddreg [dreg:$0xb];
	[sflag:s19] =	ssyncadd.s32 $0xFFFFF800;
	s6 =	sshrl.u32 s7, $0x3  }
0x12e: {  	[hbm:s9], [sflag:s5] =	dma.local [spmem:s6], $0x800  }
0x12f: {  	_ =	swait.ge [sflag:s19], $0x800  }
0x130: {  	[sflag:s19] =	ssyncset.done $0x0;
	s9 =	rddreg [dreg:$0x7]  }
0x131: {  	s7 =	rddreg [dreg:$0xc];
	[sflag:s19] =	ssyncadd.s32 $0xFFFFF800;
	s6 =	sshrl.u32 s9, $0x3  }
0x132: {  	[hbm:s7], [sflag:s5] =	dma.local [spmem:s6], $0x800  }
0x133: {  	_ =	swait.ge [sflag:s19], $0x800  }
0x134: {  	s15 =	sadd.s32 $0x1, s15;
	s7 =	rddreg [dreg:$0xd]  }
0x135: {  	p0 =	sne.s32 s15, s7  }
.Ltmp2:
0x136: {  	_ = 	snop;
	(pc) =	sbr.rel @p0 .LBB2_1-.Ltmp2, $3  }
0x137: {  	_ =	sdelay $0x1  }
0x138: {  	[sflag:s19] =	ssyncset.done $0x0  }
0x139: {  	[sflag:s19] =	ssyncadd.s32 $0xFFFFF800  }
0x13a: {  	_ =	sfence.sel $0x180000  }
0x13b: {  	[bflag:$0x0] =	sbarrier.arrive $0xFFFF  }
0x13c: {  	_ =	strace $0x9000004A  }
0x13d: {  	s0 =	stileid.u32;
	[bflag:$0x2] =	sbarrier.arrive $0xFFFF  }
0x13e: {  	p0 =	sne.s32 s0, $0x0;
	s0 =	rddreg [dreg:$0x2]  }
0x13f: {  	s0 =	sadd.s32 @!p0 $0x100000, s0  }
0x140: {  	[sflag:s0] =	ssyncadd.tile.s32 @!p0 $0x1;
	_ =	shalt  }
.Lfunc_end2:
_tile_overlayer_lowered:
.L_overlay_start_2:
0x141: {  	(tag) =	ssettag $0x2  }
0x142: {  	s0 =	rddreg [dreg:$0x0];
	s2 =	stileid.u32  }
0x143: {  	s1 =	rddreg [dreg:$0x1];
	p0 =	sne.s32 s2, $0x0  }
0x144: {  	s3 =	rddreg [dreg:$0x2];
	[bflag:$0x3] =	sbarrier.arrive $0xFFFF;
	s2 =	simm.s32 @!p0 $0x1C03  }
0x145: {  	[timem:s3], [sflag:s2] =	dma.local @!p0 [hbm:s0], s1  }
0x146: {  	s0 =	simm.s32 @!p0 $0x3  }
0x147: {  	_ =	swait.ge @!p0 [sflag:s0], s1  }
0x148: {  	s1 =	ssub.s32 @!p0 $0x0, s1;
	[sflag:s0] =	ssyncset.done @!p0 $0x0  }
0x149: {  	[sflag:s0] =	ssyncadd.s32 @!p0 s1  }
0x14a: {  	[bflag:$0x3] =	sbarrier.arrive $0xFFFF  }
0x14b: {  	_ =	shalt  }

// kernel: kernel.18.cloned.1.call-start
scs
__scs_entry_jumppad:
0x0: {  	(pc) =	sbr.rel $0x88, $3  }
0x1: {  	(tag) =	ssettag $0x0;
	lr =	simm.s32 $0x1  }
0x2: {  	[smem:$0x3F93] =	sst lr;
	_ =	strace $0xD0000000  }
0x3: {  	_ = 	snop  }
0x4: {  	_ = 	snop  }
0x5: {  	_ = 	snop  }
0x6: {  	_ = 	snop  }
0x7: {  	_ = 	snop  }
__scs_overlays_trampoline_lowered:
0x8: {  	[smem:$0x3FA2] =	sst s0  }
0x9: {  	[smem:$0x3FA3] =	sst s1  }
0xa: {  	[smem:$0x3FA4] =	sst s2  }
0xb: {  	[smem:$0x3FA5] =	sst s3  }
0xc: {  	[smem:$0x3FA6] =	sst s4  }
0xd: {  	[smem:$0x3FA7] =	sst s5  }
0xe: {  	[smem:$0x3FA8] =	sst s6  }
0xf: {  	[smem:$0x3FA9] =	sst s7  }
0x10: {  	[smem:$0x3FAA] =	sst s8  }
0x11: {  	[smem:$0x3FAB] =	sst s9;
	s0 =	simm.s32 @!p0 $0x0  }
0x12: {  	s1 =	sld [smem:$0x3F91];
	s0 =	simm.s32 @p0 $0x1  }
0x13: {  	[smem:$0x3FAC] =	sst s0;
	s0 =	simm.s32 @!p1 $0x0  }
0x14: {  	s2 =	sld [smem:$0x3F90];
	s0 =	simm.s32 @p1 $0x1  }
0x15: {  	[smem:$0x3FAD] =	sst s0;
	s0 =	simm.s32 @!p2 $0x0  }
0x16: {  	s3 =	sld [smem:$0x3FDB];
	s0 =	simm.s32 @p2 $0x1  }
0x17: {  	s4 =	simm.s32 $0x1BF5;
	[smem:$0x3FAF] =	sst s0  }
0x18: {  	s0 =	sld [smem:$0x3F92];
	_ =	swait.ge [sflag:s4], $0x0  }
0x19: {  	s7 =	sld [smem:$0x3F93]  }
0x1a: {  	s8 =	sadd.s32 $0xFFFFE003, lr  }
0x1b: {  	s9 =	sadd.s32 $0xFFFFFEF7, lr;
	s5 =	simm.s32 $0xFFFFFFFF;
	p2 =	slt.u32 s8, $0xFFFFF086  }
0x1c: {  	p1 =	slt.u32 s9, $0xF7A;
	s5 =	simm.s32 @!p2 $0x0  }
0x1d: {  	s5 =	simm.s32 @p1 $0x1;
	p0 =	seq.s32 s7, s2  }
0x1e: {  	s7 =	smul.u32 @!p0 $0xF7A, s2;
	p2 =	seq.s32 @!p0 s5, $0x0  }
0x1f: {  	s9 =	smul.u32 $0xF7A, s1;
	s8 =	simm.s32 @!p0 $0x1BF5;
	p2 =	por !p2, p0  }
0x20: {  	[sflag:s8] =	ssyncset.s32 @!p0 $0xFFFFF086;
	s6 =	sadd.s32 @!p0 s3, s7;
	s7 =	simm.s32 @!p0 $0x108  }
0x21: {  	s3 =	sadd.s32 s3, s9;
	s6 =	sadd.s32 @!p0 $0x88, s6;
	s7 =	simm.s32 @p2 $0x1082  }
0x22: {  	[simem:s7], [sflag:s8] =	dma.local @!p0 [hbm:s6], $0xF7A  }
0x23: {  	s9 =	sor.u32 $0xD0000000, s2;
	s6 =	simm.s32 $0x108;
	_ =	swait.ge @!p0 [sflag:s8], $0x0  }
0x24: {  	s3 =	sadd.s32 $0x88, s3;
	s6 =	simm.s32 @!p1 $0x1082;
	[sflag:s4] =	ssyncset.s32 $0xFFFFF086  }
0x25: {  	[simem:s6], [sflag:s4] =	dma.local [hbm:s3], $0xF7A  }
0x26: {  	[smem:$0x3F93] =	sst s1;
	(tag) =	ssettag s2;
	_ =	strace s9  }
0x27: {  	s1 =	sld [smem:$0x3FA3]  }
0x28: {  	s2 =	sld [smem:$0x3FA4]  }
0x29: {  	s4 =	sld [smem:$0x3FA6]  }
0x2a: {  	p0 =	seq.s32 s5, $0x0;
	s5 =	sld [smem:$0x3FA7]  }
0x2b: {  	s6 =	sld [smem:$0x3FA8]  }
0x2c: {  	s7 =	sld [smem:$0x3FA9]  }
0x2d: {  	s3 =	simm.s32 $0x108;
	s8 =	sld [smem:$0x3FAA]  }
0x2e: {  	s3 =	simm.s32 @!p0 $0x1082;
	s9 =	sld [smem:$0x3FAB]  }
0x2f: {  	lr =	sadd.s32 s0, s3;
	s0 =	sld [smem:$0x3FA2]  }
0x30: {  	s3 =	sld [smem:$0x3FA5]  }
0x31: {  	[smem:$0x3FAE] =	sst s10  }
0x32: {  	s10 =	sld [smem:$0x3FAC];
	_ =	sdelay $0x3  }
0x33: {  	p0 =	seq.s32 s10, $0x1;
	s10 =	sld [smem:$0x3FAE];
	_ =	sdelay $0x3  }
0x34: {  	[smem:$0x3FAE] =	sst s10  }
0x35: {  	s10 =	sld [smem:$0x3FAD];
	_ =	sdelay $0x3  }
0x36: {  	p1 =	seq.s32 s10, $0x1;
	s10 =	sld [smem:$0x3FAE];
	_ =	sdelay $0x3  }
0x37: {  	[smem:$0x3FAE] =	sst s10  }
0x38: {  	s10 =	sld [smem:$0x3FAF]  }
0x39: {  	_ = 	snop;
	(pc) =	sbr.ind lr, $3  }
0x3a: {  	_ = 	snop  }
0x3b: {  	_ = 	snop  }
0x3c: {  	p2 =	seq.s32 s10, $0x1;
	s10 =	sld [smem:$0x3FAE]  }
0x3d: {  	_ =	shalt  }
0x3e: {  	_ =	shalt  }
0x3f: {  	_ =	shalt  }
0x40: {  	_ =	shalt  }
0x41: {  	_ =	shalt  }
0x42: {  	_ =	shalt  }
0x43: {  	_ =	shalt  }
0x44: {  	_ =	shalt  }
0x45: {  	_ =	shalt  }
0x46: {  	_ =	shalt  }
0x47: {  	_ =	shalt  }
0x48: {  	_ =	shalt  }
0x49: {  	_ =	shalt  }
0x4a: {  	_ =	shalt  }
0x4b: {  	_ =	shalt  }
0x4c: {  	_ =	shalt  }
0x4d: {  	_ =	shalt  }
0x4e: {  	_ =	shalt  }
0x4f: {  	_ =	shalt  }
0x50: {  	_ =	shalt  }
0x51: {  	_ =	shalt  }
0x52: {  	_ =	shalt  }
0x53: {  	_ =	shalt  }
0x54: {  	_ =	shalt  }
0x55: {  	_ =	shalt  }
0x56: {  	_ =	shalt  }
0x57: {  	_ =	shalt  }
0x58: {  	_ =	shalt  }
0x59: {  	_ =	shalt  }
0x5a: {  	_ =	shalt  }
0x5b: {  	_ =	shalt  }
0x5c: {  	_ =	shalt  }
0x5d: {  	_ =	shalt  }
0x5e: {  	_ =	shalt  }
0x5f: {  	_ =	shalt  }
0x60: {  	_ =	shalt  }
0x61: {  	_ =	shalt  }
0x62: {  	_ =	shalt  }
0x63: {  	_ =	shalt  }
0x64: {  	_ =	shalt  }
0x65: {  	_ =	shalt  }
0x66: {  	_ =	shalt  }
0x67: {  	_ =	shalt  }
0x68: {  	_ =	shalt  }
0x69: {  	_ =	shalt  }
0x6a: {  	_ =	shalt  }
0x6b: {  	_ =	shalt  }
0x6c: {  	_ =	shalt  }
0x6d: {  	_ =	shalt  }
0x6e: {  	_ =	shalt  }
0x6f: {  	_ =	shalt  }
0x70: {  	_ =	shalt  }
0x71: {  	_ =	shalt  }
0x72: {  	_ =	shalt  }
0x73: {  	_ =	shalt  }
0x74: {  	_ =	shalt  }
0x75: {  	_ =	shalt  }
0x76: {  	_ =	shalt  }
0x77: {  	_ =	shalt  }
0x78: {  	_ =	shalt  }
0x79: {  	_ =	shalt  }
0x7a: {  	_ =	shalt  }
0x7b: {  	_ =	shalt  }
0x7c: {  	_ =	shalt  }
0x7d: {  	_ =	shalt  }
0x7e: {  	_ =	shalt  }
0x7f: {  	_ =	shalt  }
0x80: {  	_ =	shalt  }
0x81: {  	_ =	shalt  }
0x82: {  	_ =	shalt  }
0x83: {  	_ =	shalt  }
0x84: {  	_ =	shalt  }
0x85: {  	_ =	shalt  }
0x86: {  	_ =	shalt  }
0x87: {  	_ =	shalt  }
.Lfunc_end0:
.L_simem_size_0:
called_computation.2_lowered:
.L_overlay_start_0:
0x88: {  	s2 =	sld [smem:$0x3FD9]  }
0x89: {  	s3 =	sld [smem:$0x3FFE];
	_ =	sdelay $0x1  }
0x8a: {  	s1 =	srdreg.scid  }
0x8b: {  	s0 =	sand.u32 $0x1, s1  }
0x8c: {  	s16 =	sshll.u32 s0, $0xA;
	s2 =	sadd.s32 s3, s2  }
0x8d: {  	s2 =	sadd.s32 s2, s16  }
0x8e: {  	[smem:$0x3FBA] =	sst s2  }
0x8f: {  	_ = 	snop  }
0x90: {  	(tm) =	ssettm $0x1  }
0x91: {  	s17 =	sld [smem:$0x3FFB];
	_ =	sdelay $0x3  }
0x92: {  	_ =	strace s17  }
0x93: {  	s2 =	sld [smem:$0x3FFC];
	_ =	sdelay $0x3  }
0x94: {  	_ =	strace s2  }
0x95: {  	s2 =	sld [smem:$0x3FFD];
	_ =	sdelay $0x3  }
0x96: {  	_ =	strace s2  }
0x97: {  	_ =	strace $0x8FFFFFFF  }
0x98: {  	s18 =	sld [smem:$0x3FDB];
	_ =	sdelay $0x1  }
0x99: {  	s19 =	simm.s32 $_scs_section_size  }
0x9a: {  	s4 =	simm.s32 $_size__tile_overlayer_lowered;
	s5 =	simm.s32 $_tile_overlayer_lowered  }
0x9b: {  	s22 =	simm.s32 $0x1BFF;
	s21 =	sshll.u32 s5, $0x1;
	s2 =	sadd.s32 s19, s18  }
0x9c: {  	s6 =	simm.s32 $0x0;
	s20 =	sshll.u32 s4, $0x1;
	s4 =	sadd.s32 s21, s2  }
0x9d: {  	[timem:s6], [sflag:s22] =	dma.local [hbm:s4], s20  }
0x9e: {  	_ =	swait.ge [sflag:s22], s20  }
0x9f: {  	s3 =	ssub.s32 $0x0, s20;
	[sflag:s22] =	ssyncset.done $0x0  }
0xa0: {  	[sflag:s22] =	ssyncadd.s32 s3;
	_ =	sdelay $0x1  }
0xa1: {  	s23 =	simm.s32 $0x1B8B  }
0xa2: {  	_ =	swait.ge [sflag:s23], $0x1  }
0xa3: {  	[sflag:s23] =	ssyncset.done $0x0  }
0xa4: {  	s25 =	simm.s32 $0x1B8E;
	s24 =	sld [smem:$0x3FFE];
	[sflag:s23] =	ssyncadd.s32 $0xFFFFFFFF  }
0xa5: {  	s26 =	simm.s32 $execute0_lowered;
	[smem:$0x3FD2] =	sst s25  }
0xa6: {  	s4 =	sshll.u32 s26, $0x1;
	_ =	strace $0x8000004C;
	[dreg:$0x1] =	wrdreg $0xFFFFFFFF  }
0xa7: {  	s28 =	simm.s32 $_size_execute0_lowered;
	s2 =	sadd.s32 s2, s4;
	[dreg:$0x0] =	wrdreg $0x0  }
0xa8: {  	s4 =	sshll.u32 s28, $0x1;
	[dreg:$0x2] =	wrdreg s2  }
0xa9: {  	[dreg:$0x3] =	wrdreg s4  }
0xaa: {  	[dreg:$0x4] =	wrdreg $0xC0  }
0xab: {  	_ =	task [dreg:s6], $0x5FFFF  }
0xac: {  	[dreg:$0x1] =	wrdreg $0xFFFFFFFF  }
0xad: {  	[dreg:$0x0] =	wrdreg $0x60  }
0xae: {  	[dreg:$0x2] =	wrdreg s24  }
0xaf: {  	[dreg:$0x3] =	wrdreg $0x88000  }
0xb0: {  	[dreg:$0x4] =	wrdreg $0x9  }
0xb1: {  	_ =	task.clear_ibuf [dreg:s6], $0x5FFFF;
	_ =	strace $0x9000004C  }
0xb2: {  	s29 =	simm.s32 $0x9;
	_ =	strace $0x8000004E  }
0xb3: {  	_ =	swait.ge [sflag:s29], $0x1  }
0xb4: {  	[sflag:s29] =	ssyncadd.s32 $0xFFFFFFFF  }
0xb5: {  	_ =	strace $0x9000004E  }
0xb6: {  	_ =	sfence  }
0xb7: {  	s30 =	sld [smem:$0x0];
	_ =	sdelay $0x2  }
0xb8: {  	s31 =	sshll.u32 s1, $0xD;
	s1 =	sshrl.u32 s1, $0x2  }
0xb9: {  	s3 =	sand.u32 $0x4000, s31;
	s1 =	sadd.s32 s1, s30  }
0xba: {  	s0 =	sor.u32 s3, s0;
	s1 =	sshll.u32 s1, $0x11  }
0xbb: {  	s0 =	sor.u32 s1, s0  }
0xbc: {  	s0 =	sadd.s32 $0x8F2B, s0  }
0xbd: {  	[sflag:s0] =	ssyncadd.remote.s32 $0x1  }
0xbe: {  	_ =	sfence.sel $0xFFFF  }
0xbf: {  	[dreg:$0x0] =	wrdreg $0xFFFFFFFF;
	(pc) =	sbr.abs _section_cstart, $3  }
0xc0: {  	[dreg:$0x1] =	wrdreg $0xFFFFFFFF  }
0xc1: {  	_ =	task.clear_ibuf [dreg:s6], $0x2FFFF;
	_ =	strace $0x9FFFFFFF  }
0xc2: {  	(tm) =	ssettm $0x7FFFFFFF  }
0xc3: {  	_ =	shalt  }
tec
execute0_lowered:
.L_overlay_start_1:
0x0: {  	(tag) =	ssettag $0x1  }
0x1: {  	s0 =	srdreg.scid  }
0x2: {  	s9 =	stileid.u32;
	s1 =	rddreg [dreg:$0x0]  }
0x3: {  	s2 =	rddreg [dreg:$0x1];
	s3 =	simm.s32 $0x0;
	s18 =	simm.s32 $0x800  }
0x4: {  	s28 =	simm.s32 $0x180;
	s29 =	simm.s32 $0x500;
	s4 =	smul.u32 $0x5000, s9  }
0x5: {  	s30 =	simm.s32 $0x200;
	s31 =	simm.s32 $0x580;
	s6 =	smul.u32 $0x50000, s9  }
0x6: {  	s14 =	simm.s32 $0x780;
	s0 =	sand.u32 $0x1, s0;
	s9 =	smul.u32 $0x14000, s9  }
0x7: {  	s15 =	simm.s32 $0x0;
	[smem:$0x7FF] =	sst s3;
	s5 =	smul.u32 $0x2800, s0  }
0x8: {  	_ =	strace $0x8000004D;
	s7 =	ssub.s32 $0x2, s0;
	s0 =	smul.u32 $0x140000, s0  }
0x9: {  	s8 =	sshrl.u32 s7, $0x1;
	s6 =	sshrl.u32 s6, $0x2;
	s19 =	sadd.s32 $0x4000, s9  }
0xa: {  	s10 =	sadd.s32 $0x8000, s9;
	s21 =	sadd.s32 $0xC000, s9;
	s13 =	sadd.s32 $0x10000, s9  }
0xb: {  	s4 =	sadd.s32 s5, s4;
	s7 =	ssub.s32 s7, s8;
	s8 =	sadd.s32 s6, s2  }
0xc: {  	s11 =	sadd.s32 s19, s2;
	s20 =	sadd.s32 s10, s2;
	s12 =	sadd.s32 s21, s2  }
0xd: {  	s22 =	sadd.s32 s9, s0;
	s6 =	sadd.s32 s0, s19;
	s9 =	sadd.s32 s13, s2  }
0xe: {  	s23 =	sadd.s32 s0, s10;
	s24 =	sadd.s32 s0, s21;
	s0 =	sadd.s32 s0, s13  }
0xf: {  	s19 =	simm.s32 $0x3;
	s21 =	simm.s32 $0x80;
	[dreg:$0x4] =	wrdreg s11  }
0x10: {  	s13 =	simm.s32 $0x700;
	s5 =	sshrl.u32 s4, $0x3;
	[dreg:$0x5] =	wrdreg s20  }
0x11: {  	s4 =	sadd.s32 $0x18800, s1;
	[dreg:$0x6] =	wrdreg s12;
	s12 =	sshrl.u32 s22, $0x3  }
0x12: {  	s6 =	sshrl.u32 s6, $0x3;
	s10 =	sshrl.u32 s24, $0x3;
	s0 =	sshrl.u32 s0, $0x3  }
0x13: {  	s26 =	smax.u32 s7, $0x1;
	s20 =	simm.s32 $0x400;
	s22 =	simm.s32 $0x4800  }
0x14: {  	s24 =	simm.s32 $0x100;
	s11 =	simm.s32 $0x680;
	[dreg:$0x3] =	wrdreg s8  }
0x15: {  	[dreg:$0x7] =	wrdreg s9;
	s5 =	sadd.s32 s5, s1;
	s1 =	sadd.s32 $0x66C00, s1  }
0x16: {  	[dreg:$0xd] =	wrdreg s26;
	s26 =	simm.s32 $0x480;
	s12 =	sadd.s32 s1, s12  }
0x17: {  	s6 =	sadd.s32 s1, s6;
	s25 =	sadd.s32 s1, s10;
	[dreg:$0x8] =	wrdreg s12  }
0x18: {  	s0 =	sadd.s32 s1, s0;
	s16 =	sadd.s32 $0x4800, s5;
	[dreg:$0x9] =	wrdreg s6  }
0x19: {  	s17 =	sadd.s32 $0xE800, s5;
	s10 =	simm.s32 $0x300;
	[dreg:$0xb] =	wrdreg s25  }
0x1a: {  	s6 =	sshrl.u32 s23, $0x3;
	[dreg:$0xc] =	wrdreg s0;
	s23 =	simm.s32 $0x1  }
0x1b: {  	s25 =	simm.s32 $0x2;
	s0 =	simm.s32 $0x600;
	s6 =	sadd.s32 s1, s6  }
0x1c: {  	v0 =	vimm.f32 $0.0e+00;
	s12 =	simm.s32 $0x380;
	s1 =	simm.s32 $0x280;
	[dreg:$0xa] =	wrdreg s6  }
.LBB2_1:
0x1d: {  	s5 =	simm.s32 $0x0;
	s6 =	simm.s32 $0x200  }
.LBB2_2:
0x1e: {  	p0 =	sne.s32 s6, $0xFE00;
	[tilespmem:s5+$0x870] =	vst v0  }
0x1f: {  	[tilespmem:s5+$0x800] =	vst v0  }
0x20: {  	[tilespmem:s5+$0x810] =	vst v0  }
.Ltmp0:
0x21: {  	[tilespmem:s5+$0x820] =	vst v0;
	(pc) =	sbr.rel @p0 .LBB2_2-.Ltmp0, $4  }
0x22: {  	[tilespmem:s5+$0x830] =	vst v0  }
0x23: {  	[tilespmem:s5+$0x840] =	vst v0  }
0x24: {  	[tilespmem:s5+$0x850] =	vst v0  }
0x25: {  	[tilespmem:s5+$0x860] =	vst v0;
	s5 =	sshra.s32 s6, $0x2;
	s6 =	sadd.s32 $0x200, s6  }
0x26: {  	[tilespmem:s5+$0x870] =	vst v0  }
0x27: {  	[tilespmem:s5+$0x800] =	vst v0  }
0x28: {  	[tilespmem:s5+$0x810] =	vst v0  }
0x29: {  	[tilespmem:s5+$0x820] =	vst v0  }
0x2a: {  	[tilespmem:s5+$0x830] =	vst v0  }
0x2b: {  	[tilespmem:s5+$0x840] =	vst v0  }
0x2c: {  	[tilespmem:s5+$0x850] =	vst v0  }
0x2d: {  	[tilespmem:s5+$0x860] =	vst v0  }
0x2e: {  	[spmem:s8] =	stream.linear.scatter [tilespmem:s18], [sflag:$0x3], $0x4000, $0x38;
	[tilespmem:$0x1C800] =	vst v63  }
0x2f: {  	_ =	swait.ge [sflag:s19], $0x4000  }
0x30: {  	[sflag:s19] =	ssyncset.done $0x0  }
0x31: {  	s8 =	rddreg [dreg:$0x4];
	[sflag:s19] =	ssyncadd.s32 $0xFFFFC000  }
0x32: {  	[spmem:s8] =	stream.linear.scatter [tilespmem:s18], [sflag:$0x3], $0x4000, $0x38;
	[tilespmem:$0x1C800] =	vst v63  }
0x33: {  	_ =	swait.ge [sflag:s19], $0x4000  }
0x34: {  	[sflag:s19] =	ssyncset.done $0x0  }
0x35: {  	s6 =	rddreg [dreg:$0x5];
	[sflag:s19] =	ssyncadd.s32 $0xFFFFC000  }
0x36: {  	[spmem:s6] =	stream.linear.scatter [tilespmem:s18], [sflag:$0x3], $0x4000, $0x38;
	[tilespmem:$0x1C800] =	vst v63  }
0x37: {  	_ =	swait.ge [sflag:s19], $0x4000  }
0x38: {  	[sflag:s19] =	ssyncset.done $0x0  }
0x39: {  	s7 =	rddreg [dreg:$0x6];
	[sflag:s19] =	ssyncadd.s32 $0xFFFFC000  }
0x3a: {  	[spmem:s7] =	stream.linear.scatter [tilespmem:s18], [sflag:$0x3], $0x4000, $0x38;
	[tilespmem:$0x1C800] =	vst v63  }
0x3b: {  	_ =	swait.ge [sflag:s19], $0x4000  }
0x3c: {  	[sflag:s19] =	ssyncset.done $0x0  }
0x3d: {  	[sflag:s19] =	ssyncadd.s32 $0xFFFFC000  }
0x3e: {  	[spmem:s9] =	stream.linear.scatter [tilespmem:s18], [sflag:$0x3], $0x4000, $0x38;
	[tilespmem:$0x1C800] =	vst v63  }
0x3f: {  	_ =	swait.ge [sflag:s19], $0x4000  }
0x40: {  	[sflag:s19] =	ssyncset.done $0x0  }
0x41: {  	[sflag:s19] =	ssyncadd.s32 $0xFFFFC000  }
0x42: {  	s8 =	sadd.s32 $0x0, s17;
	[bflag:$0x0] =	sbarrier.arrive $0xFFFF  }
0x43: {  	[tilespmem:s3], [sflag:$0x3] =	stream.linear.gather [hbm4b:s8+s3], $0x400, $0x38;
	[tilespmem:$0x1C800] =	vst v63  }
0x44: {  	_ =	swait.ge [sflag:s19], $0x400  }
0x45: {  	[sflag:s19] =	ssyncset.done $0x0  }
0x46: {  	s9 =	sadd.s32 $0x0, s16;
	[sflag:s19] =	ssyncadd.s32 $0xFFFFFC00  }
0x47: {  	[tilespmem:s20], [sflag:$0x3] =	stream.linear.gather [hbm4b:s9+s3], $0x400, $0x38;
	[tilespmem:$0x1C800] =	vst v63  }
0x48: {  	_ =	swait.ge [sflag:s19], $0x400  }
0x49: {  	[sflag:s19] =	ssyncset.done $0x0  }
0x4a: {  	[sflag:s19] =	ssyncadd.s32 $0xFFFFFC00  }
0x4b: {  	[tilespmem:s18], [sflag:$0x1] =	stream.indirect.gather [hbm4b:s4+s21], $0x80, s3, s21, $0xb8;
	[tilespmem:$0x1C800] =	vst v63  }
0x4c: {  	_ = 	snop  }
0x4d: {  	[tilespmem:s22], [sflag:$0x2] =	stream.indirect.gather [hbm4b:s4+s21], $0x80, s21, s21, $0xb8;
	[tilespmem:$0x1C800] =	vst v63  }
0x4e: {  	_ =	swait.ge [sflag:s23], $0x4000  }
0x4f: {  	[sflag:s23] =	ssyncset.done $0x0  }
0x50: {  	[sflag:s23] =	ssyncadd.s32 $0xFFFFC000  }
0x51: {  	[spmem:s2] =	stream.indirect.scatter.add.f32 [tilespmem:s18], [sflag:$0x3], $0x80, s20, s21, $0xb8;
	[tilespmem:$0x1C800] =	vst v63  }
0x52: {  	_ =	swait.ge [sflag:s19], $0x4000  }
0x53: {  	[sflag:s19] =	ssyncset.done $0x0  }
0x54: {  	[sflag:s19] =	ssyncadd.s32 $0xFFFFC000  }
0x55: {  	[tilespmem:s18], [sflag:$0x1] =	stream.indirect.gather [hbm4b:s4+s21], $0x80, s24, s21, $0xb8;
	[tilespmem:$0x1C800] =	vst v63  }
0x56: {  	_ =	swait.ge [sflag:s25], $0x4000  }
0x57: {  	[sflag:s25] =	ssyncset.done $0x0  }
0x58: {  	[sflag:s25] =	ssyncadd.s32 $0xFFFFC000  }
0x59: {  	[spmem:s2] =	stream.indirect.scatter.add.f32 [tilespmem:s22], [sflag:$0x3], $0x80, s26, s21, $0xb8;
	[tilespmem:$0x1C800] =	vst v63  }
0x5a: {  	_ =	swait.ge [sflag:s19], $0x4000  }
0x5b: {  	[sflag:s19] =	ssyncset.done $0x0  }
0x5c: {  	[sflag:s19] =	ssyncadd.s32 $0xFFFFC000  }
0x5d: {  	[tilespmem:s22], [sflag:$0x2] =	stream.indirect.gather [hbm4b:s4+s21], $0x80, s28, s21, $0xb8;
	[tilespmem:$0x1C800] =	vst v63  }
0x5e: {  	_ =	swait.ge [sflag:s23], $0x4000  }
0x5f: {  	[sflag:s23] =	ssyncset.done $0x0  }
0x60: {  	[sflag:s23] =	ssyncadd.s32 $0xFFFFC000  }
0x61: {  	[spmem:s2] =	stream.indirect.scatter.add.f32 [tilespmem:s18], [sflag:$0x3], $0x80, s29, s21, $0xb8;
	[tilespmem:$0x1C800] =	vst v63  }
0x62: {  	_ =	swait.ge [sflag:s19], $0x4000  }
0x63: {  	[sflag:s19] =	ssyncset.done $0x0  }
0x64: {  	[sflag:s19] =	ssyncadd.s32 $0xFFFFC000  }
0x65: {  	[tilespmem:s18], [sflag:$0x1] =	stream.indirect.gather [hbm4b:s4+s21], $0x80, s30, s21, $0xb8;
	[tilespmem:$0x1C800] =	vst v63  }
0x66: {  	_ =	swait.ge [sflag:s25], $0x4000  }
0x67: {  	[sflag:s25] =	ssyncset.done $0x0  }
0x68: {  	[sflag:s25] =	ssyncadd.s32 $0xFFFFC000  }
0x69: {  	[spmem:s2] =	stream.indirect.scatter.add.f32 [tilespmem:s22], [sflag:$0x3], $0x80, s31, s21, $0xb8;
	[tilespmem:$0x1C800] =	vst v63  }
0x6a: {  	_ =	swait.ge [sflag:s19], $0x4000  }
0x6b: {  	[sflag:s19] =	ssyncset.done $0x0  }
0x6c: {  	[sflag:s19] =	ssyncadd.s32 $0xFFFFC000  }
0x6d: {  	[tilespmem:s22], [sflag:$0x2] =	stream.indirect.gather [hbm4b:s4+s21], $0x80, s1, s21, $0xb8;
	[tilespmem:$0x1C800] =	vst v63  }
0x6e: {  	_ =	swait.ge [sflag:s23], $0x4000  }
0x6f: {  	[sflag:s23] =	ssyncset.done $0x0  }
0x70: {  	[sflag:s23] =	ssyncadd.s32 $0xFFFFC000  }
0x71: {  	[spmem:s2] =	stream.indirect.scatter.add.f32 [tilespmem:s18], [sflag:$0x3], $0x80, s0, s21, $0xb8;
	[tilespmem:$0x1C800] =	vst v63  }
0x72: {  	_ =	swait.ge [sflag:s19], $0x4000  }
0x73: {  	[sflag:s19] =	ssyncset.done $0x0  }
0x74: {  	[sflag:s19] =	ssyncadd.s32 $0xFFFFC000  }
0x75: {  	[tilespmem:s18], [sflag:$0x1] =	stream.indirect.gather [hbm4b:s4+s21], $0x80, s10, s21, $0xb8;
	[tilespmem:$0x1C800] =	vst v63  }
0x76: {  	_ =	swait.ge [sflag:s25], $0x4000  }
0x77: {  	[sflag:s25] =	ssyncset.done $0x0  }
0x78: {  	[sflag:s25] =	ssyncadd.s32 $0xFFFFC000  }
0x79: {  	[spmem:s2] =	stream.indirect.scatter.add.f32 [tilespmem:s22], [sflag:$0x3], $0x80, s11, s21, $0xb8;
	[tilespmem:$0x1C800] =	vst v63  }
0x7a: {  	_ =	swait.ge [sflag:s19], $0x4000  }
0x7b: {  	[sflag:s19] =	ssyncset.done $0x0  }
0x7c: {  	[sflag:s19] =	ssyncadd.s32 $0xFFFFC000  }
0x7d: {  	[tilespmem:s22], [sflag:$0x2] =	stream.indirect.gather [hbm4b:s4+s21], $0x80, s12, s21, $0xb8;
	[tilespmem:$0x1C800] =	vst v63  }
0x7e: {  	_ =	swait.ge [sflag:s23], $0x4000  }
0x7f: {  	[sflag:s23] =	ssyncset.done $0x0  }
0x80: {  	[sflag:s23] =	ssyncadd.s32 $0xFFFFC000  }
0x81: {  	[spmem:s2] =	stream.indirect.scatter.add.f32 [tilespmem:s18], [sflag:$0x3], $0x80, s13, s21, $0xb8;
	[tilespmem:$0x1C800] =	vst v63  }
0x82: {  	_ =	swait.ge [sflag:s19], $0x4000  }
0x83: {  	[sflag:s19] =	ssyncset.done $0x0  }
0x84: {  	[sflag:s19] =	ssyncadd.s32 $0xFFFFC000  }
0x85: {  	_ =	swait.ge [sflag:s25], $0x4000  }
0x86: {  	[sflag:s25] =	ssyncset.done $0x0  }
0x87: {  	[sflag:s25] =	ssyncadd.s32 $0xFFFFC000  }
0x88: {  	[spmem:s2] =	stream.indirect.scatter.add.f32 [tilespmem:s22], [sflag:$0x3], $0x80, s14, s21, $0xb8;
	[tilespmem:$0x1C800] =	vst v63  }
0x89: {  	_ =	swait.ge [sflag:s19], $0x4000  }
0x8a: {  	s5 =	simm.s32 $0x80;
	s6 =	simm.s32 $0x100;
	[sflag:s19] =	ssyncset.done $0x0  }
.LBB2_4:
0x8b: {  	s8 =	sadd.s32 s5, s17  }
0x8c: {  	[sflag:s19] =	ssyncadd.s32 $0xFFFFC000;
	s9 =	smov.u32 s6;
	s7 =	sadd.s32 $0x80, s6  }
0x8d: {  	[tilespmem:s3], [sflag:$0x3] =	stream.linear.gather [hbm4b:s8+s3], $0x400, $0x38;
	[tilespmem:$0x1C800] =	vst v63  }
0x8e: {  	p0 =	sne.s32 s6, $0x480;
	_ =	swait.ge [sflag:s19], $0x400  }
0x8f: {  	[sflag:s19] =	ssyncset.done $0x0  }
0x90: {  	s6 =	sadd.s32 s5, s16;
	s5 =	smov.u32 s9;
	[sflag:s19] =	ssyncadd.s32 $0xFFFFFC00  }
0x91: {  	[tilespmem:s20], [sflag:$0x3] =	stream.linear.gather [hbm4b:s6+s3], $0x400, $0x38;
	[tilespmem:$0x1C800] =	vst v63  }
0x92: {  	_ =	swait.ge [sflag:s19], $0x400  }
0x93: {  	[sflag:s19] =	ssyncset.done $0x0  }
0x94: {  	[sflag:s19] =	ssyncadd.s32 $0xFFFFFC00  }
0x95: {  	[tilespmem:s18], [sflag:$0x1] =	stream.indirect.gather [hbm4b:s4+s21], $0x80, s3, s21, $0xb8;
	[tilespmem:$0x1C800] =	vst v63  }
0x96: {  	_ = 	snop  }
0x97: {  	[tilespmem:s22], [sflag:$0x2] =	stream.indirect.gather [hbm4b:s4+s21], $0x80, s21, s21, $0xb8;
	[tilespmem:$0x1C800] =	vst v63  }
0x98: {  	_ =	swait.ge [sflag:s23], $0x4000  }
0x99: {  	[sflag:s23] =	ssyncset.done $0x0  }
0x9a: {  	[sflag:s23] =	ssyncadd.s32 $0xFFFFC000  }
0x9b: {  	[spmem:s2] =	stream.indirect.scatter.add.f32 [tilespmem:s18], [sflag:$0x3], $0x80, s20, s21, $0xb8;
	[tilespmem:$0x1C800] =	vst v63  }
0x9c: {  	_ =	swait.ge [sflag:s19], $0x4000  }
0x9d: {  	[sflag:s19] =	ssyncset.done $0x0  }
0x9e: {  	[sflag:s19] =	ssyncadd.s32 $0xFFFFC000  }
0x9f: {  	[tilespmem:s18], [sflag:$0x1] =	stream.indirect.gather [hbm4b:s4+s21], $0x80, s24, s21, $0xb8;
	[tilespmem:$0x1C800] =	vst v63  }
0xa0: {  	_ =	swait.ge [sflag:s25], $0x4000  }
0xa1: {  	[sflag:s25] =	ssyncset.done $0x0  }
0xa2: {  	[sflag:s25] =	ssyncadd.s32 $0xFFFFC000  }
0xa3: {  	[spmem:s2] =	stream.indirect.scatter.add.f32 [tilespmem:s22], [sflag:$0x3], $0x80, s26, s21, $0xb8;
	[tilespmem:$0x1C800] =	vst v63  }
0xa4: {  	_ =	swait.ge [sflag:s19], $0x4000  }
0xa5: {  	[sflag:s19] =	ssyncset.done $0x0  }
0xa6: {  	[sflag:s19] =	ssyncadd.s32 $0xFFFFC000  }
0xa7: {  	[tilespmem:s22], [sflag:$0x2] =	stream.indirect.gather [hbm4b:s4+s21], $0x80, s28, s21, $0xb8;
	[tilespmem:$0x1C800] =	vst v63  }
0xa8: {  	_ =	swait.ge [sflag:s23], $0x4000  }
0xa9: {  	[sflag:s23] =	ssyncset.done $0x0  }
0xaa: {  	[sflag:s23] =	ssyncadd.s32 $0xFFFFC000  }
0xab: {  	[spmem:s2] =	stream.indirect.scatter.add.f32 [tilespmem:s18], [sflag:$0x3], $0x80, s29, s21, $0xb8;
	[tilespmem:$0x1C800] =	vst v63  }
0xac: {  	_ =	swait.ge [sflag:s19], $0x4000  }
0xad: {  	[sflag:s19] =	ssyncset.done $0x0  }
0xae: {  	[sflag:s19] =	ssyncadd.s32 $0xFFFFC000  }
0xaf: {  	[tilespmem:s18], [sflag:$0x1] =	stream.indirect.gather [hbm4b:s4+s21], $0x80, s30, s21, $0xb8;
	[tilespmem:$0x1C800] =	vst v63  }
0xb0: {  	_ =	swait.ge [sflag:s25], $0x4000  }
0xb1: {  	[sflag:s25] =	ssyncset.done $0x0  }
0xb2: {  	[sflag:s25] =	ssyncadd.s32 $0xFFFFC000  }
0xb3: {  	[spmem:s2] =	stream.indirect.scatter.add.f32 [tilespmem:s22], [sflag:$0x3], $0x80, s31, s21, $0xb8;
	[tilespmem:$0x1C800] =	vst v63  }
0xb4: {  	_ =	swait.ge [sflag:s19], $0x4000  }
0xb5: {  	[sflag:s19] =	ssyncset.done $0x0  }
0xb6: {  	[sflag:s19] =	ssyncadd.s32 $0xFFFFC000  }
0xb7: {  	[tilespmem:s22], [sflag:$0x2] =	stream.indirect.gather [hbm4b:s4+s21], $0x80, s1, s21, $0xb8;
	[tilespmem:$0x1C800] =	vst v63  }
0xb8: {  	_ =	swait.ge [sflag:s23], $0x4000  }
0xb9: {  	[sflag:s23] =	ssyncset.done $0x0  }
0xba: {  	[sflag:s23] =	ssyncadd.s32 $0xFFFFC000  }
0xbb: {  	[spmem:s2] =	stream.indirect.scatter.add.f32 [tilespmem:s18], [sflag:$0x3], $0x80, s0, s21, $0xb8;
	[tilespmem:$0x1C800] =	vst v63  }
0xbc: {  	_ =	swait.ge [sflag:s19], $0x4000  }
0xbd: {  	[sflag:s19] =	ssyncset.done $0x0  }
0xbe: {  	[sflag:s19] =	ssyncadd.s32 $0xFFFFC000  }
0xbf: {  	[tilespmem:s18], [sflag:$0x1] =	stream.indirect.gather [hbm4b:s4+s21], $0x80, s10, s21, $0xb8;
	[tilespmem:$0x1C800] =	vst v63  }
0xc0: {  	_ =	swait.ge [sflag:s25], $0x4000  }
0xc1: {  	[sflag:s25] =	ssyncset.done $0x0  }
0xc2: {  	[sflag:s25] =	ssyncadd.s32 $0xFFFFC000  }
0xc3: {  	[spmem:s2] =	stream.indirect.scatter.add.f32 [tilespmem:s22], [sflag:$0x3], $0x80, s11, s21, $0xb8;
	[tilespmem:$0x1C800] =	vst v63  }
0xc4: {  	_ =	swait.ge [sflag:s19], $0x4000  }
0xc5: {  	[sflag:s19] =	ssyncset.done $0x0  }
0xc6: {  	[sflag:s19] =	ssyncadd.s32 $0xFFFFC000  }
0xc7: {  	[tilespmem:s22], [sflag:$0x2] =	stream.indirect.gather [hbm4b:s4+s21], $0x80, s12, s21, $0xb8;
	[tilespmem:$0x1C800] =	vst v63  }
0xc8: {  	_ =	swait.ge [sflag:s23], $0x4000  }
0xc9: {  	[sflag:s23] =	ssyncset.done $0x0  }
0xca: {  	[sflag:s23] =	ssyncadd.s32 $0xFFFFC000  }
0xcb: {  	[spmem:s2] =	stream.indirect.scatter.add.f32 [tilespmem:s18], [sflag:$0x3], $0x80, s13, s21, $0xb8;
	[tilespmem:$0x1C800] =	vst v63  }
0xcc: {  	_ =	swait.ge [sflag:s19], $0x4000  }
0xcd: {  	[sflag:s19] =	ssyncset.done $0x0  }
0xce: {  	[sflag:s19] =	ssyncadd.s32 $0xFFFFC000  }
0xcf: {  	_ =	swait.ge [sflag:s25], $0x4000  }
.Ltmp1:
0xd0: {  	[sflag:s25] =	ssyncset.done $0x0;
	(pc) =	sbr.rel @p0 .LBB2_4-.Ltmp1, $4  }
0xd1: {  	[sflag:s25] =	ssyncadd.s32 $0xFFFFC000  }
0xd2: {  	[spmem:s2] =	stream.indirect.scatter.add.f32 [tilespmem:s22], [sflag:$0x3], $0x80, s14, s21, $0xb8;
	[tilespmem:$0x1C800] =	vst v63  }
0xd3: {  	_ =	swait.ge [sflag:s19], $0x4000  }
0xd4: {  	s6 =	smov.u32 s7;
	[sflag:s19] =	ssyncset.done $0x0  }
0xd5: {  	s6 =	sadd.s32 s5, s17;
	[sflag:s19] =	ssyncadd.s32 $0xFFFFC000  }
0xd6: {  	[tilespmem:s3], [sflag:$0x3] =	stream.linear.gather [hbm4b:s6+s3], $0x400, $0x38;
	[tilespmem:$0x1C800] =	vst v63  }
0xd7: {  	_ =	swait.ge [sflag:s19], $0x400  }
0xd8: {  	[sflag:s19] =	ssyncset.done $0x0  }
0xd9: {  	s7 =	sadd.s32 s5, s16;
	[sflag:s19] =	ssyncadd.s32 $0xFFFFFC00  }
0xda: {  	[tilespmem:s20], [sflag:$0x3] =	stream.linear.gather [hbm4b:s7+s3], $0x400, $0x38;
	[tilespmem:$0x1C800] =	vst v63  }
0xdb: {  	_ =	swait.ge [sflag:s19], $0x400  }
0xdc: {  	[sflag:s19] =	ssyncset.done $0x0  }
0xdd: {  	[sflag:s19] =	ssyncadd.s32 $0xFFFFFC00  }
0xde: {  	[tilespmem:s18], [sflag:$0x1] =	stream.indirect.gather [hbm4b:s4+s21], $0x80, s3, s21, $0xb8;
	[tilespmem:$0x1C800] =	vst v63  }
0xdf: {  	_ = 	snop  }
0xe0: {  	[tilespmem:s22], [sflag:$0x2] =	stream.indirect.gather [hbm4b:s4+s21], $0x80, s21, s21, $0xb8;
	[tilespmem:$0x1C800] =	vst v63  }
0xe1: {  	_ =	swait.ge [sflag:s23], $0x4000  }
0xe2: {  	[sflag:s23] =	ssyncset.done $0x0  }
0xe3: {  	[sflag:s23] =	ssyncadd.s32 $0xFFFFC000  }
0xe4: {  	[spmem:s2] =	stream.indirect.scatter.add.f32 [tilespmem:s18], [sflag:$0x3], $0x80, s20, s21, $0xb8;
	[tilespmem:$0x1C800] =	vst v63  }
0xe5: {  	_ =	swait.ge [sflag:s19], $0x4000  }
0xe6: {  	[sflag:s19] =	ssyncset.done $0x0  }
0xe7: {  	[sflag:s19] =	ssyncadd.s32 $0xFFFFC000  }
0xe8: {  	[tilespmem:s18], [sflag:$0x1] =	stream.indirect.gather [hbm4b:s4+s21], $0x80, s24, s21, $0xb8;
	[tilespmem:$0x1C800] =	vst v63  }
0xe9: {  	_ =	swait.ge [sflag:s25], $0x4000  }
0xea: {  	[sflag:s25] =	ssyncset.done $0x0  }
0xeb: {  	[sflag:s25] =	ssyncadd.s32 $0xFFFFC000  }
0xec: {  	[spmem:s2] =	stream.indirect.scatter.add.f32 [tilespmem:s22], [sflag:$0x3], $0x80, s26, s21, $0xb8;
	[tilespmem:$0x1C800] =	vst v63  }
0xed: {  	_ =	swait.ge [sflag:s19], $0x4000  }
0xee: {  	[sflag:s19] =	ssyncset.done $0x0  }
0xef: {  	[sflag:s19] =	ssyncadd.s32 $0xFFFFC000  }
0xf0: {  	[tilespmem:s22], [sflag:$0x2] =	stream.indirect.gather [hbm4b:s4+s21], $0x80, s28, s21, $0xb8;
	[tilespmem:$0x1C800] =	vst v63  }
0xf1: {  	_ =	swait.ge [sflag:s23], $0x4000  }
0xf2: {  	[sflag:s23] =	ssyncset.done $0x0  }
0xf3: {  	[sflag:s23] =	ssyncadd.s32 $0xFFFFC000  }
0xf4: {  	[spmem:s2] =	stream.indirect.scatter.add.f32 [tilespmem:s18], [sflag:$0x3], $0x80, s29, s21, $0xb8;
	[tilespmem:$0x1C800] =	vst v63  }
0xf5: {  	_ =	swait.ge [sflag:s19], $0x4000  }
0xf6: {  	[sflag:s19] =	ssyncset.done $0x0  }
0xf7: {  	[sflag:s19] =	ssyncadd.s32 $0xFFFFC000  }
0xf8: {  	[tilespmem:s18], [sflag:$0x1] =	stream.indirect.gather [hbm4b:s4+s21], $0x80, s30, s21, $0xb8;
	[tilespmem:$0x1C800] =	vst v63  }
0xf9: {  	_ =	swait.ge [sflag:s25], $0x4000  }
0xfa: {  	[sflag:s25] =	ssyncset.done $0x0  }
0xfb: {  	[sflag:s25] =	ssyncadd.s32 $0xFFFFC000  }
0xfc: {  	[spmem:s2] =	stream.indirect.scatter.add.f32 [tilespmem:s22], [sflag:$0x3], $0x80, s31, s21, $0xb8;
	[tilespmem:$0x1C800] =	vst v63  }
0xfd: {  	_ =	swait.ge [sflag:s19], $0x4000  }
0xfe: {  	[sflag:s19] =	ssyncset.done $0x0  }
0xff: {  	[sflag:s19] =	ssyncadd.s32 $0xFFFFC000  }
0x100: {  	[tilespmem:s22], [sflag:$0x2] =	stream.indirect.gather [hbm4b:s4+s21], $0x80, s1, s21, $0xb8;
	[tilespmem:$0x1C800] =	vst v63  }
0x101: {  	_ =	swait.ge [sflag:s23], $0x4000  }
0x102: {  	[sflag:s23] =	ssyncset.done $0x0  }
0x103: {  	[sflag:s23] =	ssyncadd.s32 $0xFFFFC000  }
0x104: {  	[spmem:s2] =	stream.indirect.scatter.add.f32 [tilespmem:s18], [sflag:$0x3], $0x80, s0, s21, $0xb8;
	[tilespmem:$0x1C800] =	vst v63  }
0x105: {  	_ =	swait.ge [sflag:s19], $0x4000  }
0x106: {  	[sflag:s19] =	ssyncset.done $0x0  }
0x107: {  	[sflag:s19] =	ssyncadd.s32 $0xFFFFC000  }
0x108: {  	[tilespmem:s18], [sflag:$0x1] =	stream.indirect.gather [hbm4b:s4+s21], $0x80, s10, s21, $0xb8;
	[tilespmem:$0x1C800] =	vst v63  }
0x109: {  	_ =	swait.ge [sflag:s25], $0x4000  }
0x10a: {  	[sflag:s25] =	ssyncset.done $0x0  }
0x10b: {  	[sflag:s25] =	ssyncadd.s32 $0xFFFFC000  }
0x10c: {  	[spmem:s2] =	stream.indirect.scatter.add.f32 [tilespmem:s22], [sflag:$0x3], $0x80, s11, s21, $0xb8;
	[tilespmem:$0x1C800] =	vst v63  }
0x10d: {  	_ =	swait.ge [sflag:s19], $0x4000  }
0x10e: {  	[sflag:s19] =	ssyncset.done $0x0  }
0x10f: {  	[sflag:s19] =	ssyncadd.s32 $0xFFFFC000  }
0x110: {  	[tilespmem:s22], [sflag:$0x2] =	stream.indirect.gather [hbm4b:s4+s21], $0x80, s12, s21, $0xb8;
	[tilespmem:$0x1C800] =	vst v63  }
0x111: {  	_ =	swait.ge [sflag:s23], $0x4000  }
0x112: {  	[sflag:s23] =	ssyncset.done $0x0  }
0x113: {  	[sflag:s23] =	ssyncadd.s32 $0xFFFFC000  }
0x114: {  	[spmem:s2] =	stream.indirect.scatter.add.f32 [tilespmem:s18], [sflag:$0x3], $0x80, s13, s21, $0xb8;
	[tilespmem:$0x1C800] =	vst v63  }
0x115: {  	_ =	swait.ge [sflag:s19], $0x4000  }
0x116: {  	[sflag:s19] =	ssyncset.done $0x0  }
0x117: {  	[sflag:s19] =	ssyncadd.s32 $0xFFFFC000  }
0x118: {  	_ =	swait.ge [sflag:s25], $0x4000  }
0x119: {  	[sflag:s25] =	ssyncset.done $0x0  }
0x11a: {  	[sflag:s25] =	ssyncadd.s32 $0xFFFFC000  }
0x11b: {  	[spmem:s2] =	stream.indirect.scatter.add.f32 [tilespmem:s22], [sflag:$0x3], $0x80, s14, s21, $0xb8;
	[tilespmem:$0x1C800] =	vst v63  }
0x11c: {  	_ =	swait.ge [sflag:s19], $0x4000  }
0x11d: {  	[sflag:s19] =	ssyncset.done $0x0  }
0x11e: {  	[sflag:s19] =	ssyncadd.s32 $0xFFFFC000  }
0x11f: {  	s8 =	stileid.u32;
	[bflag:$0x0] =	sbarrier.arrive $0xFFFF  }
0x120: {  	s5 =	sshll.u32 s8, $0x6;
	s8 =	rddreg [dreg:$0x3]  }
0x121: {  	s5 =	sor.u32 $0x1C03, s5;
	s7 =	rddreg [dreg:$0x8];
	s9 =	sshrl.u32 s8, $0x3  }
0x122: {  	[hbm:s7], [sflag:s5] =	dma.local [spmem:s9], $0x800  }
0x123: {  	_ =	swait.ge [sflag:s19], $0x800  }
0x124: {  	[sflag:s19] =	ssyncset.done $0x0;
	s7 =	rddreg [dreg:$0x4]  }
0x125: {  	s9 =	rddreg [dreg:$0x9];
	[sflag:s19] =	ssyncadd.s32 $0xFFFFF800;
	s6 =	sshrl.u32 s7, $0x3  }
0x126: {  	[hbm:s9], [sflag:s5] =	dma.local [spmem:s6], $0x800  }
0x127: {  	_ =	swait.ge [sflag:s19], $0x800  }
0x128: {  	[sflag:s19] =	ssyncset.done $0x0;
	s7 =	rddreg [dreg:$0x5]  }
0x129: {  	s9 =	rddreg [dreg:$0xa];
	[sflag:s19] =	ssyncadd.s32 $0xFFFFF800;
	s6 =	sshrl.u32 s7, $0x3  }
0x12a: {  	[hbm:s9], [sflag:s5] =	dma.local [spmem:s6], $0x800  }
0x12b: {  	_ =	swait.ge [sflag:s19], $0x800  }
0x12c: {  	[sflag:s19] =	ssyncset.done $0x0;
	s7 =	rddreg [dreg:$0x6]  }
0x12d: {  	s9 =	rddreg [dreg:$0xb];
	[sflag:s19] =	ssyncadd.s32 $0xFFFFF800;
	s6 =	sshrl.u32 s7, $0x3  }
0x12e: {  	[hbm:s9], [sflag:s5] =	dma.local [spmem:s6], $0x800  }
0x12f: {  	_ =	swait.ge [sflag:s19], $0x800  }
0x130: {  	[sflag:s19] =	ssyncset.done $0x0;
	s9 =	rddreg [dreg:$0x7]  }
0x131: {  	s7 =	rddreg [dreg:$0xc];
	[sflag:s19] =	ssyncadd.s32 $0xFFFFF800;
	s6 =	sshrl.u32 s9, $0x3  }
0x132: {  	[hbm:s7], [sflag:s5] =	dma.local [spmem:s6], $0x800  }
0x133: {  	_ =	swait.ge [sflag:s19], $0x800  }
0x134: {  	s15 =	sadd.s32 $0x1, s15;
	s7 =	rddreg [dreg:$0xd]  }
0x135: {  	p0 =	sne.s32 s15, s7  }
.Ltmp2:
0x136: {  	_ = 	snop;
	(pc) =	sbr.rel @p0 .LBB2_1-.Ltmp2, $3  }
0x137: {  	_ =	sdelay $0x1  }
0x138: {  	[sflag:s19] =	ssyncset.done $0x0  }
0x139: {  	[sflag:s19] =	ssyncadd.s32 $0xFFFFF800  }
0x13a: {  	_ =	sfence.sel $0x180000  }
0x13b: {  	[bflag:$0x0] =	sbarrier.arrive $0xFFFF  }
0x13c: {  	_ =	strace $0x9000004D  }
0x13d: {  	s0 =	stileid.u32;
	[bflag:$0x2] =	sbarrier.arrive $0xFFFF  }
0x13e: {  	p0 =	sne.s32 s0, $0x0;
	s0 =	rddreg [dreg:$0x2]  }
0x13f: {  	s0 =	sadd.s32 @!p0 $0x100000, s0  }
0x140: {  	[sflag:s0] =	ssyncadd.tile.s32 @!p0 $0x1;
	_ =	shalt  }
.Lfunc_end2:
_tile_overlayer_lowered:
.L_overlay_start_2:
0x141: {  	(tag) =	ssettag $0x2  }
0x142: {  	s0 =	rddreg [dreg:$0x0];
	s2 =	stileid.u32  }
0x143: {  	s1 =	rddreg [dreg:$0x1];
	p0 =	sne.s32 s2, $0x0  }
0x144: {  	s3 =	rddreg [dreg:$0x2];
	[bflag:$0x3] =	sbarrier.arrive $0xFFFF;
	s2 =	simm.s32 @!p0 $0x1C03  }
0x145: {  	[timem:s3], [sflag:s2] =	dma.local @!p0 [hbm:s0], s1  }
0x146: {  	s0 =	simm.s32 @!p0 $0x3  }
0x147: {  	_ =	swait.ge @!p0 [sflag:s0], s1  }
0x148: {  	s1 =	ssub.s32 @!p0 $0x0, s1;
	[sflag:s0] =	ssyncset.done @!p0 $0x0  }
0x149: {  	[sflag:s0] =	ssyncadd.s32 @!p0 s1  }
0x14a: {  	[bflag:$0x3] =	sbarrier.arrive $0xFFFF  }
0x14b: {  	_ =	shalt  }

// kernel: kernel.21.cloned.1.call-start
scs
__scs_entry_jumppad:
0x0: {  	(pc) =	sbr.rel $0x88, $3  }
0x1: {  	(tag) =	ssettag $0x0;
	lr =	simm.s32 $0x1  }
0x2: {  	[smem:$0x3F93] =	sst lr;
	_ =	strace $0xD0000000  }
0x3: {  	_ = 	snop  }
0x4: {  	_ = 	snop  }
0x5: {  	_ = 	snop  }
0x6: {  	_ = 	snop  }
0x7: {  	_ = 	snop  }
__scs_overlays_trampoline_lowered:
0x8: {  	[smem:$0x3FA2] =	sst s0  }
0x9: {  	[smem:$0x3FA3] =	sst s1  }
0xa: {  	[smem:$0x3FA4] =	sst s2  }
0xb: {  	[smem:$0x3FA5] =	sst s3  }
0xc: {  	[smem:$0x3FA6] =	sst s4  }
0xd: {  	[smem:$0x3FA7] =	sst s5  }
0xe: {  	[smem:$0x3FA8] =	sst s6  }
0xf: {  	[smem:$0x3FA9] =	sst s7  }
0x10: {  	[smem:$0x3FAA] =	sst s8  }
0x11: {  	[smem:$0x3FAB] =	sst s9;
	s0 =	simm.s32 @!p0 $0x0  }
0x12: {  	s1 =	sld [smem:$0x3F91];
	s0 =	simm.s32 @p0 $0x1  }
0x13: {  	[smem:$0x3FAC] =	sst s0;
	s0 =	simm.s32 @!p1 $0x0  }
0x14: {  	s2 =	sld [smem:$0x3F90];
	s0 =	simm.s32 @p1 $0x1  }
0x15: {  	[smem:$0x3FAD] =	sst s0;
	s0 =	simm.s32 @!p2 $0x0  }
0x16: {  	s3 =	sld [smem:$0x3FDB];
	s0 =	simm.s32 @p2 $0x1  }
0x17: {  	s4 =	simm.s32 $0x1BF5;
	[smem:$0x3FAF] =	sst s0  }
0x18: {  	s0 =	sld [smem:$0x3F92];
	_ =	swait.ge [sflag:s4], $0x0  }
0x19: {  	s7 =	sld [smem:$0x3F93]  }
0x1a: {  	s8 =	sadd.s32 $0xFFFFE003, lr  }
0x1b: {  	s9 =	sadd.s32 $0xFFFFFEF7, lr;
	s5 =	simm.s32 $0xFFFFFFFF;
	p2 =	slt.u32 s8, $0xFFFFF086  }
0x1c: {  	p1 =	slt.u32 s9, $0xF7A;
	s5 =	simm.s32 @!p2 $0x0  }
0x1d: {  	s5 =	simm.s32 @p1 $0x1;
	p0 =	seq.s32 s7, s2  }
0x1e: {  	s7 =	smul.u32 @!p0 $0xF7A, s2;
	p2 =	seq.s32 @!p0 s5, $0x0  }
0x1f: {  	s9 =	smul.u32 $0xF7A, s1;
	s8 =	simm.s32 @!p0 $0x1BF5;
	p2 =	por !p2, p0  }
0x20: {  	[sflag:s8] =	ssyncset.s32 @!p0 $0xFFFFF086;
	s6 =	sadd.s32 @!p0 s3, s7;
	s7 =	simm.s32 @!p0 $0x108  }
0x21: {  	s3 =	sadd.s32 s3, s9;
	s6 =	sadd.s32 @!p0 $0x88, s6;
	s7 =	simm.s32 @p2 $0x1082  }
0x22: {  	[simem:s7], [sflag:s8] =	dma.local @!p0 [hbm:s6], $0xF7A  }
0x23: {  	s9 =	sor.u32 $0xD0000000, s2;
	s6 =	simm.s32 $0x108;
	_ =	swait.ge @!p0 [sflag:s8], $0x0  }
0x24: {  	s3 =	sadd.s32 $0x88, s3;
	s6 =	simm.s32 @!p1 $0x1082;
	[sflag:s4] =	ssyncset.s32 $0xFFFFF086  }
0x25: {  	[simem:s6], [sflag:s4] =	dma.local [hbm:s3], $0xF7A  }
0x26: {  	[smem:$0x3F93] =	sst s1;
	(tag) =	ssettag s2;
	_ =	strace s9  }
0x27: {  	s1 =	sld [smem:$0x3FA3]  }
0x28: {  	s2 =	sld [smem:$0x3FA4]  }
0x29: {  	s4 =	sld [smem:$0x3FA6]  }
0x2a: {  	p0 =	seq.s32 s5, $0x0;
	s5 =	sld [smem:$0x3FA7]  }
0x2b: {  	s6 =	sld [smem:$0x3FA8]  }
0x2c: {  	s7 =	sld [smem:$0x3FA9]  }
0x2d: {  	s3 =	simm.s32 $0x108;
	s8 =	sld [smem:$0x3FAA]  }
0x2e: {  	s3 =	simm.s32 @!p0 $0x1082;
	s9 =	sld [smem:$0x3FAB]  }
0x2f: {  	lr =	sadd.s32 s0, s3;
	s0 =	sld [smem:$0x3FA2]  }
0x30: {  	s3 =	sld [smem:$0x3FA5]  }
0x31: {  	[smem:$0x3FAE] =	sst s10  }
0x32: {  	s10 =	sld [smem:$0x3FAC];
	_ =	sdelay $0x3  }
0x33: {  	p0 =	seq.s32 s10, $0x1;
	s10 =	sld [smem:$0x3FAE];
	_ =	sdelay $0x3  }
0x34: {  	[smem:$0x3FAE] =	sst s10  }
0x35: {  	s10 =	sld [smem:$0x3FAD];
	_ =	sdelay $0x3  }
0x36: {  	p1 =	seq.s32 s10, $0x1;
	s10 =	sld [smem:$0x3FAE];
	_ =	sdelay $0x3  }
0x37: {  	[smem:$0x3FAE] =	sst s10  }
0x38: {  	s10 =	sld [smem:$0x3FAF]  }
0x39: {  	_ = 	snop;
	(pc) =	sbr.ind lr, $3  }
0x3a: {  	_ = 	snop  }
0x3b: {  	_ = 	snop  }
0x3c: {  	p2 =	seq.s32 s10, $0x1;
	s10 =	sld [smem:$0x3FAE]  }
0x3d: {  	_ =	shalt  }
0x3e: {  	_ =	shalt  }
0x3f: {  	_ =	shalt  }
0x40: {  	_ =	shalt  }
0x41: {  	_ =	shalt  }
0x42: {  	_ =	shalt  }
0x43: {  	_ =	shalt  }
0x44: {  	_ =	shalt  }
0x45: {  	_ =	shalt  }
0x46: {  	_ =	shalt  }
0x47: {  	_ =	shalt  }
0x48: {  	_ =	shalt  }
0x49: {  	_ =	shalt  }
0x4a: {  	_ =	shalt  }
0x4b: {  	_ =	shalt  }
0x4c: {  	_ =	shalt  }
0x4d: {  	_ =	shalt  }
0x4e: {  	_ =	shalt  }
0x4f: {  	_ =	shalt  }
0x50: {  	_ =	shalt  }
0x51: {  	_ =	shalt  }
0x52: {  	_ =	shalt  }
0x53: {  	_ =	shalt  }
0x54: {  	_ =	shalt  }
0x55: {  	_ =	shalt  }
0x56: {  	_ =	shalt  }
0x57: {  	_ =	shalt  }
0x58: {  	_ =	shalt  }
0x59: {  	_ =	shalt  }
0x5a: {  	_ =	shalt  }
0x5b: {  	_ =	shalt  }
0x5c: {  	_ =	shalt  }
0x5d: {  	_ =	shalt  }
0x5e: {  	_ =	shalt  }
0x5f: {  	_ =	shalt  }
0x60: {  	_ =	shalt  }
0x61: {  	_ =	shalt  }
0x62: {  	_ =	shalt  }
0x63: {  	_ =	shalt  }
0x64: {  	_ =	shalt  }
0x65: {  	_ =	shalt  }
0x66: {  	_ =	shalt  }
0x67: {  	_ =	shalt  }
0x68: {  	_ =	shalt  }
0x69: {  	_ =	shalt  }
0x6a: {  	_ =	shalt  }
0x6b: {  	_ =	shalt  }
0x6c: {  	_ =	shalt  }
0x6d: {  	_ =	shalt  }
0x6e: {  	_ =	shalt  }
0x6f: {  	_ =	shalt  }
0x70: {  	_ =	shalt  }
0x71: {  	_ =	shalt  }
0x72: {  	_ =	shalt  }
0x73: {  	_ =	shalt  }
0x74: {  	_ =	shalt  }
0x75: {  	_ =	shalt  }
0x76: {  	_ =	shalt  }
0x77: {  	_ =	shalt  }
0x78: {  	_ =	shalt  }
0x79: {  	_ =	shalt  }
0x7a: {  	_ =	shalt  }
0x7b: {  	_ =	shalt  }
0x7c: {  	_ =	shalt  }
0x7d: {  	_ =	shalt  }
0x7e: {  	_ =	shalt  }
0x7f: {  	_ =	shalt  }
0x80: {  	_ =	shalt  }
0x81: {  	_ =	shalt  }
0x82: {  	_ =	shalt  }
0x83: {  	_ =	shalt  }
0x84: {  	_ =	shalt  }
0x85: {  	_ =	shalt  }
0x86: {  	_ =	shalt  }
0x87: {  	_ =	shalt  }
.Lfunc_end0:
.L_simem_size_0:
called_computation.3_lowered:
.L_overlay_start_0:
0x88: {  	s2 =	sld [smem:$0x3FD9]  }
0x89: {  	s3 =	sld [smem:$0x3FFE];
	_ =	sdelay $0x1  }
0x8a: {  	s1 =	srdreg.scid  }
0x8b: {  	s0 =	sand.u32 $0x1, s1  }
0x8c: {  	s16 =	sshll.u32 s0, $0xA;
	s2 =	sadd.s32 s3, s2  }
0x8d: {  	s2 =	sadd.s32 s2, s16  }
0x8e: {  	[smem:$0x3FBA] =	sst s2  }
0x8f: {  	_ = 	snop  }
0x90: {  	(tm) =	ssettm $0x1  }
0x91: {  	s17 =	sld [smem:$0x3FFB];
	_ =	sdelay $0x3  }
0x92: {  	_ =	strace s17  }
0x93: {  	s2 =	sld [smem:$0x3FFC];
	_ =	sdelay $0x3  }
0x94: {  	_ =	strace s2  }
0x95: {  	s2 =	sld [smem:$0x3FFD];
	_ =	sdelay $0x3  }
0x96: {  	_ =	strace s2  }
0x97: {  	_ =	strace $0x8FFFFFFF  }
0x98: {  	s18 =	sld [smem:$0x3FDB];
	_ =	sdelay $0x1  }
0x99: {  	s19 =	simm.s32 $_scs_section_size  }
0x9a: {  	s4 =	simm.s32 $_size__tile_overlayer_lowered;
	s5 =	simm.s32 $_tile_overlayer_lowered  }
0x9b: {  	s22 =	simm.s32 $0x1BFF;
	s21 =	sshll.u32 s5, $0x1;
	s2 =	sadd.s32 s19, s18  }
0x9c: {  	s6 =	simm.s32 $0x0;
	s20 =	sshll.u32 s4, $0x1;
	s4 =	sadd.s32 s21, s2  }
0x9d: {  	[timem:s6], [sflag:s22] =	dma.local [hbm:s4], s20  }
0x9e: {  	_ =	swait.ge [sflag:s22], s20  }
0x9f: {  	s3 =	ssub.s32 $0x0, s20;
	[sflag:s22] =	ssyncset.done $0x0  }
0xa0: {  	[sflag:s22] =	ssyncadd.s32 s3;
	_ =	sdelay $0x1  }
0xa1: {  	s23 =	simm.s32 $0x1B8B  }
0xa2: {  	_ =	swait.ge [sflag:s23], $0x1  }
0xa3: {  	[sflag:s23] =	ssyncset.done $0x0  }
0xa4: {  	s25 =	simm.s32 $0x1B8E;
	s24 =	sld [smem:$0x3FFE];
	[sflag:s23] =	ssyncadd.s32 $0xFFFFFFFF  }
0xa5: {  	s26 =	simm.s32 $execute0_lowered;
	[smem:$0x3FD2] =	sst s25  }
0xa6: {  	s4 =	sshll.u32 s26, $0x1;
	_ =	strace $0x8000004F;
	[dreg:$0x1] =	wrdreg $0xFFFFFFFF  }
0xa7: {  	s28 =	simm.s32 $_size_execute0_lowered;
	s2 =	sadd.s32 s2, s4;
	[dreg:$0x0] =	wrdreg $0x0  }
0xa8: {  	s4 =	sshll.u32 s28, $0x1;
	[dreg:$0x2] =	wrdreg s2  }
0xa9: {  	[dreg:$0x3] =	wrdreg s4  }
0xaa: {  	[dreg:$0x4] =	wrdreg $0xC0  }
0xab: {  	_ =	task [dreg:s6], $0x5FFFF  }
0xac: {  	[dreg:$0x1] =	wrdreg $0xFFFFFFFF  }
0xad: {  	[dreg:$0x0] =	wrdreg $0x60  }
0xae: {  	[dreg:$0x2] =	wrdreg s24  }
0xaf: {  	[dreg:$0x3] =	wrdreg $0x88000  }
0xb0: {  	[dreg:$0x4] =	wrdreg $0x9  }
0xb1: {  	_ =	task.clear_ibuf [dreg:s6], $0x5FFFF;
	_ =	strace $0x9000004F  }
0xb2: {  	s29 =	simm.s32 $0x9;
	_ =	strace $0x80000051  }
0xb3: {  	_ =	swait.ge [sflag:s29], $0x1  }
0xb4: {  	[sflag:s29] =	ssyncadd.s32 $0xFFFFFFFF  }
0xb5: {  	_ =	strace $0x90000051  }
0xb6: {  	_ =	sfence  }
0xb7: {  	s30 =	sld [smem:$0x0];
	_ =	sdelay $0x2  }
0xb8: {  	s31 =	sshll.u32 s1, $0xD;
	s1 =	sshrl.u32 s1, $0x2  }
0xb9: {  	s3 =	sand.u32 $0x4000, s31;
	s1 =	sadd.s32 s1, s30  }
0xba: {  	s0 =	sor.u32 s3, s0;
	s1 =	sshll.u32 s1, $0x11  }
0xbb: {  	s0 =	sor.u32 s1, s0  }
0xbc: {  	s0 =	sadd.s32 $0x8F2B, s0  }
0xbd: {  	[sflag:s0] =	ssyncadd.remote.s32 $0x1  }
0xbe: {  	_ =	sfence.sel $0xFFFF  }
0xbf: {  	[dreg:$0x0] =	wrdreg $0xFFFFFFFF;
	(pc) =	sbr.abs _section_cstart, $3  }
0xc0: {  	[dreg:$0x1] =	wrdreg $0xFFFFFFFF  }
0xc1: {  	_ =	task.clear_ibuf [dreg:s6], $0x2FFFF;
	_ =	strace $0x9FFFFFFF  }
0xc2: {  	(tm) =	ssettm $0x7FFFFFFF  }
0xc3: {  	_ =	shalt  }
tec
execute0_lowered:
.L_overlay_start_1:
0x0: {  	(tag) =	ssettag $0x1  }
0x1: {  	s0 =	srdreg.scid  }
0x2: {  	s9 =	stileid.u32;
	s1 =	rddreg [dreg:$0x0]  }
0x3: {  	s2 =	rddreg [dreg:$0x1];
	s3 =	simm.s32 $0x0;
	s18 =	simm.s32 $0x800  }
0x4: {  	s28 =	simm.s32 $0x180;
	s29 =	simm.s32 $0x500;
	s4 =	smul.u32 $0x5000, s9  }
0x5: {  	s30 =	simm.s32 $0x200;
	s31 =	simm.s32 $0x580;
	s6 =	smul.u32 $0x50000, s9  }
0x6: {  	s14 =	simm.s32 $0x780;
	s0 =	sand.u32 $0x1, s0;
	s9 =	smul.u32 $0x14000, s9  }
0x7: {  	s15 =	simm.s32 $0x0;
	[smem:$0x7FF] =	sst s3;
	s5 =	smul.u32 $0x2800, s0  }
0x8: {  	_ =	strace $0x80000050;
	s7 =	ssub.s32 $0x2, s0;
	s0 =	smul.u32 $0x140000, s0  }
0x9: {  	s8 =	sshrl.u32 s7, $0x1;
	s6 =	sshrl.u32 s6, $0x2;
	s19 =	sadd.s32 $0x4000, s9  }
0xa: {  	s10 =	sadd.s32 $0x8000, s9;
	s21 =	sadd.s32 $0xC000, s9;
	s13 =	sadd.s32 $0x10000, s9  }
0xb: {  	s4 =	sadd.s32 s5, s4;
	s7 =	ssub.s32 s7, s8;
	s8 =	sadd.s32 s6, s2  }
0xc: {  	s11 =	sadd.s32 s19, s2;
	s20 =	sadd.s32 s10, s2;
	s12 =	sadd.s32 s21, s2  }
0xd: {  	s22 =	sadd.s32 s9, s0;
	s6 =	sadd.s32 s0, s19;
	s9 =	sadd.s32 s13, s2  }
0xe: {  	s23 =	sadd.s32 s0, s10;
	s24 =	sadd.s32 s0, s21;
	s0 =	sadd.s32 s0, s13  }
0xf: {  	s19 =	simm.s32 $0x3;
	s21 =	simm.s32 $0x80;
	[dreg:$0x4] =	wrdreg s11  }
0x10: {  	s13 =	simm.s32 $0x700;
	s5 =	sshrl.u32 s4, $0x3;
	[dreg:$0x5] =	wrdreg s20  }
0x11: {  	s4 =	sadd.s32 $0x18800, s1;
	[dreg:$0x6] =	wrdreg s12;
	s12 =	sshrl.u32 s22, $0x3  }
0x12: {  	s6 =	sshrl.u32 s6, $0x3;
	s10 =	sshrl.u32 s24, $0x3;
	s0 =	sshrl.u32 s0, $0x3  }
0x13: {  	s26 =	smax.u32 s7, $0x1;
	s20 =	simm.s32 $0x400;
	s22 =	simm.s32 $0x4800  }
0x14: {  	s24 =	simm.s32 $0x100;
	s11 =	simm.s32 $0x680;
	[dreg:$0x3] =	wrdreg s8  }
0x15: {  	[dreg:$0x7] =	wrdreg s9;
	s5 =	sadd.s32 s5, s1;
	s1 =	sadd.s32 $0x8DE00, s1  }
0x16: {  	[dreg:$0xd] =	wrdreg s26;
	s26 =	simm.s32 $0x480;
	s12 =	sadd.s32 s1, s12  }
0x17: {  	s6 =	sadd.s32 s1, s6;
	s25 =	sadd.s32 s1, s10;
	[dreg:$0x8] =	wrdreg s12  }
0x18: {  	s0 =	sadd.s32 s1, s0;
	s16 =	sadd.s32 $0x4800, s5;
	[dreg:$0x9] =	wrdreg s6  }
0x19: {  	s17 =	sadd.s32 $0xE800, s5;
	s10 =	simm.s32 $0x300;
	[dreg:$0xb] =	wrdreg s25  }
0x1a: {  	s6 =	sshrl.u32 s23, $0x3;
	[dreg:$0xc] =	wrdreg s0;
	s23 =	simm.s32 $0x1  }
0x1b: {  	s25 =	simm.s32 $0x2;
	s0 =	simm.s32 $0x600;
	s6 =	sadd.s32 s1, s6  }
0x1c: {  	v0 =	vimm.f32 $0.0e+00;
	s12 =	simm.s32 $0x380;
	s1 =	simm.s32 $0x280;
	[dreg:$0xa] =	wrdreg s6  }
.LBB2_1:
0x1d: {  	s5 =	simm.s32 $0x0;
	s6 =	simm.s32 $0x200  }
.LBB2_2:
0x1e: {  	p0 =	sne.s32 s6, $0xFE00;
	[tilespmem:s5+$0x870] =	vst v0  }
0x1f: {  	[tilespmem:s5+$0x800] =	vst v0  }
0x20: {  	[tilespmem:s5+$0x810] =	vst v0  }
.Ltmp0:
0x21: {  	[tilespmem:s5+$0x820] =	vst v0;
	(pc) =	sbr.rel @p0 .LBB2_2-.Ltmp0, $4  }
0x22: {  	[tilespmem:s5+$0x830] =	vst v0  }
0x23: {  	[tilespmem:s5+$0x840] =	vst v0  }
0x24: {  	[tilespmem:s5+$0x850] =	vst v0  }
0x25: {  	[tilespmem:s5+$0x860] =	vst v0;
	s5 =	sshra.s32 s6, $0x2;
	s6 =	sadd.s32 $0x200, s6  }
0x26: {  	[tilespmem:s5+$0x870] =	vst v0  }
0x27: {  	[tilespmem:s5+$0x800] =	vst v0  }
0x28: {  	[tilespmem:s5+$0x810] =	vst v0  }
0x29: {  	[tilespmem:s5+$0x820] =	vst v0  }
0x2a: {  	[tilespmem:s5+$0x830] =	vst v0  }
0x2b: {  	[tilespmem:s5+$0x840] =	vst v0  }
0x2c: {  	[tilespmem:s5+$0x850] =	vst v0  }
0x2d: {  	[tilespmem:s5+$0x860] =	vst v0  }
0x2e: {  	[spmem:s8] =	stream.linear.scatter [tilespmem:s18], [sflag:$0x3], $0x4000, $0x38;
	[tilespmem:$0x1C800] =	vst v63  }
0x2f: {  	_ =	swait.ge [sflag:s19], $0x4000  }
0x30: {  	[sflag:s19] =	ssyncset.done $0x0  }
0x31: {  	s8 =	rddreg [dreg:$0x4];
	[sflag:s19] =	ssyncadd.s32 $0xFFFFC000  }
0x32: {  	[spmem:s8] =	stream.linear.scatter [tilespmem:s18], [sflag:$0x3], $0x4000, $0x38;
	[tilespmem:$0x1C800] =	vst v63  }
0x33: {  	_ =	swait.ge [sflag:s19], $0x4000  }
0x34: {  	[sflag:s19] =	ssyncset.done $0x0  }
0x35: {  	s6 =	rddreg [dreg:$0x5];
	[sflag:s19] =	ssyncadd.s32 $0xFFFFC000  }
0x36: {  	[spmem:s6] =	stream.linear.scatter [tilespmem:s18], [sflag:$0x3], $0x4000, $0x38;
	[tilespmem:$0x1C800] =	vst v63  }
0x37: {  	_ =	swait.ge [sflag:s19], $0x4000  }
0x38: {  	[sflag:s19] =	ssyncset.done $0x0  }
0x39: {  	s7 =	rddreg [dreg:$0x6];
	[sflag:s19] =	ssyncadd.s32 $0xFFFFC000  }
0x3a: {  	[spmem:s7] =	stream.linear.scatter [tilespmem:s18], [sflag:$0x3], $0x4000, $0x38;
	[tilespmem:$0x1C800] =	vst v63  }
0x3b: {  	_ =	swait.ge [sflag:s19], $0x4000  }
0x3c: {  	[sflag:s19] =	ssyncset.done $0x0  }
0x3d: {  	[sflag:s19] =	ssyncadd.s32 $0xFFFFC000  }
0x3e: {  	[spmem:s9] =	stream.linear.scatter [tilespmem:s18], [sflag:$0x3], $0x4000, $0x38;
	[tilespmem:$0x1C800] =	vst v63  }
0x3f: {  	_ =	swait.ge [sflag:s19], $0x4000  }
0x40: {  	[sflag:s19] =	ssyncset.done $0x0  }
0x41: {  	[sflag:s19] =	ssyncadd.s32 $0xFFFFC000  }
0x42: {  	s8 =	sadd.s32 $0x0, s17;
	[bflag:$0x0] =	sbarrier.arrive $0xFFFF  }
0x43: {  	[tilespmem:s3], [sflag:$0x3] =	stream.linear.gather [hbm4b:s8+s3], $0x400, $0x38;
	[tilespmem:$0x1C800] =	vst v63  }
0x44: {  	_ =	swait.ge [sflag:s19], $0x400  }
0x45: {  	[sflag:s19] =	ssyncset.done $0x0  }
0x46: {  	s9 =	sadd.s32 $0x0, s16;
	[sflag:s19] =	ssyncadd.s32 $0xFFFFFC00  }
0x47: {  	[tilespmem:s20], [sflag:$0x3] =	stream.linear.gather [hbm4b:s9+s3], $0x400, $0x38;
	[tilespmem:$0x1C800] =	vst v63  }
0x48: {  	_ =	swait.ge [sflag:s19], $0x400  }
0x49: {  	[sflag:s19] =	ssyncset.done $0x0  }
0x4a: {  	[sflag:s19] =	ssyncadd.s32 $0xFFFFFC00  }
0x4b: {  	[tilespmem:s18], [sflag:$0x1] =	stream.indirect.gather [hbm4b:s4+s21], $0x80, s3, s21, $0xb8;
	[tilespmem:$0x1C800] =	vst v63  }
0x4c: {  	_ = 	snop  }
0x4d: {  	[tilespmem:s22], [sflag:$0x2] =	stream.indirect.gather [hbm4b:s4+s21], $0x80, s21, s21, $0xb8;
	[tilespmem:$0x1C800] =	vst v63  }
0x4e: {  	_ =	swait.ge [sflag:s23], $0x4000  }
0x4f: {  	[sflag:s23] =	ssyncset.done $0x0  }
0x50: {  	[sflag:s23] =	ssyncadd.s32 $0xFFFFC000  }
0x51: {  	[spmem:s2] =	stream.indirect.scatter.add.f32 [tilespmem:s18], [sflag:$0x3], $0x80, s20, s21, $0xb8;
	[tilespmem:$0x1C800] =	vst v63  }
0x52: {  	_ =	swait.ge [sflag:s19], $0x4000  }
0x53: {  	[sflag:s19] =	ssyncset.done $0x0  }
0x54: {  	[sflag:s19] =	ssyncadd.s32 $0xFFFFC000  }
0x55: {  	[tilespmem:s18], [sflag:$0x1] =	stream.indirect.gather [hbm4b:s4+s21], $0x80, s24, s21, $0xb8;
	[tilespmem:$0x1C800] =	vst v63  }
0x56: {  	_ =	swait.ge [sflag:s25], $0x4000  }
0x57: {  	[sflag:s25] =	ssyncset.done $0x0  }
0x58: {  	[sflag:s25] =	ssyncadd.s32 $0xFFFFC000  }
0x59: {  	[spmem:s2] =	stream.indirect.scatter.add.f32 [tilespmem:s22], [sflag:$0x3], $0x80, s26, s21, $0xb8;
	[tilespmem:$0x1C800] =	vst v63  }
0x5a: {  	_ =	swait.ge [sflag:s19], $0x4000  }
0x5b: {  	[sflag:s19] =	ssyncset.done $0x0  }
0x5c: {  	[sflag:s19] =	ssyncadd.s32 $0xFFFFC000  }
0x5d: {  	[tilespmem:s22], [sflag:$0x2] =	stream.indirect.gather [hbm4b:s4+s21], $0x80, s28, s21, $0xb8;
	[tilespmem:$0x1C800] =	vst v63  }
0x5e: {  	_ =	swait.ge [sflag:s23], $0x4000  }
0x5f: {  	[sflag:s23] =	ssyncset.done $0x0  }
0x60: {  	[sflag:s23] =	ssyncadd.s32 $0xFFFFC000  }
0x61: {  	[spmem:s2] =	stream.indirect.scatter.add.f32 [tilespmem:s18], [sflag:$0x3], $0x80, s29, s21, $0xb8;
	[tilespmem:$0x1C800] =	vst v63  }
0x62: {  	_ =	swait.ge [sflag:s19], $0x4000  }
0x63: {  	[sflag:s19] =	ssyncset.done $0x0  }
0x64: {  	[sflag:s19] =	ssyncadd.s32 $0xFFFFC000  }
0x65: {  	[tilespmem:s18], [sflag:$0x1] =	stream.indirect.gather [hbm4b:s4+s21], $0x80, s30, s21, $0xb8;
	[tilespmem:$0x1C800] =	vst v63  }
0x66: {  	_ =	swait.ge [sflag:s25], $0x4000  }
0x67: {  	[sflag:s25] =	ssyncset.done $0x0  }
0x68: {  	[sflag:s25] =	ssyncadd.s32 $0xFFFFC000  }
0x69: {  	[spmem:s2] =	stream.indirect.scatter.add.f32 [tilespmem:s22], [sflag:$0x3], $0x80, s31, s21, $0xb8;
	[tilespmem:$0x1C800] =	vst v63  }
0x6a: {  	_ =	swait.ge [sflag:s19], $0x4000  }
0x6b: {  	[sflag:s19] =	ssyncset.done $0x0  }
0x6c: {  	[sflag:s19] =	ssyncadd.s32 $0xFFFFC000  }
0x6d: {  	[tilespmem:s22], [sflag:$0x2] =	stream.indirect.gather [hbm4b:s4+s21], $0x80, s1, s21, $0xb8;
	[tilespmem:$0x1C800] =	vst v63  }
0x6e: {  	_ =	swait.ge [sflag:s23], $0x4000  }
0x6f: {  	[sflag:s23] =	ssyncset.done $0x0  }
0x70: {  	[sflag:s23] =	ssyncadd.s32 $0xFFFFC000  }
0x71: {  	[spmem:s2] =	stream.indirect.scatter.add.f32 [tilespmem:s18], [sflag:$0x3], $0x80, s0, s21, $0xb8;
	[tilespmem:$0x1C800] =	vst v63  }
0x72: {  	_ =	swait.ge [sflag:s19], $0x4000  }
0x73: {  	[sflag:s19] =	ssyncset.done $0x0  }
0x74: {  	[sflag:s19] =	ssyncadd.s32 $0xFFFFC000  }
0x75: {  	[tilespmem:s18], [sflag:$0x1] =	stream.indirect.gather [hbm4b:s4+s21], $0x80, s10, s21, $0xb8;
	[tilespmem:$0x1C800] =	vst v63  }
0x76: {  	_ =	swait.ge [sflag:s25], $0x4000  }
0x77: {  	[sflag:s25] =	ssyncset.done $0x0  }
0x78: {  	[sflag:s25] =	ssyncadd.s32 $0xFFFFC000  }
0x79: {  	[spmem:s2] =	stream.indirect.scatter.add.f32 [tilespmem:s22], [sflag:$0x3], $0x80, s11, s21, $0xb8;
	[tilespmem:$0x1C800] =	vst v63  }
0x7a: {  	_ =	swait.ge [sflag:s19], $0x4000  }
0x7b: {  	[sflag:s19] =	ssyncset.done $0x0  }
0x7c: {  	[sflag:s19] =	ssyncadd.s32 $0xFFFFC000  }
0x7d: {  	[tilespmem:s22], [sflag:$0x2] =	stream.indirect.gather [hbm4b:s4+s21], $0x80, s12, s21, $0xb8;
	[tilespmem:$0x1C800] =	vst v63  }
0x7e: {  	_ =	swait.ge [sflag:s23], $0x4000  }
0x7f: {  	[sflag:s23] =	ssyncset.done $0x0  }
0x80: {  	[sflag:s23] =	ssyncadd.s32 $0xFFFFC000  }
0x81: {  	[spmem:s2] =	stream.indirect.scatter.add.f32 [tilespmem:s18], [sflag:$0x3], $0x80, s13, s21, $0xb8;
	[tilespmem:$0x1C800] =	vst v63  }
0x82: {  	_ =	swait.ge [sflag:s19], $0x4000  }
0x83: {  	[sflag:s19] =	ssyncset.done $0x0  }
0x84: {  	[sflag:s19] =	ssyncadd.s32 $0xFFFFC000  }
0x85: {  	_ =	swait.ge [sflag:s25], $0x4000  }
0x86: {  	[sflag:s25] =	ssyncset.done $0x0  }
0x87: {  	[sflag:s25] =	ssyncadd.s32 $0xFFFFC000  }
0x88: {  	[spmem:s2] =	stream.indirect.scatter.add.f32 [tilespmem:s22], [sflag:$0x3], $0x80, s14, s21, $0xb8;
	[tilespmem:$0x1C800] =	vst v63  }
0x89: {  	_ =	swait.ge [sflag:s19], $0x4000  }
0x8a: {  	s5 =	simm.s32 $0x80;
	s6 =	simm.s32 $0x100;
	[sflag:s19] =	ssyncset.done $0x0  }
.LBB2_4:
0x8b: {  	s8 =	sadd.s32 s5, s17  }
0x8c: {  	[sflag:s19] =	ssyncadd.s32 $0xFFFFC000;
	s9 =	smov.u32 s6;
	s7 =	sadd.s32 $0x80, s6  }
0x8d: {  	[tilespmem:s3], [sflag:$0x3] =	stream.linear.gather [hbm4b:s8+s3], $0x400, $0x38;
	[tilespmem:$0x1C800] =	vst v63  }
0x8e: {  	p0 =	sne.s32 s6, $0x480;
	_ =	swait.ge [sflag:s19], $0x400  }
0x8f: {  	[sflag:s19] =	ssyncset.done $0x0  }
0x90: {  	s6 =	sadd.s32 s5, s16;
	s5 =	smov.u32 s9;
	[sflag:s19] =	ssyncadd.s32 $0xFFFFFC00  }
0x91: {  	[tilespmem:s20], [sflag:$0x3] =	stream.linear.gather [hbm4b:s6+s3], $0x400, $0x38;
	[tilespmem:$0x1C800] =	vst v63  }
0x92: {  	_ =	swait.ge [sflag:s19], $0x400  }
0x93: {  	[sflag:s19] =	ssyncset.done $0x0  }
0x94: {  	[sflag:s19] =	ssyncadd.s32 $0xFFFFFC00  }
0x95: {  	[tilespmem:s18], [sflag:$0x1] =	stream.indirect.gather [hbm4b:s4+s21], $0x80, s3, s21, $0xb8;
	[tilespmem:$0x1C800] =	vst v63  }
0x96: {  	_ = 	snop  }
0x97: {  	[tilespmem:s22], [sflag:$0x2] =	stream.indirect.gather [hbm4b:s4+s21], $0x80, s21, s21, $0xb8;
	[tilespmem:$0x1C800] =	vst v63  }
0x98: {  	_ =	swait.ge [sflag:s23], $0x4000  }
0x99: {  	[sflag:s23] =	ssyncset.done $0x0  }
0x9a: {  	[sflag:s23] =	ssyncadd.s32 $0xFFFFC000  }
0x9b: {  	[spmem:s2] =	stream.indirect.scatter.add.f32 [tilespmem:s18], [sflag:$0x3], $0x80, s20, s21, $0xb8;
	[tilespmem:$0x1C800] =	vst v63  }
0x9c: {  	_ =	swait.ge [sflag:s19], $0x4000  }
0x9d: {  	[sflag:s19] =	ssyncset.done $0x0  }
0x9e: {  	[sflag:s19] =	ssyncadd.s32 $0xFFFFC000  }
0x9f: {  	[tilespmem:s18], [sflag:$0x1] =	stream.indirect.gather [hbm4b:s4+s21], $0x80, s24, s21, $0xb8;
	[tilespmem:$0x1C800] =	vst v63  }
0xa0: {  	_ =	swait.ge [sflag:s25], $0x4000  }
0xa1: {  	[sflag:s25] =	ssyncset.done $0x0  }
0xa2: {  	[sflag:s25] =	ssyncadd.s32 $0xFFFFC000  }
0xa3: {  	[spmem:s2] =	stream.indirect.scatter.add.f32 [tilespmem:s22], [sflag:$0x3], $0x80, s26, s21, $0xb8;
	[tilespmem:$0x1C800] =	vst v63  }
0xa4: {  	_ =	swait.ge [sflag:s19], $0x4000  }
0xa5: {  	[sflag:s19] =	ssyncset.done $0x0  }
0xa6: {  	[sflag:s19] =	ssyncadd.s32 $0xFFFFC000  }
0xa7: {  	[tilespmem:s22], [sflag:$0x2] =	stream.indirect.gather [hbm4b:s4+s21], $0x80, s28, s21, $0xb8;
	[tilespmem:$0x1C800] =	vst v63  }
0xa8: {  	_ =	swait.ge [sflag:s23], $0x4000  }
0xa9: {  	[sflag:s23] =	ssyncset.done $0x0  }
0xaa: {  	[sflag:s23] =	ssyncadd.s32 $0xFFFFC000  }
0xab: {  	[spmem:s2] =	stream.indirect.scatter.add.f32 [tilespmem:s18], [sflag:$0x3], $0x80, s29, s21, $0xb8;
	[tilespmem:$0x1C800] =	vst v63  }
0xac: {  	_ =	swait.ge [sflag:s19], $0x4000  }
0xad: {  	[sflag:s19] =	ssyncset.done $0x0  }
0xae: {  	[sflag:s19] =	ssyncadd.s32 $0xFFFFC000  }
0xaf: {  	[tilespmem:s18], [sflag:$0x1] =	stream.indirect.gather [hbm4b:s4+s21], $0x80, s30, s21, $0xb8;
	[tilespmem:$0x1C800] =	vst v63  }
0xb0: {  	_ =	swait.ge [sflag:s25], $0x4000  }
0xb1: {  	[sflag:s25] =	ssyncset.done $0x0  }
0xb2: {  	[sflag:s25] =	ssyncadd.s32 $0xFFFFC000  }
0xb3: {  	[spmem:s2] =	stream.indirect.scatter.add.f32 [tilespmem:s22], [sflag:$0x3], $0x80, s31, s21, $0xb8;
	[tilespmem:$0x1C800] =	vst v63  }
0xb4: {  	_ =	swait.ge [sflag:s19], $0x4000  }
0xb5: {  	[sflag:s19] =	ssyncset.done $0x0  }
0xb6: {  	[sflag:s19] =	ssyncadd.s32 $0xFFFFC000  }
0xb7: {  	[tilespmem:s22], [sflag:$0x2] =	stream.indirect.gather [hbm4b:s4+s21], $0x80, s1, s21, $0xb8;
	[tilespmem:$0x1C800] =	vst v63  }
0xb8: {  	_ =	swait.ge [sflag:s23], $0x4000  }
0xb9: {  	[sflag:s23] =	ssyncset.done $0x0  }
0xba: {  	[sflag:s23] =	ssyncadd.s32 $0xFFFFC000  }
0xbb: {  	[spmem:s2] =	stream.indirect.scatter.add.f32 [tilespmem:s18], [sflag:$0x3], $0x80, s0, s21, $0xb8;
	[tilespmem:$0x1C800] =	vst v63  }
0xbc: {  	_ =	swait.ge [sflag:s19], $0x4000  }
0xbd: {  	[sflag:s19] =	ssyncset.done $0x0  }
0xbe: {  	[sflag:s19] =	ssyncadd.s32 $0xFFFFC000  }
0xbf: {  	[tilespmem:s18], [sflag:$0x1] =	stream.indirect.gather [hbm4b:s4+s21], $0x80, s10, s21, $0xb8;
	[tilespmem:$0x1C800] =	vst v63  }
0xc0: {  	_ =	swait.ge [sflag:s25], $0x4000  }
0xc1: {  	[sflag:s25] =	ssyncset.done $0x0  }
0xc2: {  	[sflag:s25] =	ssyncadd.s32 $0xFFFFC000  }
0xc3: {  	[spmem:s2] =	stream.indirect.scatter.add.f32 [tilespmem:s22], [sflag:$0x3], $0x80, s11, s21, $0xb8;
	[tilespmem:$0x1C800] =	vst v63  }
0xc4: {  	_ =	swait.ge [sflag:s19], $0x4000  }
0xc5: {  	[sflag:s19] =	ssyncset.done $0x0  }
0xc6: {  	[sflag:s19] =	ssyncadd.s32 $0xFFFFC000  }
0xc7: {  	[tilespmem:s22], [sflag:$0x2] =	stream.indirect.gather [hbm4b:s4+s21], $0x80, s12, s21, $0xb8;
	[tilespmem:$0x1C800] =	vst v63  }
0xc8: {  	_ =	swait.ge [sflag:s23], $0x4000  }
0xc9: {  	[sflag:s23] =	ssyncset.done $0x0  }
0xca: {  	[sflag:s23] =	ssyncadd.s32 $0xFFFFC000  }
0xcb: {  	[spmem:s2] =	stream.indirect.scatter.add.f32 [tilespmem:s18], [sflag:$0x3], $0x80, s13, s21, $0xb8;
	[tilespmem:$0x1C800] =	vst v63  }
0xcc: {  	_ =	swait.ge [sflag:s19], $0x4000  }
0xcd: {  	[sflag:s19] =	ssyncset.done $0x0  }
0xce: {  	[sflag:s19] =	ssyncadd.s32 $0xFFFFC000  }
0xcf: {  	_ =	swait.ge [sflag:s25], $0x4000  }
.Ltmp1:
0xd0: {  	[sflag:s25] =	ssyncset.done $0x0;
	(pc) =	sbr.rel @p0 .LBB2_4-.Ltmp1, $4  }
0xd1: {  	[sflag:s25] =	ssyncadd.s32 $0xFFFFC000  }
0xd2: {  	[spmem:s2] =	stream.indirect.scatter.add.f32 [tilespmem:s22], [sflag:$0x3], $0x80, s14, s21, $0xb8;
	[tilespmem:$0x1C800] =	vst v63  }
0xd3: {  	_ =	swait.ge [sflag:s19], $0x4000  }
0xd4: {  	s6 =	smov.u32 s7;
	[sflag:s19] =	ssyncset.done $0x0  }
0xd5: {  	s6 =	sadd.s32 s5, s17;
	[sflag:s19] =	ssyncadd.s32 $0xFFFFC000  }
0xd6: {  	[tilespmem:s3], [sflag:$0x3] =	stream.linear.gather [hbm4b:s6+s3], $0x400, $0x38;
	[tilespmem:$0x1C800] =	vst v63  }
0xd7: {  	_ =	swait.ge [sflag:s19], $0x400  }
0xd8: {  	[sflag:s19] =	ssyncset.done $0x0  }
0xd9: {  	s7 =	sadd.s32 s5, s16;
	[sflag:s19] =	ssyncadd.s32 $0xFFFFFC00  }
0xda: {  	[tilespmem:s20], [sflag:$0x3] =	stream.linear.gather [hbm4b:s7+s3], $0x400, $0x38;
	[tilespmem:$0x1C800] =	vst v63  }
0xdb: {  	_ =	swait.ge [sflag:s19], $0x400  }
0xdc: {  	[sflag:s19] =	ssyncset.done $0x0  }
0xdd: {  	[sflag:s19] =	ssyncadd.s32 $0xFFFFFC00  }
0xde: {  	[tilespmem:s18], [sflag:$0x1] =	stream.indirect.gather [hbm4b:s4+s21], $0x80, s3, s21, $0xb8;
	[tilespmem:$0x1C800] =	vst v63  }
0xdf: {  	_ = 	snop  }
0xe0: {  	[tilespmem:s22], [sflag:$0x2] =	stream.indirect.gather [hbm4b:s4+s21], $0x80, s21, s21, $0xb8;
	[tilespmem:$0x1C800] =	vst v63  }
0xe1: {  	_ =	swait.ge [sflag:s23], $0x4000  }
0xe2: {  	[sflag:s23] =	ssyncset.done $0x0  }
0xe3: {  	[sflag:s23] =	ssyncadd.s32 $0xFFFFC000  }
0xe4: {  	[spmem:s2] =	stream.indirect.scatter.add.f32 [tilespmem:s18], [sflag:$0x3], $0x80, s20, s21, $0xb8;
	[tilespmem:$0x1C800] =	vst v63  }
0xe5: {  	_ =	swait.ge [sflag:s19], $0x4000  }
0xe6: {  	[sflag:s19] =	ssyncset.done $0x0  }
0xe7: {  	[sflag:s19] =	ssyncadd.s32 $0xFFFFC000  }
0xe8: {  	[tilespmem:s18], [sflag:$0x1] =	stream.indirect.gather [hbm4b:s4+s21], $0x80, s24, s21, $0xb8;
	[tilespmem:$0x1C800] =	vst v63  }
0xe9: {  	_ =	swait.ge [sflag:s25], $0x4000  }
0xea: {  	[sflag:s25] =	ssyncset.done $0x0  }
0xeb: {  	[sflag:s25] =	ssyncadd.s32 $0xFFFFC000  }
0xec: {  	[spmem:s2] =	stream.indirect.scatter.add.f32 [tilespmem:s22], [sflag:$0x3], $0x80, s26, s21, $0xb8;
	[tilespmem:$0x1C800] =	vst v63  }
0xed: {  	_ =	swait.ge [sflag:s19], $0x4000  }
0xee: {  	[sflag:s19] =	ssyncset.done $0x0  }
0xef: {  	[sflag:s19] =	ssyncadd.s32 $0xFFFFC000  }
0xf0: {  	[tilespmem:s22], [sflag:$0x2] =	stream.indirect.gather [hbm4b:s4+s21], $0x80, s28, s21, $0xb8;
	[tilespmem:$0x1C800] =	vst v63  }
0xf1: {  	_ =	swait.ge [sflag:s23], $0x4000  }
0xf2: {  	[sflag:s23] =	ssyncset.done $0x0  }
0xf3: {  	[sflag:s23] =	ssyncadd.s32 $0xFFFFC000  }
0xf4: {  	[spmem:s2] =	stream.indirect.scatter.add.f32 [tilespmem:s18], [sflag:$0x3], $0x80, s29, s21, $0xb8;
	[tilespmem:$0x1C800] =	vst v63  }
0xf5: {  	_ =	swait.ge [sflag:s19], $0x4000  }
0xf6: {  	[sflag:s19] =	ssyncset.done $0x0  }
0xf7: {  	[sflag:s19] =	ssyncadd.s32 $0xFFFFC000  }
0xf8: {  	[tilespmem:s18], [sflag:$0x1] =	stream.indirect.gather [hbm4b:s4+s21], $0x80, s30, s21, $0xb8;
	[tilespmem:$0x1C800] =	vst v63  }
0xf9: {  	_ =	swait.ge [sflag:s25], $0x4000  }
0xfa: {  	[sflag:s25] =	ssyncset.done $0x0  }
0xfb: {  	[sflag:s25] =	ssyncadd.s32 $0xFFFFC000  }
0xfc: {  	[spmem:s2] =	stream.indirect.scatter.add.f32 [tilespmem:s22], [sflag:$0x3], $0x80, s31, s21, $0xb8;
	[tilespmem:$0x1C800] =	vst v63  }
0xfd: {  	_ =	swait.ge [sflag:s19], $0x4000  }
0xfe: {  	[sflag:s19] =	ssyncset.done $0x0  }
0xff: {  	[sflag:s19] =	ssyncadd.s32 $0xFFFFC000  }
0x100: {  	[tilespmem:s22], [sflag:$0x2] =	stream.indirect.gather [hbm4b:s4+s21], $0x80, s1, s21, $0xb8;
	[tilespmem:$0x1C800] =	vst v63  }
0x101: {  	_ =	swait.ge [sflag:s23], $0x4000  }
0x102: {  	[sflag:s23] =	ssyncset.done $0x0  }
0x103: {  	[sflag:s23] =	ssyncadd.s32 $0xFFFFC000  }
0x104: {  	[spmem:s2] =	stream.indirect.scatter.add.f32 [tilespmem:s18], [sflag:$0x3], $0x80, s0, s21, $0xb8;
	[tilespmem:$0x1C800] =	vst v63  }
0x105: {  	_ =	swait.ge [sflag:s19], $0x4000  }
0x106: {  	[sflag:s19] =	ssyncset.done $0x0  }
0x107: {  	[sflag:s19] =	ssyncadd.s32 $0xFFFFC000  }
0x108: {  	[tilespmem:s18], [sflag:$0x1] =	stream.indirect.gather [hbm4b:s4+s21], $0x80, s10, s21, $0xb8;
	[tilespmem:$0x1C800] =	vst v63  }
0x109: {  	_ =	swait.ge [sflag:s25], $0x4000  }
0x10a: {  	[sflag:s25] =	ssyncset.done $0x0  }
0x10b: {  	[sflag:s25] =	ssyncadd.s32 $0xFFFFC000  }
0x10c: {  	[spmem:s2] =	stream.indirect.scatter.add.f32 [tilespmem:s22], [sflag:$0x3], $0x80, s11, s21, $0xb8;
	[tilespmem:$0x1C800] =	vst v63  }
0x10d: {  	_ =	swait.ge [sflag:s19], $0x4000  }
0x10e: {  	[sflag:s19] =	ssyncset.done $0x0  }
0x10f: {  	[sflag:s19] =	ssyncadd.s32 $0xFFFFC000  }
0x110: {  	[tilespmem:s22], [sflag:$0x2] =	stream.indirect.gather [hbm4b:s4+s21], $0x80, s12, s21, $0xb8;
	[tilespmem:$0x1C800] =	vst v63  }
0x111: {  	_ =	swait.ge [sflag:s23], $0x4000  }
0x112: {  	[sflag:s23] =	ssyncset.done $0x0  }
0x113: {  	[sflag:s23] =	ssyncadd.s32 $0xFFFFC000  }
0x114: {  	[spmem:s2] =	stream.indirect.scatter.add.f32 [tilespmem:s18], [sflag:$0x3], $0x80, s13, s21, $0xb8;
	[tilespmem:$0x1C800] =	vst v63  }
0x115: {  	_ =	swait.ge [sflag:s19], $0x4000  }
0x116: {  	[sflag:s19] =	ssyncset.done $0x0  }
0x117: {  	[sflag:s19] =	ssyncadd.s32 $0xFFFFC000  }
0x118: {  	_ =	swait.ge [sflag:s25], $0x4000  }
0x119: {  	[sflag:s25] =	ssyncset.done $0x0  }
0x11a: {  	[sflag:s25] =	ssyncadd.s32 $0xFFFFC000  }
0x11b: {  	[spmem:s2] =	stream.indirect.scatter.add.f32 [tilespmem:s22], [sflag:$0x3], $0x80, s14, s21, $0xb8;
	[tilespmem:$0x1C800] =	vst v63  }
0x11c: {  	_ =	swait.ge [sflag:s19], $0x4000  }
0x11d: {  	[sflag:s19] =	ssyncset.done $0x0  }
0x11e: {  	[sflag:s19] =	ssyncadd.s32 $0xFFFFC000  }
0x11f: {  	s8 =	stileid.u32;
	[bflag:$0x0] =	sbarrier.arrive $0xFFFF  }
0x120: {  	s5 =	sshll.u32 s8, $0x6;
	s8 =	rddreg [dreg:$0x3]  }
0x121: {  	s5 =	sor.u32 $0x1C03, s5;
	s7 =	rddreg [dreg:$0x8];
	s9 =	sshrl.u32 s8, $0x3  }
0x122: {  	[hbm:s7], [sflag:s5] =	dma.local [spmem:s9], $0x800  }
0x123: {  	_ =	swait.ge [sflag:s19], $0x800  }
0x124: {  	[sflag:s19] =	ssyncset.done $0x0;
	s7 =	rddreg [dreg:$0x4]  }
0x125: {  	s9 =	rddreg [dreg:$0x9];
	[sflag:s19] =	ssyncadd.s32 $0xFFFFF800;
	s6 =	sshrl.u32 s7, $0x3  }
0x126: {  	[hbm:s9], [sflag:s5] =	dma.local [spmem:s6], $0x800  }
0x127: {  	_ =	swait.ge [sflag:s19], $0x800  }
0x128: {  	[sflag:s19] =	ssyncset.done $0x0;
	s7 =	rddreg [dreg:$0x5]  }
0x129: {  	s9 =	rddreg [dreg:$0xa];
	[sflag:s19] =	ssyncadd.s32 $0xFFFFF800;
	s6 =	sshrl.u32 s7, $0x3  }
0x12a: {  	[hbm:s9], [sflag:s5] =	dma.local [spmem:s6], $0x800  }
0x12b: {  	_ =	swait.ge [sflag:s19], $0x800  }
0x12c: {  	[sflag:s19] =	ssyncset.done $0x0;
	s7 =	rddreg [dreg:$0x6]  }
0x12d: {  	s9 =	rddreg [dreg:$0xb];
	[sflag:s19] =	ssyncadd.s32 $0xFFFFF800;
	s6 =	sshrl.u32 s7, $0x3  }
0x12e: {  	[hbm:s9], [sflag:s5] =	dma.local [spmem:s6], $0x800  }
0x12f: {  	_ =	swait.ge [sflag:s19], $0x800  }
0x130: {  	[sflag:s19] =	ssyncset.done $0x0;
	s9 =	rddreg [dreg:$0x7]  }
0x131: {  	s7 =	rddreg [dreg:$0xc];
	[sflag:s19] =	ssyncadd.s32 $0xFFFFF800;
	s6 =	sshrl.u32 s9, $0x3  }
0x132: {  	[hbm:s7], [sflag:s5] =	dma.local [spmem:s6], $0x800  }
0x133: {  	_ =	swait.ge [sflag:s19], $0x800  }
0x134: {  	s15 =	sadd.s32 $0x1, s15;
	s7 =	rddreg [dreg:$0xd]  }
0x135: {  	p0 =	sne.s32 s15, s7  }
.Ltmp2:
0x136: {  	_ = 	snop;
	(pc) =	sbr.rel @p0 .LBB2_1-.Ltmp2, $3  }
0x137: {  	_ =	sdelay $0x1  }
0x138: {  	[sflag:s19] =	ssyncset.done $0x0  }
0x139: {  	[sflag:s19] =	ssyncadd.s32 $0xFFFFF800  }
0x13a: {  	_ =	sfence.sel $0x180000  }
0x13b: {  	[bflag:$0x0] =	sbarrier.arrive $0xFFFF  }
0x13c: {  	_ =	strace $0x90000050  }
0x13d: {  	s0 =	stileid.u32;
	[bflag:$0x2] =	sbarrier.arrive $0xFFFF  }
0x13e: {  	p0 =	sne.s32 s0, $0x0;
	s0 =	rddreg [dreg:$0x2]  }
0x13f: {  	s0 =	sadd.s32 @!p0 $0x100000, s0  }
0x140: {  	[sflag:s0] =	ssyncadd.tile.s32 @!p0 $0x1;
	_ =	shalt  }
.Lfunc_end2:
_tile_overlayer_lowered:
.L_overlay_start_2:
0x141: {  	(tag) =	ssettag $0x2  }
0x142: {  	s0 =	rddreg [dreg:$0x0];
	s2 =	stileid.u32  }
0x143: {  	s1 =	rddreg [dreg:$0x1];
	p0 =	sne.s32 s2, $0x0  }
0x144: {  	s3 =	rddreg [dreg:$0x2];
	[bflag:$0x3] =	sbarrier.arrive $0xFFFF;
	s2 =	simm.s32 @!p0 $0x1C03  }
0x145: {  	[timem:s3], [sflag:s2] =	dma.local @!p0 [hbm:s0], s1  }
0x146: {  	s0 =	simm.s32 @!p0 $0x3  }
0x147: {  	_ =	swait.ge @!p0 [sflag:s0], s1  }
0x148: {  	s1 =	ssub.s32 @!p0 $0x0, s1;
	[sflag:s0] =	ssyncset.done @!p0 $0x0  }
0x149: {  	[sflag:s0] =	ssyncadd.s32 @!p0 s1  }
0x14a: {  	[bflag:$0x3] =	sbarrier.arrive $0xFFFF  }
0x14b: {  	_ =	shalt  }

// kernel: kernel.24.cloned.1.call-start
scs
__scs_entry_jumppad:
0x0: {  	(pc) =	sbr.rel $0x88, $3  }
0x1: {  	(tag) =	ssettag $0x0;
	lr =	simm.s32 $0x1  }
0x2: {  	[smem:$0x3F93] =	sst lr;
	_ =	strace $0xD0000000  }
0x3: {  	_ = 	snop  }
0x4: {  	_ = 	snop  }
0x5: {  	_ = 	snop  }
0x6: {  	_ = 	snop  }
0x7: {  	_ = 	snop  }
__scs_overlays_trampoline_lowered:
0x8: {  	[smem:$0x3FA2] =	sst s0  }
0x9: {  	[smem:$0x3FA3] =	sst s1  }
0xa: {  	[smem:$0x3FA4] =	sst s2  }
0xb: {  	[smem:$0x3FA5] =	sst s3  }
0xc: {  	[smem:$0x3FA6] =	sst s4  }
0xd: {  	[smem:$0x3FA7] =	sst s5  }
0xe: {  	[smem:$0x3FA8] =	sst s6  }
0xf: {  	[smem:$0x3FA9] =	sst s7  }
0x10: {  	[smem:$0x3FAA] =	sst s8  }
0x11: {  	[smem:$0x3FAB] =	sst s9;
	s0 =	simm.s32 @!p0 $0x0  }
0x12: {  	s1 =	sld [smem:$0x3F91];
	s0 =	simm.s32 @p0 $0x1  }
0x13: {  	[smem:$0x3FAC] =	sst s0;
	s0 =	simm.s32 @!p1 $0x0  }
0x14: {  	s2 =	sld [smem:$0x3F90];
	s0 =	simm.s32 @p1 $0x1  }
0x15: {  	[smem:$0x3FAD] =	sst s0;
	s0 =	simm.s32 @!p2 $0x0  }
0x16: {  	s3 =	sld [smem:$0x3FDB];
	s0 =	simm.s32 @p2 $0x1  }
0x17: {  	s4 =	simm.s32 $0x1BF5;
	[smem:$0x3FAF] =	sst s0  }
0x18: {  	s0 =	sld [smem:$0x3F92];
	_ =	swait.ge [sflag:s4], $0x0  }
0x19: {  	s7 =	sld [smem:$0x3F93]  }
0x1a: {  	s8 =	sadd.s32 $0xFFFFE003, lr  }
0x1b: {  	s9 =	sadd.s32 $0xFFFFFEF7, lr;
	s5 =	simm.s32 $0xFFFFFFFF;
	p2 =	slt.u32 s8, $0xFFFFF086  }
0x1c: {  	p1 =	slt.u32 s9, $0xF7A;
	s5 =	simm.s32 @!p2 $0x0  }
0x1d: {  	s5 =	simm.s32 @p1 $0x1;
	p0 =	seq.s32 s7, s2  }
0x1e: {  	s7 =	smul.u32 @!p0 $0xF7A, s2;
	p2 =	seq.s32 @!p0 s5, $0x0  }
0x1f: {  	s9 =	smul.u32 $0xF7A, s1;
	s8 =	simm.s32 @!p0 $0x1BF5;
	p2 =	por !p2, p0  }
0x20: {  	[sflag:s8] =	ssyncset.s32 @!p0 $0xFFFFF086;
	s6 =	sadd.s32 @!p0 s3, s7;
	s7 =	simm.s32 @!p0 $0x108  }
0x21: {  	s3 =	sadd.s32 s3, s9;
	s6 =	sadd.s32 @!p0 $0x88, s6;
	s7 =	simm.s32 @p2 $0x1082  }
0x22: {  	[simem:s7], [sflag:s8] =	dma.local @!p0 [hbm:s6], $0xF7A  }
0x23: {  	s9 =	sor.u32 $0xD0000000, s2;
	s6 =	simm.s32 $0x108;
	_ =	swait.ge @!p0 [sflag:s8], $0x0  }
0x24: {  	s3 =	sadd.s32 $0x88, s3;
	s6 =	simm.s32 @!p1 $0x1082;
	[sflag:s4] =	ssyncset.s32 $0xFFFFF086  }
0x25: {  	[simem:s6], [sflag:s4] =	dma.local [hbm:s3], $0xF7A  }
0x26: {  	[smem:$0x3F93] =	sst s1;
	(tag) =	ssettag s2;
	_ =	strace s9  }
0x27: {  	s1 =	sld [smem:$0x3FA3]  }
0x28: {  	s2 =	sld [smem:$0x3FA4]  }
0x29: {  	s4 =	sld [smem:$0x3FA6]  }
0x2a: {  	p0 =	seq.s32 s5, $0x0;
	s5 =	sld [smem:$0x3FA7]  }
0x2b: {  	s6 =	sld [smem:$0x3FA8]  }
0x2c: {  	s7 =	sld [smem:$0x3FA9]  }
0x2d: {  	s3 =	simm.s32 $0x108;
	s8 =	sld [smem:$0x3FAA]  }
0x2e: {  	s3 =	simm.s32 @!p0 $0x1082;
	s9 =	sld [smem:$0x3FAB]  }
0x2f: {  	lr =	sadd.s32 s0, s3;
	s0 =	sld [smem:$0x3FA2]  }
0x30: {  	s3 =	sld [smem:$0x3FA5]  }
0x31: {  	[smem:$0x3FAE] =	sst s10  }
0x32: {  	s10 =	sld [smem:$0x3FAC];
	_ =	sdelay $0x3  }
0x33: {  	p0 =	seq.s32 s10, $0x1;
	s10 =	sld [smem:$0x3FAE];
	_ =	sdelay $0x3  }
0x34: {  	[smem:$0x3FAE] =	sst s10  }
0x35: {  	s10 =	sld [smem:$0x3FAD];
	_ =	sdelay $0x3  }
0x36: {  	p1 =	seq.s32 s10, $0x1;
	s10 =	sld [smem:$0x3FAE];
	_ =	sdelay $0x3  }
0x37: {  	[smem:$0x3FAE] =	sst s10  }
0x38: {  	s10 =	sld [smem:$0x3FAF]  }
0x39: {  	_ = 	snop;
	(pc) =	sbr.ind lr, $3  }
0x3a: {  	_ = 	snop  }
0x3b: {  	_ = 	snop  }
0x3c: {  	p2 =	seq.s32 s10, $0x1;
	s10 =	sld [smem:$0x3FAE]  }
0x3d: {  	_ =	shalt  }
0x3e: {  	_ =	shalt  }
0x3f: {  	_ =	shalt  }
0x40: {  	_ =	shalt  }
0x41: {  	_ =	shalt  }
0x42: {  	_ =	shalt  }
0x43: {  	_ =	shalt  }
0x44: {  	_ =	shalt  }
0x45: {  	_ =	shalt  }
0x46: {  	_ =	shalt  }
0x47: {  	_ =	shalt  }
0x48: {  	_ =	shalt  }
0x49: {  	_ =	shalt  }
0x4a: {  	_ =	shalt  }
0x4b: {  	_ =	shalt  }
0x4c: {  	_ =	shalt  }
0x4d: {  	_ =	shalt  }
0x4e: {  	_ =	shalt  }
0x4f: {  	_ =	shalt  }
0x50: {  	_ =	shalt  }
0x51: {  	_ =	shalt  }
0x52: {  	_ =	shalt  }
0x53: {  	_ =	shalt  }
0x54: {  	_ =	shalt  }
0x55: {  	_ =	shalt  }
0x56: {  	_ =	shalt  }
0x57: {  	_ =	shalt  }
0x58: {  	_ =	shalt  }
0x59: {  	_ =	shalt  }
0x5a: {  	_ =	shalt  }
0x5b: {  	_ =	shalt  }
0x5c: {  	_ =	shalt  }
0x5d: {  	_ =	shalt  }
0x5e: {  	_ =	shalt  }
0x5f: {  	_ =	shalt  }
0x60: {  	_ =	shalt  }
0x61: {  	_ =	shalt  }
0x62: {  	_ =	shalt  }
0x63: {  	_ =	shalt  }
0x64: {  	_ =	shalt  }
0x65: {  	_ =	shalt  }
0x66: {  	_ =	shalt  }
0x67: {  	_ =	shalt  }
0x68: {  	_ =	shalt  }
0x69: {  	_ =	shalt  }
0x6a: {  	_ =	shalt  }
0x6b: {  	_ =	shalt  }
0x6c: {  	_ =	shalt  }
0x6d: {  	_ =	shalt  }
0x6e: {  	_ =	shalt  }
0x6f: {  	_ =	shalt  }
0x70: {  	_ =	shalt  }
0x71: {  	_ =	shalt  }
0x72: {  	_ =	shalt  }
0x73: {  	_ =	shalt  }
0x74: {  	_ =	shalt  }
0x75: {  	_ =	shalt  }
0x76: {  	_ =	shalt  }
0x77: {  	_ =	shalt  }
0x78: {  	_ =	shalt  }
0x79: {  	_ =	shalt  }
0x7a: {  	_ =	shalt  }
0x7b: {  	_ =	shalt  }
0x7c: {  	_ =	shalt  }
0x7d: {  	_ =	shalt  }
0x7e: {  	_ =	shalt  }
0x7f: {  	_ =	shalt  }
0x80: {  	_ =	shalt  }
0x81: {  	_ =	shalt  }
0x82: {  	_ =	shalt  }
0x83: {  	_ =	shalt  }
0x84: {  	_ =	shalt  }
0x85: {  	_ =	shalt  }
0x86: {  	_ =	shalt  }
0x87: {  	_ =	shalt  }
.Lfunc_end0:
.L_simem_size_0:
called_computation.4_lowered:
.L_overlay_start_0:
0x88: {  	s2 =	sld [smem:$0x3FD9]  }
0x89: {  	s3 =	sld [smem:$0x3FFE];
	_ =	sdelay $0x1  }
0x8a: {  	s1 =	srdreg.scid  }
0x8b: {  	s0 =	sand.u32 $0x1, s1  }
0x8c: {  	s17 =	sshll.u32 s0, $0xA;
	s2 =	sadd.s32 s3, s2  }
0x8d: {  	s2 =	sadd.s32 s2, s17  }
0x8e: {  	[smem:$0x3FBA] =	sst s2  }
0x8f: {  	_ = 	snop  }
0x90: {  	s2 =	sld [smem:$0x3FC7]  }
0x91: {  	s18 =	sld [smem:$0x3FC6];
	(tm) =	ssettm $0x1  }
0x92: {  	s4 =	sld [smem:$0x3FFB];
	_ =	sdelay $0x3  }
0x93: {  	_ =	strace s4  }
0x94: {  	s4 =	sld [smem:$0x3FFC];
	_ =	sdelay $0x3  }
0x95: {  	_ =	strace s4  }
0x96: {  	s4 =	sld [smem:$0x3FFD];
	_ =	sdelay $0x3  }
0x97: {  	_ =	strace s4  }
0x98: {  	_ =	strace $0x8FFFFFFF  }
0x99: {  	s19 =	sld [smem:$0x3FDB];
	_ =	sdelay $0x1  }
0x9a: {  	s5 =	simm.s32 $_scs_section_size  }
0x9b: {  	s6 =	simm.s32 $_size__tile_overlayer_lowered;
	s7 =	simm.s32 $_tile_overlayer_lowered  }
0x9c: {  	s22 =	simm.s32 $0x1BFF;
	s21 =	sshll.u32 s7, $0x1;
	s4 =	sadd.s32 s5, s19  }
0x9d: {  	s8 =	simm.s32 $0x0;
	s20 =	sshll.u32 s6, $0x1;
	s6 =	sadd.s32 s21, s4  }
0x9e: {  	[timem:s8], [sflag:s22] =	dma.local [hbm:s6], s20  }
0x9f: {  	_ =	swait.ge [sflag:s22], s20  }
0xa0: {  	s5 =	ssub.s32 $0x0, s20;
	[sflag:s22] =	ssyncset.done $0x0  }
0xa1: {  	[sflag:s22] =	ssyncadd.s32 s5;
	_ =	sdelay $0x1  }
0xa2: {  	s23 =	simm.s32 $0x1B8B  }
0xa3: {  	_ =	swait.ge [sflag:s23], $0x1  }
0xa4: {  	[sflag:s23] =	ssyncset.done $0x0  }
0xa5: {  	s25 =	simm.s32 $0x1B8E;
	s24 =	sld [smem:$0x3FFE];
	[sflag:s23] =	ssyncadd.s32 $0xFFFFFFFF  }
0xa6: {  	s26 =	simm.s32 $execute0_lowered;
	[smem:$0x3FD2] =	sst s25  }
0xa7: {  	s6 =	sshll.u32 s26, $0x1;
	_ =	strace $0x80000052;
	[dreg:$0x1] =	wrdreg $0xFFFFFFFF  }
0xa8: {  	s28 =	simm.s32 $_size_execute0_lowered;
	s4 =	sadd.s32 s4, s6;
	[dreg:$0x0] =	wrdreg $0x0  }
0xa9: {  	s6 =	sshll.u32 s28, $0x1;
	[dreg:$0x2] =	wrdreg s4  }
0xaa: {  	[dreg:$0x3] =	wrdreg s6  }
0xab: {  	[dreg:$0x4] =	wrdreg $0xC0  }
0xac: {  	_ =	task [dreg:s8], $0x5FFFF  }
0xad: {  	[dreg:$0x1] =	wrdreg $0xFFFFFFFF  }
0xae: {  	[dreg:$0x0] =	wrdreg $0x60  }
0xaf: {  	[dreg:$0x2] =	wrdreg s24  }
0xb0: {  	[dreg:$0x3] =	wrdreg s18  }
0xb1: {  	[dreg:$0x4] =	wrdreg s2  }
0xb2: {  	[dreg:$0x5] =	wrdreg $0x9  }
0xb3: {  	_ =	task.clear_ibuf [dreg:s8], $0x6FFFF;
	_ =	strace $0x90000052  }
0xb4: {  	s29 =	simm.s32 $0x9;
	_ =	strace $0x80000054  }
0xb5: {  	_ =	swait.ge [sflag:s29], $0x1  }
0xb6: {  	[sflag:s29] =	ssyncadd.s32 $0xFFFFFFFF  }
0xb7: {  	_ =	strace $0x90000054  }
0xb8: {  	_ =	sfence  }
0xb9: {  	s30 =	sld [smem:$0x0];
	_ =	sdelay $0x2  }
0xba: {  	s31 =	sshll.u32 s1, $0xD;
	s1 =	sshrl.u32 s1, $0x2  }
0xbb: {  	s3 =	sand.u32 $0x4000, s31;
	s1 =	sadd.s32 s1, s30  }
0xbc: {  	s0 =	sor.u32 s3, s0;
	s1 =	sshll.u32 s1, $0x11  }
0xbd: {  	s0 =	sor.u32 s1, s0  }
0xbe: {  	s0 =	sadd.s32 $0x8F2B, s0  }
0xbf: {  	[sflag:s0] =	ssyncadd.remote.s32 $0x1  }
0xc0: {  	_ =	sfence.sel $0xFFFF  }
0xc1: {  	[dreg:$0x0] =	wrdreg $0xFFFFFFFF;
	(pc) =	sbr.abs _section_cstart, $3  }
0xc2: {  	[dreg:$0x1] =	wrdreg $0xFFFFFFFF  }
0xc3: {  	_ =	task.clear_ibuf [dreg:s8], $0x2FFFF;
	_ =	strace $0x9FFFFFFF  }
0xc4: {  	(tm) =	ssettm $0x7FFFFFFF  }
0xc5: {  	_ =	shalt  }
tec
execute0_lowered:
.L_overlay_start_1:
0x0: {  	(tag) =	ssettag $0x1  }
0x1: {  	s5 =	rddreg [dreg:$0x0]  }
0x2: {  	s6 =	rddreg [dreg:$0x1]  }
0x3: {  	s7 =	rddreg [dreg:$0x2]  }
0x4: {  	s0 =	rddreg [dreg:$0x3]  }
0x5: {  	s2 =	simm.s32 $0x0;
	s3 =	srdreg.scid;
	s1 =	stileid.u32  }
0x6: {  	s12 =	simm.s32 $0x100;
	s13 =	simm.s32 $0x1100;
	s14 =	simm.s32 $0x0  }
0x7: {  	[smem:$0x7FF] =	sst s2;
	s8 =	sand.u32 $0x1, s3;
	s3 =	sadd.s32 $0x4800, s5  }
0x8: {  	s9 =	sshll.u32 s1, $0x6;
	s4 =	sadd.s32 $0x2BA00, s5;
	s10 =	sshll.u32 s8, $0x5  }
0x9: {  	_ =	strace $0x80000053;
	s8 =	ssub.s32 $0x2, s8;
	s9 =	sor.u32 s10, s9  }
0xa: {  	s11 =	sshrl.u32 s8, $0x1;
	s10 =	sshll.u32 s9, $0x4;
	s9 =	sshrl.u32 s9, $0x3  }
0xb: {  	s8 =	ssub.s32 s8, s11;
	s11 =	simm.s32 $0x20;
	s10 =	sadd.s32 s10, s5  }
0xc: {  	s5 =	sadd.s32 s6, s9;
	s6 =	sadd.s32 s7, s9;
	s8 =	smax.u32 s8, $0x1  }
0xd: {  	s9 =	simm.s32 $0x1;
	s7 =	sadd.s32 $0x52C00, s10;
	s10 =	simm.s32 $0x80  }
.LBB2_1:
0xe: {  	[tilespmem:s2], [sflag:$0x1] =	stream.linear.gather [hbm4b:s5+s2], $0x20, $0x38;
	[tilespmem:$0x2100] =	vst v63  }
0xf: {  	_ =	swait.ge [sflag:s9], $0x20  }
0x10: {  	[sflag:s9] =	ssyncset.done $0x0  }
0x11: {  	[sflag:s9] =	ssyncadd.s32 $0xFFFFFFE0  }
0x12: {  	[tilespmem:s10], [sflag:$0x1] =	stream.linear.gather [hbm4b:s6+s2], $0x20, $0x38;
	[tilespmem:$0x2100] =	vst v63  }
0x13: {  	_ =	swait.ge [sflag:s9], $0x20  }
0x14: {  	[sflag:s9] =	ssyncset.done $0x0  }
0x15: {  	[sflag:s9] =	ssyncadd.s32 $0xFFFFFFE0  }
0x16: {  	[tilespmem:s12], [sflag:$0x1] =	stream.indirect.gather [hbm4b:s3+s11], $0x80, s2, s11, $0xb8;
	[tilespmem:$0x2100] =	vst v63  }
0x17: {  	_ =	swait.ge [sflag:s9], $0x1000  }
0x18: {  	[sflag:s9] =	ssyncset.done $0x0  }
0x19: {  	[sflag:s9] =	ssyncadd.s32 $0xFFFFF000  }
0x1a: {  	[tilespmem:s13], [sflag:$0x1] =	stream.indirect.gather [hbm4b:s4+s11], $0x80, s10, s11, $0xb8;
	[tilespmem:$0x2100] =	vst v63  }
0x1b: {  	_ =	swait.ge [sflag:s9], $0x1000  }
0x1c: {  	[sflag:s9] =	ssyncset.done $0x0  }
0x1d: {  	s15 =	simm.s32 $0x0;
	[sflag:s9] =	ssyncadd.s32 $0xFFFFF000  }
0x1e: {  	v7 =	vld [tilespmem:s15+$0x1100]  }
0x1f: {  	v11 =	vld [tilespmem:s15+$0x1110]  }
0x20: {  	v5 =	vld [tilespmem:s15+$0x1120]  }
0x21: {  	v4 =	vld [tilespmem:s15+$0x1130]  }
0x22: {  	v3 =	vld [tilespmem:s15+$0x1140]  }
0x23: {  	v2 =	vld [tilespmem:s15+$0x1150]  }
0x24: {  	v1 =	vld [tilespmem:s15+$0x1160]  }
0x25: {  	v0 =	vld [tilespmem:s15+$0x1170]  }
0x26: {  	v12 =	vld [tilespmem:s15+$0x100]  }
0x27: {  	v13 =	vld [tilespmem:s15+$0x110]  }
0x28: {  	v10 =	vld [tilespmem:s15+$0x120]  }
0x29: {  	v9 =	vld [tilespmem:s15+$0x130]  }
0x2a: {  	v8 =	vld [tilespmem:s15+$0x140]  }
0x2b: {  	v6 =	vld [tilespmem:s15+$0x150];
	v12 =	vmul.f32 v7, v12  }
0x2c: {  	s16 =	simm.s32 $0x200;
	v11 =	vmul.f32 v11, v13;
	v7 =	vld [tilespmem:s15+$0x160]  }
.LBB2_2:
0x2d: {  	s17 =	sshra.s32 s16, $0x2;
	p0 =	sne.s32 s16, $0x3E00;
	[tilespmem:s15+$0x100] =	vst v12;
	v5 =	vmul.f32 v5, v10;
	v10 =	vld [tilespmem:s15+$0x170]  }
0x2e: {  	v12 =	vld [tilespmem:s17+$0x1100];
	[tilespmem:s15+$0x110] =	vst v11;
	v4 =	vmul.f32 v4, v9  }
0x2f: {  	v11 =	vld [tilespmem:s17+$0x1110];
	[tilespmem:s15+$0x120] =	vst v5;
	v3 =	vmul.f32 v3, v8  }
0x30: {  	v5 =	vld [tilespmem:s17+$0x1120];
	[tilespmem:s15+$0x130] =	vst v4;
	v2 =	vmul.f32 v2, v6  }
0x31: {  	v4 =	vld [tilespmem:s17+$0x1130];
	[tilespmem:s15+$0x140] =	vst v3;
	v1 =	vmul.f32 v1, v7  }
0x32: {  	v3 =	vld [tilespmem:s17+$0x1140];
	[tilespmem:s15+$0x150] =	vst v2;
	v0 =	vmul.f32 v0, v10  }
0x33: {  	v2 =	vld [tilespmem:s17+$0x1150];
	[tilespmem:s15+$0x160] =	vst v1  }
0x34: {  	v1 =	vld [tilespmem:s17+$0x1160];
	[tilespmem:s15+$0x170] =	vst v0;
	s15 =	smov.u32 s17  }
0x35: {  	v0 =	vld [tilespmem:s15+$0x1170]  }
0x36: {  	v6 =	vld [tilespmem:s15+$0x100]  }
0x37: {  	v7 =	vld [tilespmem:s15+$0x110]  }
.Ltmp0:
0x38: {  	v10 =	vld [tilespmem:s15+$0x120];
	(pc) =	sbr.rel @p0 .LBB2_2-.Ltmp0, $4  }
0x39: {  	v9 =	vld [tilespmem:s15+$0x130]  }
0x3a: {  	v8 =	vld [tilespmem:s15+$0x140]  }
0x3b: {  	v12 =	vmul.f32 v12, v6;
	v6 =	vld [tilespmem:s15+$0x150]  }
0x3c: {  	s16 =	sadd.s32 $0x200, s16;
	v11 =	vmul.f32 v11, v7;
	v7 =	vld [tilespmem:s15+$0x160]  }
0x3d: {  	[tilespmem:s15+$0x100] =	vst v12;
	v5 =	vmul.f32 v5, v10;
	v63 =	vld [tilespmem:s15+$0x170]  }
0x3e: {  	[tilespmem:s15+$0x110] =	vst v11;
	v4 =	vmul.f32 v4, v9  }
0x3f: {  	[tilespmem:s15+$0x120] =	vst v5;
	v3 =	vmul.f32 v3, v8  }
0x40: {  	[tilespmem:s15+$0x130] =	vst v4;
	v2 =	vmul.f32 v2, v6  }
0x41: {  	[tilespmem:s15+$0x140] =	vst v3;
	v1 =	vmul.f32 v1, v7  }
0x42: {  	s14 =	sadd.s32 $0x1, s14;
	[tilespmem:s15+$0x150] =	vst v2;
	v0 =	vmul.f32 v0, v63  }
0x43: {  	p0 =	sne.s32 s14, s8;
	[tilespmem:s15+$0x160] =	vst v1  }
.Ltmp1:
0x44: {  	[tilespmem:s15+$0x170] =	vst v0;
	(pc) =	sbr.rel @p0 .LBB2_1-.Ltmp1, $4  }
0x45: {  	[hbm4b:s7+s2] =	stream.linear.scatter [tilespmem:s12], [sflag:$0x1], $0x1000, $0x38;
	[tilespmem:$0x2100] =	vst v63  }
0x46: {  	_ =	swait.ge [sflag:s9], $0x1000  }
0x47: {  	[sflag:s9] =	ssyncset.done $0x0  }
0x48: {  	[sflag:s9] =	ssyncadd.s32 $0xFFFFF000  }
0x49: {  	_ =	sfence.sel $0x180000  }
0x4a: {  	[bflag:$0x0] =	sbarrier.arrive $0xFFFF  }
0x4b: {  	p0 =	sne.s32 s1, $0x0;
	_ =	strace $0x90000053  }
0x4c: {  	s0 =	sadd.s32 @!p0 $0x100000, s0;
	[bflag:$0x2] =	sbarrier.arrive $0xFFFF  }
0x4d: {  	[sflag:s0] =	ssyncadd.tile.s32 @!p0 $0x1;
	_ =	shalt  }
.Lfunc_end2:
_tile_overlayer_lowered:
.L_overlay_start_2:
0x4e: {  	(tag) =	ssettag $0x2  }
0x4f: {  	s0 =	rddreg [dreg:$0x0];
	s2 =	stileid.u32  }
0x50: {  	s1 =	rddreg [dreg:$0x1];
	p0 =	sne.s32 s2, $0x0  }
0x51: {  	s3 =	rddreg [dreg:$0x2];
	[bflag:$0x3] =	sbarrier.arrive $0xFFFF;
	s2 =	simm.s32 @!p0 $0x1C01  }
0x52: {  	[timem:s3], [sflag:s2] =	dma.local @!p0 [hbm:s0], s1  }
0x53: {  	s0 =	simm.s32 @!p0 $0x1  }
0x54: {  	_ =	swait.ge @!p0 [sflag:s0], s1  }
0x55: {  	s1 =	ssub.s32 @!p0 $0x0, s1;
	[sflag:s0] =	ssyncset.done @!p0 $0x0  }
0x56: {  	[sflag:s0] =	ssyncadd.s32 @!p0 s1  }
0x57: {  	[bflag:$0x3] =	sbarrier.arrive $0xFFFF  }
0x58: {  	_ =	shalt  }

</sc_bundles>
